<compile_context>
chip_gen: v7x
topology: tpu7x:2x2x1
jax: 0.10.2.dev20260603
libtpu: 0.0.44.dev20260713+nightly
codegen_flags: <defaults>
</compile_context>

<pallas_src>
import functools

import jax
import jax.numpy as jnp
from jax import lax
from jax.experimental import pallas as pl
from jax.experimental.pallas import tpu as pltpu
from jax.experimental.pallas import tpu_sc as plsc

N = 10000
E = 640000
D = 64
DT = 64
H = 128
DE = 15
NC = 2
NS = 16
NW = NC * NS
EPW = E // NW
CH = 80
NCH = EPW // CH
NP = 10240
RPT = NP // NS
BE = 1024
GE = E // BE
BN = 1000
GN = N // BN



def _sc_gather_body(tab_hbm, src_hbm, dst_hbm, hps_out, hpd_out,
                    idx_s, idx_d, bs0, bd0, bs1, bd1, sem0, sem1):
    c = lax.axis_index("c")
    s = lax.axis_index("s")
    wid = s * NC + c
    half = wid // (NW // 2)
    widh = wid % (NW // 2)
    lane0 = half * DT
    pltpu.sync_copy(src_hbm.at[wid], idx_s)
    pltpu.sync_copy(dst_hbm.at[wid], idx_d)
    bufs = ((bs0, bd0, sem0), (bs1, bd1, sem1))

    def start(g, b):
        bs, bd, sem = bufs[b]
        pltpu.make_async_copy(tab_hbm.at[idx_s.at[g]], bs, sem).start()
        pltpu.make_async_copy(tab_hbm.at[idx_d.at[g]], bd, sem).start()

    def finish(g, b):
        bs, bd, sem = bufs[b]
        pltpu.make_async_copy(tab_hbm.at[idx_s.at[g]], bs, sem).wait()
        pltpu.make_async_copy(tab_hbm.at[idx_d.at[g]], bd, sem).wait()
        r0 = widh * EPW + g * CH
        pltpu.sync_copy(bs, hps_out.at[pl.ds(r0, CH), pl.ds(lane0, DT)])
        pltpu.sync_copy(bd, hpd_out.at[pl.ds(r0, CH), pl.ds(lane0, DT)])

    start(0, 0)

    def body(i, carry):
        g0 = 2 * i
        start(g0 + 1, 1)
        finish(g0, 0)

        @pl.when(i < NCH // 2 - 1)
        def _():
            start(g0 + 2, 0)

        finish(g0 + 1, 1)
        return carry

    lax.fori_loop(0, NCH // 2, body, 0)


def _sc_scatter_body(with_w, *refs):
    if with_w:
        (m2e_hbm, m2o_hbm, wde_hbm, wdo_hbm, dste_hbm, dsto_hbm,
         zm_hbm, za_hbm, outm, outa,
         idx0, idx1, m0, m1, w0, w1, macc, aacc, sem0, sem1) = refs
        bufs = ((idx0, m0, w0, sem0), (idx1, m1, w1, sem1))
    else:
        (m2e_hbm, m2o_hbm, dste_hbm, dsto_hbm, zm_hbm, outm,
         idx0, idx1, m0, m1, macc, sem0, sem1) = refs
        wde_hbm = wdo_hbm = None
        bufs = ((idx0, m0, None, sem0), (idx1, m1, None, sem1))
    c = lax.axis_index("c")
    s = lax.axis_index("s")
    wid = s * NC + c
    pltpu.sync_copy(zm_hbm, macc.at[pl.ds(s * RPT, RPT)])
    if with_w:
        pltpu.sync_copy(za_hbm, aacc.at[pl.ds(s * RPT, RPT)])
    plsc.subcore_barrier()
    epw_h = EPW // 2

    def run_pass(m2_hbm, wd_hbm, dst_hbm):
        def start(g, b):
            iv, mv, wv, sem = bufs[b]
            e0 = wid * epw_h + g * CH
            pltpu.make_async_copy(dst_hbm.at[wid].at[pl.ds(g, 1)],
                                  iv, sem).start()
            pltpu.make_async_copy(m2_hbm.at[pl.ds(e0, CH)], mv, sem).start()
            if with_w:
                pltpu.make_async_copy(wd_hbm.at[pl.ds(e0, CH)],
                                      wv, sem).start()

        def finish(g, b):
            iv, mv, wv, sem = bufs[b]
            e0 = wid * epw_h + g * CH
            pltpu.make_async_copy(dst_hbm.at[wid].at[pl.ds(g, 1)],
                                  iv, sem).wait()
            pltpu.make_async_copy(m2_hbm.at[pl.ds(e0, CH)], mv, sem).wait()
            if with_w:
                pltpu.make_async_copy(wd_hbm.at[pl.ds(e0, CH)],
                                      wv, sem).wait()
            pltpu.sync_copy(mv, macc.at[iv.at[0]], add=True)
            if with_w:
                pltpu.sync_copy(wv, aacc.at[iv.at[0]], add=True)

        nch_h = NCH // 2
        start(0, 0)

        def body(i, carry):
            g0 = 2 * i

            @pl.when(g0 + 1 < nch_h)
            def _():
                start(g0 + 1, 1)

            finish(g0, 0)

            @pl.when(g0 + 2 < nch_h)
            def _():
                start(g0 + 2, 0)

            @pl.when(g0 + 1 < nch_h)
            def _():
                finish(g0 + 1, 1)

            return carry

        lax.fori_loop(0, (nch_h + 1) // 2, body, 0)

    run_pass(m2e_hbm, wde_hbm, dste_hbm)
    run_pass(m2o_hbm, wdo_hbm, dsto_hbm)
    plsc.subcore_barrier()
    pltpu.sync_copy(macc.at[pl.ds(s * RPT, RPT)],
                    outm.at[c].at[pl.ds(s * RPT, RPT)])
    if with_w:
        pltpu.sync_copy(aacc.at[pl.ds(s * RPT, RPT)],
                        outa.at[c].at[pl.ds(s * RPT, RPT)])


@functools.lru_cache(maxsize=None)
def _sc_mesh():
    return plsc.VectorSubcoreMesh(core_axis_name="c", subcore_axis_name="s")


@functools.lru_cache(maxsize=None)
def _sc_gather():
    return pl.kernel(
        _sc_gather_body,
        mesh=_sc_mesh(),
        out_type=[
            jax.ShapeDtypeStruct((E // 2, 2 * DT), jnp.float32),
            jax.ShapeDtypeStruct((E // 2, 2 * DT), jnp.float32),
        ],
        scratch_types=[
            pltpu.VMEM((NCH, CH), jnp.int32),
            pltpu.VMEM((NCH, CH), jnp.int32),
            pltpu.VMEM((CH, DT), jnp.float32),
            pltpu.VMEM((CH, DT), jnp.float32),
            pltpu.VMEM((CH, DT), jnp.float32),
            pltpu.VMEM((CH, DT), jnp.float32),
            pltpu.SemaphoreType.DMA,
            pltpu.SemaphoreType.DMA,
        ],
        compiler_params=pltpu.CompilerParams(use_tc_tiling_on_sc=False),
    )


@functools.lru_cache(maxsize=None)
def _sc_scatter(with_w):
    out_type = [jax.ShapeDtypeStruct((NC, NP, H), jnp.float32)]
    scratch = [
        pltpu.VMEM((1, CH), jnp.int32),
        pltpu.VMEM((1, CH), jnp.int32),
        pltpu.VMEM((CH, H), jnp.float32),
        pltpu.VMEM((CH, H), jnp.float32),
    ]
    if with_w:
        out_type.append(jax.ShapeDtypeStruct((NC, NP, 16), jnp.float32))
        scratch.append(pltpu.VMEM((CH, 16), jnp.float32))
        scratch.append(pltpu.VMEM((CH, 16), jnp.float32))
    scratch.append(pltpu.VMEM_SHARED((NP, H), jnp.float32))
    if with_w:
        scratch.append(pltpu.VMEM_SHARED((NP, 16), jnp.float32))
    scratch.append(pltpu.SemaphoreType.DMA)
    scratch.append(pltpu.SemaphoreType.DMA)
    return pl.kernel(
        functools.partial(_sc_scatter_body, with_w),
        mesh=_sc_mesh(),
        out_type=out_type,
        scratch_types=scratch,
        compiler_params=pltpu.CompilerParams(use_tc_tiling_on_sc=False),
    )



def _unpack(v):
    xi = lax.bitcast_convert_type(v, jnp.int32)
    hf = lax.bitcast_convert_type(jnp.left_shift(xi, 16), jnp.float32)
    pf = lax.bitcast_convert_type(
        jnp.bitwise_and(xi, jnp.int32(-65536)), jnp.float32)
    return hf, pf


def _edge_half(hv, dv, ea, whd, whs, wsq, wea, be1, we2, be2, wxm, bx,
               with_w):
    sh, sp = _unpack(hv)
    dh, dp = _unpack(dv)
    diffp = dp - sp
    a = jnp.dot(dh, whd, preferred_element_type=jnp.float32)
    a = a + jnp.dot(sh, whs, preferred_element_type=jnp.float32)
    a = a + jnp.dot(diffp * diffp, wsq, preferred_element_type=jnp.float32)
    a = a + jnp.dot(ea, wea, preferred_element_type=jnp.float32)
    a = a + be1
    m1 = a * jax.nn.sigmoid(a)
    b = jnp.dot(m1, we2, preferred_element_type=jnp.float32) + be2
    m2 = b * jax.nn.sigmoid(b)
    if not with_w:
        return m2, None
    wpre = jnp.dot(m2, wxm, preferred_element_type=jnp.float32)
    wv = jnp.tanh(wpre[:, :1] + bx[:, :1])
    wd = diffp[:, :16] * wv
    col16 = lax.broadcasted_iota(jnp.int32, wd.shape, 1)
    wd = jnp.where(col16 == 3, 1.0, wd)
    wd3 = wd.reshape(BE // 16, 8, 16)
    wdp = jnp.concatenate([wd3[:, q, :] for q in range(8)], axis=1)
    return m2, wdp


def _edge_body(with_w, hps, hpd, eae, eao,
               whd, whs, wsq, wea, be1, we2, be2, wxm, bx, *outs):
    sv = hps[...]
    dv = hpd[...]
    args = (whd[...], whs[...], wsq[...], wea[...], be1[...],
            we2[...], be2[...], wxm[...], bx[...])
    m2e, wde = _edge_half(sv[:, :DT], dv[:, :DT], eae[...], *args, with_w)
    m2o, wdo = _edge_half(sv[:, DT:], dv[:, DT:], eao[...], *args, with_w)
    outs[0][...] = m2e
    outs[1][...] = m2o
    if with_w:
        outs[2][...] = wde
        outs[3][...] = wdo


def _edge_call(with_w):
    w_specs = [
        pl.BlockSpec((D, H), lambda i: (0, 0)),
        pl.BlockSpec((D, H), lambda i: (0, 0)),
        pl.BlockSpec((D, H), lambda i: (0, 0)),
        pl.BlockSpec((DE, H), lambda i: (0, 0)),
        pl.BlockSpec((1, H), lambda i: (0, 0)),
        pl.BlockSpec((H, H), lambda i: (0, 0)),
        pl.BlockSpec((1, H), lambda i: (0, 0)),
        pl.BlockSpec((H, H), lambda i: (0, 0)),
        pl.BlockSpec((1, H), lambda i: (0, 0)),
    ]
    out_shape = [jax.ShapeDtypeStruct((E // 2, H), jnp.float32),
                 jax.ShapeDtypeStruct((E // 2, H), jnp.float32)]
    out_specs = [pl.BlockSpec((BE // 2, H), lambda i: (i, 0)),
                 pl.BlockSpec((BE // 2, H), lambda i: (i, 0))]
    if with_w:
        out_shape += [jax.ShapeDtypeStruct((E * 8 // 128, 128), jnp.float32)] * 2
        out_specs += [pl.BlockSpec((BE // 16, 128), lambda i: (i, 0))] * 2
    return pl.pallas_call(
        functools.partial(_edge_body, with_w),
        grid=(GE,),
        in_specs=[
            pl.BlockSpec((BE // 2, 2 * DT), lambda i: (i, 0)),
            pl.BlockSpec((BE // 2, 2 * DT), lambda i: (i, 0)),
            pl.BlockSpec((BE // 2, DE), lambda i: (i, 0)),
            pl.BlockSpec((BE // 2, DE), lambda i: (i + GE, 0)),
        ] + w_specs,
        out_specs=out_specs,
        out_shape=out_shape,
        compiler_params=pltpu.CompilerParams(
            dimension_semantics=("arbitrary",)),
    )


def _node_body(with_c, xb, m0, m1, a0, a1, pp,
               wh1a, wh1b, bh1, wh2, bh2, *outs):
    xv = xb[...]
    magg = m0[...] + m1[...]
    t = (jnp.dot(xv, wh1a[...], preferred_element_type=jnp.float32)
         + jnp.dot(magg, wh1b[...], preferred_element_type=jnp.float32)
         + bh1[...])
    t = t * jax.nn.sigmoid(t)
    hn = xv + jnp.dot(t, wh2[...], preferred_element_type=jnp.float32) + bh2[...]
    if with_c:
        ax = a0[...] + a1[...]
        cnt = jnp.maximum(ax[:, 3:4], 1.0)
        upd = ax / cnt
        col = lax.broadcasted_iota(jnp.int32, upd.shape, 1)
        cn = pp[...] + jnp.where(col < 3, upd, 0.0)
        cn64 = jnp.concatenate(
            [cn, jnp.zeros((hn.shape[0], D - 16), jnp.float32)], axis=1)
        h32 = lax.bitcast_convert_type(
            hn.astype(jnp.bfloat16).astype(jnp.float32), jnp.int32)
        p32 = lax.bitcast_convert_type(
            cn64.astype(jnp.bfloat16).astype(jnp.float32), jnp.int32)
        w32 = jnp.bitwise_or(lax.shift_right_logical(h32, 16), p32)
        outs[0][...] = lax.bitcast_convert_type(w32, jnp.float32)
        outs[1][...] = hn
    else:
        outs[0][...] = hn


def _node_call(with_c):
    in_specs = [
        pl.BlockSpec((BN, D), lambda i: (i, 0)),
        pl.BlockSpec((BN, H), lambda i: (i, 0)),
        pl.BlockSpec((BN, H), lambda i: (i, 0)),
        pl.BlockSpec((BN, 16), lambda i: (i, 0)),
        pl.BlockSpec((BN, 16), lambda i: (i, 0)),
        pl.BlockSpec((BN, 16), lambda i: (i, 0)),
        pl.BlockSpec((D, H), lambda i: (0, 0)),
        pl.BlockSpec((H, H), lambda i: (0, 0)),
        pl.BlockSpec((1, H), lambda i: (0, 0)),
        pl.BlockSpec((H, D), lambda i: (0, 0)),
        pl.BlockSpec((1, D), lambda i: (0, 0)),
    ]
    if with_c:
        out_shape = [jax.ShapeDtypeStruct((N, DT), jnp.float32),
                     jax.ShapeDtypeStruct((N, D), jnp.float32)]
        out_specs = [pl.BlockSpec((BN, DT), lambda i: (i, 0)),
                     pl.BlockSpec((BN, D), lambda i: (i, 0))]
    else:
        out_shape = [jax.ShapeDtypeStruct((N, D), jnp.float32)]
        out_specs = [pl.BlockSpec((BN, D), lambda i: (i, 0))]
    return pl.pallas_call(
        functools.partial(_node_body, with_c),
        grid=(GN,),
        in_specs=in_specs,
        out_specs=out_specs,
        out_shape=out_shape,
        compiler_params=pltpu.CompilerParams(
            dimension_semantics=("arbitrary",)),
    )



def _layer_weights(lp):
    we1 = lp["We1"]
    wd2 = we1[2 * D:2 * D + 1]
    wsq = jnp.concatenate(
        [jnp.broadcast_to(wd2, (16, H)),
         jnp.zeros((D - 16, H), jnp.float32)], axis=0)
    wxm = jnp.pad(lp["Wx"], ((0, 0), (0, H - 1)))
    return dict(
        whd=we1[0:D],
        whs=we1[D:2 * D],
        wsq=wsq,
        wea=we1[2 * D + 1:],
        be1=lp["be1"][None, :],
        we2=lp["We2"],
        be2=lp["be2"][None, :],
        wxm=wxm,
        bx=jnp.broadcast_to(lp["bx"].reshape(1, 1), (1, H)),
        wh1a=lp["Wh1"][0:D],
        wh1b=lp["Wh1"][D:],
        bh1=lp["bh1"][None, :],
        wh2=lp["Wh2"],
        bh2=lp["bh2"][None, :],
    )


def kernel(x, pos, edge_index, edge_attr, params):
    src = edge_index[0]
    dst = edge_index[1]
    src3d = src.reshape(NW, NCH, CH)
    dst3d = dst.reshape(NW, NCH, CH)
    pos_pad = jnp.pad(pos, ((0, 0), (0, 13)))
    pos64 = jnp.pad(pos, ((0, 0), (0, D - 3)))
    h32 = lax.bitcast_convert_type(
        x.astype(jnp.bfloat16).astype(jnp.float32), jnp.int32)
    p32 = lax.bitcast_convert_type(
        pos64.astype(jnp.bfloat16).astype(jnp.float32), jnp.int32)
    tab0 = lax.bitcast_convert_type(
        jnp.bitwise_or(lax.shift_right_logical(h32, 16), p32), jnp.float32)
    zm = jnp.zeros((RPT, H), jnp.float32)
    za = jnp.zeros((RPT, 16), jnp.float32)
    w1 = _layer_weights(params["layers"][0])
    w2 = _layer_weights(params["layers"][1])

    dste3d = dst[:E // 2].reshape(NW, NCH // 2, CH)
    dsto3d = dst[E // 2:].reshape(NW, NCH // 2, CH)

    def layer(tab, wts, with_w):
        hps, hpd = _sc_gather()(tab, src3d, dst3d)
        outs = _edge_call(with_w)(
            hps, hpd, edge_attr, edge_attr,
            wts["whd"], wts["whs"], wts["wsq"], wts["wea"], wts["be1"],
            wts["we2"], wts["be2"], wts["wxm"], wts["bx"])
        if with_w:
            m2e, m2o, wde, wdo = outs
            return _sc_scatter(True)(
                m2e, m2o, wde.reshape(E // 2, 16), wdo.reshape(E // 2, 16),
                dste3d, dsto3d, zm, za)
        m2e, m2o = outs
        return _sc_scatter(False)(m2e, m2o, dste3d, dsto3d, zm)

    mparts, aparts = layer(tab0, w1, True)
    tab1, h1 = _node_call(True)(
        x, mparts[0], mparts[1], aparts[0], aparts[1], pos_pad,
        w1["wh1a"], w1["wh1b"], w1["bh1"], w1["wh2"], w1["bh2"])

    mparts2, = layer(tab1, w2, False)
    h2, = _node_call(False)(
        h1, mparts2[0], mparts2[1], aparts[0], aparts[1], pos_pad,
        w2["wh1a"], w2["wh1b"], w2["bh1"], w2["wh2"], w2["bh2"])
    return h2

# --- scband reference (transcript-rebuilt; emitter-appended) ---
"""Pipeline reference for scband-deep-refine-backbone-11304353923399 (READ-ONLY COPY).

The authoritative reference and input builder live on the scoring server;
editing this copy changes nothing except your own understanding.
"""

import jax, jax.numpy as jnp
import numpy as np

N_NODES = 10000
N_EDGES = 640000
D_NODE = 64
D_EDGE = 15
D_HID = 128
N_LAYERS = 2


def _init_linear(key, fan_in, fan_out):
    k1, _ = jax.random.split(key)
    W = jax.random.normal(k1, (fan_in, fan_out), dtype=jnp.float32) * (1.0 / np.sqrt(fan_in))
    b = jnp.zeros((fan_out,), dtype=jnp.float32)
    return W, b


def _init_layer(key):
    ks = jax.random.split(key, 5)
    We1, be1 = _init_linear(ks[0], 2 * D_NODE + 1 + D_EDGE, D_HID)
    We2, be2 = _init_linear(ks[1], D_HID, D_HID)
    Wx, bx = _init_linear(ks[2], D_HID, 1)
    Wh1, bh1 = _init_linear(ks[3], D_NODE + D_HID, D_HID)
    Wh2, bh2 = _init_linear(ks[4], D_HID, D_NODE)
    return {"We1": We1, "be1": be1, "We2": We2, "be2": be2,
            "Wx": Wx, "bx": bx, "Wh1": Wh1, "bh1": bh1,
            "Wh2": Wh2, "bh2": bh2}


def setup_inputs(seed: int = 0) -> dict:
    key = jax.random.key(seed)
    kx = jax.random.fold_in(key, 0)
    kp = jax.random.fold_in(key, 1)
    ke = jax.random.fold_in(key, 2)
    ka = jax.random.fold_in(key, 3)
    x = jax.random.normal(kx, (N_NODES, D_NODE), dtype=jnp.float32)
    pos = jax.random.normal(kp, (N_NODES, 3), dtype=jnp.float32)
    edge_index = jax.random.randint(ke, (2, N_EDGES), 0, N_NODES, dtype=jnp.int32)
    edge_attr = jax.random.normal(ka, (N_EDGES, D_EDGE), dtype=jnp.float32)
    layers = [_init_layer(jax.random.fold_in(key, 100 + i)) for i in range(N_LAYERS)]
    params = {"layers": layers}
    return {"x": x, "pos": pos, "edge_index": edge_index,
            "edge_attr": edge_attr, "params": params}


def _egnn_layer(h, coords, src, dst, edge_attr, lp):
    diff = coords[dst] - coords[src]
    dist2 = jnp.sum(diff * diff, axis=-1, keepdims=True)
    m_in = jnp.concatenate([h[dst], h[src], dist2, edge_attr], axis=-1)
    m = jax.nn.silu(m_in @ lp["We1"] + lp["be1"])
    m = jax.nn.silu(m @ lp["We2"] + lp["be2"])
    w = jnp.tanh(m @ lp["Wx"] + lp["bx"])
    agg_x = jax.ops.segment_sum(diff * w, dst, num_segments=N_NODES)
    cnt = jax.ops.segment_sum(jnp.ones((dst.shape[0], 1), jnp.float32), dst,
                              num_segments=N_NODES)
    coords = coords + agg_x / jnp.maximum(cnt, 1.0)
    m_agg = jax.ops.segment_sum(m, dst, num_segments=N_NODES)
    h_in = jnp.concatenate([h, m_agg], axis=-1)
    dh = jax.nn.silu(h_in @ lp["Wh1"] + lp["bh1"]) @ lp["Wh2"] + lp["bh2"]
    return h + dh, coords


def reference(x, pos, edge_index, edge_attr, params):
    src = edge_index[0]
    dst = edge_index[1]
    h = x
    coords = pos
    for lp in params["layers"]:
        h, coords = _egnn_layer(h, coords, src, dst, edge_attr, lp)
    return h

if __name__ == "__main__":
    import jax
    _d = setup_inputs()
    print(jax.jit(kernel)(*tuple(_d.values())))

</pallas_src>

<mosaic_0001>
#map = affine_map<(d0, d1) -> (0, 0)>
#map1 = affine_map<(d0, d1) -> (0, 0, 0)>
module attributes {stable_mosaic.version = 14 : i64} {
  func.func @_sc_scatter_body(%arg0: i32, %arg1: i32, %arg2: memref<320000x128xf32, #tpu.memory_space<hbm>>, %arg3: memref<320000x128xf32, #tpu.memory_space<hbm>>, %arg4: memref<32x125x80xi32, #tpu.memory_space<hbm>>, %arg5: memref<32x125x80xi32, #tpu.memory_space<hbm>>, %arg6: memref<640x128xf32, #tpu.memory_space<hbm>>, %arg7: memref<2x10240x128xf32, #tpu.memory_space<hbm>>, %arg8: memref<1x80xi32, #tpu.memory_space<vmem>>, %arg9: memref<1x80xi32, #tpu.memory_space<vmem>>, %arg10: memref<80x128xf32, #tpu.memory_space<vmem>>, %arg11: memref<80x128xf32, #tpu.memory_space<vmem>>, %arg12: memref<10240x128xf32, #tpu.memory_space<vmem_shared>>, %arg13: memref<!tpu.dma_semaphore, #tpu.memory_space<semaphore_mem>>, %arg14: memref<!tpu.dma_semaphore, #tpu.memory_space<semaphore_mem>>) attributes {dimension_semantics = [#tpu.dimension_semantics<core_parallel>, #tpu.dimension_semantics<subcore_parallel>], iteration_bounds = array<i64: 2, 16>, scalar_prefetch = 0 : i64, scratch_operands = 7 : i64, tpu.core_type = #tpu.core_type<sc_vector_subcore>, window_params = [{transform_indices = #map}, {transform_indices = #map}, {transform_indices = #map1}, {transform_indices = #map1}, {transform_indices = #map}, {transform_indices = #map1}]} {
    %mul3A = arith.constant 2 : i32
    %mul3A_0 = arith.muli %arg1, %mul3A : i32
    %add3A = arith.addi %mul3A_0, %arg0 : i32
    %mul3A_1 = arith.constant 640 : i32
    %mul3A_2 = arith.muli %arg1, %mul3A_1 : i32
    "tpu.region"() ({
      %run_scoped3A = tpu.sem_alloc : memref<!tpu.dma_semaphore, #tpu.memory_space<semaphore_mem>>
      %dma_start3A_62 = arith.constant 0 : i32
      %dma_start3A_63 = tpu.memref_slice %arg12[%mul3A_2, %dma_start3A_62] : memref<10240x128xf32, #tpu.memory_space<vmem_shared>> -> memref<640x128xf32, #tpu.memory_space<vmem_shared>>
      tpu.enqueue_dma source(%arg6 : memref<640x128xf32, #tpu.memory_space<hbm>>) target(%dma_start3A_63 : memref<640x128xf32, #tpu.memory_space<vmem_shared>>) target_semaphore(%run_scoped3A : memref<!tpu.dma_semaphore, #tpu.memory_space<semaphore_mem>>)
      %dma_wait3A = arith.constant 0 : i32
      %dma_wait3A_64 = tpu.memref_slice %arg12[%mul3A_2, %dma_wait3A] : memref<10240x128xf32, #tpu.memory_space<vmem_shared>> -> memref<640x128xf32, #tpu.memory_space<vmem_shared>>
      tpu.wait_dma2 semaphore(%run_scoped3A : memref<!tpu.dma_semaphore, #tpu.memory_space<semaphore_mem>>) src(%arg6 : memref<640x128xf32, #tpu.memory_space<hbm>>) dst(%dma_wait3A_64 : memref<640x128xf32, #tpu.memory_space<vmem_shared>>)
      tpu.yield
    }) : () -> ()
    %barrier3A = arith.constant 0 : index
    tpu.barrier barrier_id(%barrier3A)
    %mul3A_3 = arith.constant 10000 : i32
    %mul3A_4 = arith.muli %add3A, %mul3A_3 : i32
    %add3A_5 = arith.constant 0 : i32
    %add3A_6 = arith.addi %mul3A_4, %add3A_5 : i32
    %dma_start3A = arith.constant 0 : i32
    %dma_start3A_7 = arith.constant 0 : i32
    %dma_start3A_8 = tpu.memref_slice %arg4[%add3A, %dma_start3A, %dma_start3A_7] : memref<32x125x80xi32, #tpu.memory_space<hbm>> -> memref<1x125x80xi32, #tpu.memory_space<hbm>>
    %dma_start3A_9 = tpu.memref_squeeze %dma_start3A_8 : memref<1x125x80xi32, #tpu.memory_space<hbm>> -> memref<125x80xi32, #tpu.memory_space<hbm>>
    %dma_start3A_10 = arith.constant 0 : i32
    %dma_start3A_11 = arith.constant 0 : i32
    %dma_start3A_12 = tpu.memref_slice %dma_start3A_9[%dma_start3A_10, %dma_start3A_11] : memref<125x80xi32, #tpu.memory_space<hbm>> -> memref<1x80xi32, #tpu.memory_space<hbm>>
    %dma_start3A_13 = arith.constant 0 : i32
    %dma_start3A_14 = arith.constant 0 : i32
    %dma_start3A_15 = tpu.memref_slice %arg4[%add3A, %dma_start3A_13, %dma_start3A_14] : memref<32x125x80xi32, #tpu.memory_space<hbm>> -> memref<1x125x80xi32, #tpu.memory_space<hbm>>
    %dma_start3A_16 = tpu.memref_squeeze %dma_start3A_15 : memref<1x125x80xi32, #tpu.memory_space<hbm>> -> memref<125x80xi32, #tpu.memory_space<hbm>>
    %dma_start3A_17 = arith.constant 0 : i32
    %dma_start3A_18 = arith.constant 0 : i32
    %dma_start3A_19 = tpu.memref_slice %dma_start3A_16[%dma_start3A_17, %dma_start3A_18] : memref<125x80xi32, #tpu.memory_space<hbm>> -> memref<1x80xi32, #tpu.memory_space<hbm>>
    tpu.enqueue_dma source(%dma_start3A_19 : memref<1x80xi32, #tpu.memory_space<hbm>>) target(%arg8 : memref<1x80xi32, #tpu.memory_space<vmem>>) target_semaphore(%arg13 : memref<!tpu.dma_semaphore, #tpu.memory_space<semaphore_mem>>)
    %dma_start3A_20 = arith.constant 0 : i32
    %dma_start3A_21 = tpu.memref_slice %arg2[%add3A_6, %dma_start3A_20] : memref<320000x128xf32, #tpu.memory_space<hbm>> -> memref<80x128xf32, #tpu.memory_space<hbm>>
    %dma_start3A_22 = arith.constant 0 : i32
    %dma_start3A_23 = tpu.memref_slice %arg2[%add3A_6, %dma_start3A_22] : memref<320000x128xf32, #tpu.memory_space<hbm>> -> memref<80x128xf32, #tpu.memory_space<hbm>>
    tpu.enqueue_dma source(%dma_start3A_23 : memref<80x128xf32, #tpu.memory_space<hbm>>) target(%arg10 : memref<80x128xf32, #tpu.memory_space<vmem>>) target_semaphore(%arg13 : memref<!tpu.dma_semaphore, #tpu.memory_space<semaphore_mem>>)
    %scan3A = arith.constant 0 : i32
    %scan3A_24 = arith.constant 0 : i32
    %scan3A_25 = arith.constant 63 : i32
    %scan3A_26 = arith.addi %scan3A_24, %scan3A_25 : i32
    %scan3A_27 = arith.constant 1 : i32
    scf.for %scan3A_62 = %scan3A_24 to %scan3A_26 step %scan3A_27  : i32 {
      %mul3A_63 = arith.constant 2 : i32
      %mul3A_64 = arith.muli %mul3A_63, %scan3A_62 : i32
      %add3A_65 = arith.constant 1 : i32
      %add3A_66 = arith.addi %mul3A_64, %add3A_65 : i32
      %lt3A = arith.constant 125 : i32
      %lt3A_67 = arith.cmpi slt, %add3A_66, %lt3A : i32
      %convert_element_type3A = arith.extui %lt3A_67 : i1 to i32
      %cond3A = arith.constant 0 : i32
      %cond3A_68 = arith.cmpi ne, %convert_element_type3A, %cond3A : i32
      scf.if %cond3A_68 {
        %add3A_103 = arith.constant 1 : i32
        %add3A_104 = arith.addi %mul3A_64, %add3A_103 : i32
        %mul3A_105 = arith.constant 10000 : i32
        %mul3A_106 = arith.muli %add3A, %mul3A_105 : i32
        %mul3A_107 = arith.constant 80 : i32
        %mul3A_108 = arith.muli %add3A_104, %mul3A_107 : i32
        %add3A_109 = arith.addi %mul3A_106, %mul3A_108 : i32
        %dma_start3A_110 = arith.constant 0 : i32
        %dma_start3A_111 = arith.constant 0 : i32
        %dma_start3A_112 = tpu.memref_slice %arg4[%add3A, %dma_start3A_110, %dma_start3A_111] : memref<32x125x80xi32, #tpu.memory_space<hbm>> -> memref<1x125x80xi32, #tpu.memory_space<hbm>>
        %dma_start3A_113 = tpu.memref_squeeze %dma_start3A_112 : memref<1x125x80xi32, #tpu.memory_space<hbm>> -> memref<125x80xi32, #tpu.memory_space<hbm>>
        %dma_start3A_114 = arith.constant 0 : i32
        %dma_start3A_115 = tpu.memref_slice %dma_start3A_113[%add3A_104, %dma_start3A_114] : memref<125x80xi32, #tpu.memory_space<hbm>> -> memref<1x80xi32, #tpu.memory_space<hbm>>
        %dma_start3A_116 = arith.constant 0 : i32
        %dma_start3A_117 = arith.constant 0 : i32
        %dma_start3A_118 = tpu.memref_slice %arg4[%add3A, %dma_start3A_116, %dma_start3A_117] : memref<32x125x80xi32, #tpu.memory_space<hbm>> -> memref<1x125x80xi32, #tpu.memory_space<hbm>>
        %dma_start3A_119 = tpu.memref_squeeze %dma_start3A_118 : memref<1x125x80xi32, #tpu.memory_space<hbm>> -> memref<125x80xi32, #tpu.memory_space<hbm>>
        %dma_start3A_120 = arith.constant 0 : i32
        %dma_start3A_121 = tpu.memref_slice %dma_start3A_119[%add3A_104, %dma_start3A_120] : memref<125x80xi32, #tpu.memory_space<hbm>> -> memref<1x80xi32, #tpu.memory_space<hbm>>
        tpu.enqueue_dma source(%dma_start3A_121 : memref<1x80xi32, #tpu.memory_space<hbm>>) target(%arg9 : memref<1x80xi32, #tpu.memory_space<vmem>>) target_semaphore(%arg14 : memref<!tpu.dma_semaphore, #tpu.memory_space<semaphore_mem>>)
        %dma_start3A_122 = arith.constant 0 : i32
        %dma_start3A_123 = tpu.memref_slice %arg2[%add3A_109, %dma_start3A_122] : memref<320000x128xf32, #tpu.memory_space<hbm>> -> memref<80x128xf32, #tpu.memory_space<hbm>>
        %dma_start3A_124 = arith.constant 0 : i32
        %dma_start3A_125 = tpu.memref_slice %arg2[%add3A_109, %dma_start3A_124] : memref<320000x128xf32, #tpu.memory_space<hbm>> -> memref<80x128xf32, #tpu.memory_space<hbm>>
        tpu.enqueue_dma source(%dma_start3A_125 : memref<80x128xf32, #tpu.memory_space<hbm>>) target(%arg11 : memref<80x128xf32, #tpu.memory_space<vmem>>) target_semaphore(%arg14 : memref<!tpu.dma_semaphore, #tpu.memory_space<semaphore_mem>>)
      } else {
      }
      %mul3A_69 = arith.constant 10000 : i32
      %mul3A_70 = arith.muli %add3A, %mul3A_69 : i32
      %mul3A_71 = arith.constant 80 : i32
      %mul3A_72 = arith.muli %mul3A_64, %mul3A_71 : i32
      %add3A_73 = arith.addi %mul3A_70, %mul3A_72 : i32
      %dma_wait3A = arith.constant 0 : i32
      %dma_wait3A_74 = arith.constant 0 : i32
      %dma_wait3A_75 = tpu.memref_slice %arg4[%add3A, %dma_wait3A, %dma_wait3A_74] : memref<32x125x80xi32, #tpu.memory_space<hbm>> -> memref<1x125x80xi32, #tpu.memory_space<hbm>>
      %dma_wait3A_76 = tpu.memref_squeeze %dma_wait3A_75 : memref<1x125x80xi32, #tpu.memory_space<hbm>> -> memref<125x80xi32, #tpu.memory_space<hbm>>
      %dma_wait3A_77 = arith.constant 0 : i32
      %dma_wait3A_78 = tpu.memref_slice %dma_wait3A_76[%mul3A_64, %dma_wait3A_77] : memref<125x80xi32, #tpu.memory_space<hbm>> -> memref<1x80xi32, #tpu.memory_space<hbm>>
      %dma_wait3A_79 = arith.constant 0 : i32
      %dma_wait3A_80 = arith.constant 0 : i32
      %dma_wait3A_81 = tpu.memref_slice %arg4[%add3A, %dma_wait3A_79, %dma_wait3A_80] : memref<32x125x80xi32, #tpu.memory_space<hbm>> -> memref<1x125x80xi32, #tpu.memory_space<hbm>>
      %dma_wait3A_82 = tpu.memref_squeeze %dma_wait3A_81 : memref<1x125x80xi32, #tpu.memory_space<hbm>> -> memref<125x80xi32, #tpu.memory_space<hbm>>
      %dma_wait3A_83 = arith.constant 0 : i32
      %dma_wait3A_84 = tpu.memref_slice %dma_wait3A_82[%mul3A_64, %dma_wait3A_83] : memref<125x80xi32, #tpu.memory_space<hbm>> -> memref<1x80xi32, #tpu.memory_space<hbm>>
      tpu.wait_dma2 semaphore(%arg13 : memref<!tpu.dma_semaphore, #tpu.memory_space<semaphore_mem>>) src(%dma_wait3A_84 : memref<1x80xi32, #tpu.memory_space<hbm>>) dst(%arg8 : memref<1x80xi32, #tpu.memory_space<vmem>>)
      %dma_wait3A_85 = arith.constant 0 : i32
      %dma_wait3A_86 = tpu.memref_slice %arg2[%add3A_73, %dma_wait3A_85] : memref<320000x128xf32, #tpu.memory_space<hbm>> -> memref<80x128xf32, #tpu.memory_space<hbm>>
      %dma_wait3A_87 = arith.constant 0 : i32
      %dma_wait3A_88 = tpu.memref_slice %arg2[%add3A_73, %dma_wait3A_87] : memref<320000x128xf32, #tpu.memory_space<hbm>> -> memref<80x128xf32, #tpu.memory_space<hbm>>
      tpu.wait_dma2 semaphore(%arg13 : memref<!tpu.dma_semaphore, #tpu.memory_space<semaphore_mem>>) src(%dma_wait3A_88 : memref<80x128xf32, #tpu.memory_space<hbm>>) dst(%arg10 : memref<80x128xf32, #tpu.memory_space<vmem>>)
      %run_scoped3A = arith.constant 0 : i32
      "tpu.region"() ({
        %run_scoped3A_103 = tpu.sem_alloc : memref<!tpu.dma_semaphore, #tpu.memory_space<semaphore_mem>>
        %dma_start3A_104 = arith.constant 0 : i32
        %dma_start3A_105 = tpu.memref_slice %arg8[%run_scoped3A, %dma_start3A_104] : memref<1x80xi32, #tpu.memory_space<vmem>> -> memref<1x80xi32, #tpu.memory_space<vmem>>
        %dma_start3A_106 = tpu.memref_squeeze %dma_start3A_105 : memref<1x80xi32, #tpu.memory_space<vmem>> -> memref<80xi32, #tpu.memory_space<vmem>>
        %dma_start3A_107 = arith.constant 0 : i32
        %dma_start3A_108 = arith.constant 0 : i32
        %dma_start3A_109 = tpu.memref_slice %arg12[%dma_start3A_107, %dma_start3A_108] : memref<10240x128xf32, #tpu.memory_space<vmem_shared>> -> memref<10240x128xf32, #tpu.memory_space<vmem_shared>>
        tpu.enqueue_indirect_dma source(%arg10 : memref<80x128xf32, #tpu.memory_space<vmem>>) target(%dma_start3A_109 : memref<10240x128xf32, #tpu.memory_space<vmem_shared>>) offsets(%dma_start3A_106 : memref<80xi32, #tpu.memory_space<vmem>>) semaphore(%run_scoped3A_103 : memref<!tpu.dma_semaphore, #tpu.memory_space<semaphore_mem>>) {add = true}
        %dma_wait3A_110 = arith.constant 0 : i32
        %dma_wait3A_111 = tpu.memref_slice %arg8[%run_scoped3A, %dma_wait3A_110] : memref<1x80xi32, #tpu.memory_space<vmem>> -> memref<1x80xi32, #tpu.memory_space<vmem>>
        %dma_wait3A_112 = tpu.memref_squeeze %dma_wait3A_111 : memref<1x80xi32, #tpu.memory_space<vmem>> -> memref<80xi32, #tpu.memory_space<vmem>>
        %dma_wait3A_113 = arith.constant 0 : i32
        %dma_wait3A_114 = arith.constant 0 : i32
        %dma_wait3A_115 = tpu.memref_slice %arg12[%dma_wait3A_113, %dma_wait3A_114] : memref<10240x128xf32, #tpu.memory_space<vmem_shared>> -> memref<10240x128xf32, #tpu.memory_space<vmem_shared>>
        tpu.wait_indirect_dma semaphore(%run_scoped3A_103 : memref<!tpu.dma_semaphore, #tpu.memory_space<semaphore_mem>>) src(%arg10 : memref<80x128xf32, #tpu.memory_space<vmem>>) dst(%dma_wait3A_115 : memref<10240x128xf32, #tpu.memory_space<vmem_shared>>)
        tpu.yield
      }) : () -> ()
      %add3A_89 = arith.constant 2 : i32
      %add3A_90 = arith.addi %mul3A_64, %add3A_89 : i32
      %lt3A_91 = arith.constant 125 : i32
      %lt3A_92 = arith.cmpi slt, %add3A_90, %lt3A_91 : i32
      %convert_element_type3A_93 = arith.extui %lt3A_92 : i1 to i32
      %cond3A_94 = arith.constant 0 : i32
      %cond3A_95 = arith.cmpi ne, %convert_element_type3A_93, %cond3A_94 : i32
      scf.if %cond3A_95 {
        %add3A_103 = arith.constant 2 : i32
        %add3A_104 = arith.addi %mul3A_64, %add3A_103 : i32
        %mul3A_105 = arith.constant 10000 : i32
        %mul3A_106 = arith.muli %add3A, %mul3A_105 : i32
        %mul3A_107 = arith.constant 80 : i32
        %mul3A_108 = arith.muli %add3A_104, %mul3A_107 : i32
        %add3A_109 = arith.addi %mul3A_106, %mul3A_108 : i32
        %dma_start3A_110 = arith.constant 0 : i32
        %dma_start3A_111 = arith.constant 0 : i32
        %dma_start3A_112 = tpu.memref_slice %arg4[%add3A, %dma_start3A_110, %dma_start3A_111] : memref<32x125x80xi32, #tpu.memory_space<hbm>> -> memref<1x125x80xi32, #tpu.memory_space<hbm>>
        %dma_start3A_113 = tpu.memref_squeeze %dma_start3A_112 : memref<1x125x80xi32, #tpu.memory_space<hbm>> -> memref<125x80xi32, #tpu.memory_space<hbm>>
        %dma_start3A_114 = arith.constant 0 : i32
        %dma_start3A_115 = tpu.memref_slice %dma_start3A_113[%add3A_104, %dma_start3A_114] : memref<125x80xi32, #tpu.memory_space<hbm>> -> memref<1x80xi32, #tpu.memory_space<hbm>>
        %dma_start3A_116 = arith.constant 0 : i32
        %dma_start3A_117 = arith.constant 0 : i32
        %dma_start3A_118 = tpu.memref_slice %arg4[%add3A, %dma_start3A_116, %dma_start3A_117] : memref<32x125x80xi32, #tpu.memory_space<hbm>> -> memref<1x125x80xi32, #tpu.memory_space<hbm>>
        %dma_start3A_119 = tpu.memref_squeeze %dma_start3A_118 : memref<1x125x80xi32, #tpu.memory_space<hbm>> -> memref<125x80xi32, #tpu.memory_space<hbm>>
        %dma_start3A_120 = arith.constant 0 : i32
        %dma_start3A_121 = tpu.memref_slice %dma_start3A_119[%add3A_104, %dma_start3A_120] : memref<125x80xi32, #tpu.memory_space<hbm>> -> memref<1x80xi32, #tpu.memory_space<hbm>>
        tpu.enqueue_dma source(%dma_start3A_121 : memref<1x80xi32, #tpu.memory_space<hbm>>) target(%arg8 : memref<1x80xi32, #tpu.memory_space<vmem>>) target_semaphore(%arg13 : memref<!tpu.dma_semaphore, #tpu.memory_space<semaphore_mem>>)
        %dma_start3A_122 = arith.constant 0 : i32
        %dma_start3A_123 = tpu.memref_slice %arg2[%add3A_109, %dma_start3A_122] : memref<320000x128xf32, #tpu.memory_space<hbm>> -> memref<80x128xf32, #tpu.memory_space<hbm>>
        %dma_start3A_124 = arith.constant 0 : i32
        %dma_start3A_125 = tpu.memref_slice %arg2[%add3A_109, %dma_start3A_124] : memref<320000x128xf32, #tpu.memory_space<hbm>> -> memref<80x128xf32, #tpu.memory_space<hbm>>
        tpu.enqueue_dma source(%dma_start3A_125 : memref<80x128xf32, #tpu.memory_space<hbm>>) target(%arg10 : memref<80x128xf32, #tpu.memory_space<vmem>>) target_semaphore(%arg13 : memref<!tpu.dma_semaphore, #tpu.memory_space<semaphore_mem>>)
      } else {
      }
      %add3A_96 = arith.constant 1 : i32
      %add3A_97 = arith.addi %mul3A_64, %add3A_96 : i32
      %lt3A_98 = arith.constant 125 : i32
      %lt3A_99 = arith.cmpi slt, %add3A_97, %lt3A_98 : i32
      %convert_element_type3A_100 = arith.extui %lt3A_99 : i1 to i32
      %cond3A_101 = arith.constant 0 : i32
      %cond3A_102 = arith.cmpi ne, %convert_element_type3A_100, %cond3A_101 : i32
      scf.if %cond3A_102 {
        %add3A_103 = arith.constant 1 : i32
        %add3A_104 = arith.addi %mul3A_64, %add3A_103 : i32
        %mul3A_105 = arith.constant 10000 : i32
        %mul3A_106 = arith.muli %add3A, %mul3A_105 : i32
        %mul3A_107 = arith.constant 80 : i32
        %mul3A_108 = arith.muli %add3A_104, %mul3A_107 : i32
        %add3A_109 = arith.addi %mul3A_106, %mul3A_108 : i32
        %dma_wait3A_110 = arith.constant 0 : i32
        %dma_wait3A_111 = arith.constant 0 : i32
        %dma_wait3A_112 = tpu.memref_slice %arg4[%add3A, %dma_wait3A_110, %dma_wait3A_111] : memref<32x125x80xi32, #tpu.memory_space<hbm>> -> memref<1x125x80xi32, #tpu.memory_space<hbm>>
        %dma_wait3A_113 = tpu.memref_squeeze %dma_wait3A_112 : memref<1x125x80xi32, #tpu.memory_space<hbm>> -> memref<125x80xi32, #tpu.memory_space<hbm>>
        %dma_wait3A_114 = arith.constant 0 : i32
        %dma_wait3A_115 = tpu.memref_slice %dma_wait3A_113[%add3A_104, %dma_wait3A_114] : memref<125x80xi32, #tpu.memory_space<hbm>> -> memref<1x80xi32, #tpu.memory_space<hbm>>
        %dma_wait3A_116 = arith.constant 0 : i32
        %dma_wait3A_117 = arith.constant 0 : i32
        %dma_wait3A_118 = tpu.memref_slice %arg4[%add3A, %dma_wait3A_116, %dma_wait3A_117] : memref<32x125x80xi32, #tpu.memory_space<hbm>> -> memref<1x125x80xi32, #tpu.memory_space<hbm>>
        %dma_wait3A_119 = tpu.memref_squeeze %dma_wait3A_118 : memref<1x125x80xi32, #tpu.memory_space<hbm>> -> memref<125x80xi32, #tpu.memory_space<hbm>>
        %dma_wait3A_120 = arith.constant 0 : i32
        %dma_wait3A_121 = tpu.memref_slice %dma_wait3A_119[%add3A_104, %dma_wait3A_120] : memref<125x80xi32, #tpu.memory_space<hbm>> -> memref<1x80xi32, #tpu.memory_space<hbm>>
        tpu.wait_dma2 semaphore(%arg14 : memref<!tpu.dma_semaphore, #tpu.memory_space<semaphore_mem>>) src(%dma_wait3A_121 : memref<1x80xi32, #tpu.memory_space<hbm>>) dst(%arg9 : memref<1x80xi32, #tpu.memory_space<vmem>>)
        %dma_wait3A_122 = arith.constant 0 : i32
        %dma_wait3A_123 = tpu.memref_slice %arg2[%add3A_109, %dma_wait3A_122] : memref<320000x128xf32, #tpu.memory_space<hbm>> -> memref<80x128xf32, #tpu.memory_space<hbm>>
        %dma_wait3A_124 = arith.constant 0 : i32
        %dma_wait3A_125 = tpu.memref_slice %arg2[%add3A_109, %dma_wait3A_124] : memref<320000x128xf32, #tpu.memory_space<hbm>> -> memref<80x128xf32, #tpu.memory_space<hbm>>
        tpu.wait_dma2 semaphore(%arg14 : memref<!tpu.dma_semaphore, #tpu.memory_space<semaphore_mem>>) src(%dma_wait3A_125 : memref<80x128xf32, #tpu.memory_space<hbm>>) dst(%arg11 : memref<80x128xf32, #tpu.memory_space<vmem>>)
        %run_scoped3A_126 = arith.constant 0 : i32
        "tpu.region"() ({
          %run_scoped3A_127 = tpu.sem_alloc : memref<!tpu.dma_semaphore, #tpu.memory_space<semaphore_mem>>
          %dma_start3A_128 = arith.constant 0 : i32
          %dma_start3A_129 = tpu.memref_slice %arg9[%run_scoped3A_126, %dma_start3A_128] : memref<1x80xi32, #tpu.memory_space<vmem>> -> memref<1x80xi32, #tpu.memory_space<vmem>>
          %dma_start3A_130 = tpu.memref_squeeze %dma_start3A_129 : memref<1x80xi32, #tpu.memory_space<vmem>> -> memref<80xi32, #tpu.memory_space<vmem>>
          %dma_start3A_131 = arith.constant 0 : i32
          %dma_start3A_132 = arith.constant 0 : i32
          %dma_start3A_133 = tpu.memref_slice %arg12[%dma_start3A_131, %dma_start3A_132] : memref<10240x128xf32, #tpu.memory_space<vmem_shared>> -> memref<10240x128xf32, #tpu.memory_space<vmem_shared>>
          tpu.enqueue_indirect_dma source(%arg11 : memref<80x128xf32, #tpu.memory_space<vmem>>) target(%dma_start3A_133 : memref<10240x128xf32, #tpu.memory_space<vmem_shared>>) offsets(%dma_start3A_130 : memref<80xi32, #tpu.memory_space<vmem>>) semaphore(%run_scoped3A_127 : memref<!tpu.dma_semaphore, #tpu.memory_space<semaphore_mem>>) {add = true}
          %dma_wait3A_134 = arith.constant 0 : i32
          %dma_wait3A_135 = tpu.memref_slice %arg9[%run_scoped3A_126, %dma_wait3A_134] : memref<1x80xi32, #tpu.memory_space<vmem>> -> memref<1x80xi32, #tpu.memory_space<vmem>>
          %dma_wait3A_136 = tpu.memref_squeeze %dma_wait3A_135 : memref<1x80xi32, #tpu.memory_space<vmem>> -> memref<80xi32, #tpu.memory_space<vmem>>
          %dma_wait3A_137 = arith.constant 0 : i32
          %dma_wait3A_138 = arith.constant 0 : i32
          %dma_wait3A_139 = tpu.memref_slice %arg12[%dma_wait3A_137, %dma_wait3A_138] : memref<10240x128xf32, #tpu.memory_space<vmem_shared>> -> memref<10240x128xf32, #tpu.memory_space<vmem_shared>>
          tpu.wait_indirect_dma semaphore(%run_scoped3A_127 : memref<!tpu.dma_semaphore, #tpu.memory_space<semaphore_mem>>) src(%arg11 : memref<80x128xf32, #tpu.memory_space<vmem>>) dst(%dma_wait3A_139 : memref<10240x128xf32, #tpu.memory_space<vmem_shared>>)
          tpu.yield
        }) : () -> ()
      } else {
      }
    }
    %scan3A_28 = arith.constant 63 : i32
    %mul3A_29 = arith.constant 10000 : i32
    %mul3A_30 = arith.muli %add3A, %mul3A_29 : i32
    %add3A_31 = arith.constant 0 : i32
    %add3A_32 = arith.addi %mul3A_30, %add3A_31 : i32
    %dma_start3A_33 = arith.constant 0 : i32
    %dma_start3A_34 = arith.constant 0 : i32
    %dma_start3A_35 = tpu.memref_slice %arg5[%add3A, %dma_start3A_33, %dma_start3A_34] : memref<32x125x80xi32, #tpu.memory_space<hbm>> -> memref<1x125x80xi32, #tpu.memory_space<hbm>>
    %dma_start3A_36 = tpu.memref_squeeze %dma_start3A_35 : memref<1x125x80xi32, #tpu.memory_space<hbm>> -> memref<125x80xi32, #tpu.memory_space<hbm>>
    %dma_start3A_37 = arith.constant 0 : i32
    %dma_start3A_38 = arith.constant 0 : i32
    %dma_start3A_39 = tpu.memref_slice %dma_start3A_36[%dma_start3A_37, %dma_start3A_38] : memref<125x80xi32, #tpu.memory_space<hbm>> -> memref<1x80xi32, #tpu.memory_space<hbm>>
    %dma_start3A_40 = arith.constant 0 : i32
    %dma_start3A_41 = arith.constant 0 : i32
    %dma_start3A_42 = tpu.memref_slice %arg5[%add3A, %dma_start3A_40, %dma_start3A_41] : memref<32x125x80xi32, #tpu.memory_space<hbm>> -> memref<1x125x80xi32, #tpu.memory_space<hbm>>
    %dma_start3A_43 = tpu.memref_squeeze %dma_start3A_42 : memref<1x125x80xi32, #tpu.memory_space<hbm>> -> memref<125x80xi32, #tpu.memory_space<hbm>>
    %dma_start3A_44 = arith.constant 0 : i32
    %dma_start3A_45 = arith.constant 0 : i32
    %dma_start3A_46 = tpu.memref_slice %dma_start3A_43[%dma_start3A_44, %dma_start3A_45] : memref<125x80xi32, #tpu.memory_space<hbm>> -> memref<1x80xi32, #tpu.memory_space<hbm>>
    tpu.enqueue_dma source(%dma_start3A_46 : memref<1x80xi32, #tpu.memory_space<hbm>>) target(%arg8 : memref<1x80xi32, #tpu.memory_space<vmem>>) target_semaphore(%arg13 : memref<!tpu.dma_semaphore, #tpu.memory_space<semaphore_mem>>)
    %dma_start3A_47 = arith.constant 0 : i32
    %dma_start3A_48 = tpu.memref_slice %arg3[%add3A_32, %dma_start3A_47] : memref<320000x128xf32, #tpu.memory_space<hbm>> -> memref<80x128xf32, #tpu.memory_space<hbm>>
    %dma_start3A_49 = arith.constant 0 : i32
    %dma_start3A_50 = tpu.memref_slice %arg3[%add3A_32, %dma_start3A_49] : memref<320000x128xf32, #tpu.memory_space<hbm>> -> memref<80x128xf32, #tpu.memory_space<hbm>>
    tpu.enqueue_dma source(%dma_start3A_50 : memref<80x128xf32, #tpu.memory_space<hbm>>) target(%arg10 : memref<80x128xf32, #tpu.memory_space<vmem>>) target_semaphore(%arg13 : memref<!tpu.dma_semaphore, #tpu.memory_space<semaphore_mem>>)
    %scan3A_51 = arith.constant 0 : i32
    %scan3A_52 = arith.constant 0 : i32
    %scan3A_53 = arith.constant 63 : i32
    %scan3A_54 = arith.addi %scan3A_52, %scan3A_53 : i32
    %scan3A_55 = arith.constant 1 : i32
    scf.for %scan3A_62 = %scan3A_52 to %scan3A_54 step %scan3A_55  : i32 {
      %mul3A_63 = arith.constant 2 : i32
      %mul3A_64 = arith.muli %mul3A_63, %scan3A_62 : i32
      %add3A_65 = arith.constant 1 : i32
      %add3A_66 = arith.addi %mul3A_64, %add3A_65 : i32
      %lt3A = arith.constant 125 : i32
      %lt3A_67 = arith.cmpi slt, %add3A_66, %lt3A : i32
      %convert_element_type3A = arith.extui %lt3A_67 : i1 to i32
      %cond3A = arith.constant 0 : i32
      %cond3A_68 = arith.cmpi ne, %convert_element_type3A, %cond3A : i32
      scf.if %cond3A_68 {
        %add3A_103 = arith.constant 1 : i32
        %add3A_104 = arith.addi %mul3A_64, %add3A_103 : i32
        %mul3A_105 = arith.constant 10000 : i32
        %mul3A_106 = arith.muli %add3A, %mul3A_105 : i32
        %mul3A_107 = arith.constant 80 : i32
        %mul3A_108 = arith.muli %add3A_104, %mul3A_107 : i32
        %add3A_109 = arith.addi %mul3A_106, %mul3A_108 : i32
        %dma_start3A_110 = arith.constant 0 : i32
        %dma_start3A_111 = arith.constant 0 : i32
        %dma_start3A_112 = tpu.memref_slice %arg5[%add3A, %dma_start3A_110, %dma_start3A_111] : memref<32x125x80xi32, #tpu.memory_space<hbm>> -> memref<1x125x80xi32, #tpu.memory_space<hbm>>
        %dma_start3A_113 = tpu.memref_squeeze %dma_start3A_112 : memref<1x125x80xi32, #tpu.memory_space<hbm>> -> memref<125x80xi32, #tpu.memory_space<hbm>>
        %dma_start3A_114 = arith.constant 0 : i32
        %dma_start3A_115 = tpu.memref_slice %dma_start3A_113[%add3A_104, %dma_start3A_114] : memref<125x80xi32, #tpu.memory_space<hbm>> -> memref<1x80xi32, #tpu.memory_space<hbm>>
        %dma_start3A_116 = arith.constant 0 : i32
        %dma_start3A_117 = arith.constant 0 : i32
        %dma_start3A_118 = tpu.memref_slice %arg5[%add3A, %dma_start3A_116, %dma_start3A_117] : memref<32x125x80xi32, #tpu.memory_space<hbm>> -> memref<1x125x80xi32, #tpu.memory_space<hbm>>
        %dma_start3A_119 = tpu.memref_squeeze %dma_start3A_118 : memref<1x125x80xi32, #tpu.memory_space<hbm>> -> memref<125x80xi32, #tpu.memory_space<hbm>>
        %dma_start3A_120 = arith.constant 0 : i32
        %dma_start3A_121 = tpu.memref_slice %dma_start3A_119[%add3A_104, %dma_start3A_120] : memref<125x80xi32, #tpu.memory_space<hbm>> -> memref<1x80xi32, #tpu.memory_space<hbm>>
        tpu.enqueue_dma source(%dma_start3A_121 : memref<1x80xi32, #tpu.memory_space<hbm>>) target(%arg9 : memref<1x80xi32, #tpu.memory_space<vmem>>) target_semaphore(%arg14 : memref<!tpu.dma_semaphore, #tpu.memory_space<semaphore_mem>>)
        %dma_start3A_122 = arith.constant 0 : i32
        %dma_start3A_123 = tpu.memref_slice %arg3[%add3A_109, %dma_start3A_122] : memref<320000x128xf32, #tpu.memory_space<hbm>> -> memref<80x128xf32, #tpu.memory_space<hbm>>
        %dma_start3A_124 = arith.constant 0 : i32
        %dma_start3A_125 = tpu.memref_slice %arg3[%add3A_109, %dma_start3A_124] : memref<320000x128xf32, #tpu.memory_space<hbm>> -> memref<80x128xf32, #tpu.memory_space<hbm>>
        tpu.enqueue_dma source(%dma_start3A_125 : memref<80x128xf32, #tpu.memory_space<hbm>>) target(%arg11 : memref<80x128xf32, #tpu.memory_space<vmem>>) target_semaphore(%arg14 : memref<!tpu.dma_semaphore, #tpu.memory_space<semaphore_mem>>)
      } else {
      }
      %mul3A_69 = arith.constant 10000 : i32
      %mul3A_70 = arith.muli %add3A, %mul3A_69 : i32
      %mul3A_71 = arith.constant 80 : i32
      %mul3A_72 = arith.muli %mul3A_64, %mul3A_71 : i32
      %add3A_73 = arith.addi %mul3A_70, %mul3A_72 : i32
      %dma_wait3A = arith.constant 0 : i32
      %dma_wait3A_74 = arith.constant 0 : i32
      %dma_wait3A_75 = tpu.memref_slice %arg5[%add3A, %dma_wait3A, %dma_wait3A_74] : memref<32x125x80xi32, #tpu.memory_space<hbm>> -> memref<1x125x80xi32, #tpu.memory_space<hbm>>
      %dma_wait3A_76 = tpu.memref_squeeze %dma_wait3A_75 : memref<1x125x80xi32, #tpu.memory_space<hbm>> -> memref<125x80xi32, #tpu.memory_space<hbm>>
      %dma_wait3A_77 = arith.constant 0 : i32
      %dma_wait3A_78 = tpu.memref_slice %dma_wait3A_76[%mul3A_64, %dma_wait3A_77] : memref<125x80xi32, #tpu.memory_space<hbm>> -> memref<1x80xi32, #tpu.memory_space<hbm>>
      %dma_wait3A_79 = arith.constant 0 : i32
      %dma_wait3A_80 = arith.constant 0 : i32
      %dma_wait3A_81 = tpu.memref_slice %arg5[%add3A, %dma_wait3A_79, %dma_wait3A_80] : memref<32x125x80xi32, #tpu.memory_space<hbm>> -> memref<1x125x80xi32, #tpu.memory_space<hbm>>
      %dma_wait3A_82 = tpu.memref_squeeze %dma_wait3A_81 : memref<1x125x80xi32, #tpu.memory_space<hbm>> -> memref<125x80xi32, #tpu.memory_space<hbm>>
      %dma_wait3A_83 = arith.constant 0 : i32
      %dma_wait3A_84 = tpu.memref_slice %dma_wait3A_82[%mul3A_64, %dma_wait3A_83] : memref<125x80xi32, #tpu.memory_space<hbm>> -> memref<1x80xi32, #tpu.memory_space<hbm>>
      tpu.wait_dma2 semaphore(%arg13 : memref<!tpu.dma_semaphore, #tpu.memory_space<semaphore_mem>>) src(%dma_wait3A_84 : memref<1x80xi32, #tpu.memory_space<hbm>>) dst(%arg8 : memref<1x80xi32, #tpu.memory_space<vmem>>)
      %dma_wait3A_85 = arith.constant 0 : i32
      %dma_wait3A_86 = tpu.memref_slice %arg3[%add3A_73, %dma_wait3A_85] : memref<320000x128xf32, #tpu.memory_space<hbm>> -> memref<80x128xf32, #tpu.memory_space<hbm>>
      %dma_wait3A_87 = arith.constant 0 : i32
      %dma_wait3A_88 = tpu.memref_slice %arg3[%add3A_73, %dma_wait3A_87] : memref<320000x128xf32, #tpu.memory_space<hbm>> -> memref<80x128xf32, #tpu.memory_space<hbm>>
      tpu.wait_dma2 semaphore(%arg13 : memref<!tpu.dma_semaphore, #tpu.memory_space<semaphore_mem>>) src(%dma_wait3A_88 : memref<80x128xf32, #tpu.memory_space<hbm>>) dst(%arg10 : memref<80x128xf32, #tpu.memory_space<vmem>>)
      %run_scoped3A = arith.constant 0 : i32
      "tpu.region"() ({
        %run_scoped3A_103 = tpu.sem_alloc : memref<!tpu.dma_semaphore, #tpu.memory_space<semaphore_mem>>
        %dma_start3A_104 = arith.constant 0 : i32
        %dma_start3A_105 = tpu.memref_slice %arg8[%run_scoped3A, %dma_start3A_104] : memref<1x80xi32, #tpu.memory_space<vmem>> -> memref<1x80xi32, #tpu.memory_space<vmem>>
        %dma_start3A_106 = tpu.memref_squeeze %dma_start3A_105 : memref<1x80xi32, #tpu.memory_space<vmem>> -> memref<80xi32, #tpu.memory_space<vmem>>
        %dma_start3A_107 = arith.constant 0 : i32
        %dma_start3A_108 = arith.constant 0 : i32
        %dma_start3A_109 = tpu.memref_slice %arg12[%dma_start3A_107, %dma_start3A_108] : memref<10240x128xf32, #tpu.memory_space<vmem_shared>> -> memref<10240x128xf32, #tpu.memory_space<vmem_shared>>
        tpu.enqueue_indirect_dma source(%arg10 : memref<80x128xf32, #tpu.memory_space<vmem>>) target(%dma_start3A_109 : memref<10240x128xf32, #tpu.memory_space<vmem_shared>>) offsets(%dma_start3A_106 : memref<80xi32, #tpu.memory_space<vmem>>) semaphore(%run_scoped3A_103 : memref<!tpu.dma_semaphore, #tpu.memory_space<semaphore_mem>>) {add = true}
        %dma_wait3A_110 = arith.constant 0 : i32
        %dma_wait3A_111 = tpu.memref_slice %arg8[%run_scoped3A, %dma_wait3A_110] : memref<1x80xi32, #tpu.memory_space<vmem>> -> memref<1x80xi32, #tpu.memory_space<vmem>>
        %dma_wait3A_112 = tpu.memref_squeeze %dma_wait3A_111 : memref<1x80xi32, #tpu.memory_space<vmem>> -> memref<80xi32, #tpu.memory_space<vmem>>
        %dma_wait3A_113 = arith.constant 0 : i32
        %dma_wait3A_114 = arith.constant 0 : i32
        %dma_wait3A_115 = tpu.memref_slice %arg12[%dma_wait3A_113, %dma_wait3A_114] : memref<10240x128xf32, #tpu.memory_space<vmem_shared>> -> memref<10240x128xf32, #tpu.memory_space<vmem_shared>>
        tpu.wait_indirect_dma semaphore(%run_scoped3A_103 : memref<!tpu.dma_semaphore, #tpu.memory_space<semaphore_mem>>) src(%arg10 : memref<80x128xf32, #tpu.memory_space<vmem>>) dst(%dma_wait3A_115 : memref<10240x128xf32, #tpu.memory_space<vmem_shared>>)
        tpu.yield
      }) : () -> ()
      %add3A_89 = arith.constant 2 : i32
      %add3A_90 = arith.addi %mul3A_64, %add3A_89 : i32
      %lt3A_91 = arith.constant 125 : i32
      %lt3A_92 = arith.cmpi slt, %add3A_90, %lt3A_91 : i32
      %convert_element_type3A_93 = arith.extui %lt3A_92 : i1 to i32
      %cond3A_94 = arith.constant 0 : i32
      %cond3A_95 = arith.cmpi ne, %convert_element_type3A_93, %cond3A_94 : i32
      scf.if %cond3A_95 {
        %add3A_103 = arith.constant 2 : i32
        %add3A_104 = arith.addi %mul3A_64, %add3A_103 : i32
        %mul3A_105 = arith.constant 10000 : i32
        %mul3A_106 = arith.muli %add3A, %mul3A_105 : i32
        %mul3A_107 = arith.constant 80 : i32
        %mul3A_108 = arith.muli %add3A_104, %mul3A_107 : i32
        %add3A_109 = arith.addi %mul3A_106, %mul3A_108 : i32
        %dma_start3A_110 = arith.constant 0 : i32
        %dma_start3A_111 = arith.constant 0 : i32
        %dma_start3A_112 = tpu.memref_slice %arg5[%add3A, %dma_start3A_110, %dma_start3A_111] : memref<32x125x80xi32, #tpu.memory_space<hbm>> -> memref<1x125x80xi32, #tpu.memory_space<hbm>>
        %dma_start3A_113 = tpu.memref_squeeze %dma_start3A_112 : memref<1x125x80xi32, #tpu.memory_space<hbm>> -> memref<125x80xi32, #tpu.memory_space<hbm>>
        %dma_start3A_114 = arith.constant 0 : i32
        %dma_start3A_115 = tpu.memref_slice %dma_start3A_113[%add3A_104, %dma_start3A_114] : memref<125x80xi32, #tpu.memory_space<hbm>> -> memref<1x80xi32, #tpu.memory_space<hbm>>
        %dma_start3A_116 = arith.constant 0 : i32
        %dma_start3A_117 = arith.constant 0 : i32
        %dma_start3A_118 = tpu.memref_slice %arg5[%add3A, %dma_start3A_116, %dma_start3A_117] : memref<32x125x80xi32, #tpu.memory_space<hbm>> -> memref<1x125x80xi32, #tpu.memory_space<hbm>>
        %dma_start3A_119 = tpu.memref_squeeze %dma_start3A_118 : memref<1x125x80xi32, #tpu.memory_space<hbm>> -> memref<125x80xi32, #tpu.memory_space<hbm>>
        %dma_start3A_120 = arith.constant 0 : i32
        %dma_start3A_121 = tpu.memref_slice %dma_start3A_119[%add3A_104, %dma_start3A_120] : memref<125x80xi32, #tpu.memory_space<hbm>> -> memref<1x80xi32, #tpu.memory_space<hbm>>
        tpu.enqueue_dma source(%dma_start3A_121 : memref<1x80xi32, #tpu.memory_space<hbm>>) target(%arg8 : memref<1x80xi32, #tpu.memory_space<vmem>>) target_semaphore(%arg13 : memref<!tpu.dma_semaphore, #tpu.memory_space<semaphore_mem>>)
        %dma_start3A_122 = arith.constant 0 : i32
        %dma_start3A_123 = tpu.memref_slice %arg3[%add3A_109, %dma_start3A_122] : memref<320000x128xf32, #tpu.memory_space<hbm>> -> memref<80x128xf32, #tpu.memory_space<hbm>>
        %dma_start3A_124 = arith.constant 0 : i32
        %dma_start3A_125 = tpu.memref_slice %arg3[%add3A_109, %dma_start3A_124] : memref<320000x128xf32, #tpu.memory_space<hbm>> -> memref<80x128xf32, #tpu.memory_space<hbm>>
        tpu.enqueue_dma source(%dma_start3A_125 : memref<80x128xf32, #tpu.memory_space<hbm>>) target(%arg10 : memref<80x128xf32, #tpu.memory_space<vmem>>) target_semaphore(%arg13 : memref<!tpu.dma_semaphore, #tpu.memory_space<semaphore_mem>>)
      } else {
      }
      %add3A_96 = arith.constant 1 : i32
      %add3A_97 = arith.addi %mul3A_64, %add3A_96 : i32
      %lt3A_98 = arith.constant 125 : i32
      %lt3A_99 = arith.cmpi slt, %add3A_97, %lt3A_98 : i32
      %convert_element_type3A_100 = arith.extui %lt3A_99 : i1 to i32
      %cond3A_101 = arith.constant 0 : i32
      %cond3A_102 = arith.cmpi ne, %convert_element_type3A_100, %cond3A_101 : i32
      scf.if %cond3A_102 {
        %add3A_103 = arith.constant 1 : i32
        %add3A_104 = arith.addi %mul3A_64, %add3A_103 : i32
        %mul3A_105 = arith.constant 10000 : i32
        %mul3A_106 = arith.muli %add3A, %mul3A_105 : i32
        %mul3A_107 = arith.constant 80 : i32
        %mul3A_108 = arith.muli %add3A_104, %mul3A_107 : i32
        %add3A_109 = arith.addi %mul3A_106, %mul3A_108 : i32
        %dma_wait3A_110 = arith.constant 0 : i32
        %dma_wait3A_111 = arith.constant 0 : i32
        %dma_wait3A_112 = tpu.memref_slice %arg5[%add3A, %dma_wait3A_110, %dma_wait3A_111] : memref<32x125x80xi32, #tpu.memory_space<hbm>> -> memref<1x125x80xi32, #tpu.memory_space<hbm>>
        %dma_wait3A_113 = tpu.memref_squeeze %dma_wait3A_112 : memref<1x125x80xi32, #tpu.memory_space<hbm>> -> memref<125x80xi32, #tpu.memory_space<hbm>>
        %dma_wait3A_114 = arith.constant 0 : i32
        %dma_wait3A_115 = tpu.memref_slice %dma_wait3A_113[%add3A_104, %dma_wait3A_114] : memref<125x80xi32, #tpu.memory_space<hbm>> -> memref<1x80xi32, #tpu.memory_space<hbm>>
        %dma_wait3A_116 = arith.constant 0 : i32
        %dma_wait3A_117 = arith.constant 0 : i32
        %dma_wait3A_118 = tpu.memref_slice %arg5[%add3A, %dma_wait3A_116, %dma_wait3A_117] : memref<32x125x80xi32, #tpu.memory_space<hbm>> -> memref<1x125x80xi32, #tpu.memory_space<hbm>>
        %dma_wait3A_119 = tpu.memref_squeeze %dma_wait3A_118 : memref<1x125x80xi32, #tpu.memory_space<hbm>> -> memref<125x80xi32, #tpu.memory_space<hbm>>
        %dma_wait3A_120 = arith.constant 0 : i32
        %dma_wait3A_121 = tpu.memref_slice %dma_wait3A_119[%add3A_104, %dma_wait3A_120] : memref<125x80xi32, #tpu.memory_space<hbm>> -> memref<1x80xi32, #tpu.memory_space<hbm>>
        tpu.wait_dma2 semaphore(%arg14 : memref<!tpu.dma_semaphore, #tpu.memory_space<semaphore_mem>>) src(%dma_wait3A_121 : memref<1x80xi32, #tpu.memory_space<hbm>>) dst(%arg9 : memref<1x80xi32, #tpu.memory_space<vmem>>)
        %dma_wait3A_122 = arith.constant 0 : i32
        %dma_wait3A_123 = tpu.memref_slice %arg3[%add3A_109, %dma_wait3A_122] : memref<320000x128xf32, #tpu.memory_space<hbm>> -> memref<80x128xf32, #tpu.memory_space<hbm>>
        %dma_wait3A_124 = arith.constant 0 : i32
        %dma_wait3A_125 = tpu.memref_slice %arg3[%add3A_109, %dma_wait3A_124] : memref<320000x128xf32, #tpu.memory_space<hbm>> -> memref<80x128xf32, #tpu.memory_space<hbm>>
        tpu.wait_dma2 semaphore(%arg14 : memref<!tpu.dma_semaphore, #tpu.memory_space<semaphore_mem>>) src(%dma_wait3A_125 : memref<80x128xf32, #tpu.memory_space<hbm>>) dst(%arg11 : memref<80x128xf32, #tpu.memory_space<vmem>>)
        %run_scoped3A_126 = arith.constant 0 : i32
        "tpu.region"() ({
          %run_scoped3A_127 = tpu.sem_alloc : memref<!tpu.dma_semaphore, #tpu.memory_space<semaphore_mem>>
          %dma_start3A_128 = arith.constant 0 : i32
          %dma_start3A_129 = tpu.memref_slice %arg9[%run_scoped3A_126, %dma_start3A_128] : memref<1x80xi32, #tpu.memory_space<vmem>> -> memref<1x80xi32, #tpu.memory_space<vmem>>
          %dma_start3A_130 = tpu.memref_squeeze %dma_start3A_129 : memref<1x80xi32, #tpu.memory_space<vmem>> -> memref<80xi32, #tpu.memory_space<vmem>>
          %dma_start3A_131 = arith.constant 0 : i32
          %dma_start3A_132 = arith.constant 0 : i32
          %dma_start3A_133 = tpu.memref_slice %arg12[%dma_start3A_131, %dma_start3A_132] : memref<10240x128xf32, #tpu.memory_space<vmem_shared>> -> memref<10240x128xf32, #tpu.memory_space<vmem_shared>>
          tpu.enqueue_indirect_dma source(%arg11 : memref<80x128xf32, #tpu.memory_space<vmem>>) target(%dma_start3A_133 : memref<10240x128xf32, #tpu.memory_space<vmem_shared>>) offsets(%dma_start3A_130 : memref<80xi32, #tpu.memory_space<vmem>>) semaphore(%run_scoped3A_127 : memref<!tpu.dma_semaphore, #tpu.memory_space<semaphore_mem>>) {add = true}
          %dma_wait3A_134 = arith.constant 0 : i32
          %dma_wait3A_135 = tpu.memref_slice %arg9[%run_scoped3A_126, %dma_wait3A_134] : memref<1x80xi32, #tpu.memory_space<vmem>> -> memref<1x80xi32, #tpu.memory_space<vmem>>
          %dma_wait3A_136 = tpu.memref_squeeze %dma_wait3A_135 : memref<1x80xi32, #tpu.memory_space<vmem>> -> memref<80xi32, #tpu.memory_space<vmem>>
          %dma_wait3A_137 = arith.constant 0 : i32
          %dma_wait3A_138 = arith.constant 0 : i32
          %dma_wait3A_139 = tpu.memref_slice %arg12[%dma_wait3A_137, %dma_wait3A_138] : memref<10240x128xf32, #tpu.memory_space<vmem_shared>> -> memref<10240x128xf32, #tpu.memory_space<vmem_shared>>
          tpu.wait_indirect_dma semaphore(%run_scoped3A_127 : memref<!tpu.dma_semaphore, #tpu.memory_space<semaphore_mem>>) src(%arg11 : memref<80x128xf32, #tpu.memory_space<vmem>>) dst(%dma_wait3A_139 : memref<10240x128xf32, #tpu.memory_space<vmem_shared>>)
          tpu.yield
        }) : () -> ()
      } else {
      }
    }
    %scan3A_56 = arith.constant 63 : i32
    %barrier3A_57 = arith.constant 0 : index
    tpu.barrier barrier_id(%barrier3A_57)
    %mul3A_58 = arith.constant 640 : i32
    %mul3A_59 = arith.muli %arg1, %mul3A_58 : i32
    %mul3A_60 = arith.constant 640 : i32
    %mul3A_61 = arith.muli %arg1, %mul3A_60 : i32
    "tpu.region"() ({
      %run_scoped3A = tpu.sem_alloc : memref<!tpu.dma_semaphore, #tpu.memory_space<semaphore_mem>>
      %dma_start3A_62 = arith.constant 0 : i32
      %dma_start3A_63 = arith.constant 0 : i32
      %dma_start3A_64 = tpu.memref_slice %arg7[%arg0, %dma_start3A_62, %dma_start3A_63] : memref<2x10240x128xf32, #tpu.memory_space<hbm>> -> memref<1x10240x128xf32, #tpu.memory_space<hbm>>
      %dma_start3A_65 = tpu.memref_squeeze %dma_start3A_64 : memref<1x10240x128xf32, #tpu.memory_space<hbm>> -> memref<10240x128xf32, #tpu.memory_space<hbm>>
      %dma_start3A_66 = arith.constant 0 : i32
      %dma_start3A_67 = tpu.memref_slice %dma_start3A_65[%mul3A_61, %dma_start3A_66] : memref<10240x128xf32, #tpu.memory_space<hbm>> -> memref<640x128xf32, #tpu.memory_space<hbm>>
      %dma_start3A_68 = arith.constant 0 : i32
      %dma_start3A_69 = tpu.memref_slice %arg12[%mul3A_59, %dma_start3A_68] : memref<10240x128xf32, #tpu.memory_space<vmem_shared>> -> memref<640x128xf32, #tpu.memory_space<vmem_shared>>
      tpu.enqueue_dma source(%dma_start3A_69 : memref<640x128xf32, #tpu.memory_space<vmem_shared>>) target(%dma_start3A_67 : memref<640x128xf32, #tpu.memory_space<hbm>>) target_semaphore(%run_scoped3A : memref<!tpu.dma_semaphore, #tpu.memory_space<semaphore_mem>>)
      %dma_wait3A = arith.constant 0 : i32
      %dma_wait3A_70 = arith.constant 0 : i32
      %dma_wait3A_71 = tpu.memref_slice %arg7[%arg0, %dma_wait3A, %dma_wait3A_70] : memref<2x10240x128xf32, #tpu.memory_space<hbm>> -> memref<1x10240x128xf32, #tpu.memory_space<hbm>>
      %dma_wait3A_72 = tpu.memref_squeeze %dma_wait3A_71 : memref<1x10240x128xf32, #tpu.memory_space<hbm>> -> memref<10240x128xf32, #tpu.memory_space<hbm>>
      %dma_wait3A_73 = arith.constant 0 : i32
      %dma_wait3A_74 = tpu.memref_slice %dma_wait3A_72[%mul3A_61, %dma_wait3A_73] : memref<10240x128xf32, #tpu.memory_space<hbm>> -> memref<640x128xf32, #tpu.memory_space<hbm>>
      %dma_wait3A_75 = arith.constant 0 : i32
      %dma_wait3A_76 = tpu.memref_slice %arg12[%mul3A_59, %dma_wait3A_75] : memref<10240x128xf32, #tpu.memory_space<vmem_shared>> -> memref<640x128xf32, #tpu.memory_space<vmem_shared>>
      tpu.wait_dma2 semaphore(%run_scoped3A : memref<!tpu.dma_semaphore, #tpu.memory_space<semaphore_mem>>) src(%dma_wait3A_76 : memref<640x128xf32, #tpu.memory_space<vmem_shared>>) dst(%dma_wait3A_74 : memref<640x128xf32, #tpu.memory_space<hbm>>)
      tpu.yield
    }) : () -> ()
    return
  }
}

#map = affine_map<(d0, d1) -> (0, 0)>
#map1 = affine_map<(d0, d1) -> (0, 0, 0)>
module attributes {stable_mosaic.version = 14 : i64} {
  func.func @_sc_gather_body(%arg0: i32, %arg1: i32, %arg2: memref<10000x64xf32, #tpu.memory_space<hbm>>, %arg3: memref<32x250x80xi32, #tpu.memory_space<hbm>>, %arg4: memref<32x250x80xi32, #tpu.memory_space<hbm>>, %arg5: memref<320000x128xf32, #tpu.memory_space<hbm>>, %arg6: memref<320000x128xf32, #tpu.memory_space<hbm>>, %arg7: memref<250x80xi32, #tpu.memory_space<vmem>>, %arg8: memref<250x80xi32, #tpu.memory_space<vmem>>, %arg9: memref<80x64xf32, #tpu.memory_space<vmem>>, %arg10: memref<80x64xf32, #tpu.memory_space<vmem>>, %arg11: memref<80x64xf32, #tpu.memory_space<vmem>>, %arg12: memref<80x64xf32, #tpu.memory_space<vmem>>, %arg13: memref<!tpu.dma_semaphore, #tpu.memory_space<semaphore_mem>>, %arg14: memref<!tpu.dma_semaphore, #tpu.memory_space<semaphore_mem>>) attributes {dimension_semantics = [#tpu.dimension_semantics<core_parallel>, #tpu.dimension_semantics<subcore_parallel>], iteration_bounds = array<i64: 2, 16>, scalar_prefetch = 0 : i64, scratch_operands = 8 : i64, tpu.core_type = #tpu.core_type<sc_vector_subcore>, window_params = [{transform_indices = #map}, {transform_indices = #map1}, {transform_indices = #map1}, {transform_indices = #map}, {transform_indices = #map}]} {
    %mul3A = arith.constant 2 : i32
    %mul3A_0 = arith.muli %arg1, %mul3A : i32
    %add3A = arith.addi %mul3A_0, %arg0 : i32
    %jit3A = arith.constant 16 : i32
    %div3A = arith.divsi %add3A, %jit3A : i32
    %sign3A = arith.constant 0 : i32
    %sign3A_1 = arith.cmpi sgt, %add3A, %sign3A : i32
    %sign3A_2 = arith.extui %sign3A_1 : i1 to i32
    %sign3A_3 = arith.constant 0 : i32
    %sign3A_4 = arith.cmpi slt, %add3A, %sign3A_3 : i32
    %sign3A_5 = arith.extui %sign3A_4 : i1 to i32
    %sign3A_6 = arith.subi %sign3A_2, %sign3A_5 : i32
    %sign3A_7 = arith.constant 0 : i32
    %sign3A_8 = arith.cmpi sgt, %jit3A, %sign3A_7 : i32
    %sign3A_9 = arith.extui %sign3A_8 : i1 to i32
    %sign3A_10 = arith.constant 0 : i32
    %sign3A_11 = arith.cmpi slt, %jit3A, %sign3A_10 : i32
    %sign3A_12 = arith.extui %sign3A_11 : i1 to i32
    %sign3A_13 = arith.subi %sign3A_9, %sign3A_12 : i32
    %ne3A = arith.cmpi ne, %sign3A_6, %sign3A_13 : i32
    %rem3A = arith.remsi %add3A, %jit3A : i32
    %ne3A_14 = arith.constant 0 : i32
    %ne3A_15 = arith.cmpi ne, %rem3A, %ne3A_14 : i32
    %and3A = arith.andi %ne3A, %ne3A_15 : i1
    %sub3A = arith.constant 1 : i32
    %sub3A_16 = arith.subi %div3A, %sub3A : i32
    %select_n3A = arith.select %and3A, %sub3A_16, %div3A : i32
    %jit3A_17 = arith.constant 16 : i32
    %eq3A = arith.constant 0 : i32
    %eq3A_18 = arith.cmpi eq, %jit3A_17, %eq3A : i32
    %jit3A_19 = arith.constant 1 : i32
    %select_n3A_20 = arith.select %eq3A_18, %jit3A_19, %jit3A_17 : i32
    %rem3A_21 = arith.remsi %add3A, %select_n3A_20 : i32
    %ne3A_22 = arith.constant 0 : i32
    %ne3A_23 = arith.cmpi ne, %rem3A_21, %ne3A_22 : i32
    %lt3A = arith.constant 0 : i32
    %lt3A_24 = arith.cmpi slt, %rem3A_21, %lt3A : i32
    %lt3A_25 = arith.constant 0 : i32
    %lt3A_26 = arith.cmpi slt, %select_n3A_20, %lt3A_25 : i32
    %ne3A_27 = arith.xori %lt3A_24, %lt3A_26 : i1
    %and3A_28 = arith.andi %ne3A_27, %ne3A_23 : i1
    %add3A_29 = arith.addi %rem3A_21, %select_n3A_20 : i32
    %select_n3A_30 = arith.select %and3A_28, %add3A_29, %rem3A_21 : i32
    %mul3A_31 = arith.constant 64 : i32
    %mul3A_32 = arith.muli %select_n3A, %mul3A_31 : i32
    "tpu.region"() ({
      %run_scoped3A = tpu.sem_alloc : memref<!tpu.dma_semaphore, #tpu.memory_space<semaphore_mem>>
      %dma_start3A_51 = arith.constant 0 : i32
      %dma_start3A_52 = arith.constant 0 : i32
      %dma_start3A_53 = tpu.memref_slice %arg3[%add3A, %dma_start3A_51, %dma_start3A_52] : memref<32x250x80xi32, #tpu.memory_space<hbm>> -> memref<1x250x80xi32, #tpu.memory_space<hbm>>
      %dma_start3A_54 = tpu.memref_squeeze %dma_start3A_53 : memref<1x250x80xi32, #tpu.memory_space<hbm>> -> memref<250x80xi32, #tpu.memory_space<hbm>>
      %dma_start3A_55 = arith.constant 0 : i32
      %dma_start3A_56 = arith.constant 0 : i32
      %dma_start3A_57 = tpu.memref_slice %arg3[%add3A, %dma_start3A_55, %dma_start3A_56] : memref<32x250x80xi32, #tpu.memory_space<hbm>> -> memref<1x250x80xi32, #tpu.memory_space<hbm>>
      %dma_start3A_58 = tpu.memref_squeeze %dma_start3A_57 : memref<1x250x80xi32, #tpu.memory_space<hbm>> -> memref<250x80xi32, #tpu.memory_space<hbm>>
      tpu.enqueue_dma source(%dma_start3A_58 : memref<250x80xi32, #tpu.memory_space<hbm>>) target(%arg7 : memref<250x80xi32, #tpu.memory_space<vmem>>) target_semaphore(%run_scoped3A : memref<!tpu.dma_semaphore, #tpu.memory_space<semaphore_mem>>)
      %dma_wait3A = arith.constant 0 : i32
      %dma_wait3A_59 = arith.constant 0 : i32
      %dma_wait3A_60 = tpu.memref_slice %arg3[%add3A, %dma_wait3A, %dma_wait3A_59] : memref<32x250x80xi32, #tpu.memory_space<hbm>> -> memref<1x250x80xi32, #tpu.memory_space<hbm>>
      %dma_wait3A_61 = tpu.memref_squeeze %dma_wait3A_60 : memref<1x250x80xi32, #tpu.memory_space<hbm>> -> memref<250x80xi32, #tpu.memory_space<hbm>>
      %dma_wait3A_62 = arith.constant 0 : i32
      %dma_wait3A_63 = arith.constant 0 : i32
      %dma_wait3A_64 = tpu.memref_slice %arg3[%add3A, %dma_wait3A_62, %dma_wait3A_63] : memref<32x250x80xi32, #tpu.memory_space<hbm>> -> memref<1x250x80xi32, #tpu.memory_space<hbm>>
      %dma_wait3A_65 = tpu.memref_squeeze %dma_wait3A_64 : memref<1x250x80xi32, #tpu.memory_space<hbm>> -> memref<250x80xi32, #tpu.memory_space<hbm>>
      tpu.wait_dma2 semaphore(%run_scoped3A : memref<!tpu.dma_semaphore, #tpu.memory_space<semaphore_mem>>) src(%dma_wait3A_65 : memref<250x80xi32, #tpu.memory_space<hbm>>) dst(%arg7 : memref<250x80xi32, #tpu.memory_space<vmem>>)
      tpu.yield
    }) : () -> ()
    "tpu.region"() ({
      %run_scoped3A = tpu.sem_alloc : memref<!tpu.dma_semaphore, #tpu.memory_space<semaphore_mem>>
      %dma_start3A_51 = arith.constant 0 : i32
      %dma_start3A_52 = arith.constant 0 : i32
      %dma_start3A_53 = tpu.memref_slice %arg4[%add3A, %dma_start3A_51, %dma_start3A_52] : memref<32x250x80xi32, #tpu.memory_space<hbm>> -> memref<1x250x80xi32, #tpu.memory_space<hbm>>
      %dma_start3A_54 = tpu.memref_squeeze %dma_start3A_53 : memref<1x250x80xi32, #tpu.memory_space<hbm>> -> memref<250x80xi32, #tpu.memory_space<hbm>>
      %dma_start3A_55 = arith.constant 0 : i32
      %dma_start3A_56 = arith.constant 0 : i32
      %dma_start3A_57 = tpu.memref_slice %arg4[%add3A, %dma_start3A_55, %dma_start3A_56] : memref<32x250x80xi32, #tpu.memory_space<hbm>> -> memref<1x250x80xi32, #tpu.memory_space<hbm>>
      %dma_start3A_58 = tpu.memref_squeeze %dma_start3A_57 : memref<1x250x80xi32, #tpu.memory_space<hbm>> -> memref<250x80xi32, #tpu.memory_space<hbm>>
      tpu.enqueue_dma source(%dma_start3A_58 : memref<250x80xi32, #tpu.memory_space<hbm>>) target(%arg8 : memref<250x80xi32, #tpu.memory_space<vmem>>) target_semaphore(%run_scoped3A : memref<!tpu.dma_semaphore, #tpu.memory_space<semaphore_mem>>)
      %dma_wait3A = arith.constant 0 : i32
      %dma_wait3A_59 = arith.constant 0 : i32
      %dma_wait3A_60 = tpu.memref_slice %arg4[%add3A, %dma_wait3A, %dma_wait3A_59] : memref<32x250x80xi32, #tpu.memory_space<hbm>> -> memref<1x250x80xi32, #tpu.memory_space<hbm>>
      %dma_wait3A_61 = tpu.memref_squeeze %dma_wait3A_60 : memref<1x250x80xi32, #tpu.memory_space<hbm>> -> memref<250x80xi32, #tpu.memory_space<hbm>>
      %dma_wait3A_62 = arith.constant 0 : i32
      %dma_wait3A_63 = arith.constant 0 : i32
      %dma_wait3A_64 = tpu.memref_slice %arg4[%add3A, %dma_wait3A_62, %dma_wait3A_63] : memref<32x250x80xi32, #tpu.memory_space<hbm>> -> memref<1x250x80xi32, #tpu.memory_space<hbm>>
      %dma_wait3A_65 = tpu.memref_squeeze %dma_wait3A_64 : memref<1x250x80xi32, #tpu.memory_space<hbm>> -> memref<250x80xi32, #tpu.memory_space<hbm>>
      tpu.wait_dma2 semaphore(%run_scoped3A : memref<!tpu.dma_semaphore, #tpu.memory_space<semaphore_mem>>) src(%dma_wait3A_65 : memref<250x80xi32, #tpu.memory_space<hbm>>) dst(%arg8 : memref<250x80xi32, #tpu.memory_space<vmem>>)
      tpu.yield
    }) : () -> ()
    %dma_start3A = arith.constant 0 : i32
    %dma_start3A_33 = arith.constant 0 : i32
    %dma_start3A_34 = tpu.memref_slice %arg7[%dma_start3A, %dma_start3A_33] : memref<250x80xi32, #tpu.memory_space<vmem>> -> memref<1x80xi32, #tpu.memory_space<vmem>>
    %dma_start3A_35 = tpu.memref_squeeze %dma_start3A_34 : memref<1x80xi32, #tpu.memory_space<vmem>> -> memref<80xi32, #tpu.memory_space<vmem>>
    %dma_start3A_36 = arith.constant 0 : i32
    %dma_start3A_37 = arith.constant 0 : i32
    %dma_start3A_38 = tpu.memref_slice %arg2[%dma_start3A_36, %dma_start3A_37] : memref<10000x64xf32, #tpu.memory_space<hbm>> -> memref<10000x64xf32, #tpu.memory_space<hbm>>
    tpu.enqueue_indirect_dma source(%dma_start3A_38 : memref<10000x64xf32, #tpu.memory_space<hbm>>) target(%arg9 : memref<80x64xf32, #tpu.memory_space<vmem>>) offsets(%dma_start3A_35 : memref<80xi32, #tpu.memory_space<vmem>>) semaphore(%arg13 : memref<!tpu.dma_semaphore, #tpu.memory_space<semaphore_mem>>)
    %dma_start3A_39 = arith.constant 0 : i32
    %dma_start3A_40 = arith.constant 0 : i32
    %dma_start3A_41 = tpu.memref_slice %arg8[%dma_start3A_39, %dma_start3A_40] : memref<250x80xi32, #tpu.memory_space<vmem>> -> memref<1x80xi32, #tpu.memory_space<vmem>>
    %dma_start3A_42 = tpu.memref_squeeze %dma_start3A_41 : memref<1x80xi32, #tpu.memory_space<vmem>> -> memref<80xi32, #tpu.memory_space<vmem>>
    %dma_start3A_43 = arith.constant 0 : i32
    %dma_start3A_44 = arith.constant 0 : i32
    %dma_start3A_45 = tpu.memref_slice %arg2[%dma_start3A_43, %dma_start3A_44] : memref<10000x64xf32, #tpu.memory_space<hbm>> -> memref<10000x64xf32, #tpu.memory_space<hbm>>
    tpu.enqueue_indirect_dma source(%dma_start3A_45 : memref<10000x64xf32, #tpu.memory_space<hbm>>) target(%arg10 : memref<80x64xf32, #tpu.memory_space<vmem>>) offsets(%dma_start3A_42 : memref<80xi32, #tpu.memory_space<vmem>>) semaphore(%arg13 : memref<!tpu.dma_semaphore, #tpu.memory_space<semaphore_mem>>)
    %scan3A = arith.constant 0 : i32
    %scan3A_46 = arith.constant 0 : i32
    %scan3A_47 = arith.constant 125 : i32
    %scan3A_48 = arith.addi %scan3A_46, %scan3A_47 : i32
    %scan3A_49 = arith.constant 1 : i32
    scf.for %scan3A_51 = %scan3A_46 to %scan3A_48 step %scan3A_49  : i32 {
      %mul3A_52 = arith.constant 2 : i32
      %mul3A_53 = arith.muli %mul3A_52, %scan3A_51 : i32
      %add3A_54 = arith.constant 1 : i32
      %add3A_55 = arith.addi %mul3A_53, %add3A_54 : i32
      %dma_start3A_56 = arith.constant 0 : i32
      %dma_start3A_57 = tpu.memref_slice %arg7[%add3A_55, %dma_start3A_56] : memref<250x80xi32, #tpu.memory_space<vmem>> -> memref<1x80xi32, #tpu.memory_space<vmem>>
      %dma_start3A_58 = tpu.memref_squeeze %dma_start3A_57 : memref<1x80xi32, #tpu.memory_space<vmem>> -> memref<80xi32, #tpu.memory_space<vmem>>
      %dma_start3A_59 = arith.constant 0 : i32
      %dma_start3A_60 = arith.constant 0 : i32
      %dma_start3A_61 = tpu.memref_slice %arg2[%dma_start3A_59, %dma_start3A_60] : memref<10000x64xf32, #tpu.memory_space<hbm>> -> memref<10000x64xf32, #tpu.memory_space<hbm>>
      tpu.enqueue_indirect_dma source(%dma_start3A_61 : memref<10000x64xf32, #tpu.memory_space<hbm>>) target(%arg11 : memref<80x64xf32, #tpu.memory_space<vmem>>) offsets(%dma_start3A_58 : memref<80xi32, #tpu.memory_space<vmem>>) semaphore(%arg14 : memref<!tpu.dma_semaphore, #tpu.memory_space<semaphore_mem>>)
      %dma_start3A_62 = arith.constant 0 : i32
      %dma_start3A_63 = tpu.memref_slice %arg8[%add3A_55, %dma_start3A_62] : memref<250x80xi32, #tpu.memory_space<vmem>> -> memref<1x80xi32, #tpu.memory_space<vmem>>
      %dma_start3A_64 = tpu.memref_squeeze %dma_start3A_63 : memref<1x80xi32, #tpu.memory_space<vmem>> -> memref<80xi32, #tpu.memory_space<vmem>>
      %dma_start3A_65 = arith.constant 0 : i32
      %dma_start3A_66 = arith.constant 0 : i32
      %dma_start3A_67 = tpu.memref_slice %arg2[%dma_start3A_65, %dma_start3A_66] : memref<10000x64xf32, #tpu.memory_space<hbm>> -> memref<10000x64xf32, #tpu.memory_space<hbm>>
      tpu.enqueue_indirect_dma source(%dma_start3A_67 : memref<10000x64xf32, #tpu.memory_space<hbm>>) target(%arg12 : memref<80x64xf32, #tpu.memory_space<vmem>>) offsets(%dma_start3A_64 : memref<80xi32, #tpu.memory_space<vmem>>) semaphore(%arg14 : memref<!tpu.dma_semaphore, #tpu.memory_space<semaphore_mem>>)
      %dma_wait3A = arith.constant 0 : i32
      %dma_wait3A_68 = tpu.memref_slice %arg7[%mul3A_53, %dma_wait3A] : memref<250x80xi32, #tpu.memory_space<vmem>> -> memref<1x80xi32, #tpu.memory_space<vmem>>
      %dma_wait3A_69 = tpu.memref_squeeze %dma_wait3A_68 : memref<1x80xi32, #tpu.memory_space<vmem>> -> memref<80xi32, #tpu.memory_space<vmem>>
      %dma_wait3A_70 = arith.constant 0 : i32
      %dma_wait3A_71 = arith.constant 0 : i32
      %dma_wait3A_72 = tpu.memref_slice %arg2[%dma_wait3A_70, %dma_wait3A_71] : memref<10000x64xf32, #tpu.memory_space<hbm>> -> memref<10000x64xf32, #tpu.memory_space<hbm>>
      tpu.wait_indirect_dma semaphore(%arg13 : memref<!tpu.dma_semaphore, #tpu.memory_space<semaphore_mem>>) src(%dma_wait3A_72 : memref<10000x64xf32, #tpu.memory_space<hbm>>) dst(%arg9 : memref<80x64xf32, #tpu.memory_space<vmem>>)
      %dma_wait3A_73 = arith.constant 0 : i32
      %dma_wait3A_74 = tpu.memref_slice %arg8[%mul3A_53, %dma_wait3A_73] : memref<250x80xi32, #tpu.memory_space<vmem>> -> memref<1x80xi32, #tpu.memory_space<vmem>>
      %dma_wait3A_75 = tpu.memref_squeeze %dma_wait3A_74 : memref<1x80xi32, #tpu.memory_space<vmem>> -> memref<80xi32, #tpu.memory_space<vmem>>
      %dma_wait3A_76 = arith.constant 0 : i32
      %dma_wait3A_77 = arith.constant 0 : i32
      %dma_wait3A_78 = tpu.memref_slice %arg2[%dma_wait3A_76, %dma_wait3A_77] : memref<10000x64xf32, #tpu.memory_space<hbm>> -> memref<10000x64xf32, #tpu.memory_space<hbm>>
      tpu.wait_indirect_dma semaphore(%arg13 : memref<!tpu.dma_semaphore, #tpu.memory_space<semaphore_mem>>) src(%dma_wait3A_78 : memref<10000x64xf32, #tpu.memory_space<hbm>>) dst(%arg10 : memref<80x64xf32, #tpu.memory_space<vmem>>)
      %mul3A_79 = arith.constant 20000 : i32
      %mul3A_80 = arith.muli %select_n3A_30, %mul3A_79 : i32
      %mul3A_81 = arith.constant 80 : i32
      %mul3A_82 = arith.muli %mul3A_53, %mul3A_81 : i32
      %add3A_83 = arith.addi %mul3A_80, %mul3A_82 : i32
      "tpu.region"() ({
        %run_scoped3A = tpu.sem_alloc : memref<!tpu.dma_semaphore, #tpu.memory_space<semaphore_mem>>
        %dma_start3A_106 = tpu.memref_slice %arg5[%add3A_83, %mul3A_32] : memref<320000x128xf32, #tpu.memory_space<hbm>> -> memref<80x64xf32, #tpu.memory_space<hbm>>
        %dma_start3A_107 = tpu.memref_slice %arg5[%add3A_83, %mul3A_32] : memref<320000x128xf32, #tpu.memory_space<hbm>> -> memref<80x64xf32, #tpu.memory_space<hbm>>
        tpu.enqueue_dma source(%arg9 : memref<80x64xf32, #tpu.memory_space<vmem>>) target(%dma_start3A_107 : memref<80x64xf32, #tpu.memory_space<hbm>>) target_semaphore(%run_scoped3A : memref<!tpu.dma_semaphore, #tpu.memory_space<semaphore_mem>>)
        %dma_wait3A_108 = tpu.memref_slice %arg5[%add3A_83, %mul3A_32] : memref<320000x128xf32, #tpu.memory_space<hbm>> -> memref<80x64xf32, #tpu.memory_space<hbm>>
        %dma_wait3A_109 = tpu.memref_slice %arg5[%add3A_83, %mul3A_32] : memref<320000x128xf32, #tpu.memory_space<hbm>> -> memref<80x64xf32, #tpu.memory_space<hbm>>
        tpu.wait_dma2 semaphore(%run_scoped3A : memref<!tpu.dma_semaphore, #tpu.memory_space<semaphore_mem>>) src(%arg9 : memref<80x64xf32, #tpu.memory_space<vmem>>) dst(%dma_wait3A_109 : memref<80x64xf32, #tpu.memory_space<hbm>>)
        tpu.yield
      }) : () -> ()
      "tpu.region"() ({
        %run_scoped3A = tpu.sem_alloc : memref<!tpu.dma_semaphore, #tpu.memory_space<semaphore_mem>>
        %dma_start3A_106 = tpu.memref_slice %arg6[%add3A_83, %mul3A_32] : memref<320000x128xf32, #tpu.memory_space<hbm>> -> memref<80x64xf32, #tpu.memory_space<hbm>>
        %dma_start3A_107 = tpu.memref_slice %arg6[%add3A_83, %mul3A_32] : memref<320000x128xf32, #tpu.memory_space<hbm>> -> memref<80x64xf32, #tpu.memory_space<hbm>>
        tpu.enqueue_dma source(%arg10 : memref<80x64xf32, #tpu.memory_space<vmem>>) target(%dma_start3A_107 : memref<80x64xf32, #tpu.memory_space<hbm>>) target_semaphore(%run_scoped3A : memref<!tpu.dma_semaphore, #tpu.memory_space<semaphore_mem>>)
        %dma_wait3A_108 = tpu.memref_slice %arg6[%add3A_83, %mul3A_32] : memref<320000x128xf32, #tpu.memory_space<hbm>> -> memref<80x64xf32, #tpu.memory_space<hbm>>
        %dma_wait3A_109 = tpu.memref_slice %arg6[%add3A_83, %mul3A_32] : memref<320000x128xf32, #tpu.memory_space<hbm>> -> memref<80x64xf32, #tpu.memory_space<hbm>>
        tpu.wait_dma2 semaphore(%run_scoped3A : memref<!tpu.dma_semaphore, #tpu.memory_space<semaphore_mem>>) src(%arg10 : memref<80x64xf32, #tpu.memory_space<vmem>>) dst(%dma_wait3A_109 : memref<80x64xf32, #tpu.memory_space<hbm>>)
        tpu.yield
      }) : () -> ()
      %lt3A_84 = arith.constant 124 : i32
      %lt3A_85 = arith.cmpi slt, %scan3A_51, %lt3A_84 : i32
      %convert_element_type3A = arith.extui %lt3A_85 : i1 to i32
      %cond3A = arith.constant 0 : i32
      %cond3A_86 = arith.cmpi ne, %convert_element_type3A, %cond3A : i32
      scf.if %cond3A_86 {
        %add3A_106 = arith.constant 2 : i32
        %add3A_107 = arith.addi %mul3A_53, %add3A_106 : i32
        %dma_start3A_108 = arith.constant 0 : i32
        %dma_start3A_109 = tpu.memref_slice %arg7[%add3A_107, %dma_start3A_108] : memref<250x80xi32, #tpu.memory_space<vmem>> -> memref<1x80xi32, #tpu.memory_space<vmem>>
        %dma_start3A_110 = tpu.memref_squeeze %dma_start3A_109 : memref<1x80xi32, #tpu.memory_space<vmem>> -> memref<80xi32, #tpu.memory_space<vmem>>
        %dma_start3A_111 = arith.constant 0 : i32
        %dma_start3A_112 = arith.constant 0 : i32
        %dma_start3A_113 = tpu.memref_slice %arg2[%dma_start3A_111, %dma_start3A_112] : memref<10000x64xf32, #tpu.memory_space<hbm>> -> memref<10000x64xf32, #tpu.memory_space<hbm>>
        tpu.enqueue_indirect_dma source(%dma_start3A_113 : memref<10000x64xf32, #tpu.memory_space<hbm>>) target(%arg9 : memref<80x64xf32, #tpu.memory_space<vmem>>) offsets(%dma_start3A_110 : memref<80xi32, #tpu.memory_space<vmem>>) semaphore(%arg13 : memref<!tpu.dma_semaphore, #tpu.memory_space<semaphore_mem>>)
        %dma_start3A_114 = arith.constant 0 : i32
        %dma_start3A_115 = tpu.memref_slice %arg8[%add3A_107, %dma_start3A_114] : memref<250x80xi32, #tpu.memory_space<vmem>> -> memref<1x80xi32, #tpu.memory_space<vmem>>
        %dma_start3A_116 = tpu.memref_squeeze %dma_start3A_115 : memref<1x80xi32, #tpu.memory_space<vmem>> -> memref<80xi32, #tpu.memory_space<vmem>>
        %dma_start3A_117 = arith.constant 0 : i32
        %dma_start3A_118 = arith.constant 0 : i32
        %dma_start3A_119 = tpu.memref_slice %arg2[%dma_start3A_117, %dma_start3A_118] : memref<10000x64xf32, #tpu.memory_space<hbm>> -> memref<10000x64xf32, #tpu.memory_space<hbm>>
        tpu.enqueue_indirect_dma source(%dma_start3A_119 : memref<10000x64xf32, #tpu.memory_space<hbm>>) target(%arg10 : memref<80x64xf32, #tpu.memory_space<vmem>>) offsets(%dma_start3A_116 : memref<80xi32, #tpu.memory_space<vmem>>) semaphore(%arg13 : memref<!tpu.dma_semaphore, #tpu.memory_space<semaphore_mem>>)
      } else {
      }
      %add3A_87 = arith.constant 1 : i32
      %add3A_88 = arith.addi %mul3A_53, %add3A_87 : i32
      %dma_wait3A_89 = arith.constant 0 : i32
      %dma_wait3A_90 = tpu.memref_slice %arg7[%add3A_88, %dma_wait3A_89] : memref<250x80xi32, #tpu.memory_space<vmem>> -> memref<1x80xi32, #tpu.memory_space<vmem>>
      %dma_wait3A_91 = tpu.memref_squeeze %dma_wait3A_90 : memref<1x80xi32, #tpu.memory_space<vmem>> -> memref<80xi32, #tpu.memory_space<vmem>>
      %dma_wait3A_92 = arith.constant 0 : i32
      %dma_wait3A_93 = arith.constant 0 : i32
      %dma_wait3A_94 = tpu.memref_slice %arg2[%dma_wait3A_92, %dma_wait3A_93] : memref<10000x64xf32, #tpu.memory_space<hbm>> -> memref<10000x64xf32, #tpu.memory_space<hbm>>
      tpu.wait_indirect_dma semaphore(%arg14 : memref<!tpu.dma_semaphore, #tpu.memory_space<semaphore_mem>>) src(%dma_wait3A_94 : memref<10000x64xf32, #tpu.memory_space<hbm>>) dst(%arg11 : memref<80x64xf32, #tpu.memory_space<vmem>>)
      %dma_wait3A_95 = arith.constant 0 : i32
      %dma_wait3A_96 = tpu.memref_slice %arg8[%add3A_88, %dma_wait3A_95] : memref<250x80xi32, #tpu.memory_space<vmem>> -> memref<1x80xi32, #tpu.memory_space<vmem>>
      %dma_wait3A_97 = tpu.memref_squeeze %dma_wait3A_96 : memref<1x80xi32, #tpu.memory_space<vmem>> -> memref<80xi32, #tpu.memory_space<vmem>>
      %dma_wait3A_98 = arith.constant 0 : i32
      %dma_wait3A_99 = arith.constant 0 : i32
      %dma_wait3A_100 = tpu.memref_slice %arg2[%dma_wait3A_98, %dma_wait3A_99] : memref<10000x64xf32, #tpu.memory_space<hbm>> -> memref<10000x64xf32, #tpu.memory_space<hbm>>
      tpu.wait_indirect_dma semaphore(%arg14 : memref<!tpu.dma_semaphore, #tpu.memory_space<semaphore_mem>>) src(%dma_wait3A_100 : memref<10000x64xf32, #tpu.memory_space<hbm>>) dst(%arg12 : memref<80x64xf32, #tpu.memory_space<vmem>>)
      %mul3A_101 = arith.constant 20000 : i32
      %mul3A_102 = arith.muli %select_n3A_30, %mul3A_101 : i32
      %mul3A_103 = arith.constant 80 : i32
      %mul3A_104 = arith.muli %add3A_88, %mul3A_103 : i32
      %add3A_105 = arith.addi %mul3A_102, %mul3A_104 : i32
      "tpu.region"() ({
        %run_scoped3A = tpu.sem_alloc : memref<!tpu.dma_semaphore, #tpu.memory_space<semaphore_mem>>
        %dma_start3A_106 = tpu.memref_slice %arg5[%add3A_105, %mul3A_32] : memref<320000x128xf32, #tpu.memory_space<hbm>> -> memref<80x64xf32, #tpu.memory_space<hbm>>
        %dma_start3A_107 = tpu.memref_slice %arg5[%add3A_105, %mul3A_32] : memref<320000x128xf32, #tpu.memory_space<hbm>> -> memref<80x64xf32, #tpu.memory_space<hbm>>
        tpu.enqueue_dma source(%arg11 : memref<80x64xf32, #tpu.memory_space<vmem>>) target(%dma_start3A_107 : memref<80x64xf32, #tpu.memory_space<hbm>>) target_semaphore(%run_scoped3A : memref<!tpu.dma_semaphore, #tpu.memory_space<semaphore_mem>>)
        %dma_wait3A_108 = tpu.memref_slice %arg5[%add3A_105, %mul3A_32] : memref<320000x128xf32, #tpu.memory_space<hbm>> -> memref<80x64xf32, #tpu.memory_space<hbm>>
        %dma_wait3A_109 = tpu.memref_slice %arg5[%add3A_105, %mul3A_32] : memref<320000x128xf32, #tpu.memory_space<hbm>> -> memref<80x64xf32, #tpu.memory_space<hbm>>
        tpu.wait_dma2 semaphore(%run_scoped3A : memref<!tpu.dma_semaphore, #tpu.memory_space<semaphore_mem>>) src(%arg11 : memref<80x64xf32, #tpu.memory_space<vmem>>) dst(%dma_wait3A_109 : memref<80x64xf32, #tpu.memory_space<hbm>>)
        tpu.yield
      }) : () -> ()
      "tpu.region"() ({
        %run_scoped3A = tpu.sem_alloc : memref<!tpu.dma_semaphore, #tpu.memory_space<semaphore_mem>>
        %dma_start3A_106 = tpu.memref_slice %arg6[%add3A_105, %mul3A_32] : memref<320000x128xf32, #tpu.memory_space<hbm>> -> memref<80x64xf32, #tpu.memory_space<hbm>>
        %dma_start3A_107 = tpu.memref_slice %arg6[%add3A_105, %mul3A_32] : memref<320000x128xf32, #tpu.memory_space<hbm>> -> memref<80x64xf32, #tpu.memory_space<hbm>>
        tpu.enqueue_dma source(%arg12 : memref<80x64xf32, #tpu.memory_space<vmem>>) target(%dma_start3A_107 : memref<80x64xf32, #tpu.memory_space<hbm>>) target_semaphore(%run_scoped3A : memref<!tpu.dma_semaphore, #tpu.memory_space<semaphore_mem>>)
        %dma_wait3A_108 = tpu.memref_slice %arg6[%add3A_105, %mul3A_32] : memref<320000x128xf32, #tpu.memory_space<hbm>> -> memref<80x64xf32, #tpu.memory_space<hbm>>
        %dma_wait3A_109 = tpu.memref_slice %arg6[%add3A_105, %mul3A_32] : memref<320000x128xf32, #tpu.memory_space<hbm>> -> memref<80x64xf32, #tpu.memory_space<hbm>>
        tpu.wait_dma2 semaphore(%run_scoped3A : memref<!tpu.dma_semaphore, #tpu.memory_space<semaphore_mem>>) src(%arg12 : memref<80x64xf32, #tpu.memory_space<vmem>>) dst(%dma_wait3A_109 : memref<80x64xf32, #tpu.memory_space<hbm>>)
        tpu.yield
      }) : () -> ()
    }
    %scan3A_50 = arith.constant 125 : i32
    return
  }
}

#map = affine_map<(d0, d1) -> (0, 0)>
#map1 = affine_map<(d0, d1) -> (0, 0, 0)>
module attributes {stable_mosaic.version = 14 : i64} {
  func.func @_sc_scatter_body(%arg0: i32, %arg1: i32, %arg2: memref<320000x128xf32, #tpu.memory_space<hbm>>, %arg3: memref<320000x128xf32, #tpu.memory_space<hbm>>, %arg4: memref<320000x16xf32, #tpu.memory_space<hbm>>, %arg5: memref<320000x16xf32, #tpu.memory_space<hbm>>, %arg6: memref<32x125x80xi32, #tpu.memory_space<hbm>>, %arg7: memref<32x125x80xi32, #tpu.memory_space<hbm>>, %arg8: memref<640x128xf32, #tpu.memory_space<hbm>>, %arg9: memref<640x16xf32, #tpu.memory_space<hbm>>, %arg10: memref<2x10240x128xf32, #tpu.memory_space<hbm>>, %arg11: memref<2x10240x16xf32, #tpu.memory_space<hbm>>, %arg12: memref<1x80xi32, #tpu.memory_space<vmem>>, %arg13: memref<1x80xi32, #tpu.memory_space<vmem>>, %arg14: memref<80x128xf32, #tpu.memory_space<vmem>>, %arg15: memref<80x128xf32, #tpu.memory_space<vmem>>, %arg16: memref<80x16xf32, #tpu.memory_space<vmem>>, %arg17: memref<80x16xf32, #tpu.memory_space<vmem>>, %arg18: memref<10240x128xf32, #tpu.memory_space<vmem_shared>>, %arg19: memref<10240x16xf32, #tpu.memory_space<vmem_shared>>, %arg20: memref<!tpu.dma_semaphore, #tpu.memory_space<semaphore_mem>>, %arg21: memref<!tpu.dma_semaphore, #tpu.memory_space<semaphore_mem>>) attributes {dimension_semantics = [#tpu.dimension_semantics<core_parallel>, #tpu.dimension_semantics<subcore_parallel>], iteration_bounds = array<i64: 2, 16>, scalar_prefetch = 0 : i64, scratch_operands = 10 : i64, tpu.core_type = #tpu.core_type<sc_vector_subcore>, window_params = [{transform_indices = #map}, {transform_indices = #map}, {transform_indices = #map}, {transform_indices = #map}, {transform_indices = #map1}, {transform_indices = #map1}, {transform_indices = #map}, {transform_indices = #map}, {transform_indices = #map1}, {transform_indices = #map1}]} {
    %mul3A = arith.constant 2 : i32
    %mul3A_0 = arith.muli %arg1, %mul3A : i32
    %add3A = arith.addi %mul3A_0, %arg0 : i32
    %mul3A_1 = arith.constant 640 : i32
    %mul3A_2 = arith.muli %arg1, %mul3A_1 : i32
    "tpu.region"() ({
      %run_scoped3A = tpu.sem_alloc : memref<!tpu.dma_semaphore, #tpu.memory_space<semaphore_mem>>
      %dma_start3A_76 = arith.constant 0 : i32
      %dma_start3A_77 = tpu.memref_slice %arg18[%mul3A_2, %dma_start3A_76] : memref<10240x128xf32, #tpu.memory_space<vmem_shared>> -> memref<640x128xf32, #tpu.memory_space<vmem_shared>>
      tpu.enqueue_dma source(%arg8 : memref<640x128xf32, #tpu.memory_space<hbm>>) target(%dma_start3A_77 : memref<640x128xf32, #tpu.memory_space<vmem_shared>>) target_semaphore(%run_scoped3A : memref<!tpu.dma_semaphore, #tpu.memory_space<semaphore_mem>>)
      %dma_wait3A = arith.constant 0 : i32
      %dma_wait3A_78 = tpu.memref_slice %arg18[%mul3A_2, %dma_wait3A] : memref<10240x128xf32, #tpu.memory_space<vmem_shared>> -> memref<640x128xf32, #tpu.memory_space<vmem_shared>>
      tpu.wait_dma2 semaphore(%run_scoped3A : memref<!tpu.dma_semaphore, #tpu.memory_space<semaphore_mem>>) src(%arg8 : memref<640x128xf32, #tpu.memory_space<hbm>>) dst(%dma_wait3A_78 : memref<640x128xf32, #tpu.memory_space<vmem_shared>>)
      tpu.yield
    }) : () -> ()
    %mul3A_3 = arith.constant 640 : i32
    %mul3A_4 = arith.muli %arg1, %mul3A_3 : i32
    "tpu.region"() ({
      %run_scoped3A = tpu.sem_alloc : memref<!tpu.dma_semaphore, #tpu.memory_space<semaphore_mem>>
      %dma_start3A_76 = arith.constant 0 : i32
      %dma_start3A_77 = tpu.memref_slice %arg19[%mul3A_4, %dma_start3A_76] : memref<10240x16xf32, #tpu.memory_space<vmem_shared>> -> memref<640x16xf32, #tpu.memory_space<vmem_shared>>
      tpu.enqueue_dma source(%arg9 : memref<640x16xf32, #tpu.memory_space<hbm>>) target(%dma_start3A_77 : memref<640x16xf32, #tpu.memory_space<vmem_shared>>) target_semaphore(%run_scoped3A : memref<!tpu.dma_semaphore, #tpu.memory_space<semaphore_mem>>)
      %dma_wait3A = arith.constant 0 : i32
      %dma_wait3A_78 = tpu.memref_slice %arg19[%mul3A_4, %dma_wait3A] : memref<10240x16xf32, #tpu.memory_space<vmem_shared>> -> memref<640x16xf32, #tpu.memory_space<vmem_shared>>
      tpu.wait_dma2 semaphore(%run_scoped3A : memref<!tpu.dma_semaphore, #tpu.memory_space<semaphore_mem>>) src(%arg9 : memref<640x16xf32, #tpu.memory_space<hbm>>) dst(%dma_wait3A_78 : memref<640x16xf32, #tpu.memory_space<vmem_shared>>)
      tpu.yield
    }) : () -> ()
    %barrier3A = arith.constant 0 : index
    tpu.barrier barrier_id(%barrier3A)
    %mul3A_5 = arith.constant 10000 : i32
    %mul3A_6 = arith.muli %add3A, %mul3A_5 : i32
    %add3A_7 = arith.constant 0 : i32
    %add3A_8 = arith.addi %mul3A_6, %add3A_7 : i32
    %dma_start3A = arith.constant 0 : i32
    %dma_start3A_9 = arith.constant 0 : i32
    %dma_start3A_10 = tpu.memref_slice %arg6[%add3A, %dma_start3A, %dma_start3A_9] : memref<32x125x80xi32, #tpu.memory_space<hbm>> -> memref<1x125x80xi32, #tpu.memory_space<hbm>>
    %dma_start3A_11 = tpu.memref_squeeze %dma_start3A_10 : memref<1x125x80xi32, #tpu.memory_space<hbm>> -> memref<125x80xi32, #tpu.memory_space<hbm>>
    %dma_start3A_12 = arith.constant 0 : i32
    %dma_start3A_13 = arith.constant 0 : i32
    %dma_start3A_14 = tpu.memref_slice %dma_start3A_11[%dma_start3A_12, %dma_start3A_13] : memref<125x80xi32, #tpu.memory_space<hbm>> -> memref<1x80xi32, #tpu.memory_space<hbm>>
    %dma_start3A_15 = arith.constant 0 : i32
    %dma_start3A_16 = arith.constant 0 : i32
    %dma_start3A_17 = tpu.memref_slice %arg6[%add3A, %dma_start3A_15, %dma_start3A_16] : memref<32x125x80xi32, #tpu.memory_space<hbm>> -> memref<1x125x80xi32, #tpu.memory_space<hbm>>
    %dma_start3A_18 = tpu.memref_squeeze %dma_start3A_17 : memref<1x125x80xi32, #tpu.memory_space<hbm>> -> memref<125x80xi32, #tpu.memory_space<hbm>>
    %dma_start3A_19 = arith.constant 0 : i32
    %dma_start3A_20 = arith.constant 0 : i32
    %dma_start3A_21 = tpu.memref_slice %dma_start3A_18[%dma_start3A_19, %dma_start3A_20] : memref<125x80xi32, #tpu.memory_space<hbm>> -> memref<1x80xi32, #tpu.memory_space<hbm>>
    tpu.enqueue_dma source(%dma_start3A_21 : memref<1x80xi32, #tpu.memory_space<hbm>>) target(%arg12 : memref<1x80xi32, #tpu.memory_space<vmem>>) target_semaphore(%arg20 : memref<!tpu.dma_semaphore, #tpu.memory_space<semaphore_mem>>)
    %dma_start3A_22 = arith.constant 0 : i32
    %dma_start3A_23 = tpu.memref_slice %arg2[%add3A_8, %dma_start3A_22] : memref<320000x128xf32, #tpu.memory_space<hbm>> -> memref<80x128xf32, #tpu.memory_space<hbm>>
    %dma_start3A_24 = arith.constant 0 : i32
    %dma_start3A_25 = tpu.memref_slice %arg2[%add3A_8, %dma_start3A_24] : memref<320000x128xf32, #tpu.memory_space<hbm>> -> memref<80x128xf32, #tpu.memory_space<hbm>>
    tpu.enqueue_dma source(%dma_start3A_25 : memref<80x128xf32, #tpu.memory_space<hbm>>) target(%arg14 : memref<80x128xf32, #tpu.memory_space<vmem>>) target_semaphore(%arg20 : memref<!tpu.dma_semaphore, #tpu.memory_space<semaphore_mem>>)
    %dma_start3A_26 = arith.constant 0 : i32
    %dma_start3A_27 = tpu.memref_slice %arg4[%add3A_8, %dma_start3A_26] : memref<320000x16xf32, #tpu.memory_space<hbm>> -> memref<80x16xf32, #tpu.memory_space<hbm>>
    %dma_start3A_28 = arith.constant 0 : i32
    %dma_start3A_29 = tpu.memref_slice %arg4[%add3A_8, %dma_start3A_28] : memref<320000x16xf32, #tpu.memory_space<hbm>> -> memref<80x16xf32, #tpu.memory_space<hbm>>
    tpu.enqueue_dma source(%dma_start3A_29 : memref<80x16xf32, #tpu.memory_space<hbm>>) target(%arg16 : memref<80x16xf32, #tpu.memory_space<vmem>>) target_semaphore(%arg20 : memref<!tpu.dma_semaphore, #tpu.memory_space<semaphore_mem>>)
    %scan3A = arith.constant 0 : i32
    %scan3A_30 = arith.constant 0 : i32
    %scan3A_31 = arith.constant 63 : i32
    %scan3A_32 = arith.addi %scan3A_30, %scan3A_31 : i32
    %scan3A_33 = arith.constant 1 : i32
    scf.for %scan3A_76 = %scan3A_30 to %scan3A_32 step %scan3A_33  : i32 {
      %mul3A_77 = arith.constant 2 : i32
      %mul3A_78 = arith.muli %mul3A_77, %scan3A_76 : i32
      %add3A_79 = arith.constant 1 : i32
      %add3A_80 = arith.addi %mul3A_78, %add3A_79 : i32
      %lt3A = arith.constant 125 : i32
      %lt3A_81 = arith.cmpi slt, %add3A_80, %lt3A : i32
      %convert_element_type3A = arith.extui %lt3A_81 : i1 to i32
      %cond3A = arith.constant 0 : i32
      %cond3A_82 = arith.cmpi ne, %convert_element_type3A, %cond3A : i32
      scf.if %cond3A_82 {
        %add3A_122 = arith.constant 1 : i32
        %add3A_123 = arith.addi %mul3A_78, %add3A_122 : i32
        %mul3A_124 = arith.constant 10000 : i32
        %mul3A_125 = arith.muli %add3A, %mul3A_124 : i32
        %mul3A_126 = arith.constant 80 : i32
        %mul3A_127 = arith.muli %add3A_123, %mul3A_126 : i32
        %add3A_128 = arith.addi %mul3A_125, %mul3A_127 : i32
        %dma_start3A_129 = arith.constant 0 : i32
        %dma_start3A_130 = arith.constant 0 : i32
        %dma_start3A_131 = tpu.memref_slice %arg6[%add3A, %dma_start3A_129, %dma_start3A_130] : memref<32x125x80xi32, #tpu.memory_space<hbm>> -> memref<1x125x80xi32, #tpu.memory_space<hbm>>
        %dma_start3A_132 = tpu.memref_squeeze %dma_start3A_131 : memref<1x125x80xi32, #tpu.memory_space<hbm>> -> memref<125x80xi32, #tpu.memory_space<hbm>>
        %dma_start3A_133 = arith.constant 0 : i32
        %dma_start3A_134 = tpu.memref_slice %dma_start3A_132[%add3A_123, %dma_start3A_133] : memref<125x80xi32, #tpu.memory_space<hbm>> -> memref<1x80xi32, #tpu.memory_space<hbm>>
        %dma_start3A_135 = arith.constant 0 : i32
        %dma_start3A_136 = arith.constant 0 : i32
        %dma_start3A_137 = tpu.memref_slice %arg6[%add3A, %dma_start3A_135, %dma_start3A_136] : memref<32x125x80xi32, #tpu.memory_space<hbm>> -> memref<1x125x80xi32, #tpu.memory_space<hbm>>
        %dma_start3A_138 = tpu.memref_squeeze %dma_start3A_137 : memref<1x125x80xi32, #tpu.memory_space<hbm>> -> memref<125x80xi32, #tpu.memory_space<hbm>>
        %dma_start3A_139 = arith.constant 0 : i32
        %dma_start3A_140 = tpu.memref_slice %dma_start3A_138[%add3A_123, %dma_start3A_139] : memref<125x80xi32, #tpu.memory_space<hbm>> -> memref<1x80xi32, #tpu.memory_space<hbm>>
        tpu.enqueue_dma source(%dma_start3A_140 : memref<1x80xi32, #tpu.memory_space<hbm>>) target(%arg13 : memref<1x80xi32, #tpu.memory_space<vmem>>) target_semaphore(%arg21 : memref<!tpu.dma_semaphore, #tpu.memory_space<semaphore_mem>>)
        %dma_start3A_141 = arith.constant 0 : i32
        %dma_start3A_142 = tpu.memref_slice %arg2[%add3A_128, %dma_start3A_141] : memref<320000x128xf32, #tpu.memory_space<hbm>> -> memref<80x128xf32, #tpu.memory_space<hbm>>
        %dma_start3A_143 = arith.constant 0 : i32
        %dma_start3A_144 = tpu.memref_slice %arg2[%add3A_128, %dma_start3A_143] : memref<320000x128xf32, #tpu.memory_space<hbm>> -> memref<80x128xf32, #tpu.memory_space<hbm>>
        tpu.enqueue_dma source(%dma_start3A_144 : memref<80x128xf32, #tpu.memory_space<hbm>>) target(%arg15 : memref<80x128xf32, #tpu.memory_space<vmem>>) target_semaphore(%arg21 : memref<!tpu.dma_semaphore, #tpu.memory_space<semaphore_mem>>)
        %dma_start3A_145 = arith.constant 0 : i32
        %dma_start3A_146 = tpu.memref_slice %arg4[%add3A_128, %dma_start3A_145] : memref<320000x16xf32, #tpu.memory_space<hbm>> -> memref<80x16xf32, #tpu.memory_space<hbm>>
        %dma_start3A_147 = arith.constant 0 : i32
        %dma_start3A_148 = tpu.memref_slice %arg4[%add3A_128, %dma_start3A_147] : memref<320000x16xf32, #tpu.memory_space<hbm>> -> memref<80x16xf32, #tpu.memory_space<hbm>>
        tpu.enqueue_dma source(%dma_start3A_148 : memref<80x16xf32, #tpu.memory_space<hbm>>) target(%arg17 : memref<80x16xf32, #tpu.memory_space<vmem>>) target_semaphore(%arg21 : memref<!tpu.dma_semaphore, #tpu.memory_space<semaphore_mem>>)
      } else {
      }
      %mul3A_83 = arith.constant 10000 : i32
      %mul3A_84 = arith.muli %add3A, %mul3A_83 : i32
      %mul3A_85 = arith.constant 80 : i32
      %mul3A_86 = arith.muli %mul3A_78, %mul3A_85 : i32
      %add3A_87 = arith.addi %mul3A_84, %mul3A_86 : i32
      %dma_wait3A = arith.constant 0 : i32
      %dma_wait3A_88 = arith.constant 0 : i32
      %dma_wait3A_89 = tpu.memref_slice %arg6[%add3A, %dma_wait3A, %dma_wait3A_88] : memref<32x125x80xi32, #tpu.memory_space<hbm>> -> memref<1x125x80xi32, #tpu.memory_space<hbm>>
      %dma_wait3A_90 = tpu.memref_squeeze %dma_wait3A_89 : memref<1x125x80xi32, #tpu.memory_space<hbm>> -> memref<125x80xi32, #tpu.memory_space<hbm>>
      %dma_wait3A_91 = arith.constant 0 : i32
      %dma_wait3A_92 = tpu.memref_slice %dma_wait3A_90[%mul3A_78, %dma_wait3A_91] : memref<125x80xi32, #tpu.memory_space<hbm>> -> memref<1x80xi32, #tpu.memory_space<hbm>>
      %dma_wait3A_93 = arith.constant 0 : i32
      %dma_wait3A_94 = arith.constant 0 : i32
      %dma_wait3A_95 = tpu.memref_slice %arg6[%add3A, %dma_wait3A_93, %dma_wait3A_94] : memref<32x125x80xi32, #tpu.memory_space<hbm>> -> memref<1x125x80xi32, #tpu.memory_space<hbm>>
      %dma_wait3A_96 = tpu.memref_squeeze %dma_wait3A_95 : memref<1x125x80xi32, #tpu.memory_space<hbm>> -> memref<125x80xi32, #tpu.memory_space<hbm>>
      %dma_wait3A_97 = arith.constant 0 : i32
      %dma_wait3A_98 = tpu.memref_slice %dma_wait3A_96[%mul3A_78, %dma_wait3A_97] : memref<125x80xi32, #tpu.memory_space<hbm>> -> memref<1x80xi32, #tpu.memory_space<hbm>>
      tpu.wait_dma2 semaphore(%arg20 : memref<!tpu.dma_semaphore, #tpu.memory_space<semaphore_mem>>) src(%dma_wait3A_98 : memref<1x80xi32, #tpu.memory_space<hbm>>) dst(%arg12 : memref<1x80xi32, #tpu.memory_space<vmem>>)
      %dma_wait3A_99 = arith.constant 0 : i32
      %dma_wait3A_100 = tpu.memref_slice %arg2[%add3A_87, %dma_wait3A_99] : memref<320000x128xf32, #tpu.memory_space<hbm>> -> memref<80x128xf32, #tpu.memory_space<hbm>>
      %dma_wait3A_101 = arith.constant 0 : i32
      %dma_wait3A_102 = tpu.memref_slice %arg2[%add3A_87, %dma_wait3A_101] : memref<320000x128xf32, #tpu.memory_space<hbm>> -> memref<80x128xf32, #tpu.memory_space<hbm>>
      tpu.wait_dma2 semaphore(%arg20 : memref<!tpu.dma_semaphore, #tpu.memory_space<semaphore_mem>>) src(%dma_wait3A_102 : memref<80x128xf32, #tpu.memory_space<hbm>>) dst(%arg14 : memref<80x128xf32, #tpu.memory_space<vmem>>)
      %dma_wait3A_103 = arith.constant 0 : i32
      %dma_wait3A_104 = tpu.memref_slice %arg4[%add3A_87, %dma_wait3A_103] : memref<320000x16xf32, #tpu.memory_space<hbm>> -> memref<80x16xf32, #tpu.memory_space<hbm>>
      %dma_wait3A_105 = arith.constant 0 : i32
      %dma_wait3A_106 = tpu.memref_slice %arg4[%add3A_87, %dma_wait3A_105] : memref<320000x16xf32, #tpu.memory_space<hbm>> -> memref<80x16xf32, #tpu.memory_space<hbm>>
      tpu.wait_dma2 semaphore(%arg20 : memref<!tpu.dma_semaphore, #tpu.memory_space<semaphore_mem>>) src(%dma_wait3A_106 : memref<80x16xf32, #tpu.memory_space<hbm>>) dst(%arg16 : memref<80x16xf32, #tpu.memory_space<vmem>>)
      %run_scoped3A = arith.constant 0 : i32
      "tpu.region"() ({
        %run_scoped3A_122 = tpu.sem_alloc : memref<!tpu.dma_semaphore, #tpu.memory_space<semaphore_mem>>
        %dma_start3A_123 = arith.constant 0 : i32
        %dma_start3A_124 = tpu.memref_slice %arg12[%run_scoped3A, %dma_start3A_123] : memref<1x80xi32, #tpu.memory_space<vmem>> -> memref<1x80xi32, #tpu.memory_space<vmem>>
        %dma_start3A_125 = tpu.memref_squeeze %dma_start3A_124 : memref<1x80xi32, #tpu.memory_space<vmem>> -> memref<80xi32, #tpu.memory_space<vmem>>
        %dma_start3A_126 = arith.constant 0 : i32
        %dma_start3A_127 = arith.constant 0 : i32
        %dma_start3A_128 = tpu.memref_slice %arg18[%dma_start3A_126, %dma_start3A_127] : memref<10240x128xf32, #tpu.memory_space<vmem_shared>> -> memref<10240x128xf32, #tpu.memory_space<vmem_shared>>
        tpu.enqueue_indirect_dma source(%arg14 : memref<80x128xf32, #tpu.memory_space<vmem>>) target(%dma_start3A_128 : memref<10240x128xf32, #tpu.memory_space<vmem_shared>>) offsets(%dma_start3A_125 : memref<80xi32, #tpu.memory_space<vmem>>) semaphore(%run_scoped3A_122 : memref<!tpu.dma_semaphore, #tpu.memory_space<semaphore_mem>>) {add = true}
        %dma_wait3A_129 = arith.constant 0 : i32
        %dma_wait3A_130 = tpu.memref_slice %arg12[%run_scoped3A, %dma_wait3A_129] : memref<1x80xi32, #tpu.memory_space<vmem>> -> memref<1x80xi32, #tpu.memory_space<vmem>>
        %dma_wait3A_131 = tpu.memref_squeeze %dma_wait3A_130 : memref<1x80xi32, #tpu.memory_space<vmem>> -> memref<80xi32, #tpu.memory_space<vmem>>
        %dma_wait3A_132 = arith.constant 0 : i32
        %dma_wait3A_133 = arith.constant 0 : i32
        %dma_wait3A_134 = tpu.memref_slice %arg18[%dma_wait3A_132, %dma_wait3A_133] : memref<10240x128xf32, #tpu.memory_space<vmem_shared>> -> memref<10240x128xf32, #tpu.memory_space<vmem_shared>>
        tpu.wait_indirect_dma semaphore(%run_scoped3A_122 : memref<!tpu.dma_semaphore, #tpu.memory_space<semaphore_mem>>) src(%arg14 : memref<80x128xf32, #tpu.memory_space<vmem>>) dst(%dma_wait3A_134 : memref<10240x128xf32, #tpu.memory_space<vmem_shared>>)
        tpu.yield
      }) : () -> ()
      %run_scoped3A_107 = arith.constant 0 : i32
      "tpu.region"() ({
        %run_scoped3A_122 = tpu.sem_alloc : memref<!tpu.dma_semaphore, #tpu.memory_space<semaphore_mem>>
        %dma_start3A_123 = arith.constant 0 : i32
        %dma_start3A_124 = tpu.memref_slice %arg12[%run_scoped3A_107, %dma_start3A_123] : memref<1x80xi32, #tpu.memory_space<vmem>> -> memref<1x80xi32, #tpu.memory_space<vmem>>
        %dma_start3A_125 = tpu.memref_squeeze %dma_start3A_124 : memref<1x80xi32, #tpu.memory_space<vmem>> -> memref<80xi32, #tpu.memory_space<vmem>>
        %dma_start3A_126 = arith.constant 0 : i32
        %dma_start3A_127 = arith.constant 0 : i32
        %dma_start3A_128 = tpu.memref_slice %arg19[%dma_start3A_126, %dma_start3A_127] : memref<10240x16xf32, #tpu.memory_space<vmem_shared>> -> memref<10240x16xf32, #tpu.memory_space<vmem_shared>>
        tpu.enqueue_indirect_dma source(%arg16 : memref<80x16xf32, #tpu.memory_space<vmem>>) target(%dma_start3A_128 : memref<10240x16xf32, #tpu.memory_space<vmem_shared>>) offsets(%dma_start3A_125 : memref<80xi32, #tpu.memory_space<vmem>>) semaphore(%run_scoped3A_122 : memref<!tpu.dma_semaphore, #tpu.memory_space<semaphore_mem>>) {add = true}
        %dma_wait3A_129 = arith.constant 0 : i32
        %dma_wait3A_130 = tpu.memref_slice %arg12[%run_scoped3A_107, %dma_wait3A_129] : memref<1x80xi32, #tpu.memory_space<vmem>> -> memref<1x80xi32, #tpu.memory_space<vmem>>
        %dma_wait3A_131 = tpu.memref_squeeze %dma_wait3A_130 : memref<1x80xi32, #tpu.memory_space<vmem>> -> memref<80xi32, #tpu.memory_space<vmem>>
        %dma_wait3A_132 = arith.constant 0 : i32
        %dma_wait3A_133 = arith.constant 0 : i32
        %dma_wait3A_134 = tpu.memref_slice %arg19[%dma_wait3A_132, %dma_wait3A_133] : memref<10240x16xf32, #tpu.memory_space<vmem_shared>> -> memref<10240x16xf32, #tpu.memory_space<vmem_shared>>
        tpu.wait_indirect_dma semaphore(%run_scoped3A_122 : memref<!tpu.dma_semaphore, #tpu.memory_space<semaphore_mem>>) src(%arg16 : memref<80x16xf32, #tpu.memory_space<vmem>>) dst(%dma_wait3A_134 : memref<10240x16xf32, #tpu.memory_space<vmem_shared>>)
        tpu.yield
      }) : () -> ()
      %add3A_108 = arith.constant 2 : i32
      %add3A_109 = arith.addi %mul3A_78, %add3A_108 : i32
      %lt3A_110 = arith.constant 125 : i32
      %lt3A_111 = arith.cmpi slt, %add3A_109, %lt3A_110 : i32
      %convert_element_type3A_112 = arith.extui %lt3A_111 : i1 to i32
      %cond3A_113 = arith.constant 0 : i32
      %cond3A_114 = arith.cmpi ne, %convert_element_type3A_112, %cond3A_113 : i32
      scf.if %cond3A_114 {
        %add3A_122 = arith.constant 2 : i32
        %add3A_123 = arith.addi %mul3A_78, %add3A_122 : i32
        %mul3A_124 = arith.constant 10000 : i32
        %mul3A_125 = arith.muli %add3A, %mul3A_124 : i32
        %mul3A_126 = arith.constant 80 : i32
        %mul3A_127 = arith.muli %add3A_123, %mul3A_126 : i32
        %add3A_128 = arith.addi %mul3A_125, %mul3A_127 : i32
        %dma_start3A_129 = arith.constant 0 : i32
        %dma_start3A_130 = arith.constant 0 : i32
        %dma_start3A_131 = tpu.memref_slice %arg6[%add3A, %dma_start3A_129, %dma_start3A_130] : memref<32x125x80xi32, #tpu.memory_space<hbm>> -> memref<1x125x80xi32, #tpu.memory_space<hbm>>
        %dma_start3A_132 = tpu.memref_squeeze %dma_start3A_131 : memref<1x125x80xi32, #tpu.memory_space<hbm>> -> memref<125x80xi32, #tpu.memory_space<hbm>>
        %dma_start3A_133 = arith.constant 0 : i32
        %dma_start3A_134 = tpu.memref_slice %dma_start3A_132[%add3A_123, %dma_start3A_133] : memref<125x80xi32, #tpu.memory_space<hbm>> -> memref<1x80xi32, #tpu.memory_space<hbm>>
        %dma_start3A_135 = arith.constant 0 : i32
        %dma_start3A_136 = arith.constant 0 : i32
        %dma_start3A_137 = tpu.memref_slice %arg6[%add3A, %dma_start3A_135, %dma_start3A_136] : memref<32x125x80xi32, #tpu.memory_space<hbm>> -> memref<1x125x80xi32, #tpu.memory_space<hbm>>
        %dma_start3A_138 = tpu.memref_squeeze %dma_start3A_137 : memref<1x125x80xi32, #tpu.memory_space<hbm>> -> memref<125x80xi32, #tpu.memory_space<hbm>>
        %dma_start3A_139 = arith.constant 0 : i32
        %dma_start3A_140 = tpu.memref_slice %dma_start3A_138[%add3A_123, %dma_start3A_139] : memref<125x80xi32, #tpu.memory_space<hbm>> -> memref<1x80xi32, #tpu.memory_space<hbm>>
        tpu.enqueue_dma source(%dma_start3A_140 : memref<1x80xi32, #tpu.memory_space<hbm>>) target(%arg12 : memref<1x80xi32, #tpu.memory_space<vmem>>) target_semaphore(%arg20 : memref<!tpu.dma_semaphore, #tpu.memory_space<semaphore_mem>>)
        %dma_start3A_141 = arith.constant 0 : i32
        %dma_start3A_142 = tpu.memref_slice %arg2[%add3A_128, %dma_start3A_141] : memref<320000x128xf32, #tpu.memory_space<hbm>> -> memref<80x128xf32, #tpu.memory_space<hbm>>
        %dma_start3A_143 = arith.constant 0 : i32
        %dma_start3A_144 = tpu.memref_slice %arg2[%add3A_128, %dma_start3A_143] : memref<320000x128xf32, #tpu.memory_space<hbm>> -> memref<80x128xf32, #tpu.memory_space<hbm>>
        tpu.enqueue_dma source(%dma_start3A_144 : memref<80x128xf32, #tpu.memory_space<hbm>>) target(%arg14 : memref<80x128xf32, #tpu.memory_space<vmem>>) target_semaphore(%arg20 : memref<!tpu.dma_semaphore, #tpu.memory_space<semaphore_mem>>)
        %dma_start3A_145 = arith.constant 0 : i32
        %dma_start3A_146 = tpu.memref_slice %arg4[%add3A_128, %dma_start3A_145] : memref<320000x16xf32, #tpu.memory_space<hbm>> -> memref<80x16xf32, #tpu.memory_space<hbm>>
        %dma_start3A_147 = arith.constant 0 : i32
        %dma_start3A_148 = tpu.memref_slice %arg4[%add3A_128, %dma_start3A_147] : memref<320000x16xf32, #tpu.memory_space<hbm>> -> memref<80x16xf32, #tpu.memory_space<hbm>>
        tpu.enqueue_dma source(%dma_start3A_148 : memref<80x16xf32, #tpu.memory_space<hbm>>) target(%arg16 : memref<80x16xf32, #tpu.memory_space<vmem>>) target_semaphore(%arg20 : memref<!tpu.dma_semaphore, #tpu.memory_space<semaphore_mem>>)
      } else {
      }
      %add3A_115 = arith.constant 1 : i32
      %add3A_116 = arith.addi %mul3A_78, %add3A_115 : i32
      %lt3A_117 = arith.constant 125 : i32
      %lt3A_118 = arith.cmpi slt, %add3A_116, %lt3A_117 : i32
      %convert_element_type3A_119 = arith.extui %lt3A_118 : i1 to i32
      %cond3A_120 = arith.constant 0 : i32
      %cond3A_121 = arith.cmpi ne, %convert_element_type3A_119, %cond3A_120 : i32
      scf.if %cond3A_121 {
        %add3A_122 = arith.constant 1 : i32
        %add3A_123 = arith.addi %mul3A_78, %add3A_122 : i32
        %mul3A_124 = arith.constant 10000 : i32
        %mul3A_125 = arith.muli %add3A, %mul3A_124 : i32
        %mul3A_126 = arith.constant 80 : i32
        %mul3A_127 = arith.muli %add3A_123, %mul3A_126 : i32
        %add3A_128 = arith.addi %mul3A_125, %mul3A_127 : i32
        %dma_wait3A_129 = arith.constant 0 : i32
        %dma_wait3A_130 = arith.constant 0 : i32
        %dma_wait3A_131 = tpu.memref_slice %arg6[%add3A, %dma_wait3A_129, %dma_wait3A_130] : memref<32x125x80xi32, #tpu.memory_space<hbm>> -> memref<1x125x80xi32, #tpu.memory_space<hbm>>
        %dma_wait3A_132 = tpu.memref_squeeze %dma_wait3A_131 : memref<1x125x80xi32, #tpu.memory_space<hbm>> -> memref<125x80xi32, #tpu.memory_space<hbm>>
        %dma_wait3A_133 = arith.constant 0 : i32
        %dma_wait3A_134 = tpu.memref_slice %dma_wait3A_132[%add3A_123, %dma_wait3A_133] : memref<125x80xi32, #tpu.memory_space<hbm>> -> memref<1x80xi32, #tpu.memory_space<hbm>>
        %dma_wait3A_135 = arith.constant 0 : i32
        %dma_wait3A_136 = arith.constant 0 : i32
        %dma_wait3A_137 = tpu.memref_slice %arg6[%add3A, %dma_wait3A_135, %dma_wait3A_136] : memref<32x125x80xi32, #tpu.memory_space<hbm>> -> memref<1x125x80xi32, #tpu.memory_space<hbm>>
        %dma_wait3A_138 = tpu.memref_squeeze %dma_wait3A_137 : memref<1x125x80xi32, #tpu.memory_space<hbm>> -> memref<125x80xi32, #tpu.memory_space<hbm>>
        %dma_wait3A_139 = arith.constant 0 : i32
        %dma_wait3A_140 = tpu.memref_slice %dma_wait3A_138[%add3A_123, %dma_wait3A_139] : memref<125x80xi32, #tpu.memory_space<hbm>> -> memref<1x80xi32, #tpu.memory_space<hbm>>
        tpu.wait_dma2 semaphore(%arg21 : memref<!tpu.dma_semaphore, #tpu.memory_space<semaphore_mem>>) src(%dma_wait3A_140 : memref<1x80xi32, #tpu.memory_space<hbm>>) dst(%arg13 : memref<1x80xi32, #tpu.memory_space<vmem>>)
        %dma_wait3A_141 = arith.constant 0 : i32
        %dma_wait3A_142 = tpu.memref_slice %arg2[%add3A_128, %dma_wait3A_141] : memref<320000x128xf32, #tpu.memory_space<hbm>> -> memref<80x128xf32, #tpu.memory_space<hbm>>
        %dma_wait3A_143 = arith.constant 0 : i32
        %dma_wait3A_144 = tpu.memref_slice %arg2[%add3A_128, %dma_wait3A_143] : memref<320000x128xf32, #tpu.memory_space<hbm>> -> memref<80x128xf32, #tpu.memory_space<hbm>>
        tpu.wait_dma2 semaphore(%arg21 : memref<!tpu.dma_semaphore, #tpu.memory_space<semaphore_mem>>) src(%dma_wait3A_144 : memref<80x128xf32, #tpu.memory_space<hbm>>) dst(%arg15 : memref<80x128xf32, #tpu.memory_space<vmem>>)
        %dma_wait3A_145 = arith.constant 0 : i32
        %dma_wait3A_146 = tpu.memref_slice %arg4[%add3A_128, %dma_wait3A_145] : memref<320000x16xf32, #tpu.memory_space<hbm>> -> memref<80x16xf32, #tpu.memory_space<hbm>>
        %dma_wait3A_147 = arith.constant 0 : i32
        %dma_wait3A_148 = tpu.memref_slice %arg4[%add3A_128, %dma_wait3A_147] : memref<320000x16xf32, #tpu.memory_space<hbm>> -> memref<80x16xf32, #tpu.memory_space<hbm>>
        tpu.wait_dma2 semaphore(%arg21 : memref<!tpu.dma_semaphore, #tpu.memory_space<semaphore_mem>>) src(%dma_wait3A_148 : memref<80x16xf32, #tpu.memory_space<hbm>>) dst(%arg17 : memref<80x16xf32, #tpu.memory_space<vmem>>)
        %run_scoped3A_149 = arith.constant 0 : i32
        "tpu.region"() ({
          %run_scoped3A_151 = tpu.sem_alloc : memref<!tpu.dma_semaphore, #tpu.memory_space<semaphore_mem>>
          %dma_start3A_152 = arith.constant 0 : i32
          %dma_start3A_153 = tpu.memref_slice %arg13[%run_scoped3A_149, %dma_start3A_152] : memref<1x80xi32, #tpu.memory_space<vmem>> -> memref<1x80xi32, #tpu.memory_space<vmem>>
          %dma_start3A_154 = tpu.memref_squeeze %dma_start3A_153 : memref<1x80xi32, #tpu.memory_space<vmem>> -> memref<80xi32, #tpu.memory_space<vmem>>
          %dma_start3A_155 = arith.constant 0 : i32
          %dma_start3A_156 = arith.constant 0 : i32
          %dma_start3A_157 = tpu.memref_slice %arg18[%dma_start3A_155, %dma_start3A_156] : memref<10240x128xf32, #tpu.memory_space<vmem_shared>> -> memref<10240x128xf32, #tpu.memory_space<vmem_shared>>
          tpu.enqueue_indirect_dma source(%arg15 : memref<80x128xf32, #tpu.memory_space<vmem>>) target(%dma_start3A_157 : memref<10240x128xf32, #tpu.memory_space<vmem_shared>>) offsets(%dma_start3A_154 : memref<80xi32, #tpu.memory_space<vmem>>) semaphore(%run_scoped3A_151 : memref<!tpu.dma_semaphore, #tpu.memory_space<semaphore_mem>>) {add = true}
          %dma_wait3A_158 = arith.constant 0 : i32
          %dma_wait3A_159 = tpu.memref_slice %arg13[%run_scoped3A_149, %dma_wait3A_158] : memref<1x80xi32, #tpu.memory_space<vmem>> -> memref<1x80xi32, #tpu.memory_space<vmem>>
          %dma_wait3A_160 = tpu.memref_squeeze %dma_wait3A_159 : memref<1x80xi32, #tpu.memory_space<vmem>> -> memref<80xi32, #tpu.memory_space<vmem>>
          %dma_wait3A_161 = arith.constant 0 : i32
          %dma_wait3A_162 = arith.constant 0 : i32
          %dma_wait3A_163 = tpu.memref_slice %arg18[%dma_wait3A_161, %dma_wait3A_162] : memref<10240x128xf32, #tpu.memory_space<vmem_shared>> -> memref<10240x128xf32, #tpu.memory_space<vmem_shared>>
          tpu.wait_indirect_dma semaphore(%run_scoped3A_151 : memref<!tpu.dma_semaphore, #tpu.memory_space<semaphore_mem>>) src(%arg15 : memref<80x128xf32, #tpu.memory_space<vmem>>) dst(%dma_wait3A_163 : memref<10240x128xf32, #tpu.memory_space<vmem_shared>>)
          tpu.yield
        }) : () -> ()
        %run_scoped3A_150 = arith.constant 0 : i32
        "tpu.region"() ({
          %run_scoped3A_151 = tpu.sem_alloc : memref<!tpu.dma_semaphore, #tpu.memory_space<semaphore_mem>>
          %dma_start3A_152 = arith.constant 0 : i32
          %dma_start3A_153 = tpu.memref_slice %arg13[%run_scoped3A_150, %dma_start3A_152] : memref<1x80xi32, #tpu.memory_space<vmem>> -> memref<1x80xi32, #tpu.memory_space<vmem>>
          %dma_start3A_154 = tpu.memref_squeeze %dma_start3A_153 : memref<1x80xi32, #tpu.memory_space<vmem>> -> memref<80xi32, #tpu.memory_space<vmem>>
          %dma_start3A_155 = arith.constant 0 : i32
          %dma_start3A_156 = arith.constant 0 : i32
          %dma_start3A_157 = tpu.memref_slice %arg19[%dma_start3A_155, %dma_start3A_156] : memref<10240x16xf32, #tpu.memory_space<vmem_shared>> -> memref<10240x16xf32, #tpu.memory_space<vmem_shared>>
          tpu.enqueue_indirect_dma source(%arg17 : memref<80x16xf32, #tpu.memory_space<vmem>>) target(%dma_start3A_157 : memref<10240x16xf32, #tpu.memory_space<vmem_shared>>) offsets(%dma_start3A_154 : memref<80xi32, #tpu.memory_space<vmem>>) semaphore(%run_scoped3A_151 : memref<!tpu.dma_semaphore, #tpu.memory_space<semaphore_mem>>) {add = true}
          %dma_wait3A_158 = arith.constant 0 : i32
          %dma_wait3A_159 = tpu.memref_slice %arg13[%run_scoped3A_150, %dma_wait3A_158] : memref<1x80xi32, #tpu.memory_space<vmem>> -> memref<1x80xi32, #tpu.memory_space<vmem>>
          %dma_wait3A_160 = tpu.memref_squeeze %dma_wait3A_159 : memref<1x80xi32, #tpu.memory_space<vmem>> -> memref<80xi32, #tpu.memory_space<vmem>>
          %dma_wait3A_161 = arith.constant 0 : i32
          %dma_wait3A_162 = arith.constant 0 : i32
          %dma_wait3A_163 = tpu.memref_slice %arg19[%dma_wait3A_161, %dma_wait3A_162] : memref<10240x16xf32, #tpu.memory_space<vmem_shared>> -> memref<10240x16xf32, #tpu.memory_space<vmem_shared>>
          tpu.wait_indirect_dma semaphore(%run_scoped3A_151 : memref<!tpu.dma_semaphore, #tpu.memory_space<semaphore_mem>>) src(%arg17 : memref<80x16xf32, #tpu.memory_space<vmem>>) dst(%dma_wait3A_163 : memref<10240x16xf32, #tpu.memory_space<vmem_shared>>)
          tpu.yield
        }) : () -> ()
      } else {
      }
    }
    %scan3A_34 = arith.constant 63 : i32
    %mul3A_35 = arith.constant 10000 : i32
    %mul3A_36 = arith.muli %add3A, %mul3A_35 : i32
    %add3A_37 = arith.constant 0 : i32
    %add3A_38 = arith.addi %mul3A_36, %add3A_37 : i32
    %dma_start3A_39 = arith.constant 0 : i32
    %dma_start3A_40 = arith.constant 0 : i32
    %dma_start3A_41 = tpu.memref_slice %arg7[%add3A, %dma_start3A_39, %dma_start3A_40] : memref<32x125x80xi32, #tpu.memory_space<hbm>> -> memref<1x125x80xi32, #tpu.memory_space<hbm>>
    %dma_start3A_42 = tpu.memref_squeeze %dma_start3A_41 : memref<1x125x80xi32, #tpu.memory_space<hbm>> -> memref<125x80xi32, #tpu.memory_space<hbm>>
    %dma_start3A_43 = arith.constant 0 : i32
    %dma_start3A_44 = arith.constant 0 : i32
    %dma_start3A_45 = tpu.memref_slice %dma_start3A_42[%dma_start3A_43, %dma_start3A_44] : memref<125x80xi32, #tpu.memory_space<hbm>> -> memref<1x80xi32, #tpu.memory_space<hbm>>
    %dma_start3A_46 = arith.constant 0 : i32
    %dma_start3A_47 = arith.constant 0 : i32
    %dma_start3A_48 = tpu.memref_slice %arg7[%add3A, %dma_start3A_46, %dma_start3A_47] : memref<32x125x80xi32, #tpu.memory_space<hbm>> -> memref<1x125x80xi32, #tpu.memory_space<hbm>>
    %dma_start3A_49 = tpu.memref_squeeze %dma_start3A_48 : memref<1x125x80xi32, #tpu.memory_space<hbm>> -> memref<125x80xi32, #tpu.memory_space<hbm>>
    %dma_start3A_50 = arith.constant 0 : i32
    %dma_start3A_51 = arith.constant 0 : i32
    %dma_start3A_52 = tpu.memref_slice %dma_start3A_49[%dma_start3A_50, %dma_start3A_51] : memref<125x80xi32, #tpu.memory_space<hbm>> -> memref<1x80xi32, #tpu.memory_space<hbm>>
    tpu.enqueue_dma source(%dma_start3A_52 : memref<1x80xi32, #tpu.memory_space<hbm>>) target(%arg12 : memref<1x80xi32, #tpu.memory_space<vmem>>) target_semaphore(%arg20 : memref<!tpu.dma_semaphore, #tpu.memory_space<semaphore_mem>>)
    %dma_start3A_53 = arith.constant 0 : i32
    %dma_start3A_54 = tpu.memref_slice %arg3[%add3A_38, %dma_start3A_53] : memref<320000x128xf32, #tpu.memory_space<hbm>> -> memref<80x128xf32, #tpu.memory_space<hbm>>
    %dma_start3A_55 = arith.constant 0 : i32
    %dma_start3A_56 = tpu.memref_slice %arg3[%add3A_38, %dma_start3A_55] : memref<320000x128xf32, #tpu.memory_space<hbm>> -> memref<80x128xf32, #tpu.memory_space<hbm>>
    tpu.enqueue_dma source(%dma_start3A_56 : memref<80x128xf32, #tpu.memory_space<hbm>>) target(%arg14 : memref<80x128xf32, #tpu.memory_space<vmem>>) target_semaphore(%arg20 : memref<!tpu.dma_semaphore, #tpu.memory_space<semaphore_mem>>)
    %dma_start3A_57 = arith.constant 0 : i32
    %dma_start3A_58 = tpu.memref_slice %arg5[%add3A_38, %dma_start3A_57] : memref<320000x16xf32, #tpu.memory_space<hbm>> -> memref<80x16xf32, #tpu.memory_space<hbm>>
    %dma_start3A_59 = arith.constant 0 : i32
    %dma_start3A_60 = tpu.memref_slice %arg5[%add3A_38, %dma_start3A_59] : memref<320000x16xf32, #tpu.memory_space<hbm>> -> memref<80x16xf32, #tpu.memory_space<hbm>>
    tpu.enqueue_dma source(%dma_start3A_60 : memref<80x16xf32, #tpu.memory_space<hbm>>) target(%arg16 : memref<80x16xf32, #tpu.memory_space<vmem>>) target_semaphore(%arg20 : memref<!tpu.dma_semaphore, #tpu.memory_space<semaphore_mem>>)
    %scan3A_61 = arith.constant 0 : i32
    %scan3A_62 = arith.constant 0 : i32
    %scan3A_63 = arith.constant 63 : i32
    %scan3A_64 = arith.addi %scan3A_62, %scan3A_63 : i32
    %scan3A_65 = arith.constant 1 : i32
    scf.for %scan3A_76 = %scan3A_62 to %scan3A_64 step %scan3A_65  : i32 {
      %mul3A_77 = arith.constant 2 : i32
      %mul3A_78 = arith.muli %mul3A_77, %scan3A_76 : i32
      %add3A_79 = arith.constant 1 : i32
      %add3A_80 = arith.addi %mul3A_78, %add3A_79 : i32
      %lt3A = arith.constant 125 : i32
      %lt3A_81 = arith.cmpi slt, %add3A_80, %lt3A : i32
      %convert_element_type3A = arith.extui %lt3A_81 : i1 to i32
      %cond3A = arith.constant 0 : i32
      %cond3A_82 = arith.cmpi ne, %convert_element_type3A, %cond3A : i32
      scf.if %cond3A_82 {
        %add3A_122 = arith.constant 1 : i32
        %add3A_123 = arith.addi %mul3A_78, %add3A_122 : i32
        %mul3A_124 = arith.constant 10000 : i32
        %mul3A_125 = arith.muli %add3A, %mul3A_124 : i32
        %mul3A_126 = arith.constant 80 : i32
        %mul3A_127 = arith.muli %add3A_123, %mul3A_126 : i32
        %add3A_128 = arith.addi %mul3A_125, %mul3A_127 : i32
        %dma_start3A_129 = arith.constant 0 : i32
        %dma_start3A_130 = arith.constant 0 : i32
        %dma_start3A_131 = tpu.memref_slice %arg7[%add3A, %dma_start3A_129, %dma_start3A_130] : memref<32x125x80xi32, #tpu.memory_space<hbm>> -> memref<1x125x80xi32, #tpu.memory_space<hbm>>
        %dma_start3A_132 = tpu.memref_squeeze %dma_start3A_131 : memref<1x125x80xi32, #tpu.memory_space<hbm>> -> memref<125x80xi32, #tpu.memory_space<hbm>>
        %dma_start3A_133 = arith.constant 0 : i32
        %dma_start3A_134 = tpu.memref_slice %dma_start3A_132[%add3A_123, %dma_start3A_133] : memref<125x80xi32, #tpu.memory_space<hbm>> -> memref<1x80xi32, #tpu.memory_space<hbm>>
        %dma_start3A_135 = arith.constant 0 : i32
        %dma_start3A_136 = arith.constant 0 : i32
        %dma_start3A_137 = tpu.memref_slice %arg7[%add3A, %dma_start3A_135, %dma_start3A_136] : memref<32x125x80xi32, #tpu.memory_space<hbm>> -> memref<1x125x80xi32, #tpu.memory_space<hbm>>
        %dma_start3A_138 = tpu.memref_squeeze %dma_start3A_137 : memref<1x125x80xi32, #tpu.memory_space<hbm>> -> memref<125x80xi32, #tpu.memory_space<hbm>>
        %dma_start3A_139 = arith.constant 0 : i32
        %dma_start3A_140 = tpu.memref_slice %dma_start3A_138[%add3A_123, %dma_start3A_139] : memref<125x80xi32, #tpu.memory_space<hbm>> -> memref<1x80xi32, #tpu.memory_space<hbm>>
        tpu.enqueue_dma source(%dma_start3A_140 : memref<1x80xi32, #tpu.memory_space<hbm>>) target(%arg13 : memref<1x80xi32, #tpu.memory_space<vmem>>) target_semaphore(%arg21 : memref<!tpu.dma_semaphore, #tpu.memory_space<semaphore_mem>>)
        %dma_start3A_141 = arith.constant 0 : i32
        %dma_start3A_142 = tpu.memref_slice %arg3[%add3A_128, %dma_start3A_141] : memref<320000x128xf32, #tpu.memory_space<hbm>> -> memref<80x128xf32, #tpu.memory_space<hbm>>
        %dma_start3A_143 = arith.constant 0 : i32
        %dma_start3A_144 = tpu.memref_slice %arg3[%add3A_128, %dma_start3A_143] : memref<320000x128xf32, #tpu.memory_space<hbm>> -> memref<80x128xf32, #tpu.memory_space<hbm>>
        tpu.enqueue_dma source(%dma_start3A_144 : memref<80x128xf32, #tpu.memory_space<hbm>>) target(%arg15 : memref<80x128xf32, #tpu.memory_space<vmem>>) target_semaphore(%arg21 : memref<!tpu.dma_semaphore, #tpu.memory_space<semaphore_mem>>)
        %dma_start3A_145 = arith.constant 0 : i32
        %dma_start3A_146 = tpu.memref_slice %arg5[%add3A_128, %dma_start3A_145] : memref<320000x16xf32, #tpu.memory_space<hbm>> -> memref<80x16xf32, #tpu.memory_space<hbm>>
        %dma_start3A_147 = arith.constant 0 : i32
        %dma_start3A_148 = tpu.memref_slice %arg5[%add3A_128, %dma_start3A_147] : memref<320000x16xf32, #tpu.memory_space<hbm>> -> memref<80x16xf32, #tpu.memory_space<hbm>>
        tpu.enqueue_dma source(%dma_start3A_148 : memref<80x16xf32, #tpu.memory_space<hbm>>) target(%arg17 : memref<80x16xf32, #tpu.memory_space<vmem>>) target_semaphore(%arg21 : memref<!tpu.dma_semaphore, #tpu.memory_space<semaphore_mem>>)
      } else {
      }
      %mul3A_83 = arith.constant 10000 : i32
      %mul3A_84 = arith.muli %add3A, %mul3A_83 : i32
      %mul3A_85 = arith.constant 80 : i32
      %mul3A_86 = arith.muli %mul3A_78, %mul3A_85 : i32
      %add3A_87 = arith.addi %mul3A_84, %mul3A_86 : i32
      %dma_wait3A = arith.constant 0 : i32
      %dma_wait3A_88 = arith.constant 0 : i32
      %dma_wait3A_89 = tpu.memref_slice %arg7[%add3A, %dma_wait3A, %dma_wait3A_88] : memref<32x125x80xi32, #tpu.memory_space<hbm>> -> memref<1x125x80xi32, #tpu.memory_space<hbm>>
      %dma_wait3A_90 = tpu.memref_squeeze %dma_wait3A_89 : memref<1x125x80xi32, #tpu.memory_space<hbm>> -> memref<125x80xi32, #tpu.memory_space<hbm>>
      %dma_wait3A_91 = arith.constant 0 : i32
      %dma_wait3A_92 = tpu.memref_slice %dma_wait3A_90[%mul3A_78, %dma_wait3A_91] : memref<125x80xi32, #tpu.memory_space<hbm>> -> memref<1x80xi32, #tpu.memory_space<hbm>>
      %dma_wait3A_93 = arith.constant 0 : i32
      %dma_wait3A_94 = arith.constant 0 : i32
      %dma_wait3A_95 = tpu.memref_slice %arg7[%add3A, %dma_wait3A_93, %dma_wait3A_94] : memref<32x125x80xi32, #tpu.memory_space<hbm>> -> memref<1x125x80xi32, #tpu.memory_space<hbm>>
      %dma_wait3A_96 = tpu.memref_squeeze %dma_wait3A_95 : memref<1x125x80xi32, #tpu.memory_space<hbm>> -> memref<125x80xi32, #tpu.memory_space<hbm>>
      %dma_wait3A_97 = arith.constant 0 : i32
      %dma_wait3A_98 = tpu.memref_slice %dma_wait3A_96[%mul3A_78, %dma_wait3A_97] : memref<125x80xi32, #tpu.memory_space<hbm>> -> memref<1x80xi32, #tpu.memory_space<hbm>>
      tpu.wait_dma2 semaphore(%arg20 : memref<!tpu.dma_semaphore, #tpu.memory_space<semaphore_mem>>) src(%dma_wait3A_98 : memref<1x80xi32, #tpu.memory_space<hbm>>) dst(%arg12 : memref<1x80xi32, #tpu.memory_space<vmem>>)
      %dma_wait3A_99 = arith.constant 0 : i32
      %dma_wait3A_100 = tpu.memref_slice %arg3[%add3A_87, %dma_wait3A_99] : memref<320000x128xf32, #tpu.memory_space<hbm>> -> memref<80x128xf32, #tpu.memory_space<hbm>>
      %dma_wait3A_101 = arith.constant 0 : i32
      %dma_wait3A_102 = tpu.memref_slice %arg3[%add3A_87, %dma_wait3A_101] : memref<320000x128xf32, #tpu.memory_space<hbm>> -> memref<80x128xf32, #tpu.memory_space<hbm>>
      tpu.wait_dma2 semaphore(%arg20 : memref<!tpu.dma_semaphore, #tpu.memory_space<semaphore_mem>>) src(%dma_wait3A_102 : memref<80x128xf32, #tpu.memory_space<hbm>>) dst(%arg14 : memref<80x128xf32, #tpu.memory_space<vmem>>)
      %dma_wait3A_103 = arith.constant 0 : i32
      %dma_wait3A_104 = tpu.memref_slice %arg5[%add3A_87, %dma_wait3A_103] : memref<320000x16xf32, #tpu.memory_space<hbm>> -> memref<80x16xf32, #tpu.memory_space<hbm>>
      %dma_wait3A_105 = arith.constant 0 : i32
      %dma_wait3A_106 = tpu.memref_slice %arg5[%add3A_87, %dma_wait3A_105] : memref<320000x16xf32, #tpu.memory_space<hbm>> -> memref<80x16xf32, #tpu.memory_space<hbm>>
      tpu.wait_dma2 semaphore(%arg20 : memref<!tpu.dma_semaphore, #tpu.memory_space<semaphore_mem>>) src(%dma_wait3A_106 : memref<80x16xf32, #tpu.memory_space<hbm>>) dst(%arg16 : memref<80x16xf32, #tpu.memory_space<vmem>>)
      %run_scoped3A = arith.constant 0 : i32
      "tpu.region"() ({
        %run_scoped3A_122 = tpu.sem_alloc : memref<!tpu.dma_semaphore, #tpu.memory_space<semaphore_mem>>
        %dma_start3A_123 = arith.constant 0 : i32
        %dma_start3A_124 = tpu.memref_slice %arg12[%run_scoped3A, %dma_start3A_123] : memref<1x80xi32, #tpu.memory_space<vmem>> -> memref<1x80xi32, #tpu.memory_space<vmem>>
        %dma_start3A_125 = tpu.memref_squeeze %dma_start3A_124 : memref<1x80xi32, #tpu.memory_space<vmem>> -> memref<80xi32, #tpu.memory_space<vmem>>
        %dma_start3A_126 = arith.constant 0 : i32
        %dma_start3A_127 = arith.constant 0 : i32
        %dma_start3A_128 = tpu.memref_slice %arg18[%dma_start3A_126, %dma_start3A_127] : memref<10240x128xf32, #tpu.memory_space<vmem_shared>> -> memref<10240x128xf32, #tpu.memory_space<vmem_shared>>
        tpu.enqueue_indirect_dma source(%arg14 : memref<80x128xf32, #tpu.memory_space<vmem>>) target(%dma_start3A_128 : memref<10240x128xf32, #tpu.memory_space<vmem_shared>>) offsets(%dma_start3A_125 : memref<80xi32, #tpu.memory_space<vmem>>) semaphore(%run_scoped3A_122 : memref<!tpu.dma_semaphore, #tpu.memory_space<semaphore_mem>>) {add = true}
        %dma_wait3A_129 = arith.constant 0 : i32
        %dma_wait3A_130 = tpu.memref_slice %arg12[%run_scoped3A, %dma_wait3A_129] : memref<1x80xi32, #tpu.memory_space<vmem>> -> memref<1x80xi32, #tpu.memory_space<vmem>>
        %dma_wait3A_131 = tpu.memref_squeeze %dma_wait3A_130 : memref<1x80xi32, #tpu.memory_space<vmem>> -> memref<80xi32, #tpu.memory_space<vmem>>
        %dma_wait3A_132 = arith.constant 0 : i32
        %dma_wait3A_133 = arith.constant 0 : i32
        %dma_wait3A_134 = tpu.memref_slice %arg18[%dma_wait3A_132, %dma_wait3A_133] : memref<10240x128xf32, #tpu.memory_space<vmem_shared>> -> memref<10240x128xf32, #tpu.memory_space<vmem_shared>>
        tpu.wait_indirect_dma semaphore(%run_scoped3A_122 : memref<!tpu.dma_semaphore, #tpu.memory_space<semaphore_mem>>) src(%arg14 : memref<80x128xf32, #tpu.memory_space<vmem>>) dst(%dma_wait3A_134 : memref<10240x128xf32, #tpu.memory_space<vmem_shared>>)
        tpu.yield
      }) : () -> ()
      %run_scoped3A_107 = arith.constant 0 : i32
      "tpu.region"() ({
        %run_scoped3A_122 = tpu.sem_alloc : memref<!tpu.dma_semaphore, #tpu.memory_space<semaphore_mem>>
        %dma_start3A_123 = arith.constant 0 : i32
        %dma_start3A_124 = tpu.memref_slice %arg12[%run_scoped3A_107, %dma_start3A_123] : memref<1x80xi32, #tpu.memory_space<vmem>> -> memref<1x80xi32, #tpu.memory_space<vmem>>
        %dma_start3A_125 = tpu.memref_squeeze %dma_start3A_124 : memref<1x80xi32, #tpu.memory_space<vmem>> -> memref<80xi32, #tpu.memory_space<vmem>>
        %dma_start3A_126 = arith.constant 0 : i32
        %dma_start3A_127 = arith.constant 0 : i32
        %dma_start3A_128 = tpu.memref_slice %arg19[%dma_start3A_126, %dma_start3A_127] : memref<10240x16xf32, #tpu.memory_space<vmem_shared>> -> memref<10240x16xf32, #tpu.memory_space<vmem_shared>>
        tpu.enqueue_indirect_dma source(%arg16 : memref<80x16xf32, #tpu.memory_space<vmem>>) target(%dma_start3A_128 : memref<10240x16xf32, #tpu.memory_space<vmem_shared>>) offsets(%dma_start3A_125 : memref<80xi32, #tpu.memory_space<vmem>>) semaphore(%run_scoped3A_122 : memref<!tpu.dma_semaphore, #tpu.memory_space<semaphore_mem>>) {add = true}
        %dma_wait3A_129 = arith.constant 0 : i32
        %dma_wait3A_130 = tpu.memref_slice %arg12[%run_scoped3A_107, %dma_wait3A_129] : memref<1x80xi32, #tpu.memory_space<vmem>> -> memref<1x80xi32, #tpu.memory_space<vmem>>
        %dma_wait3A_131 = tpu.memref_squeeze %dma_wait3A_130 : memref<1x80xi32, #tpu.memory_space<vmem>> -> memref<80xi32, #tpu.memory_space<vmem>>
        %dma_wait3A_132 = arith.constant 0 : i32
        %dma_wait3A_133 = arith.constant 0 : i32
        %dma_wait3A_134 = tpu.memref_slice %arg19[%dma_wait3A_132, %dma_wait3A_133] : memref<10240x16xf32, #tpu.memory_space<vmem_shared>> -> memref<10240x16xf32, #tpu.memory_space<vmem_shared>>
        tpu.wait_indirect_dma semaphore(%run_scoped3A_122 : memref<!tpu.dma_semaphore, #tpu.memory_space<semaphore_mem>>) src(%arg16 : memref<80x16xf32, #tpu.memory_space<vmem>>) dst(%dma_wait3A_134 : memref<10240x16xf32, #tpu.memory_space<vmem_shared>>)
        tpu.yield
      }) : () -> ()
      %add3A_108 = arith.constant 2 : i32
      %add3A_109 = arith.addi %mul3A_78, %add3A_108 : i32
      %lt3A_110 = arith.constant 125 : i32
      %lt3A_111 = arith.cmpi slt, %add3A_109, %lt3A_110 : i32
      %convert_element_type3A_112 = arith.extui %lt3A_111 : i1 to i32
      %cond3A_113 = arith.constant 0 : i32
      %cond3A_114 = arith.cmpi ne, %convert_element_type3A_112, %cond3A_113 : i32
      scf.if %cond3A_114 {
        %add3A_122 = arith.constant 2 : i32
        %add3A_123 = arith.addi %mul3A_78, %add3A_122 : i32
        %mul3A_124 = arith.constant 10000 : i32
        %mul3A_125 = arith.muli %add3A, %mul3A_124 : i32
        %mul3A_126 = arith.constant 80 : i32
        %mul3A_127 = arith.muli %add3A_123, %mul3A_126 : i32
        %add3A_128 = arith.addi %mul3A_125, %mul3A_127 : i32
        %dma_start3A_129 = arith.constant 0 : i32
        %dma_start3A_130 = arith.constant 0 : i32
        %dma_start3A_131 = tpu.memref_slice %arg7[%add3A, %dma_start3A_129, %dma_start3A_130] : memref<32x125x80xi32, #tpu.memory_space<hbm>> -> memref<1x125x80xi32, #tpu.memory_space<hbm>>
        %dma_start3A_132 = tpu.memref_squeeze %dma_start3A_131 : memref<1x125x80xi32, #tpu.memory_space<hbm>> -> memref<125x80xi32, #tpu.memory_space<hbm>>
        %dma_start3A_133 = arith.constant 0 : i32
        %dma_start3A_134 = tpu.memref_slice %dma_start3A_132[%add3A_123, %dma_start3A_133] : memref<125x80xi32, #tpu.memory_space<hbm>> -> memref<1x80xi32, #tpu.memory_space<hbm>>
        %dma_start3A_135 = arith.constant 0 : i32
        %dma_start3A_136 = arith.constant 0 : i32
        %dma_start3A_137 = tpu.memref_slice %arg7[%add3A, %dma_start3A_135, %dma_start3A_136] : memref<32x125x80xi32, #tpu.memory_space<hbm>> -> memref<1x125x80xi32, #tpu.memory_space<hbm>>
        %dma_start3A_138 = tpu.memref_squeeze %dma_start3A_137 : memref<1x125x80xi32, #tpu.memory_space<hbm>> -> memref<125x80xi32, #tpu.memory_space<hbm>>
        %dma_start3A_139 = arith.constant 0 : i32
        %dma_start3A_140 = tpu.memref_slice %dma_start3A_138[%add3A_123, %dma_start3A_139] : memref<125x80xi32, #tpu.memory_space<hbm>> -> memref<1x80xi32, #tpu.memory_space<hbm>>
        tpu.enqueue_dma source(%dma_start3A_140 : memref<1x80xi32, #tpu.memory_space<hbm>>) target(%arg12 : memref<1x80xi32, #tpu.memory_space<vmem>>) target_semaphore(%arg20 : memref<!tpu.dma_semaphore, #tpu.memory_space<semaphore_mem>>)
        %dma_start3A_141 = arith.constant 0 : i32
        %dma_start3A_142 = tpu.memref_slice %arg3[%add3A_128, %dma_start3A_141] : memref<320000x128xf32, #tpu.memory_space<hbm>> -> memref<80x128xf32, #tpu.memory_space<hbm>>
        %dma_start3A_143 = arith.constant 0 : i32
        %dma_start3A_144 = tpu.memref_slice %arg3[%add3A_128, %dma_start3A_143] : memref<320000x128xf32, #tpu.memory_space<hbm>> -> memref<80x128xf32, #tpu.memory_space<hbm>>
        tpu.enqueue_dma source(%dma_start3A_144 : memref<80x128xf32, #tpu.memory_space<hbm>>) target(%arg14 : memref<80x128xf32, #tpu.memory_space<vmem>>) target_semaphore(%arg20 : memref<!tpu.dma_semaphore, #tpu.memory_space<semaphore_mem>>)
        %dma_start3A_145 = arith.constant 0 : i32
        %dma_start3A_146 = tpu.memref_slice %arg5[%add3A_128, %dma_start3A_145] : memref<320000x16xf32, #tpu.memory_space<hbm>> -> memref<80x16xf32, #tpu.memory_space<hbm>>
        %dma_start3A_147 = arith.constant 0 : i32
        %dma_start3A_148 = tpu.memref_slice %arg5[%add3A_128, %dma_start3A_147] : memref<320000x16xf32, #tpu.memory_space<hbm>> -> memref<80x16xf32, #tpu.memory_space<hbm>>
        tpu.enqueue_dma source(%dma_start3A_148 : memref<80x16xf32, #tpu.memory_space<hbm>>) target(%arg16 : memref<80x16xf32, #tpu.memory_space<vmem>>) target_semaphore(%arg20 : memref<!tpu.dma_semaphore, #tpu.memory_space<semaphore_mem>>)
      } else {
      }
      %add3A_115 = arith.constant 1 : i32
      %add3A_116 = arith.addi %mul3A_78, %add3A_115 : i32
      %lt3A_117 = arith.constant 125 : i32
      %lt3A_118 = arith.cmpi slt, %add3A_116, %lt3A_117 : i32
      %convert_element_type3A_119 = arith.extui %lt3A_118 : i1 to i32
      %cond3A_120 = arith.constant 0 : i32
      %cond3A_121 = arith.cmpi ne, %convert_element_type3A_119, %cond3A_120 : i32
      scf.if %cond3A_121 {
        %add3A_122 = arith.constant 1 : i32
        %add3A_123 = arith.addi %mul3A_78, %add3A_122 : i32
        %mul3A_124 = arith.constant 10000 : i32
        %mul3A_125 = arith.muli %add3A, %mul3A_124 : i32
        %mul3A_126 = arith.constant 80 : i32
        %mul3A_127 = arith.muli %add3A_123, %mul3A_126 : i32
        %add3A_128 = arith.addi %mul3A_125, %mul3A_127 : i32
        %dma_wait3A_129 = arith.constant 0 : i32
        %dma_wait3A_130 = arith.constant 0 : i32
        %dma_wait3A_131 = tpu.memref_slice %arg7[%add3A, %dma_wait3A_129, %dma_wait3A_130] : memref<32x125x80xi32, #tpu.memory_space<hbm>> -> memref<1x125x80xi32, #tpu.memory_space<hbm>>
        %dma_wait3A_132 = tpu.memref_squeeze %dma_wait3A_131 : memref<1x125x80xi32, #tpu.memory_space<hbm>> -> memref<125x80xi32, #tpu.memory_space<hbm>>
        %dma_wait3A_133 = arith.constant 0 : i32
        %dma_wait3A_134 = tpu.memref_slice %dma_wait3A_132[%add3A_123, %dma_wait3A_133] : memref<125x80xi32, #tpu.memory_space<hbm>> -> memref<1x80xi32, #tpu.memory_space<hbm>>
        %dma_wait3A_135 = arith.constant 0 : i32
        %dma_wait3A_136 = arith.constant 0 : i32
        %dma_wait3A_137 = tpu.memref_slice %arg7[%add3A, %dma_wait3A_135, %dma_wait3A_136] : memref<32x125x80xi32, #tpu.memory_space<hbm>> -> memref<1x125x80xi32, #tpu.memory_space<hbm>>
        %dma_wait3A_138 = tpu.memref_squeeze %dma_wait3A_137 : memref<1x125x80xi32, #tpu.memory_space<hbm>> -> memref<125x80xi32, #tpu.memory_space<hbm>>
        %dma_wait3A_139 = arith.constant 0 : i32
        %dma_wait3A_140 = tpu.memref_slice %dma_wait3A_138[%add3A_123, %dma_wait3A_139] : memref<125x80xi32, #tpu.memory_space<hbm>> -> memref<1x80xi32, #tpu.memory_space<hbm>>
        tpu.wait_dma2 semaphore(%arg21 : memref<!tpu.dma_semaphore, #tpu.memory_space<semaphore_mem>>) src(%dma_wait3A_140 : memref<1x80xi32, #tpu.memory_space<hbm>>) dst(%arg13 : memref<1x80xi32, #tpu.memory_space<vmem>>)
        %dma_wait3A_141 = arith.constant 0 : i32
        %dma_wait3A_142 = tpu.memref_slice %arg3[%add3A_128, %dma_wait3A_141] : memref<320000x128xf32, #tpu.memory_space<hbm>> -> memref<80x128xf32, #tpu.memory_space<hbm>>
        %dma_wait3A_143 = arith.constant 0 : i32
        %dma_wait3A_144 = tpu.memref_slice %arg3[%add3A_128, %dma_wait3A_143] : memref<320000x128xf32, #tpu.memory_space<hbm>> -> memref<80x128xf32, #tpu.memory_space<hbm>>
        tpu.wait_dma2 semaphore(%arg21 : memref<!tpu.dma_semaphore, #tpu.memory_space<semaphore_mem>>) src(%dma_wait3A_144 : memref<80x128xf32, #tpu.memory_space<hbm>>) dst(%arg15 : memref<80x128xf32, #tpu.memory_space<vmem>>)
        %dma_wait3A_145 = arith.constant 0 : i32
        %dma_wait3A_146 = tpu.memref_slice %arg5[%add3A_128, %dma_wait3A_145] : memref<320000x16xf32, #tpu.memory_space<hbm>> -> memref<80x16xf32, #tpu.memory_space<hbm>>
        %dma_wait3A_147 = arith.constant 0 : i32
        %dma_wait3A_148 = tpu.memref_slice %arg5[%add3A_128, %dma_wait3A_147] : memref<320000x16xf32, #tpu.memory_space<hbm>> -> memref<80x16xf32, #tpu.memory_space<hbm>>
        tpu.wait_dma2 semaphore(%arg21 : memref<!tpu.dma_semaphore, #tpu.memory_space<semaphore_mem>>) src(%dma_wait3A_148 : memref<80x16xf32, #tpu.memory_space<hbm>>) dst(%arg17 : memref<80x16xf32, #tpu.memory_space<vmem>>)
        %run_scoped3A_149 = arith.constant 0 : i32
        "tpu.region"() ({
          %run_scoped3A_151 = tpu.sem_alloc : memref<!tpu.dma_semaphore, #tpu.memory_space<semaphore_mem>>
          %dma_start3A_152 = arith.constant 0 : i32
          %dma_start3A_153 = tpu.memref_slice %arg13[%run_scoped3A_149, %dma_start3A_152] : memref<1x80xi32, #tpu.memory_space<vmem>> -> memref<1x80xi32, #tpu.memory_space<vmem>>
          %dma_start3A_154 = tpu.memref_squeeze %dma_start3A_153 : memref<1x80xi32, #tpu.memory_space<vmem>> -> memref<80xi32, #tpu.memory_space<vmem>>
          %dma_start3A_155 = arith.constant 0 : i32
          %dma_start3A_156 = arith.constant 0 : i32
          %dma_start3A_157 = tpu.memref_slice %arg18[%dma_start3A_155, %dma_start3A_156] : memref<10240x128xf32, #tpu.memory_space<vmem_shared>> -> memref<10240x128xf32, #tpu.memory_space<vmem_shared>>
          tpu.enqueue_indirect_dma source(%arg15 : memref<80x128xf32, #tpu.memory_space<vmem>>) target(%dma_start3A_157 : memref<10240x128xf32, #tpu.memory_space<vmem_shared>>) offsets(%dma_start3A_154 : memref<80xi32, #tpu.memory_space<vmem>>) semaphore(%run_scoped3A_151 : memref<!tpu.dma_semaphore, #tpu.memory_space<semaphore_mem>>) {add = true}
          %dma_wait3A_158 = arith.constant 0 : i32
          %dma_wait3A_159 = tpu.memref_slice %arg13[%run_scoped3A_149, %dma_wait3A_158] : memref<1x80xi32, #tpu.memory_space<vmem>> -> memref<1x80xi32, #tpu.memory_space<vmem>>
          %dma_wait3A_160 = tpu.memref_squeeze %dma_wait3A_159 : memref<1x80xi32, #tpu.memory_space<vmem>> -> memref<80xi32, #tpu.memory_space<vmem>>
          %dma_wait3A_161 = arith.constant 0 : i32
          %dma_wait3A_162 = arith.constant 0 : i32
          %dma_wait3A_163 = tpu.memref_slice %arg18[%dma_wait3A_161, %dma_wait3A_162] : memref<10240x128xf32, #tpu.memory_space<vmem_shared>> -> memref<10240x128xf32, #tpu.memory_space<vmem_shared>>
          tpu.wait_indirect_dma semaphore(%run_scoped3A_151 : memref<!tpu.dma_semaphore, #tpu.memory_space<semaphore_mem>>) src(%arg15 : memref<80x128xf32, #tpu.memory_space<vmem>>) dst(%dma_wait3A_163 : memref<10240x128xf32, #tpu.memory_space<vmem_shared>>)
          tpu.yield
        }) : () -> ()
        %run_scoped3A_150 = arith.constant 0 : i32
        "tpu.region"() ({
          %run_scoped3A_151 = tpu.sem_alloc : memref<!tpu.dma_semaphore, #tpu.memory_space<semaphore_mem>>
          %dma_start3A_152 = arith.constant 0 : i32
          %dma_start3A_153 = tpu.memref_slice %arg13[%run_scoped3A_150, %dma_start3A_152] : memref<1x80xi32, #tpu.memory_space<vmem>> -> memref<1x80xi32, #tpu.memory_space<vmem>>
          %dma_start3A_154 = tpu.memref_squeeze %dma_start3A_153 : memref<1x80xi32, #tpu.memory_space<vmem>> -> memref<80xi32, #tpu.memory_space<vmem>>
          %dma_start3A_155 = arith.constant 0 : i32
          %dma_start3A_156 = arith.constant 0 : i32
          %dma_start3A_157 = tpu.memref_slice %arg19[%dma_start3A_155, %dma_start3A_156] : memref<10240x16xf32, #tpu.memory_space<vmem_shared>> -> memref<10240x16xf32, #tpu.memory_space<vmem_shared>>
          tpu.enqueue_indirect_dma source(%arg17 : memref<80x16xf32, #tpu.memory_space<vmem>>) target(%dma_start3A_157 : memref<10240x16xf32, #tpu.memory_space<vmem_shared>>) offsets(%dma_start3A_154 : memref<80xi32, #tpu.memory_space<vmem>>) semaphore(%run_scoped3A_151 : memref<!tpu.dma_semaphore, #tpu.memory_space<semaphore_mem>>) {add = true}
          %dma_wait3A_158 = arith.constant 0 : i32
          %dma_wait3A_159 = tpu.memref_slice %arg13[%run_scoped3A_150, %dma_wait3A_158] : memref<1x80xi32, #tpu.memory_space<vmem>> -> memref<1x80xi32, #tpu.memory_space<vmem>>
          %dma_wait3A_160 = tpu.memref_squeeze %dma_wait3A_159 : memref<1x80xi32, #tpu.memory_space<vmem>> -> memref<80xi32, #tpu.memory_space<vmem>>
          %dma_wait3A_161 = arith.constant 0 : i32
          %dma_wait3A_162 = arith.constant 0 : i32
          %dma_wait3A_163 = tpu.memref_slice %arg19[%dma_wait3A_161, %dma_wait3A_162] : memref<10240x16xf32, #tpu.memory_space<vmem_shared>> -> memref<10240x16xf32, #tpu.memory_space<vmem_shared>>
          tpu.wait_indirect_dma semaphore(%run_scoped3A_151 : memref<!tpu.dma_semaphore, #tpu.memory_space<semaphore_mem>>) src(%arg17 : memref<80x16xf32, #tpu.memory_space<vmem>>) dst(%dma_wait3A_163 : memref<10240x16xf32, #tpu.memory_space<vmem_shared>>)
          tpu.yield
        }) : () -> ()
      } else {
      }
    }
    %scan3A_66 = arith.constant 63 : i32
    %barrier3A_67 = arith.constant 0 : index
    tpu.barrier barrier_id(%barrier3A_67)
    %mul3A_68 = arith.constant 640 : i32
    %mul3A_69 = arith.muli %arg1, %mul3A_68 : i32
    %mul3A_70 = arith.constant 640 : i32
    %mul3A_71 = arith.muli %arg1, %mul3A_70 : i32
    "tpu.region"() ({
      %run_scoped3A = tpu.sem_alloc : memref<!tpu.dma_semaphore, #tpu.memory_space<semaphore_mem>>
      %dma_start3A_76 = arith.constant 0 : i32
      %dma_start3A_77 = arith.constant 0 : i32
      %dma_start3A_78 = tpu.memref_slice %arg10[%arg0, %dma_start3A_76, %dma_start3A_77] : memref<2x10240x128xf32, #tpu.memory_space<hbm>> -> memref<1x10240x128xf32, #tpu.memory_space<hbm>>
      %dma_start3A_79 = tpu.memref_squeeze %dma_start3A_78 : memref<1x10240x128xf32, #tpu.memory_space<hbm>> -> memref<10240x128xf32, #tpu.memory_space<hbm>>
      %dma_start3A_80 = arith.constant 0 : i32
      %dma_start3A_81 = tpu.memref_slice %dma_start3A_79[%mul3A_71, %dma_start3A_80] : memref<10240x128xf32, #tpu.memory_space<hbm>> -> memref<640x128xf32, #tpu.memory_space<hbm>>
      %dma_start3A_82 = arith.constant 0 : i32
      %dma_start3A_83 = tpu.memref_slice %arg18[%mul3A_69, %dma_start3A_82] : memref<10240x128xf32, #tpu.memory_space<vmem_shared>> -> memref<640x128xf32, #tpu.memory_space<vmem_shared>>
      tpu.enqueue_dma source(%dma_start3A_83 : memref<640x128xf32, #tpu.memory_space<vmem_shared>>) target(%dma_start3A_81 : memref<640x128xf32, #tpu.memory_space<hbm>>) target_semaphore(%run_scoped3A : memref<!tpu.dma_semaphore, #tpu.memory_space<semaphore_mem>>)
      %dma_wait3A = arith.constant 0 : i32
      %dma_wait3A_84 = arith.constant 0 : i32
      %dma_wait3A_85 = tpu.memref_slice %arg10[%arg0, %dma_wait3A, %dma_wait3A_84] : memref<2x10240x128xf32, #tpu.memory_space<hbm>> -> memref<1x10240x128xf32, #tpu.memory_space<hbm>>
      %dma_wait3A_86 = tpu.memref_squeeze %dma_wait3A_85 : memref<1x10240x128xf32, #tpu.memory_space<hbm>> -> memref<10240x128xf32, #tpu.memory_space<hbm>>
      %dma_wait3A_87 = arith.constant 0 : i32
      %dma_wait3A_88 = tpu.memref_slice %dma_wait3A_86[%mul3A_71, %dma_wait3A_87] : memref<10240x128xf32, #tpu.memory_space<hbm>> -> memref<640x128xf32, #tpu.memory_space<hbm>>
      %dma_wait3A_89 = arith.constant 0 : i32
      %dma_wait3A_90 = tpu.memref_slice %arg18[%mul3A_69, %dma_wait3A_89] : memref<10240x128xf32, #tpu.memory_space<vmem_shared>> -> memref<640x128xf32, #tpu.memory_space<vmem_shared>>
      tpu.wait_dma2 semaphore(%run_scoped3A : memref<!tpu.dma_semaphore, #tpu.memory_space<semaphore_mem>>) src(%dma_wait3A_90 : memref<640x128xf32, #tpu.memory_space<vmem_shared>>) dst(%dma_wait3A_88 : memref<640x128xf32, #tpu.memory_space<hbm>>)
      tpu.yield
    }) : () -> ()
    %mul3A_72 = arith.constant 640 : i32
    %mul3A_73 = arith.muli %arg1, %mul3A_72 : i32
    %mul3A_74 = arith.constant 640 : i32
    %mul3A_75 = arith.muli %arg1, %mul3A_74 : i32
    "tpu.region"() ({
      %run_scoped3A = tpu.sem_alloc : memref<!tpu.dma_semaphore, #tpu.memory_space<semaphore_mem>>
      %dma_start3A_76 = arith.constant 0 : i32
      %dma_start3A_77 = arith.constant 0 : i32
      %dma_start3A_78 = tpu.memref_slice %arg11[%arg0, %dma_start3A_76, %dma_start3A_77] : memref<2x10240x16xf32, #tpu.memory_space<hbm>> -> memref<1x10240x16xf32, #tpu.memory_space<hbm>>
      %dma_start3A_79 = tpu.memref_squeeze %dma_start3A_78 : memref<1x10240x16xf32, #tpu.memory_space<hbm>> -> memref<10240x16xf32, #tpu.memory_space<hbm>>
      %dma_start3A_80 = arith.constant 0 : i32
      %dma_start3A_81 = tpu.memref_slice %dma_start3A_79[%mul3A_75, %dma_start3A_80] : memref<10240x16xf32, #tpu.memory_space<hbm>> -> memref<640x16xf32, #tpu.memory_space<hbm>>
      %dma_start3A_82 = arith.constant 0 : i32
      %dma_start3A_83 = tpu.memref_slice %arg19[%mul3A_73, %dma_start3A_82] : memref<10240x16xf32, #tpu.memory_space<vmem_shared>> -> memref<640x16xf32, #tpu.memory_space<vmem_shared>>
      tpu.enqueue_dma source(%dma_start3A_83 : memref<640x16xf32, #tpu.memory_space<vmem_shared>>) target(%dma_start3A_81 : memref<640x16xf32, #tpu.memory_space<hbm>>) target_semaphore(%run_scoped3A : memref<!tpu.dma_semaphore, #tpu.memory_space<semaphore_mem>>)
      %dma_wait3A = arith.constant 0 : i32
      %dma_wait3A_84 = arith.constant 0 : i32
      %dma_wait3A_85 = tpu.memref_slice %arg11[%arg0, %dma_wait3A, %dma_wait3A_84] : memref<2x10240x16xf32, #tpu.memory_space<hbm>> -> memref<1x10240x16xf32, #tpu.memory_space<hbm>>
      %dma_wait3A_86 = tpu.memref_squeeze %dma_wait3A_85 : memref<1x10240x16xf32, #tpu.memory_space<hbm>> -> memref<10240x16xf32, #tpu.memory_space<hbm>>
      %dma_wait3A_87 = arith.constant 0 : i32
      %dma_wait3A_88 = tpu.memref_slice %dma_wait3A_86[%mul3A_75, %dma_wait3A_87] : memref<10240x16xf32, #tpu.memory_space<hbm>> -> memref<640x16xf32, #tpu.memory_space<hbm>>
      %dma_wait3A_89 = arith.constant 0 : i32
      %dma_wait3A_90 = tpu.memref_slice %arg19[%mul3A_73, %dma_wait3A_89] : memref<10240x16xf32, #tpu.memory_space<vmem_shared>> -> memref<640x16xf32, #tpu.memory_space<vmem_shared>>
      tpu.wait_dma2 semaphore(%run_scoped3A : memref<!tpu.dma_semaphore, #tpu.memory_space<semaphore_mem>>) src(%dma_wait3A_90 : memref<640x16xf32, #tpu.memory_space<vmem_shared>>) dst(%dma_wait3A_88 : memref<640x16xf32, #tpu.memory_space<hbm>>)
      tpu.yield
    }) : () -> ()
    return
  }
}

#map = affine_map<(d0, d1) -> (0, 0)>
#map1 = affine_map<(d0, d1) -> (0, 0, 0)>
module attributes {stable_mosaic.version = 14 : i64} {
  func.func @_sc_gather_body(%arg0: i32, %arg1: i32, %arg2: memref<10000x64xf32, #tpu.memory_space<hbm>>, %arg3: memref<32x250x80xi32, #tpu.memory_space<hbm>>, %arg4: memref<32x250x80xi32, #tpu.memory_space<hbm>>, %arg5: memref<320000x128xf32, #tpu.memory_space<hbm>>, %arg6: memref<320000x128xf32, #tpu.memory_space<hbm>>, %arg7: memref<250x80xi32, #tpu.memory_space<vmem>>, %arg8: memref<250x80xi32, #tpu.memory_space<vmem>>, %arg9: memref<80x64xf32, #tpu.memory_space<vmem>>, %arg10: memref<80x64xf32, #tpu.memory_space<vmem>>, %arg11: memref<80x64xf32, #tpu.memory_space<vmem>>, %arg12: memref<80x64xf32, #tpu.memory_space<vmem>>, %arg13: memref<!tpu.dma_semaphore, #tpu.memory_space<semaphore_mem>>, %arg14: memref<!tpu.dma_semaphore, #tpu.memory_space<semaphore_mem>>) attributes {dimension_semantics = [#tpu.dimension_semantics<core_parallel>, #tpu.dimension_semantics<subcore_parallel>], iteration_bounds = array<i64: 2, 16>, scalar_prefetch = 0 : i64, scratch_operands = 8 : i64, tpu.core_type = #tpu.core_type<sc_vector_subcore>, window_params = [{transform_indices = #map}, {transform_indices = #map1}, {transform_indices = #map1}, {transform_indices = #map}, {transform_indices = #map}]} {
    %mul3A = arith.constant 2 : i32
    %mul3A_0 = arith.muli %arg1, %mul3A : i32
    %add3A = arith.addi %mul3A_0, %arg0 : i32
    %jit3A = arith.constant 16 : i32
    %div3A = arith.divsi %add3A, %jit3A : i32
    %sign3A = arith.constant 0 : i32
    %sign3A_1 = arith.cmpi sgt, %add3A, %sign3A : i32
    %sign3A_2 = arith.extui %sign3A_1 : i1 to i32
    %sign3A_3 = arith.constant 0 : i32
    %sign3A_4 = arith.cmpi slt, %add3A, %sign3A_3 : i32
    %sign3A_5 = arith.extui %sign3A_4 : i1 to i32
    %sign3A_6 = arith.subi %sign3A_2, %sign3A_5 : i32
    %sign3A_7 = arith.constant 0 : i32
    %sign3A_8 = arith.cmpi sgt, %jit3A, %sign3A_7 : i32
    %sign3A_9 = arith.extui %sign3A_8 : i1 to i32
    %sign3A_10 = arith.constant 0 : i32
    %sign3A_11 = arith.cmpi slt, %jit3A, %sign3A_10 : i32
    %sign3A_12 = arith.extui %sign3A_11 : i1 to i32
    %sign3A_13 = arith.subi %sign3A_9, %sign3A_12 : i32
    %ne3A = arith.cmpi ne, %sign3A_6, %sign3A_13 : i32
    %rem3A = arith.remsi %add3A, %jit3A : i32
    %ne3A_14 = arith.constant 0 : i32
    %ne3A_15 = arith.cmpi ne, %rem3A, %ne3A_14 : i32
    %and3A = arith.andi %ne3A, %ne3A_15 : i1
    %sub3A = arith.constant 1 : i32
    %sub3A_16 = arith.subi %div3A, %sub3A : i32
    %select_n3A = arith.select %and3A, %sub3A_16, %div3A : i32
    %jit3A_17 = arith.constant 16 : i32
    %eq3A = arith.constant 0 : i32
    %eq3A_18 = arith.cmpi eq, %jit3A_17, %eq3A : i32
    %jit3A_19 = arith.constant 1 : i32
    %select_n3A_20 = arith.select %eq3A_18, %jit3A_19, %jit3A_17 : i32
    %rem3A_21 = arith.remsi %add3A, %select_n3A_20 : i32
    %ne3A_22 = arith.constant 0 : i32
    %ne3A_23 = arith.cmpi ne, %rem3A_21, %ne3A_22 : i32
    %lt3A = arith.constant 0 : i32
    %lt3A_24 = arith.cmpi slt, %rem3A_21, %lt3A : i32
    %lt3A_25 = arith.constant 0 : i32
    %lt3A_26 = arith.cmpi slt, %select_n3A_20, %lt3A_25 : i32
    %ne3A_27 = arith.xori %lt3A_24, %lt3A_26 : i1
    %and3A_28 = arith.andi %ne3A_27, %ne3A_23 : i1
    %add3A_29 = arith.addi %rem3A_21, %select_n3A_20 : i32
    %select_n3A_30 = arith.select %and3A_28, %add3A_29, %rem3A_21 : i32
    %mul3A_31 = arith.constant 64 : i32
    %mul3A_32 = arith.muli %select_n3A, %mul3A_31 : i32
    "tpu.region"() ({
      %run_scoped3A = tpu.sem_alloc : memref<!tpu.dma_semaphore, #tpu.memory_space<semaphore_mem>>
      %dma_start3A_51 = arith.constant 0 : i32
      %dma_start3A_52 = arith.constant 0 : i32
      %dma_start3A_53 = tpu.memref_slice %arg3[%add3A, %dma_start3A_51, %dma_start3A_52] : memref<32x250x80xi32, #tpu.memory_space<hbm>> -> memref<1x250x80xi32, #tpu.memory_space<hbm>>
      %dma_start3A_54 = tpu.memref_squeeze %dma_start3A_53 : memref<1x250x80xi32, #tpu.memory_space<hbm>> -> memref<250x80xi32, #tpu.memory_space<hbm>>
      %dma_start3A_55 = arith.constant 0 : i32
      %dma_start3A_56 = arith.constant 0 : i32
      %dma_start3A_57 = tpu.memref_slice %arg3[%add3A, %dma_start3A_55, %dma_start3A_56] : memref<32x250x80xi32, #tpu.memory_space<hbm>> -> memref<1x250x80xi32, #tpu.memory_space<hbm>>
      %dma_start3A_58 = tpu.memref_squeeze %dma_start3A_57 : memref<1x250x80xi32, #tpu.memory_space<hbm>> -> memref<250x80xi32, #tpu.memory_space<hbm>>
      tpu.enqueue_dma source(%dma_start3A_58 : memref<250x80xi32, #tpu.memory_space<hbm>>) target(%arg7 : memref<250x80xi32, #tpu.memory_space<vmem>>) target_semaphore(%run_scoped3A : memref<!tpu.dma_semaphore, #tpu.memory_space<semaphore_mem>>)
      %dma_wait3A = arith.constant 0 : i32
      %dma_wait3A_59 = arith.constant 0 : i32
      %dma_wait3A_60 = tpu.memref_slice %arg3[%add3A, %dma_wait3A, %dma_wait3A_59] : memref<32x250x80xi32, #tpu.memory_space<hbm>> -> memref<1x250x80xi32, #tpu.memory_space<hbm>>
      %dma_wait3A_61 = tpu.memref_squeeze %dma_wait3A_60 : memref<1x250x80xi32, #tpu.memory_space<hbm>> -> memref<250x80xi32, #tpu.memory_space<hbm>>
      %dma_wait3A_62 = arith.constant 0 : i32
      %dma_wait3A_63 = arith.constant 0 : i32
      %dma_wait3A_64 = tpu.memref_slice %arg3[%add3A, %dma_wait3A_62, %dma_wait3A_63] : memref<32x250x80xi32, #tpu.memory_space<hbm>> -> memref<1x250x80xi32, #tpu.memory_space<hbm>>
      %dma_wait3A_65 = tpu.memref_squeeze %dma_wait3A_64 : memref<1x250x80xi32, #tpu.memory_space<hbm>> -> memref<250x80xi32, #tpu.memory_space<hbm>>
      tpu.wait_dma2 semaphore(%run_scoped3A : memref<!tpu.dma_semaphore, #tpu.memory_space<semaphore_mem>>) src(%dma_wait3A_65 : memref<250x80xi32, #tpu.memory_space<hbm>>) dst(%arg7 : memref<250x80xi32, #tpu.memory_space<vmem>>)
      tpu.yield
    }) : () -> ()
    "tpu.region"() ({
      %run_scoped3A = tpu.sem_alloc : memref<!tpu.dma_semaphore, #tpu.memory_space<semaphore_mem>>
      %dma_start3A_51 = arith.constant 0 : i32
      %dma_start3A_52 = arith.constant 0 : i32
      %dma_start3A_53 = tpu.memref_slice %arg4[%add3A, %dma_start3A_51, %dma_start3A_52] : memref<32x250x80xi32, #tpu.memory_space<hbm>> -> memref<1x250x80xi32, #tpu.memory_space<hbm>>
      %dma_start3A_54 = tpu.memref_squeeze %dma_start3A_53 : memref<1x250x80xi32, #tpu.memory_space<hbm>> -> memref<250x80xi32, #tpu.memory_space<hbm>>
      %dma_start3A_55 = arith.constant 0 : i32
      %dma_start3A_56 = arith.constant 0 : i32
      %dma_start3A_57 = tpu.memref_slice %arg4[%add3A, %dma_start3A_55, %dma_start3A_56] : memref<32x250x80xi32, #tpu.memory_space<hbm>> -> memref<1x250x80xi32, #tpu.memory_space<hbm>>
      %dma_start3A_58 = tpu.memref_squeeze %dma_start3A_57 : memref<1x250x80xi32, #tpu.memory_space<hbm>> -> memref<250x80xi32, #tpu.memory_space<hbm>>
      tpu.enqueue_dma source(%dma_start3A_58 : memref<250x80xi32, #tpu.memory_space<hbm>>) target(%arg8 : memref<250x80xi32, #tpu.memory_space<vmem>>) target_semaphore(%run_scoped3A : memref<!tpu.dma_semaphore, #tpu.memory_space<semaphore_mem>>)
      %dma_wait3A = arith.constant 0 : i32
      %dma_wait3A_59 = arith.constant 0 : i32
      %dma_wait3A_60 = tpu.memref_slice %arg4[%add3A, %dma_wait3A, %dma_wait3A_59] : memref<32x250x80xi32, #tpu.memory_space<hbm>> -> memref<1x250x80xi32, #tpu.memory_space<hbm>>
      %dma_wait3A_61 = tpu.memref_squeeze %dma_wait3A_60 : memref<1x250x80xi32, #tpu.memory_space<hbm>> -> memref<250x80xi32, #tpu.memory_space<hbm>>
      %dma_wait3A_62 = arith.constant 0 : i32
      %dma_wait3A_63 = arith.constant 0 : i32
      %dma_wait3A_64 = tpu.memref_slice %arg4[%add3A, %dma_wait3A_62, %dma_wait3A_63] : memref<32x250x80xi32, #tpu.memory_space<hbm>> -> memref<1x250x80xi32, #tpu.memory_space<hbm>>
      %dma_wait3A_65 = tpu.memref_squeeze %dma_wait3A_64 : memref<1x250x80xi32, #tpu.memory_space<hbm>> -> memref<250x80xi32, #tpu.memory_space<hbm>>
      tpu.wait_dma2 semaphore(%run_scoped3A : memref<!tpu.dma_semaphore, #tpu.memory_space<semaphore_mem>>) src(%dma_wait3A_65 : memref<250x80xi32, #tpu.memory_space<hbm>>) dst(%arg8 : memref<250x80xi32, #tpu.memory_space<vmem>>)
      tpu.yield
    }) : () -> ()
    %dma_start3A = arith.constant 0 : i32
    %dma_start3A_33 = arith.constant 0 : i32
    %dma_start3A_34 = tpu.memref_slice %arg7[%dma_start3A, %dma_start3A_33] : memref<250x80xi32, #tpu.memory_space<vmem>> -> memref<1x80xi32, #tpu.memory_space<vmem>>
    %dma_start3A_35 = tpu.memref_squeeze %dma_start3A_34 : memref<1x80xi32, #tpu.memory_space<vmem>> -> memref<80xi32, #tpu.memory_space<vmem>>
    %dma_start3A_36 = arith.constant 0 : i32
    %dma_start3A_37 = arith.constant 0 : i32
    %dma_start3A_38 = tpu.memref_slice %arg2[%dma_start3A_36, %dma_start3A_37] : memref<10000x64xf32, #tpu.memory_space<hbm>> -> memref<10000x64xf32, #tpu.memory_space<hbm>>
    tpu.enqueue_indirect_dma source(%dma_start3A_38 : memref<10000x64xf32, #tpu.memory_space<hbm>>) target(%arg9 : memref<80x64xf32, #tpu.memory_space<vmem>>) offsets(%dma_start3A_35 : memref<80xi32, #tpu.memory_space<vmem>>) semaphore(%arg13 : memref<!tpu.dma_semaphore, #tpu.memory_space<semaphore_mem>>)
    %dma_start3A_39 = arith.constant 0 : i32
    %dma_start3A_40 = arith.constant 0 : i32
    %dma_start3A_41 = tpu.memref_slice %arg8[%dma_start3A_39, %dma_start3A_40] : memref<250x80xi32, #tpu.memory_space<vmem>> -> memref<1x80xi32, #tpu.memory_space<vmem>>
    %dma_start3A_42 = tpu.memref_squeeze %dma_start3A_41 : memref<1x80xi32, #tpu.memory_space<vmem>> -> memref<80xi32, #tpu.memory_space<vmem>>
    %dma_start3A_43 = arith.constant 0 : i32
    %dma_start3A_44 = arith.constant 0 : i32
    %dma_start3A_45 = tpu.memref_slice %arg2[%dma_start3A_43, %dma_start3A_44] : memref<10000x64xf32, #tpu.memory_space<hbm>> -> memref<10000x64xf32, #tpu.memory_space<hbm>>
    tpu.enqueue_indirect_dma source(%dma_start3A_45 : memref<10000x64xf32, #tpu.memory_space<hbm>>) target(%arg10 : memref<80x64xf32, #tpu.memory_space<vmem>>) offsets(%dma_start3A_42 : memref<80xi32, #tpu.memory_space<vmem>>) semaphore(%arg13 : memref<!tpu.dma_semaphore, #tpu.memory_space<semaphore_mem>>)
    %scan3A = arith.constant 0 : i32
    %scan3A_46 = arith.constant 0 : i32
    %scan3A_47 = arith.constant 125 : i32
    %scan3A_48 = arith.addi %scan3A_46, %scan3A_47 : i32
    %scan3A_49 = arith.constant 1 : i32
    scf.for %scan3A_51 = %scan3A_46 to %scan3A_48 step %scan3A_49  : i32 {
      %mul3A_52 = arith.constant 2 : i32
      %mul3A_53 = arith.muli %mul3A_52, %scan3A_51 : i32
      %add3A_54 = arith.constant 1 : i32
      %add3A_55 = arith.addi %mul3A_53, %add3A_54 : i32
      %dma_start3A_56 = arith.constant 0 : i32
      %dma_start3A_57 = tpu.memref_slice %arg7[%add3A_55, %dma_start3A_56] : memref<250x80xi32, #tpu.memory_space<vmem>> -> memref<1x80xi32, #tpu.memory_space<vmem>>
      %dma_start3A_58 = tpu.memref_squeeze %dma_start3A_57 : memref<1x80xi32, #tpu.memory_space<vmem>> -> memref<80xi32, #tpu.memory_space<vmem>>
      %dma_start3A_59 = arith.constant 0 : i32
      %dma_start3A_60 = arith.constant 0 : i32
      %dma_start3A_61 = tpu.memref_slice %arg2[%dma_start3A_59, %dma_start3A_60] : memref<10000x64xf32, #tpu.memory_space<hbm>> -> memref<10000x64xf32, #tpu.memory_space<hbm>>
      tpu.enqueue_indirect_dma source(%dma_start3A_61 : memref<10000x64xf32, #tpu.memory_space<hbm>>) target(%arg11 : memref<80x64xf32, #tpu.memory_space<vmem>>) offsets(%dma_start3A_58 : memref<80xi32, #tpu.memory_space<vmem>>) semaphore(%arg14 : memref<!tpu.dma_semaphore, #tpu.memory_space<semaphore_mem>>)
      %dma_start3A_62 = arith.constant 0 : i32
      %dma_start3A_63 = tpu.memref_slice %arg8[%add3A_55, %dma_start3A_62] : memref<250x80xi32, #tpu.memory_space<vmem>> -> memref<1x80xi32, #tpu.memory_space<vmem>>
      %dma_start3A_64 = tpu.memref_squeeze %dma_start3A_63 : memref<1x80xi32, #tpu.memory_space<vmem>> -> memref<80xi32, #tpu.memory_space<vmem>>
      %dma_start3A_65 = arith.constant 0 : i32
      %dma_start3A_66 = arith.constant 0 : i32
      %dma_start3A_67 = tpu.memref_slice %arg2[%dma_start3A_65, %dma_start3A_66] : memref<10000x64xf32, #tpu.memory_space<hbm>> -> memref<10000x64xf32, #tpu.memory_space<hbm>>
      tpu.enqueue_indirect_dma source(%dma_start3A_67 : memref<10000x64xf32, #tpu.memory_space<hbm>>) target(%arg12 : memref<80x64xf32, #tpu.memory_space<vmem>>) offsets(%dma_start3A_64 : memref<80xi32, #tpu.memory_space<vmem>>) semaphore(%arg14 : memref<!tpu.dma_semaphore, #tpu.memory_space<semaphore_mem>>)
      %dma_wait3A = arith.constant 0 : i32
      %dma_wait3A_68 = tpu.memref_slice %arg7[%mul3A_53, %dma_wait3A] : memref<250x80xi32, #tpu.memory_space<vmem>> -> memref<1x80xi32, #tpu.memory_space<vmem>>
      %dma_wait3A_69 = tpu.memref_squeeze %dma_wait3A_68 : memref<1x80xi32, #tpu.memory_space<vmem>> -> memref<80xi32, #tpu.memory_space<vmem>>
      %dma_wait3A_70 = arith.constant 0 : i32
      %dma_wait3A_71 = arith.constant 0 : i32
      %dma_wait3A_72 = tpu.memref_slice %arg2[%dma_wait3A_70, %dma_wait3A_71] : memref<10000x64xf32, #tpu.memory_space<hbm>> -> memref<10000x64xf32, #tpu.memory_space<hbm>>
      tpu.wait_indirect_dma semaphore(%arg13 : memref<!tpu.dma_semaphore, #tpu.memory_space<semaphore_mem>>) src(%dma_wait3A_72 : memref<10000x64xf32, #tpu.memory_space<hbm>>) dst(%arg9 : memref<80x64xf32, #tpu.memory_space<vmem>>)
      %dma_wait3A_73 = arith.constant 0 : i32
      %dma_wait3A_74 = tpu.memref_slice %arg8[%mul3A_53, %dma_wait3A_73] : memref<250x80xi32, #tpu.memory_space<vmem>> -> memref<1x80xi32, #tpu.memory_space<vmem>>
      %dma_wait3A_75 = tpu.memref_squeeze %dma_wait3A_74 : memref<1x80xi32, #tpu.memory_space<vmem>> -> memref<80xi32, #tpu.memory_space<vmem>>
      %dma_wait3A_76 = arith.constant 0 : i32
      %dma_wait3A_77 = arith.constant 0 : i32
      %dma_wait3A_78 = tpu.memref_slice %arg2[%dma_wait3A_76, %dma_wait3A_77] : memref<10000x64xf32, #tpu.memory_space<hbm>> -> memref<10000x64xf32, #tpu.memory_space<hbm>>
      tpu.wait_indirect_dma semaphore(%arg13 : memref<!tpu.dma_semaphore, #tpu.memory_space<semaphore_mem>>) src(%dma_wait3A_78 : memref<10000x64xf32, #tpu.memory_space<hbm>>) dst(%arg10 : memref<80x64xf32, #tpu.memory_space<vmem>>)
      %mul3A_79 = arith.constant 20000 : i32
      %mul3A_80 = arith.muli %select_n3A_30, %mul3A_79 : i32
      %mul3A_81 = arith.constant 80 : i32
      %mul3A_82 = arith.muli %mul3A_53, %mul3A_81 : i32
      %add3A_83 = arith.addi %mul3A_80, %mul3A_82 : i32
      "tpu.region"() ({
        %run_scoped3A = tpu.sem_alloc : memref<!tpu.dma_semaphore, #tpu.memory_space<semaphore_mem>>
        %dma_start3A_106 = tpu.memref_slice %arg5[%add3A_83, %mul3A_32] : memref<320000x128xf32, #tpu.memory_space<hbm>> -> memref<80x64xf32, #tpu.memory_space<hbm>>
        %dma_start3A_107 = tpu.memref_slice %arg5[%add3A_83, %mul3A_32] : memref<320000x128xf32, #tpu.memory_space<hbm>> -> memref<80x64xf32, #tpu.memory_space<hbm>>
        tpu.enqueue_dma source(%arg9 : memref<80x64xf32, #tpu.memory_space<vmem>>) target(%dma_start3A_107 : memref<80x64xf32, #tpu.memory_space<hbm>>) target_semaphore(%run_scoped3A : memref<!tpu.dma_semaphore, #tpu.memory_space<semaphore_mem>>)
        %dma_wait3A_108 = tpu.memref_slice %arg5[%add3A_83, %mul3A_32] : memref<320000x128xf32, #tpu.memory_space<hbm>> -> memref<80x64xf32, #tpu.memory_space<hbm>>
        %dma_wait3A_109 = tpu.memref_slice %arg5[%add3A_83, %mul3A_32] : memref<320000x128xf32, #tpu.memory_space<hbm>> -> memref<80x64xf32, #tpu.memory_space<hbm>>
        tpu.wait_dma2 semaphore(%run_scoped3A : memref<!tpu.dma_semaphore, #tpu.memory_space<semaphore_mem>>) src(%arg9 : memref<80x64xf32, #tpu.memory_space<vmem>>) dst(%dma_wait3A_109 : memref<80x64xf32, #tpu.memory_space<hbm>>)
        tpu.yield
      }) : () -> ()
      "tpu.region"() ({
        %run_scoped3A = tpu.sem_alloc : memref<!tpu.dma_semaphore, #tpu.memory_space<semaphore_mem>>
        %dma_start3A_106 = tpu.memref_slice %arg6[%add3A_83, %mul3A_32] : memref<320000x128xf32, #tpu.memory_space<hbm>> -> memref<80x64xf32, #tpu.memory_space<hbm>>
        %dma_start3A_107 = tpu.memref_slice %arg6[%add3A_83, %mul3A_32] : memref<320000x128xf32, #tpu.memory_space<hbm>> -> memref<80x64xf32, #tpu.memory_space<hbm>>
        tpu.enqueue_dma source(%arg10 : memref<80x64xf32, #tpu.memory_space<vmem>>) target(%dma_start3A_107 : memref<80x64xf32, #tpu.memory_space<hbm>>) target_semaphore(%run_scoped3A : memref<!tpu.dma_semaphore, #tpu.memory_space<semaphore_mem>>)
        %dma_wait3A_108 = tpu.memref_slice %arg6[%add3A_83, %mul3A_32] : memref<320000x128xf32, #tpu.memory_space<hbm>> -> memref<80x64xf32, #tpu.memory_space<hbm>>
        %dma_wait3A_109 = tpu.memref_slice %arg6[%add3A_83, %mul3A_32] : memref<320000x128xf32, #tpu.memory_space<hbm>> -> memref<80x64xf32, #tpu.memory_space<hbm>>
        tpu.wait_dma2 semaphore(%run_scoped3A : memref<!tpu.dma_semaphore, #tpu.memory_space<semaphore_mem>>) src(%arg10 : memref<80x64xf32, #tpu.memory_space<vmem>>) dst(%dma_wait3A_109 : memref<80x64xf32, #tpu.memory_space<hbm>>)
        tpu.yield
      }) : () -> ()
      %lt3A_84 = arith.constant 124 : i32
      %lt3A_85 = arith.cmpi slt, %scan3A_51, %lt3A_84 : i32
      %convert_element_type3A = arith.extui %lt3A_85 : i1 to i32
      %cond3A = arith.constant 0 : i32
      %cond3A_86 = arith.cmpi ne, %convert_element_type3A, %cond3A : i32
      scf.if %cond3A_86 {
        %add3A_106 = arith.constant 2 : i32
        %add3A_107 = arith.addi %mul3A_53, %add3A_106 : i32
        %dma_start3A_108 = arith.constant 0 : i32
        %dma_start3A_109 = tpu.memref_slice %arg7[%add3A_107, %dma_start3A_108] : memref<250x80xi32, #tpu.memory_space<vmem>> -> memref<1x80xi32, #tpu.memory_space<vmem>>
        %dma_start3A_110 = tpu.memref_squeeze %dma_start3A_109 : memref<1x80xi32, #tpu.memory_space<vmem>> -> memref<80xi32, #tpu.memory_space<vmem>>
        %dma_start3A_111 = arith.constant 0 : i32
        %dma_start3A_112 = arith.constant 0 : i32
        %dma_start3A_113 = tpu.memref_slice %arg2[%dma_start3A_111, %dma_start3A_112] : memref<10000x64xf32, #tpu.memory_space<hbm>> -> memref<10000x64xf32, #tpu.memory_space<hbm>>
        tpu.enqueue_indirect_dma source(%dma_start3A_113 : memref<10000x64xf32, #tpu.memory_space<hbm>>) target(%arg9 : memref<80x64xf32, #tpu.memory_space<vmem>>) offsets(%dma_start3A_110 : memref<80xi32, #tpu.memory_space<vmem>>) semaphore(%arg13 : memref<!tpu.dma_semaphore, #tpu.memory_space<semaphore_mem>>)
        %dma_start3A_114 = arith.constant 0 : i32
        %dma_start3A_115 = tpu.memref_slice %arg8[%add3A_107, %dma_start3A_114] : memref<250x80xi32, #tpu.memory_space<vmem>> -> memref<1x80xi32, #tpu.memory_space<vmem>>
        %dma_start3A_116 = tpu.memref_squeeze %dma_start3A_115 : memref<1x80xi32, #tpu.memory_space<vmem>> -> memref<80xi32, #tpu.memory_space<vmem>>
        %dma_start3A_117 = arith.constant 0 : i32
        %dma_start3A_118 = arith.constant 0 : i32
        %dma_start3A_119 = tpu.memref_slice %arg2[%dma_start3A_117, %dma_start3A_118] : memref<10000x64xf32, #tpu.memory_space<hbm>> -> memref<10000x64xf32, #tpu.memory_space<hbm>>
        tpu.enqueue_indirect_dma source(%dma_start3A_119 : memref<10000x64xf32, #tpu.memory_space<hbm>>) target(%arg10 : memref<80x64xf32, #tpu.memory_space<vmem>>) offsets(%dma_start3A_116 : memref<80xi32, #tpu.memory_space<vmem>>) semaphore(%arg13 : memref<!tpu.dma_semaphore, #tpu.memory_space<semaphore_mem>>)
      } else {
      }
      %add3A_87 = arith.constant 1 : i32
      %add3A_88 = arith.addi %mul3A_53, %add3A_87 : i32
      %dma_wait3A_89 = arith.constant 0 : i32
      %dma_wait3A_90 = tpu.memref_slice %arg7[%add3A_88, %dma_wait3A_89] : memref<250x80xi32, #tpu.memory_space<vmem>> -> memref<1x80xi32, #tpu.memory_space<vmem>>
      %dma_wait3A_91 = tpu.memref_squeeze %dma_wait3A_90 : memref<1x80xi32, #tpu.memory_space<vmem>> -> memref<80xi32, #tpu.memory_space<vmem>>
      %dma_wait3A_92 = arith.constant 0 : i32
      %dma_wait3A_93 = arith.constant 0 : i32
      %dma_wait3A_94 = tpu.memref_slice %arg2[%dma_wait3A_92, %dma_wait3A_93] : memref<10000x64xf32, #tpu.memory_space<hbm>> -> memref<10000x64xf32, #tpu.memory_space<hbm>>
      tpu.wait_indirect_dma semaphore(%arg14 : memref<!tpu.dma_semaphore, #tpu.memory_space<semaphore_mem>>) src(%dma_wait3A_94 : memref<10000x64xf32, #tpu.memory_space<hbm>>) dst(%arg11 : memref<80x64xf32, #tpu.memory_space<vmem>>)
      %dma_wait3A_95 = arith.constant 0 : i32
      %dma_wait3A_96 = tpu.memref_slice %arg8[%add3A_88, %dma_wait3A_95] : memref<250x80xi32, #tpu.memory_space<vmem>> -> memref<1x80xi32, #tpu.memory_space<vmem>>
      %dma_wait3A_97 = tpu.memref_squeeze %dma_wait3A_96 : memref<1x80xi32, #tpu.memory_space<vmem>> -> memref<80xi32, #tpu.memory_space<vmem>>
      %dma_wait3A_98 = arith.constant 0 : i32
      %dma_wait3A_99 = arith.constant 0 : i32
      %dma_wait3A_100 = tpu.memref_slice %arg2[%dma_wait3A_98, %dma_wait3A_99] : memref<10000x64xf32, #tpu.memory_space<hbm>> -> memref<10000x64xf32, #tpu.memory_space<hbm>>
      tpu.wait_indirect_dma semaphore(%arg14 : memref<!tpu.dma_semaphore, #tpu.memory_space<semaphore_mem>>) src(%dma_wait3A_100 : memref<10000x64xf32, #tpu.memory_space<hbm>>) dst(%arg12 : memref<80x64xf32, #tpu.memory_space<vmem>>)
      %mul3A_101 = arith.constant 20000 : i32
      %mul3A_102 = arith.muli %select_n3A_30, %mul3A_101 : i32
      %mul3A_103 = arith.constant 80 : i32
      %mul3A_104 = arith.muli %add3A_88, %mul3A_103 : i32
      %add3A_105 = arith.addi %mul3A_102, %mul3A_104 : i32
      "tpu.region"() ({
        %run_scoped3A = tpu.sem_alloc : memref<!tpu.dma_semaphore, #tpu.memory_space<semaphore_mem>>
        %dma_start3A_106 = tpu.memref_slice %arg5[%add3A_105, %mul3A_32] : memref<320000x128xf32, #tpu.memory_space<hbm>> -> memref<80x64xf32, #tpu.memory_space<hbm>>
        %dma_start3A_107 = tpu.memref_slice %arg5[%add3A_105, %mul3A_32] : memref<320000x128xf32, #tpu.memory_space<hbm>> -> memref<80x64xf32, #tpu.memory_space<hbm>>
        tpu.enqueue_dma source(%arg11 : memref<80x64xf32, #tpu.memory_space<vmem>>) target(%dma_start3A_107 : memref<80x64xf32, #tpu.memory_space<hbm>>) target_semaphore(%run_scoped3A : memref<!tpu.dma_semaphore, #tpu.memory_space<semaphore_mem>>)
        %dma_wait3A_108 = tpu.memref_slice %arg5[%add3A_105, %mul3A_32] : memref<320000x128xf32, #tpu.memory_space<hbm>> -> memref<80x64xf32, #tpu.memory_space<hbm>>
        %dma_wait3A_109 = tpu.memref_slice %arg5[%add3A_105, %mul3A_32] : memref<320000x128xf32, #tpu.memory_space<hbm>> -> memref<80x64xf32, #tpu.memory_space<hbm>>
        tpu.wait_dma2 semaphore(%run_scoped3A : memref<!tpu.dma_semaphore, #tpu.memory_space<semaphore_mem>>) src(%arg11 : memref<80x64xf32, #tpu.memory_space<vmem>>) dst(%dma_wait3A_109 : memref<80x64xf32, #tpu.memory_space<hbm>>)
        tpu.yield
      }) : () -> ()
      "tpu.region"() ({
        %run_scoped3A = tpu.sem_alloc : memref<!tpu.dma_semaphore, #tpu.memory_space<semaphore_mem>>
        %dma_start3A_106 = tpu.memref_slice %arg6[%add3A_105, %mul3A_32] : memref<320000x128xf32, #tpu.memory_space<hbm>> -> memref<80x64xf32, #tpu.memory_space<hbm>>
        %dma_start3A_107 = tpu.memref_slice %arg6[%add3A_105, %mul3A_32] : memref<320000x128xf32, #tpu.memory_space<hbm>> -> memref<80x64xf32, #tpu.memory_space<hbm>>
        tpu.enqueue_dma source(%arg12 : memref<80x64xf32, #tpu.memory_space<vmem>>) target(%dma_start3A_107 : memref<80x64xf32, #tpu.memory_space<hbm>>) target_semaphore(%run_scoped3A : memref<!tpu.dma_semaphore, #tpu.memory_space<semaphore_mem>>)
        %dma_wait3A_108 = tpu.memref_slice %arg6[%add3A_105, %mul3A_32] : memref<320000x128xf32, #tpu.memory_space<hbm>> -> memref<80x64xf32, #tpu.memory_space<hbm>>
        %dma_wait3A_109 = tpu.memref_slice %arg6[%add3A_105, %mul3A_32] : memref<320000x128xf32, #tpu.memory_space<hbm>> -> memref<80x64xf32, #tpu.memory_space<hbm>>
        tpu.wait_dma2 semaphore(%run_scoped3A : memref<!tpu.dma_semaphore, #tpu.memory_space<semaphore_mem>>) src(%arg12 : memref<80x64xf32, #tpu.memory_space<vmem>>) dst(%dma_wait3A_109 : memref<80x64xf32, #tpu.memory_space<hbm>>)
        tpu.yield
      }) : () -> ()
    }
    %scan3A_50 = arith.constant 125 : i32
    return
  }
}

module attributes {stable_mosaic.version = 14 : i64} {
  func.func @_edge_body(%arg0: i32, %arg1: memref<512x128xf32, #tpu.memory_space<vmem>>, %arg2: memref<512x128xf32, #tpu.memory_space<vmem>>, %arg3: memref<512x15xf32, #tpu.memory_space<vmem>>, %arg4: memref<512x15xf32, #tpu.memory_space<vmem>>, %arg5: memref<64x128xf32, #tpu.memory_space<vmem>>, %arg6: memref<64x128xf32, #tpu.memory_space<vmem>>, %arg7: memref<64x128xf32, #tpu.memory_space<vmem>>, %arg8: memref<15x128xf32, #tpu.memory_space<vmem>>, %arg9: memref<1x128xf32, #tpu.memory_space<vmem>>, %arg10: memref<128x128xf32, #tpu.memory_space<vmem>>, %arg11: memref<1x128xf32, #tpu.memory_space<vmem>>, %arg12: memref<128x128xf32, #tpu.memory_space<vmem>>, %arg13: memref<1x128xf32, #tpu.memory_space<vmem>>, %arg14: memref<512x128xf32, #tpu.memory_space<vmem>>, %arg15: memref<512x128xf32, #tpu.memory_space<vmem>>, %arg16: memref<64x128xf32, #tpu.memory_space<vmem>>, %arg17: memref<64x128xf32, #tpu.memory_space<vmem>>) attributes {dimension_semantics = [#tpu.dimension_semantics<arbitrary>], iteration_bounds = array<i64: 625>, scalar_prefetch = 0 : i64, scratch_operands = 0 : i64, tpu.core_type = #tpu.core_type<tc>, window_params = [{transform_indices = @transform_0, window_bounds = array<i64: 512, 128>}, {transform_indices = @transform_1, window_bounds = array<i64: 512, 128>}, {transform_indices = @transform_2, window_bounds = array<i64: 512, 15>}, {transform_indices = @transform_3, window_bounds = array<i64: 512, 15>}, {pipeline_mode = #tpu.pipeline_mode<synchronous>, transform_indices = @transform_4, window_bounds = array<i64: 64, 128>}, {pipeline_mode = #tpu.pipeline_mode<synchronous>, transform_indices = @transform_5, window_bounds = array<i64: 64, 128>}, {pipeline_mode = #tpu.pipeline_mode<synchronous>, transform_indices = @transform_6, window_bounds = array<i64: 64, 128>}, {pipeline_mode = #tpu.pipeline_mode<synchronous>, transform_indices = @transform_7, window_bounds = array<i64: 15, 128>}, {pipeline_mode = #tpu.pipeline_mode<synchronous>, transform_indices = @transform_8, window_bounds = array<i64: 1, 128>}, {pipeline_mode = #tpu.pipeline_mode<synchronous>, transform_indices = @transform_9, window_bounds = array<i64: 128, 128>}, {pipeline_mode = #tpu.pipeline_mode<synchronous>, transform_indices = @transform_10, window_bounds = array<i64: 1, 128>}, {pipeline_mode = #tpu.pipeline_mode<synchronous>, transform_indices = @transform_11, window_bounds = array<i64: 128, 128>}, {pipeline_mode = #tpu.pipeline_mode<synchronous>, transform_indices = @transform_12, window_bounds = array<i64: 1, 128>}, {transform_indices = @transform_13, window_bounds = array<i64: 512, 128>}, {transform_indices = @transform_14, window_bounds = array<i64: 512, 128>}, {transform_indices = @transform_15, window_bounds = array<i64: 64, 128>}, {transform_indices = @transform_16, window_bounds = array<i64: 64, 128>}]} {
    %get3A = arith.constant 0 : index
    %get3A_0 = arith.constant 0 : index
    %get3A_1 = vector.load %arg1[%get3A, %get3A_0] : memref<512x128xf32, #tpu.memory_space<vmem>>, vector<512x128xf32>
    %get3A_2 = arith.constant 0 : index
    %get3A_3 = arith.constant 0 : index
    %get3A_4 = vector.load %arg2[%get3A_2, %get3A_3] : memref<512x128xf32, #tpu.memory_space<vmem>>, vector<512x128xf32>
    %get3A_5 = arith.constant 0 : index
    %get3A_6 = arith.constant 0 : index
    %get3A_7 = vector.load %arg5[%get3A_5, %get3A_6] : memref<64x128xf32, #tpu.memory_space<vmem>>, vector<64x128xf32>
    %get3A_8 = arith.constant 0 : index
    %get3A_9 = arith.constant 0 : index
    %get3A_10 = vector.load %arg6[%get3A_8, %get3A_9] : memref<64x128xf32, #tpu.memory_space<vmem>>, vector<64x128xf32>
    %get3A_11 = arith.constant 0 : index
    %get3A_12 = arith.constant 0 : index
    %get3A_13 = vector.load %arg7[%get3A_11, %get3A_12] : memref<64x128xf32, #tpu.memory_space<vmem>>, vector<64x128xf32>
    %get3A_14 = arith.constant 0 : index
    %get3A_15 = arith.constant 0 : index
    %get3A_16 = vector.load %arg8[%get3A_14, %get3A_15] : memref<15x128xf32, #tpu.memory_space<vmem>>, vector<15x128xf32>
    %get3A_17 = arith.constant 0 : index
    %get3A_18 = arith.constant 0 : index
    %get3A_19 = vector.load %arg9[%get3A_17, %get3A_18] : memref<1x128xf32, #tpu.memory_space<vmem>>, vector<1x128xf32>
    %get3A_20 = arith.constant 0 : index
    %get3A_21 = arith.constant 0 : index
    %get3A_22 = vector.load %arg10[%get3A_20, %get3A_21] : memref<128x128xf32, #tpu.memory_space<vmem>>, vector<128x128xf32>
    %get3A_23 = arith.constant 0 : index
    %get3A_24 = arith.constant 0 : index
    %get3A_25 = vector.load %arg11[%get3A_23, %get3A_24] : memref<1x128xf32, #tpu.memory_space<vmem>>, vector<1x128xf32>
    %get3A_26 = arith.constant 0 : index
    %get3A_27 = arith.constant 0 : index
    %get3A_28 = vector.load %arg12[%get3A_26, %get3A_27] : memref<128x128xf32, #tpu.memory_space<vmem>>, vector<128x128xf32>
    %get3A_29 = arith.constant 0 : index
    %get3A_30 = arith.constant 0 : index
    %get3A_31 = vector.load %arg13[%get3A_29, %get3A_30] : memref<1x128xf32, #tpu.memory_space<vmem>>, vector<1x128xf32>
    %slice3A = vector.extract_strided_slice %get3A_1 {offsets = [0, 0], sizes = [512, 64], strides = [1, 1]} : vector<512x128xf32> to vector<512x64xf32>
    %slice3A_32 = vector.extract_strided_slice %get3A_4 {offsets = [0, 0], sizes = [512, 64], strides = [1, 1]} : vector<512x128xf32> to vector<512x64xf32>
    %get3A_33 = arith.constant 0 : index
    %get3A_34 = arith.constant 0 : index
    %get3A_35 = vector.load %arg3[%get3A_33, %get3A_34] : memref<512x15xf32, #tpu.memory_space<vmem>>, vector<512x15xf32>
    %bitcast_convert_type3A = tpu.bitcast %slice3A : vector<512x64xf32> -> vector<512x64xi32>
    %shift_left3A = arith.constant 16 : i32
    %shift_left3A_36 = vector.broadcast %shift_left3A : i32 to vector<512x64xi32>
    %shift_left3A_37 = arith.shli %bitcast_convert_type3A, %shift_left3A_36 : vector<512x64xi32>
    %bitcast_convert_type3A_38 = tpu.bitcast %shift_left3A_37 : vector<512x64xi32> -> vector<512x64xf32>
    %and3A = arith.constant -65536 : i32
    %and3A_39 = vector.broadcast %and3A : i32 to vector<512x64xi32>
    %and3A_40 = arith.andi %bitcast_convert_type3A, %and3A_39 : vector<512x64xi32>
    %bitcast_convert_type3A_41 = tpu.bitcast %and3A_40 : vector<512x64xi32> -> vector<512x64xf32>
    %bitcast_convert_type3A_42 = tpu.bitcast %slice3A_32 : vector<512x64xf32> -> vector<512x64xi32>
    %shift_left3A_43 = arith.constant 16 : i32
    %shift_left3A_44 = vector.broadcast %shift_left3A_43 : i32 to vector<512x64xi32>
    %shift_left3A_45 = arith.shli %bitcast_convert_type3A_42, %shift_left3A_44 : vector<512x64xi32>
    %bitcast_convert_type3A_46 = tpu.bitcast %shift_left3A_45 : vector<512x64xi32> -> vector<512x64xf32>
    %and3A_47 = arith.constant -65536 : i32
    %and3A_48 = vector.broadcast %and3A_47 : i32 to vector<512x64xi32>
    %and3A_49 = arith.andi %bitcast_convert_type3A_42, %and3A_48 : vector<512x64xi32>
    %bitcast_convert_type3A_50 = tpu.bitcast %and3A_49 : vector<512x64xi32> -> vector<512x64xf32>
    %sub3A = arith.subf %bitcast_convert_type3A_50, %bitcast_convert_type3A_41 : vector<512x64xf32>
    %dot_general3A = arith.constant dense<0.000000e+00> : vector<512x128xf32>
    %dot_general3A_51 = tpu.matmul %bitcast_convert_type3A_46, %get3A_7, %dot_general3A {dimension_numbers = #tpu.dot_dimension_numbers<[1], [0], [0], [1], [0, 0, 1, 1], [], []>, transpose_lhs_hint = false} : vector<512x64xf32>, vector<64x128xf32>, vector<512x128xf32> -> vector<512x128xf32>
    %dot_general3A_52 = arith.constant dense<0.000000e+00> : vector<512x128xf32>
    %dot_general3A_53 = tpu.matmul %bitcast_convert_type3A_38, %get3A_10, %dot_general3A_52 {dimension_numbers = #tpu.dot_dimension_numbers<[1], [0], [0], [1], [0, 0, 1, 1], [], []>, transpose_lhs_hint = false} : vector<512x64xf32>, vector<64x128xf32>, vector<512x128xf32> -> vector<512x128xf32>
    %add3A = arith.addf %dot_general3A_51, %dot_general3A_53 : vector<512x128xf32>
    %mul3A = arith.mulf %sub3A, %sub3A : vector<512x64xf32>
    %dot_general3A_54 = arith.constant dense<0.000000e+00> : vector<512x128xf32>
    %dot_general3A_55 = tpu.matmul %mul3A, %get3A_13, %dot_general3A_54 {dimension_numbers = #tpu.dot_dimension_numbers<[1], [0], [0], [1], [0, 0, 1, 1], [], []>, transpose_lhs_hint = false} : vector<512x64xf32>, vector<64x128xf32>, vector<512x128xf32> -> vector<512x128xf32>
    %add3A_56 = arith.addf %add3A, %dot_general3A_55 : vector<512x128xf32>
    %dot_general3A_57 = arith.constant dense<0.000000e+00> : vector<512x128xf32>
    %dot_general3A_58 = tpu.matmul %get3A_35, %get3A_16, %dot_general3A_57 {dimension_numbers = #tpu.dot_dimension_numbers<[1], [0], [0], [1], [0, 0, 1, 1], [], []>, transpose_lhs_hint = false} : vector<512x15xf32>, vector<15x128xf32>, vector<512x128xf32> -> vector<512x128xf32>
    %add3A_59 = arith.addf %add3A_56, %dot_general3A_58 : vector<512x128xf32>
    %add3A_60 = vector.broadcast %get3A_19 : vector<1x128xf32> to vector<512x128xf32>
    %add3A_61 = arith.addf %add3A_59, %add3A_60 : vector<512x128xf32>
    %logistic3A = arith.negf %add3A_61 : vector<512x128xf32>
    %logistic3A_62 = math.exp %logistic3A : vector<512x128xf32>
    %logistic3A_63 = arith.constant 1.000000e+00 : f32
    %logistic3A_64 = vector.broadcast %logistic3A_63 : f32 to vector<512x128xf32>
    %logistic3A_65 = arith.addf %logistic3A_64, %logistic3A_62 : vector<512x128xf32>
    %logistic3A_66 = arith.divf %logistic3A_64, %logistic3A_65 : vector<512x128xf32>
    %mul3A_67 = arith.mulf %add3A_61, %logistic3A_66 : vector<512x128xf32>
    %dot_general3A_68 = arith.constant dense<0.000000e+00> : vector<512x128xf32>
    %dot_general3A_69 = tpu.matmul %mul3A_67, %get3A_22, %dot_general3A_68 {dimension_numbers = #tpu.dot_dimension_numbers<[1], [0], [0], [1], [0, 0, 1, 1], [], []>, transpose_lhs_hint = false} : vector<512x128xf32>, vector<128x128xf32>, vector<512x128xf32> -> vector<512x128xf32>
    %add3A_70 = vector.broadcast %get3A_25 : vector<1x128xf32> to vector<512x128xf32>
    %add3A_71 = arith.addf %dot_general3A_69, %add3A_70 : vector<512x128xf32>
    %logistic3A_72 = arith.negf %add3A_71 : vector<512x128xf32>
    %logistic3A_73 = math.exp %logistic3A_72 : vector<512x128xf32>
    %logistic3A_74 = arith.constant 1.000000e+00 : f32
    %logistic3A_75 = vector.broadcast %logistic3A_74 : f32 to vector<512x128xf32>
    %logistic3A_76 = arith.addf %logistic3A_75, %logistic3A_73 : vector<512x128xf32>
    %logistic3A_77 = arith.divf %logistic3A_75, %logistic3A_76 : vector<512x128xf32>
    %mul3A_78 = arith.mulf %add3A_71, %logistic3A_77 : vector<512x128xf32>
    %dot_general3A_79 = arith.constant dense<0.000000e+00> : vector<512x128xf32>
    %dot_general3A_80 = tpu.matmul %mul3A_78, %get3A_28, %dot_general3A_79 {dimension_numbers = #tpu.dot_dimension_numbers<[1], [0], [0], [1], [0, 0, 1, 1], [], []>, transpose_lhs_hint = false} : vector<512x128xf32>, vector<128x128xf32>, vector<512x128xf32> -> vector<512x128xf32>
    %slice3A_81 = vector.extract_strided_slice %dot_general3A_80 {offsets = [0, 0], sizes = [512, 1], strides = [1, 1]} : vector<512x128xf32> to vector<512x1xf32>
    %slice3A_82 = vector.extract_strided_slice %get3A_31 {offsets = [0, 0], sizes = [1, 1], strides = [1, 1]} : vector<1x128xf32> to vector<1x1xf32>
    %add3A_83 = vector.broadcast %slice3A_82 : vector<1x1xf32> to vector<512x1xf32>
    %add3A_84 = arith.addf %slice3A_81, %add3A_83 : vector<512x1xf32>
    %tanh3A = math.tanh %add3A_84 : vector<512x1xf32>
    %slice3A_85 = vector.extract_strided_slice %sub3A {offsets = [0, 0], sizes = [512, 16], strides = [1, 1]} : vector<512x64xf32> to vector<512x16xf32>
    %mul3A_86 = vector.broadcast %tanh3A : vector<512x1xf32> to vector<512x16xf32>
    %mul3A_87 = arith.mulf %slice3A_85, %mul3A_86 : vector<512x16xf32>
    %iota3A = tpu.iota {dimensions = array<i32: 1>} : vector<512x16xi32>
    %eq3A = arith.constant 3 : i32
    %eq3A_88 = vector.broadcast %eq3A : i32 to vector<512x16xi32>
    %eq3A_89 = arith.cmpi eq, %iota3A, %eq3A_88 : vector<512x16xi32>
    %jit3A = arith.constant 1.000000e+00 : f32
    %broadcast_in_dim3A = vector.broadcast %jit3A : f32 to vector<512x16xf32>
    %select_n3A = arith.select %eq3A_89, %broadcast_in_dim3A, %mul3A_87 : vector<512x16xi1>, vector<512x16xf32>
    %reshape3A = vector.shape_cast %select_n3A : vector<512x16xf32> to vector<64x8x16xf32>
    %slice3A_90 = vector.extract_strided_slice %reshape3A {offsets = [0, 0, 0], sizes = [64, 1, 16], strides = [1, 1, 1]} : vector<64x8x16xf32> to vector<64x1x16xf32>
    %squeeze3A = vector.shape_cast %slice3A_90 : vector<64x1x16xf32> to vector<64x16xf32>
    %slice3A_91 = vector.extract_strided_slice %reshape3A {offsets = [0, 1, 0], sizes = [64, 1, 16], strides = [1, 1, 1]} : vector<64x8x16xf32> to vector<64x1x16xf32>
    %squeeze3A_92 = vector.shape_cast %slice3A_91 : vector<64x1x16xf32> to vector<64x16xf32>
    %slice3A_93 = vector.extract_strided_slice %reshape3A {offsets = [0, 2, 0], sizes = [64, 1, 16], strides = [1, 1, 1]} : vector<64x8x16xf32> to vector<64x1x16xf32>
    %squeeze3A_94 = vector.shape_cast %slice3A_93 : vector<64x1x16xf32> to vector<64x16xf32>
    %slice3A_95 = vector.extract_strided_slice %reshape3A {offsets = [0, 3, 0], sizes = [64, 1, 16], strides = [1, 1, 1]} : vector<64x8x16xf32> to vector<64x1x16xf32>
    %squeeze3A_96 = vector.shape_cast %slice3A_95 : vector<64x1x16xf32> to vector<64x16xf32>
    %slice3A_97 = vector.extract_strided_slice %reshape3A {offsets = [0, 4, 0], sizes = [64, 1, 16], strides = [1, 1, 1]} : vector<64x8x16xf32> to vector<64x1x16xf32>
    %squeeze3A_98 = vector.shape_cast %slice3A_97 : vector<64x1x16xf32> to vector<64x16xf32>
    %slice3A_99 = vector.extract_strided_slice %reshape3A {offsets = [0, 5, 0], sizes = [64, 1, 16], strides = [1, 1, 1]} : vector<64x8x16xf32> to vector<64x1x16xf32>
    %squeeze3A_100 = vector.shape_cast %slice3A_99 : vector<64x1x16xf32> to vector<64x16xf32>
    %slice3A_101 = vector.extract_strided_slice %reshape3A {offsets = [0, 6, 0], sizes = [64, 1, 16], strides = [1, 1, 1]} : vector<64x8x16xf32> to vector<64x1x16xf32>
    %squeeze3A_102 = vector.shape_cast %slice3A_101 : vector<64x1x16xf32> to vector<64x16xf32>
    %slice3A_103 = vector.extract_strided_slice %reshape3A {offsets = [0, 7, 0], sizes = [64, 1, 16], strides = [1, 1, 1]} : vector<64x8x16xf32> to vector<64x1x16xf32>
    %squeeze3A_104 = vector.shape_cast %slice3A_103 : vector<64x1x16xf32> to vector<64x16xf32>
    %concatenate3A = tpu.concatenate %squeeze3A, %squeeze3A_92, %squeeze3A_94, %squeeze3A_96, %squeeze3A_98, %squeeze3A_100, %squeeze3A_102, %squeeze3A_104 in 1 : vector<64x16xf32>, vector<64x16xf32>, vector<64x16xf32>, vector<64x16xf32>, vector<64x16xf32>, vector<64x16xf32>, vector<64x16xf32>, vector<64x16xf32> -> vector<64x128xf32>
    %slice3A_105 = vector.extract_strided_slice %get3A_1 {offsets = [0, 64], sizes = [512, 64], strides = [1, 1]} : vector<512x128xf32> to vector<512x64xf32>
    %slice3A_106 = vector.extract_strided_slice %get3A_4 {offsets = [0, 64], sizes = [512, 64], strides = [1, 1]} : vector<512x128xf32> to vector<512x64xf32>
    %get3A_107 = arith.constant 0 : index
    %get3A_108 = arith.constant 0 : index
    %get3A_109 = vector.load %arg4[%get3A_107, %get3A_108] : memref<512x15xf32, #tpu.memory_space<vmem>>, vector<512x15xf32>
    %bitcast_convert_type3A_110 = tpu.bitcast %slice3A_105 : vector<512x64xf32> -> vector<512x64xi32>
    %shift_left3A_111 = arith.constant 16 : i32
    %shift_left3A_112 = vector.broadcast %shift_left3A_111 : i32 to vector<512x64xi32>
    %shift_left3A_113 = arith.shli %bitcast_convert_type3A_110, %shift_left3A_112 : vector<512x64xi32>
    %bitcast_convert_type3A_114 = tpu.bitcast %shift_left3A_113 : vector<512x64xi32> -> vector<512x64xf32>
    %and3A_115 = arith.constant -65536 : i32
    %and3A_116 = vector.broadcast %and3A_115 : i32 to vector<512x64xi32>
    %and3A_117 = arith.andi %bitcast_convert_type3A_110, %and3A_116 : vector<512x64xi32>
    %bitcast_convert_type3A_118 = tpu.bitcast %and3A_117 : vector<512x64xi32> -> vector<512x64xf32>
    %bitcast_convert_type3A_119 = tpu.bitcast %slice3A_106 : vector<512x64xf32> -> vector<512x64xi32>
    %shift_left3A_120 = arith.constant 16 : i32
    %shift_left3A_121 = vector.broadcast %shift_left3A_120 : i32 to vector<512x64xi32>
    %shift_left3A_122 = arith.shli %bitcast_convert_type3A_119, %shift_left3A_121 : vector<512x64xi32>
    %bitcast_convert_type3A_123 = tpu.bitcast %shift_left3A_122 : vector<512x64xi32> -> vector<512x64xf32>
    %and3A_124 = arith.constant -65536 : i32
    %and3A_125 = vector.broadcast %and3A_124 : i32 to vector<512x64xi32>
    %and3A_126 = arith.andi %bitcast_convert_type3A_119, %and3A_125 : vector<512x64xi32>
    %bitcast_convert_type3A_127 = tpu.bitcast %and3A_126 : vector<512x64xi32> -> vector<512x64xf32>
    %sub3A_128 = arith.subf %bitcast_convert_type3A_127, %bitcast_convert_type3A_118 : vector<512x64xf32>
    %dot_general3A_129 = arith.constant dense<0.000000e+00> : vector<512x128xf32>
    %dot_general3A_130 = tpu.matmul %bitcast_convert_type3A_123, %get3A_7, %dot_general3A_129 {dimension_numbers = #tpu.dot_dimension_numbers<[1], [0], [0], [1], [0, 0, 1, 1], [], []>, transpose_lhs_hint = false} : vector<512x64xf32>, vector<64x128xf32>, vector<512x128xf32> -> vector<512x128xf32>
    %dot_general3A_131 = arith.constant dense<0.000000e+00> : vector<512x128xf32>
    %dot_general3A_132 = tpu.matmul %bitcast_convert_type3A_114, %get3A_10, %dot_general3A_131 {dimension_numbers = #tpu.dot_dimension_numbers<[1], [0], [0], [1], [0, 0, 1, 1], [], []>, transpose_lhs_hint = false} : vector<512x64xf32>, vector<64x128xf32>, vector<512x128xf32> -> vector<512x128xf32>
    %add3A_133 = arith.addf %dot_general3A_130, %dot_general3A_132 : vector<512x128xf32>
    %mul3A_134 = arith.mulf %sub3A_128, %sub3A_128 : vector<512x64xf32>
    %dot_general3A_135 = arith.constant dense<0.000000e+00> : vector<512x128xf32>
    %dot_general3A_136 = tpu.matmul %mul3A_134, %get3A_13, %dot_general3A_135 {dimension_numbers = #tpu.dot_dimension_numbers<[1], [0], [0], [1], [0, 0, 1, 1], [], []>, transpose_lhs_hint = false} : vector<512x64xf32>, vector<64x128xf32>, vector<512x128xf32> -> vector<512x128xf32>
    %add3A_137 = arith.addf %add3A_133, %dot_general3A_136 : vector<512x128xf32>
    %dot_general3A_138 = arith.constant dense<0.000000e+00> : vector<512x128xf32>
    %dot_general3A_139 = tpu.matmul %get3A_109, %get3A_16, %dot_general3A_138 {dimension_numbers = #tpu.dot_dimension_numbers<[1], [0], [0], [1], [0, 0, 1, 1], [], []>, transpose_lhs_hint = false} : vector<512x15xf32>, vector<15x128xf32>, vector<512x128xf32> -> vector<512x128xf32>
    %add3A_140 = arith.addf %add3A_137, %dot_general3A_139 : vector<512x128xf32>
    %add3A_141 = vector.broadcast %get3A_19 : vector<1x128xf32> to vector<512x128xf32>
    %add3A_142 = arith.addf %add3A_140, %add3A_141 : vector<512x128xf32>
    %logistic3A_143 = arith.negf %add3A_142 : vector<512x128xf32>
    %logistic3A_144 = math.exp %logistic3A_143 : vector<512x128xf32>
    %logistic3A_145 = arith.constant 1.000000e+00 : f32
    %logistic3A_146 = vector.broadcast %logistic3A_145 : f32 to vector<512x128xf32>
    %logistic3A_147 = arith.addf %logistic3A_146, %logistic3A_144 : vector<512x128xf32>
    %logistic3A_148 = arith.divf %logistic3A_146, %logistic3A_147 : vector<512x128xf32>
    %mul3A_149 = arith.mulf %add3A_142, %logistic3A_148 : vector<512x128xf32>
    %dot_general3A_150 = arith.constant dense<0.000000e+00> : vector<512x128xf32>
    %dot_general3A_151 = tpu.matmul %mul3A_149, %get3A_22, %dot_general3A_150 {dimension_numbers = #tpu.dot_dimension_numbers<[1], [0], [0], [1], [0, 0, 1, 1], [], []>, transpose_lhs_hint = false} : vector<512x128xf32>, vector<128x128xf32>, vector<512x128xf32> -> vector<512x128xf32>
    %add3A_152 = vector.broadcast %get3A_25 : vector<1x128xf32> to vector<512x128xf32>
    %add3A_153 = arith.addf %dot_general3A_151, %add3A_152 : vector<512x128xf32>
    %logistic3A_154 = arith.negf %add3A_153 : vector<512x128xf32>
    %logistic3A_155 = math.exp %logistic3A_154 : vector<512x128xf32>
    %logistic3A_156 = arith.constant 1.000000e+00 : f32
    %logistic3A_157 = vector.broadcast %logistic3A_156 : f32 to vector<512x128xf32>
    %logistic3A_158 = arith.addf %logistic3A_157, %logistic3A_155 : vector<512x128xf32>
    %logistic3A_159 = arith.divf %logistic3A_157, %logistic3A_158 : vector<512x128xf32>
    %mul3A_160 = arith.mulf %add3A_153, %logistic3A_159 : vector<512x128xf32>
    %dot_general3A_161 = arith.constant dense<0.000000e+00> : vector<512x128xf32>
    %dot_general3A_162 = tpu.matmul %mul3A_160, %get3A_28, %dot_general3A_161 {dimension_numbers = #tpu.dot_dimension_numbers<[1], [0], [0], [1], [0, 0, 1, 1], [], []>, transpose_lhs_hint = false} : vector<512x128xf32>, vector<128x128xf32>, vector<512x128xf32> -> vector<512x128xf32>
    %slice3A_163 = vector.extract_strided_slice %dot_general3A_162 {offsets = [0, 0], sizes = [512, 1], strides = [1, 1]} : vector<512x128xf32> to vector<512x1xf32>
    %slice3A_164 = vector.extract_strided_slice %get3A_31 {offsets = [0, 0], sizes = [1, 1], strides = [1, 1]} : vector<1x128xf32> to vector<1x1xf32>
    %add3A_165 = vector.broadcast %slice3A_164 : vector<1x1xf32> to vector<512x1xf32>
    %add3A_166 = arith.addf %slice3A_163, %add3A_165 : vector<512x1xf32>
    %tanh3A_167 = math.tanh %add3A_166 : vector<512x1xf32>
    %slice3A_168 = vector.extract_strided_slice %sub3A_128 {offsets = [0, 0], sizes = [512, 16], strides = [1, 1]} : vector<512x64xf32> to vector<512x16xf32>
    %mul3A_169 = vector.broadcast %tanh3A_167 : vector<512x1xf32> to vector<512x16xf32>
    %mul3A_170 = arith.mulf %slice3A_168, %mul3A_169 : vector<512x16xf32>
    %iota3A_171 = tpu.iota {dimensions = array<i32: 1>} : vector<512x16xi32>
    %eq3A_172 = arith.constant 3 : i32
    %eq3A_173 = vector.broadcast %eq3A_172 : i32 to vector<512x16xi32>
    %eq3A_174 = arith.cmpi eq, %iota3A_171, %eq3A_173 : vector<512x16xi32>
    %jit3A_175 = arith.constant 1.000000e+00 : f32
    %broadcast_in_dim3A_176 = vector.broadcast %jit3A_175 : f32 to vector<512x16xf32>
    %select_n3A_177 = arith.select %eq3A_174, %broadcast_in_dim3A_176, %mul3A_170 : vector<512x16xi1>, vector<512x16xf32>
    %reshape3A_178 = vector.shape_cast %select_n3A_177 : vector<512x16xf32> to vector<64x8x16xf32>
    %slice3A_179 = vector.extract_strided_slice %reshape3A_178 {offsets = [0, 0, 0], sizes = [64, 1, 16], strides = [1, 1, 1]} : vector<64x8x16xf32> to vector<64x1x16xf32>
    %squeeze3A_180 = vector.shape_cast %slice3A_179 : vector<64x1x16xf32> to vector<64x16xf32>
    %slice3A_181 = vector.extract_strided_slice %reshape3A_178 {offsets = [0, 1, 0], sizes = [64, 1, 16], strides = [1, 1, 1]} : vector<64x8x16xf32> to vector<64x1x16xf32>
    %squeeze3A_182 = vector.shape_cast %slice3A_181 : vector<64x1x16xf32> to vector<64x16xf32>
    %slice3A_183 = vector.extract_strided_slice %reshape3A_178 {offsets = [0, 2, 0], sizes = [64, 1, 16], strides = [1, 1, 1]} : vector<64x8x16xf32> to vector<64x1x16xf32>
    %squeeze3A_184 = vector.shape_cast %slice3A_183 : vector<64x1x16xf32> to vector<64x16xf32>
    %slice3A_185 = vector.extract_strided_slice %reshape3A_178 {offsets = [0, 3, 0], sizes = [64, 1, 16], strides = [1, 1, 1]} : vector<64x8x16xf32> to vector<64x1x16xf32>
    %squeeze3A_186 = vector.shape_cast %slice3A_185 : vector<64x1x16xf32> to vector<64x16xf32>
    %slice3A_187 = vector.extract_strided_slice %reshape3A_178 {offsets = [0, 4, 0], sizes = [64, 1, 16], strides = [1, 1, 1]} : vector<64x8x16xf32> to vector<64x1x16xf32>
    %squeeze3A_188 = vector.shape_cast %slice3A_187 : vector<64x1x16xf32> to vector<64x16xf32>
    %slice3A_189 = vector.extract_strided_slice %reshape3A_178 {offsets = [0, 5, 0], sizes = [64, 1, 16], strides = [1, 1, 1]} : vector<64x8x16xf32> to vector<64x1x16xf32>
    %squeeze3A_190 = vector.shape_cast %slice3A_189 : vector<64x1x16xf32> to vector<64x16xf32>
    %slice3A_191 = vector.extract_strided_slice %reshape3A_178 {offsets = [0, 6, 0], sizes = [64, 1, 16], strides = [1, 1, 1]} : vector<64x8x16xf32> to vector<64x1x16xf32>
    %squeeze3A_192 = vector.shape_cast %slice3A_191 : vector<64x1x16xf32> to vector<64x16xf32>
    %slice3A_193 = vector.extract_strided_slice %reshape3A_178 {offsets = [0, 7, 0], sizes = [64, 1, 16], strides = [1, 1, 1]} : vector<64x8x16xf32> to vector<64x1x16xf32>
    %squeeze3A_194 = vector.shape_cast %slice3A_193 : vector<64x1x16xf32> to vector<64x16xf32>
    %concatenate3A_195 = tpu.concatenate %squeeze3A_180, %squeeze3A_182, %squeeze3A_184, %squeeze3A_186, %squeeze3A_188, %squeeze3A_190, %squeeze3A_192, %squeeze3A_194 in 1 : vector<64x16xf32>, vector<64x16xf32>, vector<64x16xf32>, vector<64x16xf32>, vector<64x16xf32>, vector<64x16xf32>, vector<64x16xf32>, vector<64x16xf32> -> vector<64x128xf32>
    %swap3A = arith.constant 0 : index
    %swap3A_196 = arith.constant 0 : index
    %swap3A_197 = vector.load %arg14[%swap3A, %swap3A_196] : memref<512x128xf32, #tpu.memory_space<vmem>>, vector<512x128xf32>
    tpu.vector_store %arg14[%swap3A, %swap3A_196], %mul3A_78 {strides = array<i32>} : memref<512x128xf32, #tpu.memory_space<vmem>>, vector<512x128xf32>,
    %swap3A_198 = arith.constant 0 : index
    %swap3A_199 = arith.constant 0 : index
    %swap3A_200 = vector.load %arg15[%swap3A_198, %swap3A_199] : memref<512x128xf32, #tpu.memory_space<vmem>>, vector<512x128xf32>
    tpu.vector_store %arg15[%swap3A_198, %swap3A_199], %mul3A_160 {strides = array<i32>} : memref<512x128xf32, #tpu.memory_space<vmem>>, vector<512x128xf32>,
    %swap3A_201 = arith.constant 0 : index
    %swap3A_202 = arith.constant 0 : index
    %swap3A_203 = vector.load %arg16[%swap3A_201, %swap3A_202] : memref<64x128xf32, #tpu.memory_space<vmem>>, vector<64x128xf32>
    tpu.vector_store %arg16[%swap3A_201, %swap3A_202], %concatenate3A {strides = array<i32>} : memref<64x128xf32, #tpu.memory_space<vmem>>, vector<64x128xf32>,
    %swap3A_204 = arith.constant 0 : index
    %swap3A_205 = arith.constant 0 : index
    %swap3A_206 = vector.load %arg17[%swap3A_204, %swap3A_205] : memref<64x128xf32, #tpu.memory_space<vmem>>, vector<64x128xf32>
    tpu.vector_store %arg17[%swap3A_204, %swap3A_205], %concatenate3A_195 {strides = array<i32>} : memref<64x128xf32, #tpu.memory_space<vmem>>, vector<64x128xf32>,
    return
  }
  func.func @transform_0(%arg0: i32) -> (i32, i32) {
    %c0_i32 = arith.constant 0 : i32
    %c0_i32_0 = arith.constant 0 : i32
    return %arg0, %c0_i32 : i32, i32
  }
  func.func @transform_1(%arg0: i32) -> (i32, i32) {
    %c0_i32 = arith.constant 0 : i32
    %c0_i32_0 = arith.constant 0 : i32
    return %arg0, %c0_i32 : i32, i32
  }
  func.func @transform_2(%arg0: i32) -> (i32, i32) {
    %c0_i32 = arith.constant 0 : i32
    %c0_i32_0 = arith.constant 0 : i32
    return %arg0, %c0_i32 : i32, i32
  }
  func.func @transform_3(%arg0: i32) -> (i32, i32) {
    %add3A = arith.constant 625 : i32
    %add3A_0 = arith.addi %arg0, %add3A : i32
    %c0_i32 = arith.constant 0 : i32
    %c0_i32_1 = arith.constant 0 : i32
    return %add3A_0, %c0_i32 : i32, i32
  }
  func.func @transform_4(%arg0: i32) -> (i32, i32) {
    %c0_i32 = arith.constant 0 : i32
    %c0_i32_0 = arith.constant 0 : i32
    %c0_i32_1 = arith.constant 0 : i32
    return %c0_i32, %c0_i32_0 : i32, i32
  }
  func.func @transform_5(%arg0: i32) -> (i32, i32) {
    %c0_i32 = arith.constant 0 : i32
    %c0_i32_0 = arith.constant 0 : i32
    %c0_i32_1 = arith.constant 0 : i32
    return %c0_i32, %c0_i32_0 : i32, i32
  }
  func.func @transform_6(%arg0: i32) -> (i32, i32) {
    %c0_i32 = arith.constant 0 : i32
    %c0_i32_0 = arith.constant 0 : i32
    %c0_i32_1 = arith.constant 0 : i32
    return %c0_i32, %c0_i32_0 : i32, i32
  }
  func.func @transform_7(%arg0: i32) -> (i32, i32) {
    %c0_i32 = arith.constant 0 : i32
    %c0_i32_0 = arith.constant 0 : i32
    %c0_i32_1 = arith.constant 0 : i32
    return %c0_i32, %c0_i32_0 : i32, i32
  }
  func.func @transform_8(%arg0: i32) -> (i32, i32) {
    %c0_i32 = arith.constant 0 : i32
    %c0_i32_0 = arith.constant 0 : i32
    %c0_i32_1 = arith.constant 0 : i32
    return %c0_i32, %c0_i32_0 : i32, i32
  }
  func.func @transform_9(%arg0: i32) -> (i32, i32) {
    %c0_i32 = arith.constant 0 : i32
    %c0_i32_0 = arith.constant 0 : i32
    %c0_i32_1 = arith.constant 0 : i32
    return %c0_i32, %c0_i32_0 : i32, i32
  }
  func.func @transform_10(%arg0: i32) -> (i32, i32) {
    %c0_i32 = arith.constant 0 : i32
    %c0_i32_0 = arith.constant 0 : i32
    %c0_i32_1 = arith.constant 0 : i32
    return %c0_i32, %c0_i32_0 : i32, i32
  }
  func.func @transform_11(%arg0: i32) -> (i32, i32) {
    %c0_i32 = arith.constant 0 : i32
    %c0_i32_0 = arith.constant 0 : i32
    %c0_i32_1 = arith.constant 0 : i32
    return %c0_i32, %c0_i32_0 : i32, i32
  }
  func.func @transform_12(%arg0: i32) -> (i32, i32) {
    %c0_i32 = arith.constant 0 : i32
    %c0_i32_0 = arith.constant 0 : i32
    %c0_i32_1 = arith.constant 0 : i32
    return %c0_i32, %c0_i32_0 : i32, i32
  }
  func.func @transform_13(%arg0: i32) -> (i32, i32) {
    %c0_i32 = arith.constant 0 : i32
    %c0_i32_0 = arith.constant 0 : i32
    return %arg0, %c0_i32 : i32, i32
  }
  func.func @transform_14(%arg0: i32) -> (i32, i32) {
    %c0_i32 = arith.constant 0 : i32
    %c0_i32_0 = arith.constant 0 : i32
    return %arg0, %c0_i32 : i32, i32
  }
  func.func @transform_15(%arg0: i32) -> (i32, i32) {
    %c0_i32 = arith.constant 0 : i32
    %c0_i32_0 = arith.constant 0 : i32
    return %arg0, %c0_i32 : i32, i32
  }
  func.func @transform_16(%arg0: i32) -> (i32, i32) {
    %c0_i32 = arith.constant 0 : i32
    %c0_i32_0 = arith.constant 0 : i32
    return %arg0, %c0_i32 : i32, i32
  }
}

module attributes {stable_mosaic.version = 14 : i64} {
  func.func @_node_body(%arg0: i32, %arg1: memref<1000x64xf32, #tpu.memory_space<vmem>>, %arg2: memref<1000x128xf32, #tpu.memory_space<vmem>>, %arg3: memref<1000x128xf32, #tpu.memory_space<vmem>>, %arg4: memref<1000x16xf32, #tpu.memory_space<vmem>>, %arg5: memref<1000x16xf32, #tpu.memory_space<vmem>>, %arg6: memref<1000x16xf32, #tpu.memory_space<vmem>>, %arg7: memref<64x128xf32, #tpu.memory_space<vmem>>, %arg8: memref<128x128xf32, #tpu.memory_space<vmem>>, %arg9: memref<1x128xf32, #tpu.memory_space<vmem>>, %arg10: memref<128x64xf32, #tpu.memory_space<vmem>>, %arg11: memref<1x64xf32, #tpu.memory_space<vmem>>, %arg12: memref<1000x64xf32, #tpu.memory_space<vmem>>, %arg13: memref<1000x64xf32, #tpu.memory_space<vmem>>) attributes {dimension_semantics = [#tpu.dimension_semantics<arbitrary>], iteration_bounds = array<i64: 10>, scalar_prefetch = 0 : i64, scratch_operands = 0 : i64, tpu.core_type = #tpu.core_type<tc>, window_params = [{transform_indices = @transform_0, window_bounds = array<i64: 1000, 64>}, {transform_indices = @transform_1, window_bounds = array<i64: 1000, 128>}, {transform_indices = @transform_2, window_bounds = array<i64: 1000, 128>}, {transform_indices = @transform_3, window_bounds = array<i64: 1000, 16>}, {transform_indices = @transform_4, window_bounds = array<i64: 1000, 16>}, {transform_indices = @transform_5, window_bounds = array<i64: 1000, 16>}, {pipeline_mode = #tpu.pipeline_mode<synchronous>, transform_indices = @transform_6, window_bounds = array<i64: 64, 128>}, {pipeline_mode = #tpu.pipeline_mode<synchronous>, transform_indices = @transform_7, window_bounds = array<i64: 128, 128>}, {pipeline_mode = #tpu.pipeline_mode<synchronous>, transform_indices = @transform_8, window_bounds = array<i64: 1, 128>}, {pipeline_mode = #tpu.pipeline_mode<synchronous>, transform_indices = @transform_9, window_bounds = array<i64: 128, 64>}, {pipeline_mode = #tpu.pipeline_mode<synchronous>, transform_indices = @transform_10, window_bounds = array<i64: 1, 64>}, {transform_indices = @transform_11, window_bounds = array<i64: 1000, 64>}, {transform_indices = @transform_12, window_bounds = array<i64: 1000, 64>}]} {
    %get3A = arith.constant 0 : index
    %get3A_0 = arith.constant 0 : index
    %get3A_1 = vector.load %arg1[%get3A, %get3A_0] : memref<1000x64xf32, #tpu.memory_space<vmem>>, vector<1000x64xf32>
    %get3A_2 = arith.constant 0 : index
    %get3A_3 = arith.constant 0 : index
    %get3A_4 = vector.load %arg2[%get3A_2, %get3A_3] : memref<1000x128xf32, #tpu.memory_space<vmem>>, vector<1000x128xf32>
    %get3A_5 = arith.constant 0 : index
    %get3A_6 = arith.constant 0 : index
    %get3A_7 = vector.load %arg3[%get3A_5, %get3A_6] : memref<1000x128xf32, #tpu.memory_space<vmem>>, vector<1000x128xf32>
    %add3A = arith.addf %get3A_4, %get3A_7 : vector<1000x128xf32>
    %get3A_8 = arith.constant 0 : index
    %get3A_9 = arith.constant 0 : index
    %get3A_10 = vector.load %arg7[%get3A_8, %get3A_9] : memref<64x128xf32, #tpu.memory_space<vmem>>, vector<64x128xf32>
    %dot_general3A = arith.constant dense<0.000000e+00> : vector<1000x128xf32>
    %dot_general3A_11 = tpu.matmul %get3A_1, %get3A_10, %dot_general3A {dimension_numbers = #tpu.dot_dimension_numbers<[1], [0], [0], [1], [0, 0, 1, 1], [], []>, transpose_lhs_hint = false} : vector<1000x64xf32>, vector<64x128xf32>, vector<1000x128xf32> -> vector<1000x128xf32>
    %get3A_12 = arith.constant 0 : index
    %get3A_13 = arith.constant 0 : index
    %get3A_14 = vector.load %arg8[%get3A_12, %get3A_13] : memref<128x128xf32, #tpu.memory_space<vmem>>, vector<128x128xf32>
    %dot_general3A_15 = arith.constant dense<0.000000e+00> : vector<1000x128xf32>
    %dot_general3A_16 = tpu.matmul %add3A, %get3A_14, %dot_general3A_15 {dimension_numbers = #tpu.dot_dimension_numbers<[1], [0], [0], [1], [0, 0, 1, 1], [], []>, transpose_lhs_hint = false} : vector<1000x128xf32>, vector<128x128xf32>, vector<1000x128xf32> -> vector<1000x128xf32>
    %add3A_17 = arith.addf %dot_general3A_11, %dot_general3A_16 : vector<1000x128xf32>
    %get3A_18 = arith.constant 0 : index
    %get3A_19 = arith.constant 0 : index
    %get3A_20 = vector.load %arg9[%get3A_18, %get3A_19] : memref<1x128xf32, #tpu.memory_space<vmem>>, vector<1x128xf32>
    %add3A_21 = vector.broadcast %get3A_20 : vector<1x128xf32> to vector<1000x128xf32>
    %add3A_22 = arith.addf %add3A_17, %add3A_21 : vector<1000x128xf32>
    %logistic3A = arith.negf %add3A_22 : vector<1000x128xf32>
    %logistic3A_23 = math.exp %logistic3A : vector<1000x128xf32>
    %logistic3A_24 = arith.constant 1.000000e+00 : f32
    %logistic3A_25 = vector.broadcast %logistic3A_24 : f32 to vector<1000x128xf32>
    %logistic3A_26 = arith.addf %logistic3A_25, %logistic3A_23 : vector<1000x128xf32>
    %logistic3A_27 = arith.divf %logistic3A_25, %logistic3A_26 : vector<1000x128xf32>
    %mul3A = arith.mulf %add3A_22, %logistic3A_27 : vector<1000x128xf32>
    %get3A_28 = arith.constant 0 : index
    %get3A_29 = arith.constant 0 : index
    %get3A_30 = vector.load %arg10[%get3A_28, %get3A_29] : memref<128x64xf32, #tpu.memory_space<vmem>>, vector<128x64xf32>
    %dot_general3A_31 = arith.constant dense<0.000000e+00> : vector<1000x64xf32>
    %dot_general3A_32 = tpu.matmul %mul3A, %get3A_30, %dot_general3A_31 {dimension_numbers = #tpu.dot_dimension_numbers<[1], [0], [0], [1], [0, 0, 1, 1], [], []>, transpose_lhs_hint = false} : vector<1000x128xf32>, vector<128x64xf32>, vector<1000x64xf32> -> vector<1000x64xf32>
    %add3A_33 = arith.addf %get3A_1, %dot_general3A_32 : vector<1000x64xf32>
    %get3A_34 = arith.constant 0 : index
    %get3A_35 = arith.constant 0 : index
    %get3A_36 = vector.load %arg11[%get3A_34, %get3A_35] : memref<1x64xf32, #tpu.memory_space<vmem>>, vector<1x64xf32>
    %add3A_37 = vector.broadcast %get3A_36 : vector<1x64xf32> to vector<1000x64xf32>
    %add3A_38 = arith.addf %add3A_33, %add3A_37 : vector<1000x64xf32>
    %get3A_39 = arith.constant 0 : index
    %get3A_40 = arith.constant 0 : index
    %get3A_41 = vector.load %arg4[%get3A_39, %get3A_40] : memref<1000x16xf32, #tpu.memory_space<vmem>>, vector<1000x16xf32>
    %get3A_42 = arith.constant 0 : index
    %get3A_43 = arith.constant 0 : index
    %get3A_44 = vector.load %arg5[%get3A_42, %get3A_43] : memref<1000x16xf32, #tpu.memory_space<vmem>>, vector<1000x16xf32>
    %add3A_45 = arith.addf %get3A_41, %get3A_44 : vector<1000x16xf32>
    %slice3A = vector.extract_strided_slice %add3A_45 {offsets = [0, 3], sizes = [1000, 1], strides = [1, 1]} : vector<1000x16xf32> to vector<1000x1xf32>
    %max3A = arith.constant 1.000000e+00 : f32
    %max3A_46 = vector.broadcast %max3A : f32 to vector<1000x1xf32>
    %max3A_47 = arith.maximumf %slice3A, %max3A_46 : vector<1000x1xf32>
    %div3A = vector.broadcast %max3A_47 : vector<1000x1xf32> to vector<1000x16xf32>
    %div3A_48 = arith.divf %add3A_45, %div3A : vector<1000x16xf32>
    %iota3A = tpu.iota {dimensions = array<i32: 1>} : vector<1000x16xi32>
    %get3A_49 = arith.constant 0 : index
    %get3A_50 = arith.constant 0 : index
    %get3A_51 = vector.load %arg6[%get3A_49, %get3A_50] : memref<1000x16xf32, #tpu.memory_space<vmem>>, vector<1000x16xf32>
    %lt3A = arith.constant 3 : i32
    %lt3A_52 = vector.broadcast %lt3A : i32 to vector<1000x16xi32>
    %lt3A_53 = arith.cmpi slt, %iota3A, %lt3A_52 : vector<1000x16xi32>
    %jit3A = arith.constant 0.000000e+00 : f32
    %broadcast_in_dim3A = vector.broadcast %jit3A : f32 to vector<1000x16xf32>
    %select_n3A = arith.select %lt3A_53, %div3A_48, %broadcast_in_dim3A : vector<1000x16xi1>, vector<1000x16xf32>
    %add3A_54 = arith.addf %get3A_51, %select_n3A : vector<1000x16xf32>
    %broadcast_in_dim3A_55 = arith.constant 0.000000e+00 : f32
    %broadcast_in_dim3A_56 = vector.broadcast %broadcast_in_dim3A_55 : f32 to vector<1000x48xf32>
    %concatenate3A = tpu.concatenate %add3A_54, %broadcast_in_dim3A_56 in 1 : vector<1000x16xf32>, vector<1000x48xf32> -> vector<1000x64xf32>
    %convert_element_type3A = arith.truncf %add3A_38 : vector<1000x64xf32> to vector<1000x64xbf16>
    %convert_element_type3A_57 = arith.extf %convert_element_type3A : vector<1000x64xbf16> to vector<1000x64xf32>
    %bitcast_convert_type3A = tpu.bitcast %convert_element_type3A_57 : vector<1000x64xf32> -> vector<1000x64xi32>
    %convert_element_type3A_58 = arith.truncf %concatenate3A : vector<1000x64xf32> to vector<1000x64xbf16>
    %convert_element_type3A_59 = arith.extf %convert_element_type3A_58 : vector<1000x64xbf16> to vector<1000x64xf32>
    %bitcast_convert_type3A_60 = tpu.bitcast %convert_element_type3A_59 : vector<1000x64xf32> -> vector<1000x64xi32>
    %shift_right_logical3A = arith.constant 16 : i32
    %shift_right_logical3A_61 = vector.broadcast %shift_right_logical3A : i32 to vector<1000x64xi32>
    %shift_right_logical3A_62 = arith.shrui %bitcast_convert_type3A, %shift_right_logical3A_61 : vector<1000x64xi32>
    %or3A = arith.ori %shift_right_logical3A_62, %bitcast_convert_type3A_60 : vector<1000x64xi32>
    %bitcast_convert_type3A_63 = tpu.bitcast %or3A : vector<1000x64xi32> -> vector<1000x64xf32>
    %swap3A = arith.constant 0 : index
    %swap3A_64 = arith.constant 0 : index
    %swap3A_65 = vector.load %arg12[%swap3A, %swap3A_64] : memref<1000x64xf32, #tpu.memory_space<vmem>>, vector<1000x64xf32>
    tpu.vector_store %arg12[%swap3A, %swap3A_64], %bitcast_convert_type3A_63 {strides = array<i32>} : memref<1000x64xf32, #tpu.memory_space<vmem>>, vector<1000x64xf32>,
    %swap3A_66 = arith.constant 0 : index
    %swap3A_67 = arith.constant 0 : index
    %swap3A_68 = vector.load %arg13[%swap3A_66, %swap3A_67] : memref<1000x64xf32, #tpu.memory_space<vmem>>, vector<1000x64xf32>
    tpu.vector_store %arg13[%swap3A_66, %swap3A_67], %add3A_38 {strides = array<i32>} : memref<1000x64xf32, #tpu.memory_space<vmem>>, vector<1000x64xf32>,
    return
  }
  func.func @transform_0(%arg0: i32) -> (i32, i32) {
    %c0_i32 = arith.constant 0 : i32
    %c0_i32_0 = arith.constant 0 : i32
    return %arg0, %c0_i32 : i32, i32
  }
  func.func @transform_1(%arg0: i32) -> (i32, i32) {
    %c0_i32 = arith.constant 0 : i32
    %c0_i32_0 = arith.constant 0 : i32
    return %arg0, %c0_i32 : i32, i32
  }
  func.func @transform_2(%arg0: i32) -> (i32, i32) {
    %c0_i32 = arith.constant 0 : i32
    %c0_i32_0 = arith.constant 0 : i32
    return %arg0, %c0_i32 : i32, i32
  }
  func.func @transform_3(%arg0: i32) -> (i32, i32) {
    %c0_i32 = arith.constant 0 : i32
    %c0_i32_0 = arith.constant 0 : i32
    return %arg0, %c0_i32 : i32, i32
  }
  func.func @transform_4(%arg0: i32) -> (i32, i32) {
    %c0_i32 = arith.constant 0 : i32
    %c0_i32_0 = arith.constant 0 : i32
    return %arg0, %c0_i32 : i32, i32
  }
  func.func @transform_5(%arg0: i32) -> (i32, i32) {
    %c0_i32 = arith.constant 0 : i32
    %c0_i32_0 = arith.constant 0 : i32
    return %arg0, %c0_i32 : i32, i32
  }
  func.func @transform_6(%arg0: i32) -> (i32, i32) {
    %c0_i32 = arith.constant 0 : i32
    %c0_i32_0 = arith.constant 0 : i32
    %c0_i32_1 = arith.constant 0 : i32
    return %c0_i32, %c0_i32_0 : i32, i32
  }
  func.func @transform_7(%arg0: i32) -> (i32, i32) {
    %c0_i32 = arith.constant 0 : i32
    %c0_i32_0 = arith.constant 0 : i32
    %c0_i32_1 = arith.constant 0 : i32
    return %c0_i32, %c0_i32_0 : i32, i32
  }
  func.func @transform_8(%arg0: i32) -> (i32, i32) {
    %c0_i32 = arith.constant 0 : i32
    %c0_i32_0 = arith.constant 0 : i32
    %c0_i32_1 = arith.constant 0 : i32
    return %c0_i32, %c0_i32_0 : i32, i32
  }
  func.func @transform_9(%arg0: i32) -> (i32, i32) {
    %c0_i32 = arith.constant 0 : i32
    %c0_i32_0 = arith.constant 0 : i32
    %c0_i32_1 = arith.constant 0 : i32
    return %c0_i32, %c0_i32_0 : i32, i32
  }
  func.func @transform_10(%arg0: i32) -> (i32, i32) {
    %c0_i32 = arith.constant 0 : i32
    %c0_i32_0 = arith.constant 0 : i32
    %c0_i32_1 = arith.constant 0 : i32
    return %c0_i32, %c0_i32_0 : i32, i32
  }
  func.func @transform_11(%arg0: i32) -> (i32, i32) {
    %c0_i32 = arith.constant 0 : i32
    %c0_i32_0 = arith.constant 0 : i32
    return %arg0, %c0_i32 : i32, i32
  }
  func.func @transform_12(%arg0: i32) -> (i32, i32) {
    %c0_i32 = arith.constant 0 : i32
    %c0_i32_0 = arith.constant 0 : i32
    return %arg0, %c0_i32 : i32, i32
  }
}

module attributes {stable_mosaic.version = 14 : i64} {
  func.func @_edge_body(%arg0: i32, %arg1: memref<512x128xf32, #tpu.memory_space<vmem>>, %arg2: memref<512x128xf32, #tpu.memory_space<vmem>>, %arg3: memref<512x15xf32, #tpu.memory_space<vmem>>, %arg4: memref<512x15xf32, #tpu.memory_space<vmem>>, %arg5: memref<64x128xf32, #tpu.memory_space<vmem>>, %arg6: memref<64x128xf32, #tpu.memory_space<vmem>>, %arg7: memref<64x128xf32, #tpu.memory_space<vmem>>, %arg8: memref<15x128xf32, #tpu.memory_space<vmem>>, %arg9: memref<1x128xf32, #tpu.memory_space<vmem>>, %arg10: memref<128x128xf32, #tpu.memory_space<vmem>>, %arg11: memref<1x128xf32, #tpu.memory_space<vmem>>, %arg12: memref<128x128xf32, #tpu.memory_space<vmem>>, %arg13: memref<1x128xf32, #tpu.memory_space<vmem>>, %arg14: memref<512x128xf32, #tpu.memory_space<vmem>>, %arg15: memref<512x128xf32, #tpu.memory_space<vmem>>) attributes {dimension_semantics = [#tpu.dimension_semantics<arbitrary>], iteration_bounds = array<i64: 625>, scalar_prefetch = 0 : i64, scratch_operands = 0 : i64, tpu.core_type = #tpu.core_type<tc>, window_params = [{transform_indices = @transform_0, window_bounds = array<i64: 512, 128>}, {transform_indices = @transform_1, window_bounds = array<i64: 512, 128>}, {transform_indices = @transform_2, window_bounds = array<i64: 512, 15>}, {transform_indices = @transform_3, window_bounds = array<i64: 512, 15>}, {pipeline_mode = #tpu.pipeline_mode<synchronous>, transform_indices = @transform_4, window_bounds = array<i64: 64, 128>}, {pipeline_mode = #tpu.pipeline_mode<synchronous>, transform_indices = @transform_5, window_bounds = array<i64: 64, 128>}, {pipeline_mode = #tpu.pipeline_mode<synchronous>, transform_indices = @transform_6, window_bounds = array<i64: 64, 128>}, {pipeline_mode = #tpu.pipeline_mode<synchronous>, transform_indices = @transform_7, window_bounds = array<i64: 15, 128>}, {pipeline_mode = #tpu.pipeline_mode<synchronous>, transform_indices = @transform_8, window_bounds = array<i64: 1, 128>}, {pipeline_mode = #tpu.pipeline_mode<synchronous>, transform_indices = @transform_9, window_bounds = array<i64: 128, 128>}, {pipeline_mode = #tpu.pipeline_mode<synchronous>, transform_indices = @transform_10, window_bounds = array<i64: 1, 128>}, {pipeline_mode = #tpu.pipeline_mode<synchronous>, transform_indices = @transform_11, window_bounds = array<i64: 128, 128>}, {pipeline_mode = #tpu.pipeline_mode<synchronous>, transform_indices = @transform_12, window_bounds = array<i64: 1, 128>}, {transform_indices = @transform_13, window_bounds = array<i64: 512, 128>}, {transform_indices = @transform_14, window_bounds = array<i64: 512, 128>}]} {
    %get3A = arith.constant 0 : index
    %get3A_0 = arith.constant 0 : index
    %get3A_1 = vector.load %arg1[%get3A, %get3A_0] : memref<512x128xf32, #tpu.memory_space<vmem>>, vector<512x128xf32>
    %get3A_2 = arith.constant 0 : index
    %get3A_3 = arith.constant 0 : index
    %get3A_4 = vector.load %arg2[%get3A_2, %get3A_3] : memref<512x128xf32, #tpu.memory_space<vmem>>, vector<512x128xf32>
    %get3A_5 = arith.constant 0 : index
    %get3A_6 = arith.constant 0 : index
    %get3A_7 = vector.load %arg5[%get3A_5, %get3A_6] : memref<64x128xf32, #tpu.memory_space<vmem>>, vector<64x128xf32>
    %get3A_8 = arith.constant 0 : index
    %get3A_9 = arith.constant 0 : index
    %get3A_10 = vector.load %arg6[%get3A_8, %get3A_9] : memref<64x128xf32, #tpu.memory_space<vmem>>, vector<64x128xf32>
    %get3A_11 = arith.constant 0 : index
    %get3A_12 = arith.constant 0 : index
    %get3A_13 = vector.load %arg7[%get3A_11, %get3A_12] : memref<64x128xf32, #tpu.memory_space<vmem>>, vector<64x128xf32>
    %get3A_14 = arith.constant 0 : index
    %get3A_15 = arith.constant 0 : index
    %get3A_16 = vector.load %arg8[%get3A_14, %get3A_15] : memref<15x128xf32, #tpu.memory_space<vmem>>, vector<15x128xf32>
    %get3A_17 = arith.constant 0 : index
    %get3A_18 = arith.constant 0 : index
    %get3A_19 = vector.load %arg9[%get3A_17, %get3A_18] : memref<1x128xf32, #tpu.memory_space<vmem>>, vector<1x128xf32>
    %get3A_20 = arith.constant 0 : index
    %get3A_21 = arith.constant 0 : index
    %get3A_22 = vector.load %arg10[%get3A_20, %get3A_21] : memref<128x128xf32, #tpu.memory_space<vmem>>, vector<128x128xf32>
    %get3A_23 = arith.constant 0 : index
    %get3A_24 = arith.constant 0 : index
    %get3A_25 = vector.load %arg11[%get3A_23, %get3A_24] : memref<1x128xf32, #tpu.memory_space<vmem>>, vector<1x128xf32>
    %slice3A = vector.extract_strided_slice %get3A_1 {offsets = [0, 0], sizes = [512, 64], strides = [1, 1]} : vector<512x128xf32> to vector<512x64xf32>
    %slice3A_26 = vector.extract_strided_slice %get3A_4 {offsets = [0, 0], sizes = [512, 64], strides = [1, 1]} : vector<512x128xf32> to vector<512x64xf32>
    %get3A_27 = arith.constant 0 : index
    %get3A_28 = arith.constant 0 : index
    %get3A_29 = vector.load %arg3[%get3A_27, %get3A_28] : memref<512x15xf32, #tpu.memory_space<vmem>>, vector<512x15xf32>
    %bitcast_convert_type3A = tpu.bitcast %slice3A : vector<512x64xf32> -> vector<512x64xi32>
    %shift_left3A = arith.constant 16 : i32
    %shift_left3A_30 = vector.broadcast %shift_left3A : i32 to vector<512x64xi32>
    %shift_left3A_31 = arith.shli %bitcast_convert_type3A, %shift_left3A_30 : vector<512x64xi32>
    %bitcast_convert_type3A_32 = tpu.bitcast %shift_left3A_31 : vector<512x64xi32> -> vector<512x64xf32>
    %and3A = arith.constant -65536 : i32
    %and3A_33 = vector.broadcast %and3A : i32 to vector<512x64xi32>
    %and3A_34 = arith.andi %bitcast_convert_type3A, %and3A_33 : vector<512x64xi32>
    %bitcast_convert_type3A_35 = tpu.bitcast %and3A_34 : vector<512x64xi32> -> vector<512x64xf32>
    %bitcast_convert_type3A_36 = tpu.bitcast %slice3A_26 : vector<512x64xf32> -> vector<512x64xi32>
    %shift_left3A_37 = arith.constant 16 : i32
    %shift_left3A_38 = vector.broadcast %shift_left3A_37 : i32 to vector<512x64xi32>
    %shift_left3A_39 = arith.shli %bitcast_convert_type3A_36, %shift_left3A_38 : vector<512x64xi32>
    %bitcast_convert_type3A_40 = tpu.bitcast %shift_left3A_39 : vector<512x64xi32> -> vector<512x64xf32>
    %and3A_41 = arith.constant -65536 : i32
    %and3A_42 = vector.broadcast %and3A_41 : i32 to vector<512x64xi32>
    %and3A_43 = arith.andi %bitcast_convert_type3A_36, %and3A_42 : vector<512x64xi32>
    %bitcast_convert_type3A_44 = tpu.bitcast %and3A_43 : vector<512x64xi32> -> vector<512x64xf32>
    %sub3A = arith.subf %bitcast_convert_type3A_44, %bitcast_convert_type3A_35 : vector<512x64xf32>
    %dot_general3A = arith.constant dense<0.000000e+00> : vector<512x128xf32>
    %dot_general3A_45 = tpu.matmul %bitcast_convert_type3A_40, %get3A_7, %dot_general3A {dimension_numbers = #tpu.dot_dimension_numbers<[1], [0], [0], [1], [0, 0, 1, 1], [], []>, transpose_lhs_hint = false} : vector<512x64xf32>, vector<64x128xf32>, vector<512x128xf32> -> vector<512x128xf32>
    %dot_general3A_46 = arith.constant dense<0.000000e+00> : vector<512x128xf32>
    %dot_general3A_47 = tpu.matmul %bitcast_convert_type3A_32, %get3A_10, %dot_general3A_46 {dimension_numbers = #tpu.dot_dimension_numbers<[1], [0], [0], [1], [0, 0, 1, 1], [], []>, transpose_lhs_hint = false} : vector<512x64xf32>, vector<64x128xf32>, vector<512x128xf32> -> vector<512x128xf32>
    %add3A = arith.addf %dot_general3A_45, %dot_general3A_47 : vector<512x128xf32>
    %mul3A = arith.mulf %sub3A, %sub3A : vector<512x64xf32>
    %dot_general3A_48 = arith.constant dense<0.000000e+00> : vector<512x128xf32>
    %dot_general3A_49 = tpu.matmul %mul3A, %get3A_13, %dot_general3A_48 {dimension_numbers = #tpu.dot_dimension_numbers<[1], [0], [0], [1], [0, 0, 1, 1], [], []>, transpose_lhs_hint = false} : vector<512x64xf32>, vector<64x128xf32>, vector<512x128xf32> -> vector<512x128xf32>
    %add3A_50 = arith.addf %add3A, %dot_general3A_49 : vector<512x128xf32>
    %dot_general3A_51 = arith.constant dense<0.000000e+00> : vector<512x128xf32>
    %dot_general3A_52 = tpu.matmul %get3A_29, %get3A_16, %dot_general3A_51 {dimension_numbers = #tpu.dot_dimension_numbers<[1], [0], [0], [1], [0, 0, 1, 1], [], []>, transpose_lhs_hint = false} : vector<512x15xf32>, vector<15x128xf32>, vector<512x128xf32> -> vector<512x128xf32>
    %add3A_53 = arith.addf %add3A_50, %dot_general3A_52 : vector<512x128xf32>
    %add3A_54 = vector.broadcast %get3A_19 : vector<1x128xf32> to vector<512x128xf32>
    %add3A_55 = arith.addf %add3A_53, %add3A_54 : vector<512x128xf32>
    %logistic3A = arith.negf %add3A_55 : vector<512x128xf32>
    %logistic3A_56 = math.exp %logistic3A : vector<512x128xf32>
    %logistic3A_57 = arith.constant 1.000000e+00 : f32
    %logistic3A_58 = vector.broadcast %logistic3A_57 : f32 to vector<512x128xf32>
    %logistic3A_59 = arith.addf %logistic3A_58, %logistic3A_56 : vector<512x128xf32>
    %logistic3A_60 = arith.divf %logistic3A_58, %logistic3A_59 : vector<512x128xf32>
    %mul3A_61 = arith.mulf %add3A_55, %logistic3A_60 : vector<512x128xf32>
    %dot_general3A_62 = arith.constant dense<0.000000e+00> : vector<512x128xf32>
    %dot_general3A_63 = tpu.matmul %mul3A_61, %get3A_22, %dot_general3A_62 {dimension_numbers = #tpu.dot_dimension_numbers<[1], [0], [0], [1], [0, 0, 1, 1], [], []>, transpose_lhs_hint = false} : vector<512x128xf32>, vector<128x128xf32>, vector<512x128xf32> -> vector<512x128xf32>
    %add3A_64 = vector.broadcast %get3A_25 : vector<1x128xf32> to vector<512x128xf32>
    %add3A_65 = arith.addf %dot_general3A_63, %add3A_64 : vector<512x128xf32>
    %logistic3A_66 = arith.negf %add3A_65 : vector<512x128xf32>
    %logistic3A_67 = math.exp %logistic3A_66 : vector<512x128xf32>
    %logistic3A_68 = arith.constant 1.000000e+00 : f32
    %logistic3A_69 = vector.broadcast %logistic3A_68 : f32 to vector<512x128xf32>
    %logistic3A_70 = arith.addf %logistic3A_69, %logistic3A_67 : vector<512x128xf32>
    %logistic3A_71 = arith.divf %logistic3A_69, %logistic3A_70 : vector<512x128xf32>
    %mul3A_72 = arith.mulf %add3A_65, %logistic3A_71 : vector<512x128xf32>
    %slice3A_73 = vector.extract_strided_slice %get3A_1 {offsets = [0, 64], sizes = [512, 64], strides = [1, 1]} : vector<512x128xf32> to vector<512x64xf32>
    %slice3A_74 = vector.extract_strided_slice %get3A_4 {offsets = [0, 64], sizes = [512, 64], strides = [1, 1]} : vector<512x128xf32> to vector<512x64xf32>
    %get3A_75 = arith.constant 0 : index
    %get3A_76 = arith.constant 0 : index
    %get3A_77 = vector.load %arg4[%get3A_75, %get3A_76] : memref<512x15xf32, #tpu.memory_space<vmem>>, vector<512x15xf32>
    %bitcast_convert_type3A_78 = tpu.bitcast %slice3A_73 : vector<512x64xf32> -> vector<512x64xi32>
    %shift_left3A_79 = arith.constant 16 : i32
    %shift_left3A_80 = vector.broadcast %shift_left3A_79 : i32 to vector<512x64xi32>
    %shift_left3A_81 = arith.shli %bitcast_convert_type3A_78, %shift_left3A_80 : vector<512x64xi32>
    %bitcast_convert_type3A_82 = tpu.bitcast %shift_left3A_81 : vector<512x64xi32> -> vector<512x64xf32>
    %and3A_83 = arith.constant -65536 : i32
    %and3A_84 = vector.broadcast %and3A_83 : i32 to vector<512x64xi32>
    %and3A_85 = arith.andi %bitcast_convert_type3A_78, %and3A_84 : vector<512x64xi32>
    %bitcast_convert_type3A_86 = tpu.bitcast %and3A_85 : vector<512x64xi32> -> vector<512x64xf32>
    %bitcast_convert_type3A_87 = tpu.bitcast %slice3A_74 : vector<512x64xf32> -> vector<512x64xi32>
    %shift_left3A_88 = arith.constant 16 : i32
    %shift_left3A_89 = vector.broadcast %shift_left3A_88 : i32 to vector<512x64xi32>
    %shift_left3A_90 = arith.shli %bitcast_convert_type3A_87, %shift_left3A_89 : vector<512x64xi32>
    %bitcast_convert_type3A_91 = tpu.bitcast %shift_left3A_90 : vector<512x64xi32> -> vector<512x64xf32>
    %and3A_92 = arith.constant -65536 : i32
    %and3A_93 = vector.broadcast %and3A_92 : i32 to vector<512x64xi32>
    %and3A_94 = arith.andi %bitcast_convert_type3A_87, %and3A_93 : vector<512x64xi32>
    %bitcast_convert_type3A_95 = tpu.bitcast %and3A_94 : vector<512x64xi32> -> vector<512x64xf32>
    %sub3A_96 = arith.subf %bitcast_convert_type3A_95, %bitcast_convert_type3A_86 : vector<512x64xf32>
    %dot_general3A_97 = arith.constant dense<0.000000e+00> : vector<512x128xf32>
    %dot_general3A_98 = tpu.matmul %bitcast_convert_type3A_91, %get3A_7, %dot_general3A_97 {dimension_numbers = #tpu.dot_dimension_numbers<[1], [0], [0], [1], [0, 0, 1, 1], [], []>, transpose_lhs_hint = false} : vector<512x64xf32>, vector<64x128xf32>, vector<512x128xf32> -> vector<512x128xf32>
    %dot_general3A_99 = arith.constant dense<0.000000e+00> : vector<512x128xf32>
    %dot_general3A_100 = tpu.matmul %bitcast_convert_type3A_82, %get3A_10, %dot_general3A_99 {dimension_numbers = #tpu.dot_dimension_numbers<[1], [0], [0], [1], [0, 0, 1, 1], [], []>, transpose_lhs_hint = false} : vector<512x64xf32>, vector<64x128xf32>, vector<512x128xf32> -> vector<512x128xf32>
    %add3A_101 = arith.addf %dot_general3A_98, %dot_general3A_100 : vector<512x128xf32>
    %mul3A_102 = arith.mulf %sub3A_96, %sub3A_96 : vector<512x64xf32>
    %dot_general3A_103 = arith.constant dense<0.000000e+00> : vector<512x128xf32>
    %dot_general3A_104 = tpu.matmul %mul3A_102, %get3A_13, %dot_general3A_103 {dimension_numbers = #tpu.dot_dimension_numbers<[1], [0], [0], [1], [0, 0, 1, 1], [], []>, transpose_lhs_hint = false} : vector<512x64xf32>, vector<64x128xf32>, vector<512x128xf32> -> vector<512x128xf32>
    %add3A_105 = arith.addf %add3A_101, %dot_general3A_104 : vector<512x128xf32>
    %dot_general3A_106 = arith.constant dense<0.000000e+00> : vector<512x128xf32>
    %dot_general3A_107 = tpu.matmul %get3A_77, %get3A_16, %dot_general3A_106 {dimension_numbers = #tpu.dot_dimension_numbers<[1], [0], [0], [1], [0, 0, 1, 1], [], []>, transpose_lhs_hint = false} : vector<512x15xf32>, vector<15x128xf32>, vector<512x128xf32> -> vector<512x128xf32>
    %add3A_108 = arith.addf %add3A_105, %dot_general3A_107 : vector<512x128xf32>
    %add3A_109 = vector.broadcast %get3A_19 : vector<1x128xf32> to vector<512x128xf32>
    %add3A_110 = arith.addf %add3A_108, %add3A_109 : vector<512x128xf32>
    %logistic3A_111 = arith.negf %add3A_110 : vector<512x128xf32>
    %logistic3A_112 = math.exp %logistic3A_111 : vector<512x128xf32>
    %logistic3A_113 = arith.constant 1.000000e+00 : f32
    %logistic3A_114 = vector.broadcast %logistic3A_113 : f32 to vector<512x128xf32>
    %logistic3A_115 = arith.addf %logistic3A_114, %logistic3A_112 : vector<512x128xf32>
    %logistic3A_116 = arith.divf %logistic3A_114, %logistic3A_115 : vector<512x128xf32>
    %mul3A_117 = arith.mulf %add3A_110, %logistic3A_116 : vector<512x128xf32>
    %dot_general3A_118 = arith.constant dense<0.000000e+00> : vector<512x128xf32>
    %dot_general3A_119 = tpu.matmul %mul3A_117, %get3A_22, %dot_general3A_118 {dimension_numbers = #tpu.dot_dimension_numbers<[1], [0], [0], [1], [0, 0, 1, 1], [], []>, transpose_lhs_hint = false} : vector<512x128xf32>, vector<128x128xf32>, vector<512x128xf32> -> vector<512x128xf32>
    %add3A_120 = vector.broadcast %get3A_25 : vector<1x128xf32> to vector<512x128xf32>
    %add3A_121 = arith.addf %dot_general3A_119, %add3A_120 : vector<512x128xf32>
    %logistic3A_122 = arith.negf %add3A_121 : vector<512x128xf32>
    %logistic3A_123 = math.exp %logistic3A_122 : vector<512x128xf32>
    %logistic3A_124 = arith.constant 1.000000e+00 : f32
    %logistic3A_125 = vector.broadcast %logistic3A_124 : f32 to vector<512x128xf32>
    %logistic3A_126 = arith.addf %logistic3A_125, %logistic3A_123 : vector<512x128xf32>
    %logistic3A_127 = arith.divf %logistic3A_125, %logistic3A_126 : vector<512x128xf32>
    %mul3A_128 = arith.mulf %add3A_121, %logistic3A_127 : vector<512x128xf32>
    %swap3A = arith.constant 0 : index
    %swap3A_129 = arith.constant 0 : index
    %swap3A_130 = vector.load %arg14[%swap3A, %swap3A_129] : memref<512x128xf32, #tpu.memory_space<vmem>>, vector<512x128xf32>
    tpu.vector_store %arg14[%swap3A, %swap3A_129], %mul3A_72 {strides = array<i32>} : memref<512x128xf32, #tpu.memory_space<vmem>>, vector<512x128xf32>,
    %swap3A_131 = arith.constant 0 : index
    %swap3A_132 = arith.constant 0 : index
    %swap3A_133 = vector.load %arg15[%swap3A_131, %swap3A_132] : memref<512x128xf32, #tpu.memory_space<vmem>>, vector<512x128xf32>
    tpu.vector_store %arg15[%swap3A_131, %swap3A_132], %mul3A_128 {strides = array<i32>} : memref<512x128xf32, #tpu.memory_space<vmem>>, vector<512x128xf32>,
    return
  }
  func.func @transform_0(%arg0: i32) -> (i32, i32) {
    %c0_i32 = arith.constant 0 : i32
    %c0_i32_0 = arith.constant 0 : i32
    return %arg0, %c0_i32 : i32, i32
  }
  func.func @transform_1(%arg0: i32) -> (i32, i32) {
    %c0_i32 = arith.constant 0 : i32
    %c0_i32_0 = arith.constant 0 : i32
    return %arg0, %c0_i32 : i32, i32
  }
  func.func @transform_2(%arg0: i32) -> (i32, i32) {
    %c0_i32 = arith.constant 0 : i32
    %c0_i32_0 = arith.constant 0 : i32
    return %arg0, %c0_i32 : i32, i32
  }
  func.func @transform_3(%arg0: i32) -> (i32, i32) {
    %add3A = arith.constant 625 : i32
    %add3A_0 = arith.addi %arg0, %add3A : i32
    %c0_i32 = arith.constant 0 : i32
    %c0_i32_1 = arith.constant 0 : i32
    return %add3A_0, %c0_i32 : i32, i32
  }
  func.func @transform_4(%arg0: i32) -> (i32, i32) {
    %c0_i32 = arith.constant 0 : i32
    %c0_i32_0 = arith.constant 0 : i32
    %c0_i32_1 = arith.constant 0 : i32
    return %c0_i32, %c0_i32_0 : i32, i32
  }
  func.func @transform_5(%arg0: i32) -> (i32, i32) {
    %c0_i32 = arith.constant 0 : i32
    %c0_i32_0 = arith.constant 0 : i32
    %c0_i32_1 = arith.constant 0 : i32
    return %c0_i32, %c0_i32_0 : i32, i32
  }
  func.func @transform_6(%arg0: i32) -> (i32, i32) {
    %c0_i32 = arith.constant 0 : i32
    %c0_i32_0 = arith.constant 0 : i32
    %c0_i32_1 = arith.constant 0 : i32
    return %c0_i32, %c0_i32_0 : i32, i32
  }
  func.func @transform_7(%arg0: i32) -> (i32, i32) {
    %c0_i32 = arith.constant 0 : i32
    %c0_i32_0 = arith.constant 0 : i32
    %c0_i32_1 = arith.constant 0 : i32
    return %c0_i32, %c0_i32_0 : i32, i32
  }
  func.func @transform_8(%arg0: i32) -> (i32, i32) {
    %c0_i32 = arith.constant 0 : i32
    %c0_i32_0 = arith.constant 0 : i32
    %c0_i32_1 = arith.constant 0 : i32
    return %c0_i32, %c0_i32_0 : i32, i32
  }
  func.func @transform_9(%arg0: i32) -> (i32, i32) {
    %c0_i32 = arith.constant 0 : i32
    %c0_i32_0 = arith.constant 0 : i32
    %c0_i32_1 = arith.constant 0 : i32
    return %c0_i32, %c0_i32_0 : i32, i32
  }
  func.func @transform_10(%arg0: i32) -> (i32, i32) {
    %c0_i32 = arith.constant 0 : i32
    %c0_i32_0 = arith.constant 0 : i32
    %c0_i32_1 = arith.constant 0 : i32
    return %c0_i32, %c0_i32_0 : i32, i32
  }
  func.func @transform_11(%arg0: i32) -> (i32, i32) {
    %c0_i32 = arith.constant 0 : i32
    %c0_i32_0 = arith.constant 0 : i32
    %c0_i32_1 = arith.constant 0 : i32
    return %c0_i32, %c0_i32_0 : i32, i32
  }
  func.func @transform_12(%arg0: i32) -> (i32, i32) {
    %c0_i32 = arith.constant 0 : i32
    %c0_i32_0 = arith.constant 0 : i32
    %c0_i32_1 = arith.constant 0 : i32
    return %c0_i32, %c0_i32_0 : i32, i32
  }
  func.func @transform_13(%arg0: i32) -> (i32, i32) {
    %c0_i32 = arith.constant 0 : i32
    %c0_i32_0 = arith.constant 0 : i32
    return %arg0, %c0_i32 : i32, i32
  }
  func.func @transform_14(%arg0: i32) -> (i32, i32) {
    %c0_i32 = arith.constant 0 : i32
    %c0_i32_0 = arith.constant 0 : i32
    return %arg0, %c0_i32 : i32, i32
  }
}

module attributes {stable_mosaic.version = 14 : i64} {
  func.func @_node_body(%arg0: i32, %arg1: memref<1000x64xf32, #tpu.memory_space<vmem>>, %arg2: memref<1000x128xf32, #tpu.memory_space<vmem>>, %arg3: memref<1000x128xf32, #tpu.memory_space<vmem>>, %arg4: memref<1000x16xf32, #tpu.memory_space<vmem>>, %arg5: memref<1000x16xf32, #tpu.memory_space<vmem>>, %arg6: memref<1000x16xf32, #tpu.memory_space<vmem>>, %arg7: memref<64x128xf32, #tpu.memory_space<vmem>>, %arg8: memref<128x128xf32, #tpu.memory_space<vmem>>, %arg9: memref<1x128xf32, #tpu.memory_space<vmem>>, %arg10: memref<128x64xf32, #tpu.memory_space<vmem>>, %arg11: memref<1x64xf32, #tpu.memory_space<vmem>>, %arg12: memref<1000x64xf32, #tpu.memory_space<vmem>>) attributes {dimension_semantics = [#tpu.dimension_semantics<arbitrary>], iteration_bounds = array<i64: 10>, scalar_prefetch = 0 : i64, scratch_operands = 0 : i64, tpu.core_type = #tpu.core_type<tc>, window_params = [{transform_indices = @transform_0, window_bounds = array<i64: 1000, 64>}, {transform_indices = @transform_1, window_bounds = array<i64: 1000, 128>}, {transform_indices = @transform_2, window_bounds = array<i64: 1000, 128>}, {transform_indices = @transform_3, window_bounds = array<i64: 1000, 16>}, {transform_indices = @transform_4, window_bounds = array<i64: 1000, 16>}, {transform_indices = @transform_5, window_bounds = array<i64: 1000, 16>}, {pipeline_mode = #tpu.pipeline_mode<synchronous>, transform_indices = @transform_6, window_bounds = array<i64: 64, 128>}, {pipeline_mode = #tpu.pipeline_mode<synchronous>, transform_indices = @transform_7, window_bounds = array<i64: 128, 128>}, {pipeline_mode = #tpu.pipeline_mode<synchronous>, transform_indices = @transform_8, window_bounds = array<i64: 1, 128>}, {pipeline_mode = #tpu.pipeline_mode<synchronous>, transform_indices = @transform_9, window_bounds = array<i64: 128, 64>}, {pipeline_mode = #tpu.pipeline_mode<synchronous>, transform_indices = @transform_10, window_bounds = array<i64: 1, 64>}, {transform_indices = @transform_11, window_bounds = array<i64: 1000, 64>}]} {
    %get3A = arith.constant 0 : index
    %get3A_0 = arith.constant 0 : index
    %get3A_1 = vector.load %arg1[%get3A, %get3A_0] : memref<1000x64xf32, #tpu.memory_space<vmem>>, vector<1000x64xf32>
    %get3A_2 = arith.constant 0 : index
    %get3A_3 = arith.constant 0 : index
    %get3A_4 = vector.load %arg2[%get3A_2, %get3A_3] : memref<1000x128xf32, #tpu.memory_space<vmem>>, vector<1000x128xf32>
    %get3A_5 = arith.constant 0 : index
    %get3A_6 = arith.constant 0 : index
    %get3A_7 = vector.load %arg3[%get3A_5, %get3A_6] : memref<1000x128xf32, #tpu.memory_space<vmem>>, vector<1000x128xf32>
    %add3A = arith.addf %get3A_4, %get3A_7 : vector<1000x128xf32>
    %get3A_8 = arith.constant 0 : index
    %get3A_9 = arith.constant 0 : index
    %get3A_10 = vector.load %arg7[%get3A_8, %get3A_9] : memref<64x128xf32, #tpu.memory_space<vmem>>, vector<64x128xf32>
    %dot_general3A = arith.constant dense<0.000000e+00> : vector<1000x128xf32>
    %dot_general3A_11 = tpu.matmul %get3A_1, %get3A_10, %dot_general3A {dimension_numbers = #tpu.dot_dimension_numbers<[1], [0], [0], [1], [0, 0, 1, 1], [], []>, transpose_lhs_hint = false} : vector<1000x64xf32>, vector<64x128xf32>, vector<1000x128xf32> -> vector<1000x128xf32>
    %get3A_12 = arith.constant 0 : index
    %get3A_13 = arith.constant 0 : index
    %get3A_14 = vector.load %arg8[%get3A_12, %get3A_13] : memref<128x128xf32, #tpu.memory_space<vmem>>, vector<128x128xf32>
    %dot_general3A_15 = arith.constant dense<0.000000e+00> : vector<1000x128xf32>
    %dot_general3A_16 = tpu.matmul %add3A, %get3A_14, %dot_general3A_15 {dimension_numbers = #tpu.dot_dimension_numbers<[1], [0], [0], [1], [0, 0, 1, 1], [], []>, transpose_lhs_hint = false} : vector<1000x128xf32>, vector<128x128xf32>, vector<1000x128xf32> -> vector<1000x128xf32>
    %add3A_17 = arith.addf %dot_general3A_11, %dot_general3A_16 : vector<1000x128xf32>
    %get3A_18 = arith.constant 0 : index
    %get3A_19 = arith.constant 0 : index
    %get3A_20 = vector.load %arg9[%get3A_18, %get3A_19] : memref<1x128xf32, #tpu.memory_space<vmem>>, vector<1x128xf32>
    %add3A_21 = vector.broadcast %get3A_20 : vector<1x128xf32> to vector<1000x128xf32>
    %add3A_22 = arith.addf %add3A_17, %add3A_21 : vector<1000x128xf32>
    %logistic3A = arith.negf %add3A_22 : vector<1000x128xf32>
    %logistic3A_23 = math.exp %logistic3A : vector<1000x128xf32>
    %logistic3A_24 = arith.constant 1.000000e+00 : f32
    %logistic3A_25 = vector.broadcast %logistic3A_24 : f32 to vector<1000x128xf32>
    %logistic3A_26 = arith.addf %logistic3A_25, %logistic3A_23 : vector<1000x128xf32>
    %logistic3A_27 = arith.divf %logistic3A_25, %logistic3A_26 : vector<1000x128xf32>
    %mul3A = arith.mulf %add3A_22, %logistic3A_27 : vector<1000x128xf32>
    %get3A_28 = arith.constant 0 : index
    %get3A_29 = arith.constant 0 : index
    %get3A_30 = vector.load %arg10[%get3A_28, %get3A_29] : memref<128x64xf32, #tpu.memory_space<vmem>>, vector<128x64xf32>
    %dot_general3A_31 = arith.constant dense<0.000000e+00> : vector<1000x64xf32>
    %dot_general3A_32 = tpu.matmul %mul3A, %get3A_30, %dot_general3A_31 {dimension_numbers = #tpu.dot_dimension_numbers<[1], [0], [0], [1], [0, 0, 1, 1], [], []>, transpose_lhs_hint = false} : vector<1000x128xf32>, vector<128x64xf32>, vector<1000x64xf32> -> vector<1000x64xf32>
    %add3A_33 = arith.addf %get3A_1, %dot_general3A_32 : vector<1000x64xf32>
    %get3A_34 = arith.constant 0 : index
    %get3A_35 = arith.constant 0 : index
    %get3A_36 = vector.load %arg11[%get3A_34, %get3A_35] : memref<1x64xf32, #tpu.memory_space<vmem>>, vector<1x64xf32>
    %add3A_37 = vector.broadcast %get3A_36 : vector<1x64xf32> to vector<1000x64xf32>
    %add3A_38 = arith.addf %add3A_33, %add3A_37 : vector<1000x64xf32>
    %swap3A = arith.constant 0 : index
    %swap3A_39 = arith.constant 0 : index
    %swap3A_40 = vector.load %arg12[%swap3A, %swap3A_39] : memref<1000x64xf32, #tpu.memory_space<vmem>>, vector<1000x64xf32>
    tpu.vector_store %arg12[%swap3A, %swap3A_39], %add3A_38 {strides = array<i32>} : memref<1000x64xf32, #tpu.memory_space<vmem>>, vector<1000x64xf32>,
    return
  }
  func.func @transform_0(%arg0: i32) -> (i32, i32) {
    %c0_i32 = arith.constant 0 : i32
    %c0_i32_0 = arith.constant 0 : i32
    return %arg0, %c0_i32 : i32, i32
  }
  func.func @transform_1(%arg0: i32) -> (i32, i32) {
    %c0_i32 = arith.constant 0 : i32
    %c0_i32_0 = arith.constant 0 : i32
    return %arg0, %c0_i32 : i32, i32
  }
  func.func @transform_2(%arg0: i32) -> (i32, i32) {
    %c0_i32 = arith.constant 0 : i32
    %c0_i32_0 = arith.constant 0 : i32
    return %arg0, %c0_i32 : i32, i32
  }
  func.func @transform_3(%arg0: i32) -> (i32, i32) {
    %c0_i32 = arith.constant 0 : i32
    %c0_i32_0 = arith.constant 0 : i32
    return %arg0, %c0_i32 : i32, i32
  }
  func.func @transform_4(%arg0: i32) -> (i32, i32) {
    %c0_i32 = arith.constant 0 : i32
    %c0_i32_0 = arith.constant 0 : i32
    return %arg0, %c0_i32 : i32, i32
  }
  func.func @transform_5(%arg0: i32) -> (i32, i32) {
    %c0_i32 = arith.constant 0 : i32
    %c0_i32_0 = arith.constant 0 : i32
    return %arg0, %c0_i32 : i32, i32
  }
  func.func @transform_6(%arg0: i32) -> (i32, i32) {
    %c0_i32 = arith.constant 0 : i32
    %c0_i32_0 = arith.constant 0 : i32
    %c0_i32_1 = arith.constant 0 : i32
    return %c0_i32, %c0_i32_0 : i32, i32
  }
  func.func @transform_7(%arg0: i32) -> (i32, i32) {
    %c0_i32 = arith.constant 0 : i32
    %c0_i32_0 = arith.constant 0 : i32
    %c0_i32_1 = arith.constant 0 : i32
    return %c0_i32, %c0_i32_0 : i32, i32
  }
  func.func @transform_8(%arg0: i32) -> (i32, i32) {
    %c0_i32 = arith.constant 0 : i32
    %c0_i32_0 = arith.constant 0 : i32
    %c0_i32_1 = arith.constant 0 : i32
    return %c0_i32, %c0_i32_0 : i32, i32
  }
  func.func @transform_9(%arg0: i32) -> (i32, i32) {
    %c0_i32 = arith.constant 0 : i32
    %c0_i32_0 = arith.constant 0 : i32
    %c0_i32_1 = arith.constant 0 : i32
    return %c0_i32, %c0_i32_0 : i32, i32
  }
  func.func @transform_10(%arg0: i32) -> (i32, i32) {
    %c0_i32 = arith.constant 0 : i32
    %c0_i32_0 = arith.constant 0 : i32
    %c0_i32_1 = arith.constant 0 : i32
    return %c0_i32, %c0_i32_0 : i32, i32
  }
  func.func @transform_11(%arg0: i32) -> (i32, i32) {
    %c0_i32 = arith.constant 0 : i32
    %c0_i32_0 = arith.constant 0 : i32
    return %arg0, %c0_i32 : i32, i32
  }
}

</mosaic_0001>

<sc_bundles>
// kernel: kernel.10.cloned.1.call-start
scs
__scs_entry_jumppad:
0x0: {  	(pc) =	sbr.rel $0x88, $3  }
0x1: {  	(tag) =	ssettag $0x0;
	lr =	simm.s32 $0x1  }
0x2: {  	[smem:$0x3F89] =	sst lr;
	_ =	strace $0xD0000000  }
0x3: {  	_ = 	snop  }
0x4: {  	_ = 	snop  }
0x5: {  	_ = 	snop  }
0x6: {  	_ = 	snop  }
0x7: {  	_ = 	snop  }
__scs_overlays_trampoline_lowered:
0x8: {  	[smem:$0x3F98] =	sst s0  }
0x9: {  	[smem:$0x3F99] =	sst s1  }
0xa: {  	[smem:$0x3F9A] =	sst s2  }
0xb: {  	[smem:$0x3F9B] =	sst s3  }
0xc: {  	[smem:$0x3F9C] =	sst s4  }
0xd: {  	[smem:$0x3F9D] =	sst s5  }
0xe: {  	[smem:$0x3F9E] =	sst s6  }
0xf: {  	[smem:$0x3F9F] =	sst s7  }
0x10: {  	[smem:$0x3FA0] =	sst s8  }
0x11: {  	[smem:$0x3FA1] =	sst s9;
	s0 =	simm.s32 @!p0 $0x0  }
0x12: {  	s1 =	sld [smem:$0x3F87];
	s0 =	simm.s32 @p0 $0x1  }
0x13: {  	[smem:$0x3FA2] =	sst s0;
	s0 =	simm.s32 @!p1 $0x0  }
0x14: {  	s2 =	sld [smem:$0x3F86];
	s0 =	simm.s32 @p1 $0x1  }
0x15: {  	[smem:$0x3FA3] =	sst s0;
	s0 =	simm.s32 @!p2 $0x0  }
0x16: {  	s3 =	sld [smem:$0x3FDB];
	s0 =	simm.s32 @p2 $0x1  }
0x17: {  	s4 =	simm.s32 $0x1BF5;
	[smem:$0x3FA5] =	sst s0  }
0x18: {  	s0 =	sld [smem:$0x3F88];
	_ =	swait.ge [sflag:s4], $0x0  }
0x19: {  	s7 =	sld [smem:$0x3F89]  }
0x1a: {  	s8 =	sadd.s32 $0xFFFFE003, lr  }
0x1b: {  	s9 =	sadd.s32 $0xFFFFFEF7, lr;
	s5 =	simm.s32 $0xFFFFFFFF;
	p2 =	slt.u32 s8, $0xFFFFF086  }
0x1c: {  	p1 =	slt.u32 s9, $0xF7A;
	s5 =	simm.s32 @!p2 $0x0  }
0x1d: {  	s5 =	simm.s32 @p1 $0x1;
	p0 =	seq.s32 s7, s2  }
0x1e: {  	s7 =	smul.u32 @!p0 $0xF7A, s2;
	p2 =	seq.s32 @!p0 s5, $0x0  }
0x1f: {  	s9 =	smul.u32 $0xF7A, s1;
	s8 =	simm.s32 @!p0 $0x1BF5;
	p2 =	por !p2, p0  }
0x20: {  	[sflag:s8] =	ssyncset.s32 @!p0 $0xFFFFF086;
	s6 =	sadd.s32 @!p0 s3, s7;
	s7 =	simm.s32 @!p0 $0x108  }
0x21: {  	s3 =	sadd.s32 s3, s9;
	s6 =	sadd.s32 @!p0 $0x88, s6;
	s7 =	simm.s32 @p2 $0x1082  }
0x22: {  	[simem:s7], [sflag:s8] =	dma.local @!p0 [hbm:s6], $0xF7A  }
0x23: {  	s9 =	sor.u32 $0xD0000000, s2;
	s6 =	simm.s32 $0x108;
	_ =	swait.ge @!p0 [sflag:s8], $0x0  }
0x24: {  	s3 =	sadd.s32 $0x88, s3;
	s6 =	simm.s32 @!p1 $0x1082;
	[sflag:s4] =	ssyncset.s32 $0xFFFFF086  }
0x25: {  	[simem:s6], [sflag:s4] =	dma.local [hbm:s3], $0xF7A  }
0x26: {  	[smem:$0x3F89] =	sst s1;
	(tag) =	ssettag s2;
	_ =	strace s9  }
0x27: {  	s1 =	sld [smem:$0x3F99]  }
0x28: {  	s2 =	sld [smem:$0x3F9A]  }
0x29: {  	s4 =	sld [smem:$0x3F9C]  }
0x2a: {  	p0 =	seq.s32 s5, $0x0;
	s5 =	sld [smem:$0x3F9D]  }
0x2b: {  	s6 =	sld [smem:$0x3F9E]  }
0x2c: {  	s7 =	sld [smem:$0x3F9F]  }
0x2d: {  	s3 =	simm.s32 $0x108;
	s8 =	sld [smem:$0x3FA0]  }
0x2e: {  	s3 =	simm.s32 @!p0 $0x1082;
	s9 =	sld [smem:$0x3FA1]  }
0x2f: {  	lr =	sadd.s32 s0, s3;
	s0 =	sld [smem:$0x3F98]  }
0x30: {  	s3 =	sld [smem:$0x3F9B]  }
0x31: {  	[smem:$0x3FA4] =	sst s10  }
0x32: {  	s10 =	sld [smem:$0x3FA2];
	_ =	sdelay $0x3  }
0x33: {  	p0 =	seq.s32 s10, $0x1;
	s10 =	sld [smem:$0x3FA4];
	_ =	sdelay $0x3  }
0x34: {  	[smem:$0x3FA4] =	sst s10  }
0x35: {  	s10 =	sld [smem:$0x3FA3];
	_ =	sdelay $0x3  }
0x36: {  	p1 =	seq.s32 s10, $0x1;
	s10 =	sld [smem:$0x3FA4];
	_ =	sdelay $0x3  }
0x37: {  	[smem:$0x3FA4] =	sst s10  }
0x38: {  	s10 =	sld [smem:$0x3FA5]  }
0x39: {  	_ = 	snop;
	(pc) =	sbr.ind lr, $3  }
0x3a: {  	_ = 	snop  }
0x3b: {  	_ = 	snop  }
0x3c: {  	p2 =	seq.s32 s10, $0x1;
	s10 =	sld [smem:$0x3FA4]  }
0x3d: {  	_ =	shalt  }
0x3e: {  	_ =	shalt  }
0x3f: {  	_ =	shalt  }
0x40: {  	_ =	shalt  }
0x41: {  	_ =	shalt  }
0x42: {  	_ =	shalt  }
0x43: {  	_ =	shalt  }
0x44: {  	_ =	shalt  }
0x45: {  	_ =	shalt  }
0x46: {  	_ =	shalt  }
0x47: {  	_ =	shalt  }
0x48: {  	_ =	shalt  }
0x49: {  	_ =	shalt  }
0x4a: {  	_ =	shalt  }
0x4b: {  	_ =	shalt  }
0x4c: {  	_ =	shalt  }
0x4d: {  	_ =	shalt  }
0x4e: {  	_ =	shalt  }
0x4f: {  	_ =	shalt  }
0x50: {  	_ =	shalt  }
0x51: {  	_ =	shalt  }
0x52: {  	_ =	shalt  }
0x53: {  	_ =	shalt  }
0x54: {  	_ =	shalt  }
0x55: {  	_ =	shalt  }
0x56: {  	_ =	shalt  }
0x57: {  	_ =	shalt  }
0x58: {  	_ =	shalt  }
0x59: {  	_ =	shalt  }
0x5a: {  	_ =	shalt  }
0x5b: {  	_ =	shalt  }
0x5c: {  	_ =	shalt  }
0x5d: {  	_ =	shalt  }
0x5e: {  	_ =	shalt  }
0x5f: {  	_ =	shalt  }
0x60: {  	_ =	shalt  }
0x61: {  	_ =	shalt  }
0x62: {  	_ =	shalt  }
0x63: {  	_ =	shalt  }
0x64: {  	_ =	shalt  }
0x65: {  	_ =	shalt  }
0x66: {  	_ =	shalt  }
0x67: {  	_ =	shalt  }
0x68: {  	_ =	shalt  }
0x69: {  	_ =	shalt  }
0x6a: {  	_ =	shalt  }
0x6b: {  	_ =	shalt  }
0x6c: {  	_ =	shalt  }
0x6d: {  	_ =	shalt  }
0x6e: {  	_ =	shalt  }
0x6f: {  	_ =	shalt  }
0x70: {  	_ =	shalt  }
0x71: {  	_ =	shalt  }
0x72: {  	_ =	shalt  }
0x73: {  	_ =	shalt  }
0x74: {  	_ =	shalt  }
0x75: {  	_ =	shalt  }
0x76: {  	_ =	shalt  }
0x77: {  	_ =	shalt  }
0x78: {  	_ =	shalt  }
0x79: {  	_ =	shalt  }
0x7a: {  	_ =	shalt  }
0x7b: {  	_ =	shalt  }
0x7c: {  	_ =	shalt  }
0x7d: {  	_ =	shalt  }
0x7e: {  	_ =	shalt  }
0x7f: {  	_ =	shalt  }
0x80: {  	_ =	shalt  }
0x81: {  	_ =	shalt  }
0x82: {  	_ =	shalt  }
0x83: {  	_ =	shalt  }
0x84: {  	_ =	shalt  }
0x85: {  	_ =	shalt  }
0x86: {  	_ =	shalt  }
0x87: {  	_ =	shalt  }
.Lfunc_end0:
.L_simem_size_0:
called_computation_lowered:
.L_overlay_start_0:
0x88: {  	s2 =	sld [smem:$0x3FD9]  }
0x89: {  	s3 =	sld [smem:$0x3FFE];
	_ =	sdelay $0x1  }
0x8a: {  	s1 =	srdreg.scid  }
0x8b: {  	s0 =	sand.u32 $0x1, s1  }
0x8c: {  	s17 =	sshll.u32 s0, $0xA;
	s2 =	sadd.s32 s3, s2  }
0x8d: {  	s2 =	sadd.s32 s2, s17  }
0x8e: {  	[smem:$0x3FB0] =	sst s2  }
0x8f: {  	_ = 	snop  }
0x90: {  	s2 =	sld [smem:$0x3FD0];
	(tm) =	ssettm $0x1  }
0x91: {  	s18 =	sld [smem:$0x3FFB];
	_ =	sdelay $0x3  }
0x92: {  	_ =	strace s18  }
0x93: {  	s3 =	sld [smem:$0x3FFC];
	_ =	sdelay $0x3  }
0x94: {  	_ =	strace s3  }
0x95: {  	s3 =	sld [smem:$0x3FFD];
	_ =	sdelay $0x3  }
0x96: {  	_ =	strace s3  }
0x97: {  	_ =	strace $0x8FFFFFFF  }
0x98: {  	s19 =	sld [smem:$0x3FDB];
	_ =	sdelay $0x1  }
0x99: {  	s4 =	simm.s32 $_scs_section_size  }
0x9a: {  	s5 =	simm.s32 $_size__tile_overlayer_lowered;
	s6 =	simm.s32 $_tile_overlayer_lowered  }
0x9b: {  	s22 =	simm.s32 $0x1BFF;
	s21 =	sshll.u32 s6, $0x1;
	s3 =	sadd.s32 s4, s19  }
0x9c: {  	s7 =	simm.s32 $0x0;
	s20 =	sshll.u32 s5, $0x1;
	s5 =	sadd.s32 s21, s3  }
0x9d: {  	[timem:s7], [sflag:s22] =	dma.local [hbm:s5], s20  }
0x9e: {  	_ =	swait.ge [sflag:s22], s20  }
0x9f: {  	s4 =	ssub.s32 $0x0, s20;
	[sflag:s22] =	ssyncset.done $0x0  }
0xa0: {  	[sflag:s22] =	ssyncadd.s32 s4;
	_ =	sdelay $0x1  }
0xa1: {  	s23 =	simm.s32 $0x1B8B  }
0xa2: {  	_ =	swait.ge [sflag:s23], $0x1  }
0xa3: {  	[sflag:s23] =	ssyncset.done $0x0  }
0xa4: {  	s25 =	simm.s32 $0x1B8E;
	s24 =	sld [smem:$0x3FFE];
	[sflag:s23] =	ssyncadd.s32 $0xFFFFFFFF  }
0xa5: {  	s26 =	simm.s32 $execute0_lowered;
	[smem:$0x3FD2] =	sst s25  }
0xa6: {  	s5 =	sshll.u32 s26, $0x1;
	_ =	strace $0x80000046;
	[dreg:$0x1] =	wrdreg $0xFFFFFFFF  }
0xa7: {  	s28 =	simm.s32 $_size_execute0_lowered;
	s3 =	sadd.s32 s3, s5;
	[dreg:$0x0] =	wrdreg $0x0  }
0xa8: {  	s5 =	sshll.u32 s28, $0x1;
	[dreg:$0x2] =	wrdreg s3  }
0xa9: {  	[dreg:$0x3] =	wrdreg s5  }
0xaa: {  	[dreg:$0x4] =	wrdreg $0xC0  }
0xab: {  	_ =	task [dreg:s7], $0x5FFFF  }
0xac: {  	[dreg:$0x1] =	wrdreg $0xFFFFFFFF  }
0xad: {  	[dreg:$0x0] =	wrdreg $0x60  }
0xae: {  	[dreg:$0x2] =	wrdreg s2  }
0xaf: {  	[dreg:$0x3] =	wrdreg s24  }
0xb0: {  	[dreg:$0x4] =	wrdreg $0x9  }
0xb1: {  	_ =	task.clear_ibuf [dreg:s7], $0x5FFFF;
	_ =	strace $0x90000046  }
0xb2: {  	s29 =	simm.s32 $0x9;
	_ =	strace $0x80000048  }
0xb3: {  	_ =	swait.ge [sflag:s29], $0x1  }
0xb4: {  	[sflag:s29] =	ssyncadd.s32 $0xFFFFFFFF  }
0xb5: {  	_ =	strace $0x90000048  }
0xb6: {  	_ =	sfence  }
0xb7: {  	s30 =	sld [smem:$0x0];
	_ =	sdelay $0x2  }
0xb8: {  	s31 =	sshll.u32 s1, $0xD;
	s1 =	sshrl.u32 s1, $0x2  }
0xb9: {  	s3 =	sand.u32 $0x4000, s31;
	s1 =	sadd.s32 s1, s30  }
0xba: {  	s0 =	sor.u32 s3, s0;
	s1 =	sshll.u32 s1, $0x11  }
0xbb: {  	s0 =	sor.u32 s1, s0  }
0xbc: {  	s0 =	sadd.s32 $0x8F2B, s0  }
0xbd: {  	[sflag:s0] =	ssyncadd.remote.s32 $0x1  }
0xbe: {  	_ =	sfence.sel $0xFFFF  }
0xbf: {  	[dreg:$0x0] =	wrdreg $0xFFFFFFFF;
	(pc) =	sbr.abs _section_cstart, $3  }
0xc0: {  	[dreg:$0x1] =	wrdreg $0xFFFFFFFF  }
0xc1: {  	_ =	task.clear_ibuf [dreg:s7], $0x2FFFF;
	_ =	strace $0x9FFFFFFF  }
0xc2: {  	(tm) =	ssettm $0x7FFFFFFF  }
0xc3: {  	_ =	shalt  }
tec
execute0_lowered:
.L_overlay_start_1:
0x0: {  	(tag) =	ssettag $0x1  }
0x1: {  	s2 =	rddreg [dreg:$0x0];
	s0 =	srdreg.scid  }
0x2: {  	s6 =	stileid.u32;
	s1 =	rddreg [dreg:$0x1]  }
0x3: {  	s3 =	simm.s32 $0x0;
	s15 =	simm.s32 $0x3;
	s16 =	simm.s32 $0x4E20  }
0x4: {  	s17 =	simm.s32 $0x50;
	s18 =	simm.s32 $0x9C40;
	s19 =	simm.s32 $0xB040  }
0x5: {  	s20 =	simm.s32 $0xC440;
	s21 =	simm.s32 $0xD840;
	s22 =	simm.s32 $0x1  }
0x6: {  	s23 =	simm.s32 $0x40;
	s24 =	simm.s32 $0x80;
	s29 =	simm.s32 $0x0  }
0x7: {  	s0 =	sand.u32 $0x1, s0;
	s4 =	sshll.u32 s6, $0x1;
	[smem:$0x7FF] =	sst s3  }
0x8: {  	s6 =	sshll.u32 s6, $0x3;
	s5 =	sor.u32 s0, s4;
	_ =	strace $0x80000047  }
0x9: {  	s0 =	ssub.s32 $0x2, s0;
	s4 =	smul.u32 $0x9C4, s5;
	s5 =	sand.u32 $0xF, s5  }
0xa: {  	s9 =	sand.u32 $0x40, s6;
	s25 =	sshrl.u32 s0, $0x1;
	s8 =	smul.u32 $0x271000, s5  }
0xb: {  	s5 =	sadd.s32 $0x50FA00, s1;
	s0 =	ssub.s32 s0, s25;
	s7 =	sadd.s32 s4, s1  }
0xc: {  	s25 =	simm.s32 $0x2;
	s4 =	sadd.s32 $0x2DA00, s1;
	s26 =	sadd.s32 $0x1A000, s7  }
0xd: {  	s28 =	sor.u32 s9, s8;
	s7 =	sadd.s32 $0x6600, s7;
	s8 =	smax.u32 s0, $0x1  }
0xe: {  	[dreg:$0x3] =	wrdreg s26;
	s9 =	sadd.s32 $0x26C000, s28;
	s10 =	sadd.s32 $0x26E800, s28  }
0xf: {  	s13 =	sshrl.u32 s28, $0x3;
	s31 =	sadd.s32 $0x2800, s28;
	s30 =	sshrl.u32 s9, $0x3  }
0x10: {  	s12 =	sshrl.u32 s10, $0x3;
	s14 =	sshrl.u32 s31, $0x3;
	s9 =	sadd.s32 s4, s30  }
0x11: {  	s10 =	sadd.s32 s5, s30;
	s11 =	sadd.s32 s4, s12;
	s12 =	sadd.s32 s5, s12  }
.LBB2_1:
0x12: {  	s0 =	rddreg [dreg:$0x3]  }
0x13: {  	[tilespmem:s3], [sflag:$0x3] =	stream.linear.gather [hbm4b:s0+s3], $0x4E20, $0x38;
	[tilespmem:$0xEC40] =	vst v63  }
0x14: {  	_ =	swait.ge [sflag:s15], $0x4E20  }
0x15: {  	[sflag:s15] =	ssyncset.done $0x0  }
0x16: {  	[sflag:s15] =	ssyncadd.s32 $0xFFFFB1E0  }
0x17: {  	[tilespmem:s16], [sflag:$0x3] =	stream.linear.gather [hbm4b:s7+s3], $0x4E20, $0x38;
	[tilespmem:$0xEC40] =	vst v63  }
0x18: {  	_ =	swait.ge [sflag:s15], $0x4E20  }
0x19: {  	[sflag:s15] =	ssyncset.done $0x0  }
0x1a: {  	[sflag:s15] =	ssyncadd.s32 $0xFFFFB1E0  }
0x1b: {  	[tilespmem:s18], [sflag:$0x1] =	stream.indirect.gather [hbm4b:s2+s17], $0x40, s3, s17, $0xb8;
	[tilespmem:$0xEC40] =	vst v63  }
0x1c: {  	_ = 	snop  }
0x1d: {  	[tilespmem:s19], [sflag:$0x1] =	stream.indirect.gather [hbm4b:s2+s17], $0x40, s16, s17, $0xb8;
	[tilespmem:$0xEC40] =	vst v63  }
0x1e: {  	s1 =	simm.s32 $0x50  }
0x1f: {  	[tilespmem:s20], [sflag:$0x2] =	stream.indirect.gather [hbm4b:s2+s17], $0x40, s1, s17, $0xb8;
	[tilespmem:$0xEC40] =	vst v63  }
0x20: {  	s6 =	simm.s32 $0x4E70  }
0x21: {  	[tilespmem:s21], [sflag:$0x2] =	stream.indirect.gather [hbm4b:s2+s17], $0x40, s6, s17, $0xb8;
	[tilespmem:$0xEC40] =	vst v63  }
0x22: {  	_ =	swait.ge [sflag:s22], $0x1400  }
0x23: {  	[sflag:s22] =	ssyncset.done $0x0  }
0x24: {  	[sflag:s22] =	ssyncadd.s32 $0xFFFFEC00  }
0x25: {  	_ =	swait.ge [sflag:s22], $0x1400  }
0x26: {  	[sflag:s22] =	ssyncset.done $0x0  }
0x27: {  	s26 =	sadd.s32 s13, s4;
	[sflag:s22] =	ssyncadd.s32 $0xFFFFEC00  }
0x28: {  	[hbm4b:s26+s23] =	stream.strided.scatter [tilespmem:s18], [sflag:$0x3], $0x1400, s24, s23, $0x38;
	[tilespmem:$0xEC40] =	vst v63  }
0x29: {  	_ =	swait.ge [sflag:s15], $0x1400  }
0x2a: {  	[sflag:s15] =	ssyncset.done $0x0  }
0x2b: {  	s28 =	sadd.s32 s13, s5;
	[sflag:s15] =	ssyncadd.s32 $0xFFFFEC00  }
0x2c: {  	[hbm4b:s28+s23] =	stream.strided.scatter [tilespmem:s19], [sflag:$0x3], $0x1400, s24, s23, $0x38;
	[tilespmem:$0xEC40] =	vst v63  }
0x2d: {  	_ =	swait.ge [sflag:s15], $0x1400  }
0x2e: {  	[sflag:s15] =	ssyncset.done $0x0  }
0x2f: {  	s1 =	simm.s32 $0xA0;
	[sflag:s15] =	ssyncadd.s32 $0xFFFFEC00  }
0x30: {  	[tilespmem:s18], [sflag:$0x1] =	stream.indirect.gather [hbm4b:s2+s17], $0x40, s1, s17, $0xb8;
	[tilespmem:$0xEC40] =	vst v63  }
0x31: {  	s6 =	simm.s32 $0x4EC0  }
0x32: {  	[tilespmem:s19], [sflag:$0x1] =	stream.indirect.gather [hbm4b:s2+s17], $0x40, s6, s17, $0xb8;
	[tilespmem:$0xEC40] =	vst v63  }
0x33: {  	_ =	swait.ge [sflag:s25], $0x1400  }
0x34: {  	[sflag:s25] =	ssyncset.done $0x0  }
0x35: {  	[sflag:s25] =	ssyncadd.s32 $0xFFFFEC00  }
0x36: {  	_ =	swait.ge [sflag:s25], $0x1400  }
0x37: {  	[sflag:s25] =	ssyncset.done $0x0  }
0x38: {  	s26 =	sadd.s32 s14, s4;
	[sflag:s25] =	ssyncadd.s32 $0xFFFFEC00  }
0x39: {  	[hbm4b:s26+s23] =	stream.strided.scatter [tilespmem:s20], [sflag:$0x3], $0x1400, s24, s23, $0x38;
	[tilespmem:$0xEC40] =	vst v63  }
0x3a: {  	_ =	swait.ge [sflag:s15], $0x1400  }
0x3b: {  	[sflag:s15] =	ssyncset.done $0x0  }
0x3c: {  	s28 =	sadd.s32 s14, s5;
	[sflag:s15] =	ssyncadd.s32 $0xFFFFEC00  }
0x3d: {  	[hbm4b:s28+s23] =	stream.strided.scatter [tilespmem:s21], [sflag:$0x3], $0x1400, s24, s23, $0x38;
	[tilespmem:$0xEC40] =	vst v63  }
0x3e: {  	s30 =	sadd.s32 $0xA00, s14;
	s31 =	sadd.s32 $0xA00, s13;
	_ =	swait.ge [sflag:s15], $0x1400  }
0x3f: {  	s0 =	simm.s32 $0x500;
	s1 =	simm.s32 $0xA0;
	[sflag:s15] =	ssyncset.done $0x0  }
.LBB2_2:
0x40: {  	s6 =	sadd.s32 $0x50, s1  }
0x41: {  	[sflag:s15] =	ssyncadd.s32 $0xFFFFEC00;
	s26 =	smov.u32 s0;
	s28 =	sadd.s32 $0x280, s0  }
0x42: {  	[tilespmem:s20], [sflag:$0x2] =	stream.indirect.gather [hbm4b:s2+s17], $0x40, s6, s17, $0xb8;
	[tilespmem:$0xEC40] =	vst v63  }
0x43: {  	p0 =	sne.s32 s0, $0x13380;
	s0 =	sadd.s32 $0x4E70, s1  }
0x44: {  	[tilespmem:s21], [sflag:$0x2] =	stream.indirect.gather [hbm4b:s2+s17], $0x40, s0, s17, $0xb8;
	[tilespmem:$0xEC40] =	vst v63  }
0x45: {  	_ =	swait.ge [sflag:s22], $0x1400  }
0x46: {  	[sflag:s22] =	ssyncset.done $0x0  }
0x47: {  	[sflag:s22] =	ssyncadd.s32 $0xFFFFEC00  }
0x48: {  	_ =	swait.ge [sflag:s22], $0x1400  }
0x49: {  	[sflag:s22] =	ssyncset.done $0x0  }
0x4a: {  	s0 =	sadd.s32 s31, s4;
	[sflag:s22] =	ssyncadd.s32 $0xFFFFEC00  }
0x4b: {  	[hbm4b:s0+s23] =	stream.strided.scatter [tilespmem:s18], [sflag:$0x3], $0x1400, s24, s23, $0x38;
	[tilespmem:$0xEC40] =	vst v63  }
0x4c: {  	_ =	swait.ge [sflag:s15], $0x1400  }
0x4d: {  	[sflag:s15] =	ssyncset.done $0x0  }
0x4e: {  	s0 =	sadd.s32 s31, s5;
	[sflag:s15] =	ssyncadd.s32 $0xFFFFEC00  }
0x4f: {  	[hbm4b:s0+s23] =	stream.strided.scatter [tilespmem:s19], [sflag:$0x3], $0x1400, s24, s23, $0x38;
	[tilespmem:$0xEC40] =	vst v63  }
0x50: {  	_ =	swait.ge [sflag:s15], $0x1400  }
0x51: {  	[sflag:s15] =	ssyncset.done $0x0  }
0x52: {  	s0 =	sadd.s32 $0xA0, s1;
	[sflag:s15] =	ssyncadd.s32 $0xFFFFEC00  }
0x53: {  	[tilespmem:s18], [sflag:$0x1] =	stream.indirect.gather [hbm4b:s2+s17], $0x40, s0, s17, $0xb8;
	[tilespmem:$0xEC40] =	vst v63  }
0x54: {  	s0 =	sadd.s32 $0x4EC0, s1  }
0x55: {  	[tilespmem:s19], [sflag:$0x1] =	stream.indirect.gather [hbm4b:s2+s17], $0x40, s0, s17, $0xb8;
	[tilespmem:$0xEC40] =	vst v63  }
0x56: {  	_ =	swait.ge [sflag:s25], $0x1400  }
0x57: {  	[sflag:s25] =	ssyncset.done $0x0  }
0x58: {  	[sflag:s25] =	ssyncadd.s32 $0xFFFFEC00  }
0x59: {  	_ =	swait.ge [sflag:s25], $0x1400  }
0x5a: {  	[sflag:s25] =	ssyncset.done $0x0  }
0x5b: {  	s0 =	sadd.s32 s30, s4;
	[sflag:s25] =	ssyncadd.s32 $0xFFFFEC00  }
0x5c: {  	[hbm4b:s0+s23] =	stream.strided.scatter [tilespmem:s20], [sflag:$0x3], $0x1400, s24, s23, $0x38;
	[tilespmem:$0xEC40] =	vst v63  }
0x5d: {  	_ =	swait.ge [sflag:s15], $0x1400  }
.Ltmp0:
0x5e: {  	[sflag:s15] =	ssyncset.done $0x0;
	(pc) =	sbr.rel @p0 .LBB2_2-.Ltmp0, $4  }
0x5f: {  	s0 =	sadd.s32 s30, s5;
	[sflag:s15] =	ssyncadd.s32 $0xFFFFEC00  }
0x60: {  	[hbm4b:s0+s23] =	stream.strided.scatter [tilespmem:s21], [sflag:$0x3], $0x1400, s24, s23, $0x38;
	[tilespmem:$0xEC40] =	vst v63  }
0x61: {  	s31 =	sadd.s32 $0xA00, s31;
	s30 =	sadd.s32 $0xA00, s30;
	_ =	swait.ge [sflag:s15], $0x1400  }
0x62: {  	s1 =	sshra.s32 s26, $0x2;
	s0 =	smov.u32 s28;
	[sflag:s15] =	ssyncset.done $0x0  }
0x63: {  	s0 =	sadd.s32 $0x50, s1;
	[sflag:s15] =	ssyncadd.s32 $0xFFFFEC00  }
0x64: {  	[tilespmem:s20], [sflag:$0x2] =	stream.indirect.gather [hbm4b:s2+s17], $0x40, s0, s17, $0xb8;
	[tilespmem:$0xEC40] =	vst v63  }
0x65: {  	s6 =	sadd.s32 $0x4E70, s1  }
0x66: {  	[tilespmem:s21], [sflag:$0x2] =	stream.indirect.gather [hbm4b:s2+s17], $0x40, s6, s17, $0xb8;
	[tilespmem:$0xEC40] =	vst v63  }
0x67: {  	_ =	swait.ge [sflag:s22], $0x1400  }
0x68: {  	[sflag:s22] =	ssyncset.done $0x0  }
0x69: {  	[sflag:s22] =	ssyncadd.s32 $0xFFFFEC00  }
0x6a: {  	_ =	swait.ge [sflag:s22], $0x1400  }
0x6b: {  	[sflag:s22] =	ssyncset.done $0x0  }
0x6c: {  	s26 =	sadd.s32 s31, s4;
	[sflag:s22] =	ssyncadd.s32 $0xFFFFEC00  }
0x6d: {  	[hbm4b:s26+s23] =	stream.strided.scatter [tilespmem:s18], [sflag:$0x3], $0x1400, s24, s23, $0x38;
	[tilespmem:$0xEC40] =	vst v63  }
0x6e: {  	_ =	swait.ge [sflag:s15], $0x1400  }
0x6f: {  	[sflag:s15] =	ssyncset.done $0x0  }
0x70: {  	s28 =	sadd.s32 s31, s5;
	[sflag:s15] =	ssyncadd.s32 $0xFFFFEC00  }
0x71: {  	[hbm4b:s28+s23] =	stream.strided.scatter [tilespmem:s19], [sflag:$0x3], $0x1400, s24, s23, $0x38;
	[tilespmem:$0xEC40] =	vst v63  }
0x72: {  	_ =	swait.ge [sflag:s15], $0x1400  }
0x73: {  	[sflag:s15] =	ssyncset.done $0x0  }
0x74: {  	s31 =	sadd.s32 $0xA0, s1;
	[sflag:s15] =	ssyncadd.s32 $0xFFFFEC00  }
0x75: {  	[tilespmem:s18], [sflag:$0x1] =	stream.indirect.gather [hbm4b:s2+s17], $0x40, s31, s17, $0xb8;
	[tilespmem:$0xEC40] =	vst v63  }
0x76: {  	s6 =	sadd.s32 $0x4EC0, s1  }
0x77: {  	[tilespmem:s19], [sflag:$0x1] =	stream.indirect.gather [hbm4b:s2+s17], $0x40, s6, s17, $0xb8;
	[tilespmem:$0xEC40] =	vst v63  }
0x78: {  	_ =	swait.ge [sflag:s25], $0x1400  }
0x79: {  	[sflag:s25] =	ssyncset.done $0x0  }
0x7a: {  	[sflag:s25] =	ssyncadd.s32 $0xFFFFEC00  }
0x7b: {  	_ =	swait.ge [sflag:s25], $0x1400  }
0x7c: {  	[sflag:s25] =	ssyncset.done $0x0  }
0x7d: {  	s26 =	sadd.s32 s30, s4;
	[sflag:s25] =	ssyncadd.s32 $0xFFFFEC00  }
0x7e: {  	[hbm4b:s26+s23] =	stream.strided.scatter [tilespmem:s20], [sflag:$0x3], $0x1400, s24, s23, $0x38;
	[tilespmem:$0xEC40] =	vst v63  }
0x7f: {  	_ =	swait.ge [sflag:s15], $0x1400  }
0x80: {  	[sflag:s15] =	ssyncset.done $0x0  }
0x81: {  	s28 =	sadd.s32 s30, s5;
	[sflag:s15] =	ssyncadd.s32 $0xFFFFEC00  }
0x82: {  	[hbm4b:s28+s23] =	stream.strided.scatter [tilespmem:s21], [sflag:$0x3], $0x1400, s24, s23, $0x38;
	[tilespmem:$0xEC40] =	vst v63  }
0x83: {  	_ =	swait.ge [sflag:s15], $0x1400  }
0x84: {  	[sflag:s15] =	ssyncset.done $0x0  }
0x85: {  	s30 =	simm.s32 $0x4DD0;
	[sflag:s15] =	ssyncadd.s32 $0xFFFFEC00  }
0x86: {  	[tilespmem:s20], [sflag:$0x2] =	stream.indirect.gather [hbm4b:s2+s17], $0x40, s30, s17, $0xb8;
	[tilespmem:$0xEC40] =	vst v63  }
0x87: {  	s31 =	simm.s32 $0x9BF0  }
0x88: {  	[tilespmem:s21], [sflag:$0x2] =	stream.indirect.gather [hbm4b:s2+s17], $0x40, s31, s17, $0xb8;
	[tilespmem:$0xEC40] =	vst v63  }
0x89: {  	_ =	swait.ge [sflag:s22], $0x1400  }
0x8a: {  	[sflag:s22] =	ssyncset.done $0x0  }
0x8b: {  	[sflag:s22] =	ssyncadd.s32 $0xFFFFEC00  }
0x8c: {  	_ =	swait.ge [sflag:s22], $0x1400  }
0x8d: {  	[sflag:s22] =	ssyncset.done $0x0  }
0x8e: {  	[sflag:s22] =	ssyncadd.s32 $0xFFFFEC00  }
0x8f: {  	[hbm4b:s9+s23] =	stream.strided.scatter [tilespmem:s18], [sflag:$0x3], $0x1400, s24, s23, $0x38;
	[tilespmem:$0xEC40] =	vst v63  }
0x90: {  	_ =	swait.ge [sflag:s15], $0x1400  }
0x91: {  	[sflag:s15] =	ssyncset.done $0x0  }
0x92: {  	[sflag:s15] =	ssyncadd.s32 $0xFFFFEC00  }
0x93: {  	[hbm4b:s10+s23] =	stream.strided.scatter [tilespmem:s19], [sflag:$0x3], $0x1400, s24, s23, $0x38;
	[tilespmem:$0xEC40] =	vst v63  }
0x94: {  	_ =	swait.ge [sflag:s15], $0x1400  }
0x95: {  	[sflag:s15] =	ssyncset.done $0x0  }
0x96: {  	[sflag:s15] =	ssyncadd.s32 $0xFFFFEC00  }
0x97: {  	_ =	swait.ge [sflag:s25], $0x1400  }
0x98: {  	[sflag:s25] =	ssyncset.done $0x0  }
0x99: {  	[sflag:s25] =	ssyncadd.s32 $0xFFFFEC00  }
0x9a: {  	_ =	swait.ge [sflag:s25], $0x1400  }
0x9b: {  	[sflag:s25] =	ssyncset.done $0x0  }
0x9c: {  	[sflag:s25] =	ssyncadd.s32 $0xFFFFEC00  }
0x9d: {  	[hbm4b:s11+s23] =	stream.strided.scatter [tilespmem:s20], [sflag:$0x3], $0x1400, s24, s23, $0x38;
	[tilespmem:$0xEC40] =	vst v63  }
0x9e: {  	s29 =	sadd.s32 $0x1, s29;
	_ =	swait.ge [sflag:s15], $0x1400  }
0x9f: {  	p0 =	sne.s32 s29, s8;
	[sflag:s15] =	ssyncset.done $0x0  }
.Ltmp1:
0xa0: {  	[sflag:s15] =	ssyncadd.s32 $0xFFFFEC00;
	(pc) =	sbr.rel @p0 .LBB2_1-.Ltmp1, $4  }
0xa1: {  	[hbm4b:s12+s23] =	stream.strided.scatter [tilespmem:s21], [sflag:$0x3], $0x1400, s24, s23, $0x38;
	[tilespmem:$0xEC40] =	vst v63  }
0xa2: {  	_ =	swait.ge [sflag:s15], $0x1400  }
0xa3: {  	[sflag:s15] =	ssyncset.done $0x0  }
0xa4: {  	[sflag:s15] =	ssyncadd.s32 $0xFFFFEC00  }
0xa5: {  	_ =	sfence.sel $0x180000  }
0xa6: {  	[bflag:$0x0] =	sbarrier.arrive $0xFFFF  }
0xa7: {  	_ =	strace $0x90000047  }
0xa8: {  	s0 =	stileid.u32;
	[bflag:$0x2] =	sbarrier.arrive $0xFFFF  }
0xa9: {  	p0 =	sne.s32 s0, $0x0;
	s0 =	rddreg [dreg:$0x2]  }
0xaa: {  	s0 =	sadd.s32 @!p0 $0x100000, s0  }
0xab: {  	[sflag:s0] =	ssyncadd.tile.s32 @!p0 $0x1;
	_ =	shalt  }
.Lfunc_end2:
_tile_overlayer_lowered:
.L_overlay_start_2:
0xac: {  	(tag) =	ssettag $0x2  }
0xad: {  	s0 =	rddreg [dreg:$0x0];
	s2 =	stileid.u32  }
0xae: {  	s1 =	rddreg [dreg:$0x1];
	p0 =	sne.s32 s2, $0x0  }
0xaf: {  	s3 =	rddreg [dreg:$0x2];
	[bflag:$0x3] =	sbarrier.arrive $0xFFFF;
	s2 =	simm.s32 @!p0 $0x1C03  }
0xb0: {  	[timem:s3], [sflag:s2] =	dma.local @!p0 [hbm:s0], s1  }
0xb1: {  	s0 =	simm.s32 @!p0 $0x3  }
0xb2: {  	_ =	swait.ge @!p0 [sflag:s0], s1  }
0xb3: {  	s1 =	ssub.s32 @!p0 $0x0, s1;
	[sflag:s0] =	ssyncset.done @!p0 $0x0  }
0xb4: {  	[sflag:s0] =	ssyncadd.s32 @!p0 s1  }
0xb5: {  	[bflag:$0x3] =	sbarrier.arrive $0xFFFF  }
0xb6: {  	_ =	shalt  }

// kernel: kernel.13.cloned.1.call-start
scs
__scs_entry_jumppad:
0x0: {  	(pc) =	sbr.rel $0x88, $3  }
0x1: {  	(tag) =	ssettag $0x0;
	lr =	simm.s32 $0x1  }
0x2: {  	[smem:$0x3F89] =	sst lr;
	_ =	strace $0xD0000000  }
0x3: {  	_ = 	snop  }
0x4: {  	_ = 	snop  }
0x5: {  	_ = 	snop  }
0x6: {  	_ = 	snop  }
0x7: {  	_ = 	snop  }
__scs_overlays_trampoline_lowered:
0x8: {  	[smem:$0x3F98] =	sst s0  }
0x9: {  	[smem:$0x3F99] =	sst s1  }
0xa: {  	[smem:$0x3F9A] =	sst s2  }
0xb: {  	[smem:$0x3F9B] =	sst s3  }
0xc: {  	[smem:$0x3F9C] =	sst s4  }
0xd: {  	[smem:$0x3F9D] =	sst s5  }
0xe: {  	[smem:$0x3F9E] =	sst s6  }
0xf: {  	[smem:$0x3F9F] =	sst s7  }
0x10: {  	[smem:$0x3FA0] =	sst s8  }
0x11: {  	[smem:$0x3FA1] =	sst s9;
	s0 =	simm.s32 @!p0 $0x0  }
0x12: {  	s1 =	sld [smem:$0x3F87];
	s0 =	simm.s32 @p0 $0x1  }
0x13: {  	[smem:$0x3FA2] =	sst s0;
	s0 =	simm.s32 @!p1 $0x0  }
0x14: {  	s2 =	sld [smem:$0x3F86];
	s0 =	simm.s32 @p1 $0x1  }
0x15: {  	[smem:$0x3FA3] =	sst s0;
	s0 =	simm.s32 @!p2 $0x0  }
0x16: {  	s3 =	sld [smem:$0x3FDB];
	s0 =	simm.s32 @p2 $0x1  }
0x17: {  	s4 =	simm.s32 $0x1BF5;
	[smem:$0x3FA5] =	sst s0  }
0x18: {  	s0 =	sld [smem:$0x3F88];
	_ =	swait.ge [sflag:s4], $0x0  }
0x19: {  	s7 =	sld [smem:$0x3F89]  }
0x1a: {  	s8 =	sadd.s32 $0xFFFFE003, lr  }
0x1b: {  	s9 =	sadd.s32 $0xFFFFFEF7, lr;
	s5 =	simm.s32 $0xFFFFFFFF;
	p2 =	slt.u32 s8, $0xFFFFF086  }
0x1c: {  	p1 =	slt.u32 s9, $0xF7A;
	s5 =	simm.s32 @!p2 $0x0  }
0x1d: {  	s5 =	simm.s32 @p1 $0x1;
	p0 =	seq.s32 s7, s2  }
0x1e: {  	s7 =	smul.u32 @!p0 $0xF7A, s2;
	p2 =	seq.s32 @!p0 s5, $0x0  }
0x1f: {  	s9 =	smul.u32 $0xF7A, s1;
	s8 =	simm.s32 @!p0 $0x1BF5;
	p2 =	por !p2, p0  }
0x20: {  	[sflag:s8] =	ssyncset.s32 @!p0 $0xFFFFF086;
	s6 =	sadd.s32 @!p0 s3, s7;
	s7 =	simm.s32 @!p0 $0x108  }
0x21: {  	s3 =	sadd.s32 s3, s9;
	s6 =	sadd.s32 @!p0 $0x88, s6;
	s7 =	simm.s32 @p2 $0x1082  }
0x22: {  	[simem:s7], [sflag:s8] =	dma.local @!p0 [hbm:s6], $0xF7A  }
0x23: {  	s9 =	sor.u32 $0xD0000000, s2;
	s6 =	simm.s32 $0x108;
	_ =	swait.ge @!p0 [sflag:s8], $0x0  }
0x24: {  	s3 =	sadd.s32 $0x88, s3;
	s6 =	simm.s32 @!p1 $0x1082;
	[sflag:s4] =	ssyncset.s32 $0xFFFFF086  }
0x25: {  	[simem:s6], [sflag:s4] =	dma.local [hbm:s3], $0xF7A  }
0x26: {  	[smem:$0x3F89] =	sst s1;
	(tag) =	ssettag s2;
	_ =	strace s9  }
0x27: {  	s1 =	sld [smem:$0x3F99]  }
0x28: {  	s2 =	sld [smem:$0x3F9A]  }
0x29: {  	s4 =	sld [smem:$0x3F9C]  }
0x2a: {  	p0 =	seq.s32 s5, $0x0;
	s5 =	sld [smem:$0x3F9D]  }
0x2b: {  	s6 =	sld [smem:$0x3F9E]  }
0x2c: {  	s7 =	sld [smem:$0x3F9F]  }
0x2d: {  	s3 =	simm.s32 $0x108;
	s8 =	sld [smem:$0x3FA0]  }
0x2e: {  	s3 =	simm.s32 @!p0 $0x1082;
	s9 =	sld [smem:$0x3FA1]  }
0x2f: {  	lr =	sadd.s32 s0, s3;
	s0 =	sld [smem:$0x3F98]  }
0x30: {  	s3 =	sld [smem:$0x3F9B]  }
0x31: {  	[smem:$0x3FA4] =	sst s10  }
0x32: {  	s10 =	sld [smem:$0x3FA2];
	_ =	sdelay $0x3  }
0x33: {  	p0 =	seq.s32 s10, $0x1;
	s10 =	sld [smem:$0x3FA4];
	_ =	sdelay $0x3  }
0x34: {  	[smem:$0x3FA4] =	sst s10  }
0x35: {  	s10 =	sld [smem:$0x3FA3];
	_ =	sdelay $0x3  }
0x36: {  	p1 =	seq.s32 s10, $0x1;
	s10 =	sld [smem:$0x3FA4];
	_ =	sdelay $0x3  }
0x37: {  	[smem:$0x3FA4] =	sst s10  }
0x38: {  	s10 =	sld [smem:$0x3FA5]  }
0x39: {  	_ = 	snop;
	(pc) =	sbr.ind lr, $3  }
0x3a: {  	_ = 	snop  }
0x3b: {  	_ = 	snop  }
0x3c: {  	p2 =	seq.s32 s10, $0x1;
	s10 =	sld [smem:$0x3FA4]  }
0x3d: {  	_ =	shalt  }
0x3e: {  	_ =	shalt  }
0x3f: {  	_ =	shalt  }
0x40: {  	_ =	shalt  }
0x41: {  	_ =	shalt  }
0x42: {  	_ =	shalt  }
0x43: {  	_ =	shalt  }
0x44: {  	_ =	shalt  }
0x45: {  	_ =	shalt  }
0x46: {  	_ =	shalt  }
0x47: {  	_ =	shalt  }
0x48: {  	_ =	shalt  }
0x49: {  	_ =	shalt  }
0x4a: {  	_ =	shalt  }
0x4b: {  	_ =	shalt  }
0x4c: {  	_ =	shalt  }
0x4d: {  	_ =	shalt  }
0x4e: {  	_ =	shalt  }
0x4f: {  	_ =	shalt  }
0x50: {  	_ =	shalt  }
0x51: {  	_ =	shalt  }
0x52: {  	_ =	shalt  }
0x53: {  	_ =	shalt  }
0x54: {  	_ =	shalt  }
0x55: {  	_ =	shalt  }
0x56: {  	_ =	shalt  }
0x57: {  	_ =	shalt  }
0x58: {  	_ =	shalt  }
0x59: {  	_ =	shalt  }
0x5a: {  	_ =	shalt  }
0x5b: {  	_ =	shalt  }
0x5c: {  	_ =	shalt  }
0x5d: {  	_ =	shalt  }
0x5e: {  	_ =	shalt  }
0x5f: {  	_ =	shalt  }
0x60: {  	_ =	shalt  }
0x61: {  	_ =	shalt  }
0x62: {  	_ =	shalt  }
0x63: {  	_ =	shalt  }
0x64: {  	_ =	shalt  }
0x65: {  	_ =	shalt  }
0x66: {  	_ =	shalt  }
0x67: {  	_ =	shalt  }
0x68: {  	_ =	shalt  }
0x69: {  	_ =	shalt  }
0x6a: {  	_ =	shalt  }
0x6b: {  	_ =	shalt  }
0x6c: {  	_ =	shalt  }
0x6d: {  	_ =	shalt  }
0x6e: {  	_ =	shalt  }
0x6f: {  	_ =	shalt  }
0x70: {  	_ =	shalt  }
0x71: {  	_ =	shalt  }
0x72: {  	_ =	shalt  }
0x73: {  	_ =	shalt  }
0x74: {  	_ =	shalt  }
0x75: {  	_ =	shalt  }
0x76: {  	_ =	shalt  }
0x77: {  	_ =	shalt  }
0x78: {  	_ =	shalt  }
0x79: {  	_ =	shalt  }
0x7a: {  	_ =	shalt  }
0x7b: {  	_ =	shalt  }
0x7c: {  	_ =	shalt  }
0x7d: {  	_ =	shalt  }
0x7e: {  	_ =	shalt  }
0x7f: {  	_ =	shalt  }
0x80: {  	_ =	shalt  }
0x81: {  	_ =	shalt  }
0x82: {  	_ =	shalt  }
0x83: {  	_ =	shalt  }
0x84: {  	_ =	shalt  }
0x85: {  	_ =	shalt  }
0x86: {  	_ =	shalt  }
0x87: {  	_ =	shalt  }
.Lfunc_end0:
.L_simem_size_0:
called_computation.1_lowered:
.L_overlay_start_0:
0x88: {  	s2 =	sld [smem:$0x3FD9]  }
0x89: {  	s3 =	sld [smem:$0x3FFE];
	_ =	sdelay $0x1  }
0x8a: {  	s1 =	srdreg.scid  }
0x8b: {  	s0 =	sand.u32 $0x1, s1  }
0x8c: {  	s17 =	sshll.u32 s0, $0xA;
	s2 =	sadd.s32 s3, s2  }
0x8d: {  	s2 =	sadd.s32 s2, s17  }
0x8e: {  	[smem:$0x3FB0] =	sst s2  }
0x8f: {  	_ = 	snop  }
0x90: {  	s2 =	sld [smem:$0x3FD0];
	(tm) =	ssettm $0x1  }
0x91: {  	s18 =	sld [smem:$0x3FFB];
	_ =	sdelay $0x3  }
0x92: {  	_ =	strace s18  }
0x93: {  	s3 =	sld [smem:$0x3FFC];
	_ =	sdelay $0x3  }
0x94: {  	_ =	strace s3  }
0x95: {  	s3 =	sld [smem:$0x3FFD];
	_ =	sdelay $0x3  }
0x96: {  	_ =	strace s3  }
0x97: {  	_ =	strace $0x8FFFFFFF  }
0x98: {  	s19 =	sld [smem:$0x3FDB];
	_ =	sdelay $0x1  }
0x99: {  	s4 =	simm.s32 $_scs_section_size  }
0x9a: {  	s5 =	simm.s32 $_size__tile_overlayer_lowered;
	s6 =	simm.s32 $_tile_overlayer_lowered  }
0x9b: {  	s22 =	simm.s32 $0x1BFF;
	s21 =	sshll.u32 s6, $0x1;
	s3 =	sadd.s32 s4, s19  }
0x9c: {  	s7 =	simm.s32 $0x0;
	s20 =	sshll.u32 s5, $0x1;
	s5 =	sadd.s32 s21, s3  }
0x9d: {  	[timem:s7], [sflag:s22] =	dma.local [hbm:s5], s20  }
0x9e: {  	_ =	swait.ge [sflag:s22], s20  }
0x9f: {  	s4 =	ssub.s32 $0x0, s20;
	[sflag:s22] =	ssyncset.done $0x0  }
0xa0: {  	[sflag:s22] =	ssyncadd.s32 s4;
	_ =	sdelay $0x1  }
0xa1: {  	s23 =	simm.s32 $0x1B8B  }
0xa2: {  	_ =	swait.ge [sflag:s23], $0x1  }
0xa3: {  	[sflag:s23] =	ssyncset.done $0x0  }
0xa4: {  	s25 =	simm.s32 $0x1B8E;
	s24 =	sld [smem:$0x3FFE];
	[sflag:s23] =	ssyncadd.s32 $0xFFFFFFFF  }
0xa5: {  	s26 =	simm.s32 $execute0_lowered;
	[smem:$0x3FD2] =	sst s25  }
0xa6: {  	s5 =	sshll.u32 s26, $0x1;
	_ =	strace $0x80000049;
	[dreg:$0x1] =	wrdreg $0xFFFFFFFF  }
0xa7: {  	s28 =	simm.s32 $_size_execute0_lowered;
	s3 =	sadd.s32 s3, s5;
	[dreg:$0x0] =	wrdreg $0x0  }
0xa8: {  	s5 =	sshll.u32 s28, $0x1;
	[dreg:$0x2] =	wrdreg s3  }
0xa9: {  	[dreg:$0x3] =	wrdreg s5  }
0xaa: {  	[dreg:$0x4] =	wrdreg $0xC0  }
0xab: {  	_ =	task [dreg:s7], $0x5FFFF  }
0xac: {  	[dreg:$0x1] =	wrdreg $0xFFFFFFFF  }
0xad: {  	[dreg:$0x0] =	wrdreg $0x60  }
0xae: {  	[dreg:$0x2] =	wrdreg s24  }
0xaf: {  	[dreg:$0x3] =	wrdreg s2  }
0xb0: {  	[dreg:$0x4] =	wrdreg $0x5AA00  }
0xb1: {  	[dreg:$0x5] =	wrdreg $0x19AA00  }
0xb2: {  	[dreg:$0x6] =	wrdreg $0x9  }
0xb3: {  	_ =	task.clear_ibuf [dreg:s7], $0x7FFFF;
	_ =	strace $0x90000049  }
0xb4: {  	s29 =	simm.s32 $0x9;
	_ =	strace $0x8000004B  }
0xb5: {  	_ =	swait.ge [sflag:s29], $0x1  }
0xb6: {  	[sflag:s29] =	ssyncadd.s32 $0xFFFFFFFF  }
0xb7: {  	_ =	strace $0x9000004B  }
0xb8: {  	_ =	sfence  }
0xb9: {  	s30 =	sld [smem:$0x0];
	_ =	sdelay $0x2  }
0xba: {  	s31 =	sshll.u32 s1, $0xD;
	s1 =	sshrl.u32 s1, $0x2  }
0xbb: {  	s3 =	sand.u32 $0x4000, s31;
	s1 =	sadd.s32 s1, s30  }
0xbc: {  	s0 =	sor.u32 s3, s0;
	s1 =	sshll.u32 s1, $0x11  }
0xbd: {  	s0 =	sor.u32 s1, s0  }
0xbe: {  	s0 =	sadd.s32 $0x8F2B, s0  }
0xbf: {  	[sflag:s0] =	ssyncadd.remote.s32 $0x1  }
0xc0: {  	_ =	sfence.sel $0xFFFF  }
0xc1: {  	[dreg:$0x0] =	wrdreg $0xFFFFFFFF;
	(pc) =	sbr.abs _section_cstart, $3  }
0xc2: {  	[dreg:$0x1] =	wrdreg $0xFFFFFFFF  }
0xc3: {  	_ =	task.clear_ibuf [dreg:s7], $0x2FFFF;
	_ =	strace $0x9FFFFFFF  }
0xc4: {  	(tm) =	ssettm $0x7FFFFFFF  }
0xc5: {  	_ =	shalt  }
tec
execute0_lowered:
.L_overlay_start_1:
0x0: {  	(tag) =	ssettag $0x1  }
0x1: {  	s0 =	rddreg [dreg:$0x0]  }
0x2: {  	s1 =	rddreg [dreg:$0x1]  }
0x3: {  	s2 =	rddreg [dreg:$0x2]  }
0x4: {  	s3 =	rddreg [dreg:$0x3]  }
0x5: {  	s5 =	srdreg.scid;
	s21 =	stileid.u32  }
0x6: {  	s4 =	simm.s32 $0x0;
	s28 =	simm.s32 $0x3;
	s15 =	smul.u32 $0x14000, s21  }
0x7: {  	s29 =	simm.s32 $0xA0;
	s30 =	simm.s32 $0x50A0;
	s16 =	smul.u32 $0x4E20, s21  }
0x8: {  	s31 =	simm.s32 $0x1;
	s5 =	sand.u32 $0x1, s5;
	s20 =	smul.u32 $0x2800, s21  }
0x9: {  	s6 =	sshll.u32 s21, $0x1;
	s8 =	sadd.s32 $0x13C9800, s0;
	s9 =	smul.u32 $0x28000, s5  }
0xa: {  	[smem:$0x7FF] =	sst s4;
	s14 =	sadd.s32 $0x18AB800, s0;
	s18 =	smul.u32 $0x2710, s5  }
0xb: {  	s6 =	sor.u32 s5, s6;
	s24 =	ssub.s32 $0x2, s5;
	s5 =	smul.u32 $0x5000, s5  }
0xc: {  	s11 =	sadd.s32 $0x2DA00, s0;
	s13 =	sadd.s32 $0x1D8D800, s0;
	s7 =	smul.u32 $0x2710, s6  }
0xd: {  	s12 =	sadd.s32 $0xC9E00, s0;
	_ =	strace $0x8000004A;
	s10 =	smul.u32 $0x27100, s6  }
0xe: {  	[dreg:$0x5] =	wrdreg s12;
	s6 =	smul.u32 $0x4E20, s6;
	s17 =	sshrl.u32 s24, $0x1  }
0xf: {  	s9 =	sadd.s32 s9, s0;
	s19 =	ssub.s32 s24, s17;
	s16 =	sadd.s32 s18, s16  }
0x10: {  	s1 =	sadd.s32 s1, s5;
	s5 =	simm.s32 $0x0;
	s25 =	sadd.s32 s8, s10  }
0x11: {  	s7 =	sshrl.u32 s7, $0x3;
	s26 =	sadd.s32 s11, s6;
	[dreg:$0x6] =	wrdreg s25  }
0x12: {  	s10 =	sadd.s32 s14, s10;
	s6 =	sadd.s32 s13, s6;
	[dreg:$0x7] =	wrdreg s26  }
0x13: {  	s17 =	sadd.s32 $0xA0, s16;
	s9 =	sadd.s32 $0xCCC00, s9;
	[dreg:$0x8] =	wrdreg s10  }
0x14: {  	s7 =	sadd.s32 s7, s0;
	[dreg:$0x9] =	wrdreg s6;
	s6 =	sshrl.u32 s17, $0x4  }
0x15: {  	s10 =	sadd.s32 $0x50, s16;
	s16 =	sshrl.u32 s15, $0x3;
	s0 =	sadd.s32 $0xCC600, s0  }
0x16: {  	s18 =	sshll.u32 s6, $0x5;
	s22 =	sshrl.u32 s10, $0x4;
	s6 =	sshll.u32 s6, $0x8  }
0x17: {  	[dreg:$0xe] =	wrdreg s0;
	s17 =	sadd.s32 s16, s9;
	s10 =	sadd.s32 s18, s11  }
0x18: {  	s23 =	sshll.u32 s22, $0x5;
	s25 =	sadd.s32 s6, s8;
	[dreg:$0xf] =	wrdreg s17  }
0x19: {  	s24 =	sshll.u32 s22, $0x8;
	s22 =	sadd.s32 s15, s2;
	[dreg:$0xa] =	wrdreg s25  }
0x1a: {  	s12 =	sadd.s32 s18, s13;
	s26 =	sadd.s32 s24, s8;
	[dreg:$0x10] =	wrdreg s22  }
0x1b: {  	s18 =	sshrl.u32 s20, $0x3;
	s8 =	sadd.s32 s6, s14;
	[dreg:$0xb] =	wrdreg s26  }
0x1c: {  	s11 =	sadd.s32 s23, s11;
	s14 =	sadd.s32 s24, s14;
	[dreg:$0xc] =	wrdreg s8  }
0x1d: {  	s13 =	sadd.s32 s23, s13;
	s0 =	sadd.s32 s18, s1;
	[dreg:$0xd] =	wrdreg s14  }
0x1e: {  	s23 =	sshll.u32 s21, $0x6;
	s24 =	sadd.s32 s20, s3;
	[dreg:$0x11] =	wrdreg s0  }
0x1f: {  	s25 =	sadd.s32 $0x13BFA00, s7;
	s1 =	simm.s32 $0x4;
	[dreg:$0x12] =	wrdreg s24  }
0x20: {  	s22 =	sor.u32 $0x1C03, s23;
	[dreg:$0x13] =	wrdreg s25;
	s26 =	smax.u32 s19, $0x1  }
0x21: {  	s25 =	sadd.s32 $0x13B5C00, s7;
	s0 =	simm.s32 $0x50;
	[dreg:$0x14] =	wrdreg s26  }
.LBB2_1:
0x22: {  	s6 =	rddreg [dreg:$0x10]  }
0x23: {  	s7 =	rddreg [dreg:$0x5];
	s6 =	sshrl.u32 s6, $0x3  }
0x24: {  	[spmem:s6], [sflag:s22] =	dma.local [hbm:s7], $0x2800  }
0x25: {  	_ =	swait.ge [sflag:s28], $0x2800  }
0x26: {  	[sflag:s28] =	ssyncset.done $0x0;
	s23 =	rddreg [dreg:$0x12]  }
0x27: {  	s8 =	rddreg [dreg:$0xe];
	[sflag:s28] =	ssyncadd.s32 $0xFFFFD800;
	s7 =	sshrl.u32 s23, $0x3  }
0x28: {  	[spmem:s7], [sflag:s22] =	dma.local [hbm:s8], $0x500  }
0x29: {  	_ =	swait.ge [sflag:s28], $0x500  }
0x2a: {  	[sflag:s28] =	ssyncset.done $0x0  }
0x2b: {  	[sflag:s28] =	ssyncadd.s32 $0xFFFFFB00  }
0x2c: {  	[bflag:$0x0] =	sbarrier.arrive $0xFFFF  }
0x2d: {  	s9 =	rddreg [dreg:$0x13]  }
0x2e: {  	[tilespmem:s4], [sflag:$0x1] =	stream.linear.gather [hbm4b:s9+s4], $0x50, $0x38;
	[tilespmem:$0x1C2A0] =	vst v63  }
0x2f: {  	s24 =	rddreg [dreg:$0x6]  }
0x30: {  	[tilespmem:s29], [sflag:$0x1] =	stream.linear.gather [hbm4b:s24+s4], $0x2800, $0x38;
	[tilespmem:$0x1C2A0] =	vst v63  }
0x31: {  	p0 =	por $0x0, $0x0;
	s26 =	rddreg [dreg:$0x7];
	s15 =	sadd.s32 $0x14, s9  }
0x32: {  	[tilespmem:s30], [sflag:$0x1] =	stream.linear.gather [hbm4b:s26+s4], $0x500, $0x38;
	[tilespmem:$0x1C2A0] =	vst v63  }
0x33: {  	s14 =	simm.s32 @!p0 $0x50;
	s9 =	simm.s32 @!p0 $0x0;
	s8 =	sadd.s32 @!p0 $0xFFFFFFF6, s15  }
0x34: {  	[tilespmem:s14], [sflag:$0x2] =	stream.linear.gather @!p0 [hbm4b:s8+s9], $0x50, $0x38;
	[tilespmem:$0x1C2A0] =	vst v63  }
0x35: {  	s17 =	rddreg [dreg:$0xb];
	s8 =	simm.s32 @!p0 $0x28A0;
	p0 =	por p0, p0  }
0x36: {  	[tilespmem:s8], [sflag:$0x2] =	stream.linear.gather @!p0 [hbm4b:s17+s9], $0x2800, $0x38;
	[tilespmem:$0x1C2A0] =	vst v63  }
0x37: {  	s18 =	sadd.s32 @!p0 $0x0, s11;
	s19 =	simm.s32 @!p0 $0x55A0  }
0x38: {  	[tilespmem:s19], [sflag:$0x2] =	stream.linear.gather @!p0 [hbm4b:s18+s9], $0x500, $0x38;
	[tilespmem:$0x1C2A0] =	vst v63  }
0x39: {  	_ =	swait.ge [sflag:s31], $0x50  }
0x3a: {  	[sflag:s31] =	ssyncset.done $0x0  }
0x3b: {  	[sflag:s31] =	ssyncadd.s32 $0xFFFFFFB0  }
0x3c: {  	_ =	swait.ge [sflag:s31], $0x2800  }
0x3d: {  	[sflag:s31] =	ssyncset.done $0x0  }
0x3e: {  	[sflag:s31] =	ssyncadd.s32 $0xFFFFD800  }
0x3f: {  	_ =	swait.ge [sflag:s31], $0x500  }
0x40: {  	[sflag:s31] =	ssyncset.done $0x0  }
0x41: {  	[sflag:s31] =	ssyncadd.s32 $0xFFFFFB00  }
0x42: {  	[spmem:s2] =	stream.indirect.scatter.add.f32 [tilespmem:s29], [sflag:$0x4], $0x80, s4, s0, $0xb8;
	[tilespmem:$0x1C2A0] =	vst v63  }
0x43: {  	_ =	swait.ge [sflag:s1], $0x2800  }
0x44: {  	[sflag:s1] =	ssyncset.done $0x0  }
0x45: {  	[sflag:s1] =	ssyncadd.s32 $0xFFFFD800  }
0x46: {  	[spmem:s3] =	stream.indirect.scatter.add.f32 [tilespmem:s30], [sflag:$0x4], $0x10, s4, s0, $0xb8;
	[tilespmem:$0x1C2A0] =	vst v63  }
0x47: {  	_ =	swait.ge [sflag:s1], $0x500  }
0x48: {  	p1 =	por $0x0, $0x0;
	[sflag:s1] =	ssyncset.done $0x0  }
0x49: {  	s9 =	simm.s32 @!p1 $0x0;
	[sflag:s1] =	ssyncadd.s32 $0xFFFFFB00  }
0x4a: {  	[tilespmem:s9], [sflag:$0x1] =	stream.linear.gather @!p1 [hbm4b:s15+s9], $0x50, $0x38;
	[tilespmem:$0x1C2A0] =	vst v63  }
0x4b: {  	s18 =	simm.s32 @!p1 $0xA0;
	s16 =	rddreg [dreg:$0xa]  }
0x4c: {  	[tilespmem:s18], [sflag:$0x1] =	stream.linear.gather @!p1 [hbm4b:s16+s9], $0x2800, $0x38;
	[tilespmem:$0x1C2A0] =	vst v63  }
0x4d: {  	s20 =	simm.s32 @!p1 $0x50A0;
	s18 =	sadd.s32 @!p1 $0x0, s10  }
0x4e: {  	[tilespmem:s20], [sflag:$0x1] =	stream.linear.gather @!p1 [hbm4b:s18+s9], $0x500, $0x38;
	[tilespmem:$0x1C2A0] =	vst v63  }
0x4f: {  	s9 =	simm.s32 @!p0 $0x2  }
0x50: {  	_ =	swait.ge @!p0 [sflag:s9], $0x50  }
0x51: {  	[sflag:s9] =	ssyncset.done @!p0 $0x0  }
0x52: {  	[sflag:s9] =	ssyncadd.s32 @!p0 $0xFFFFFFB0  }
0x53: {  	_ =	swait.ge @!p0 [sflag:s9], $0x2800  }
0x54: {  	[sflag:s9] =	ssyncset.done @!p0 $0x0  }
0x55: {  	[sflag:s9] =	ssyncadd.s32 @!p0 $0xFFFFD800  }
0x56: {  	_ =	swait.ge @!p0 [sflag:s9], $0x500  }
0x57: {  	[sflag:s9] =	ssyncset.done @!p0 $0x0  }
0x58: {  	s18 =	simm.s32 @!p0 $0x4;
	[sflag:s9] =	ssyncadd.s32 @!p0 $0xFFFFFB00  }
0x59: {  	[spmem:s2] =	stream.indirect.scatter.add.f32 @!p0 [tilespmem:s8], [sflag:$0x4], $0x80, s14, s14, $0xb8;
	[tilespmem:$0x1C2A0] =	vst v63  }
0x5a: {  	_ =	swait.ge @!p0 [sflag:s18], $0x2800  }
0x5b: {  	s21 =	simm.s32 $0x3;
	[sflag:s18] =	ssyncset.done @!p0 $0x0  }
0x5c: {  	p2 =	por $0x0, $0x0;
	s20 =	simm.s32 $0x280;
	[sflag:s18] =	ssyncadd.s32 @!p0 $0xFFFFD800  }
0x5d: {  	[spmem:s3] =	stream.indirect.scatter.add.f32 @!p0 [tilespmem:s19], [sflag:$0x3], $0x10, s14, s14, $0xb8;
	[tilespmem:$0x1C2A0] =	vst v63  }
0x5e: {  	s9 =	simm.s32 $0x140;
	s8 =	sadd.s32 $0xA00, s16;
	s14 =	simm.s32 @!p0 $0x3  }
0x5f: {  	s18 =	sadd.s32 $0x14, s15;
	s19 =	sadd.s32 $0xA00, s17;
	_ =	swait.ge @!p0 [sflag:s14], $0x500  }
.LBB2_2:
0x60: {  	s26 =	sadd.s32 @!p2 $0xFFFFFFF6, s18  }
0x61: {  	s16 =	simm.s32 @!p2 $0x0;
	[sflag:s14] =	ssyncset.done @!p0 $0x0;
	s15 =	smov.u32 s20  }
0x62: {  	s20 =	sadd.s32 $0x140, s20;
	s23 =	simm.s32 @!p2 $0x50;
	[sflag:s14] =	ssyncadd.s32 @!p0 $0xFFFFFB00  }
0x63: {  	[tilespmem:s23], [sflag:$0x2] =	stream.linear.gather @!p2 [hbm4b:s26+s16], $0x50, $0x38;
	[tilespmem:$0x1C2A0] =	vst v63  }
0x64: {  	p1 =	sne.s32 s20, $0x4EC0;
	s14 =	simm.s32 @!p2 $0x28A0;
	p0 =	por p2, p2  }
0x65: {  	[tilespmem:s14], [sflag:$0x2] =	stream.linear.gather @!p0 [hbm4b:s19+s16], $0x2800, $0x38;
	[tilespmem:$0x1C2A0] =	vst v63  }
0x66: {  	s17 =	sadd.s32 @!p0 s9, s11;
	s26 =	simm.s32 @!p0 $0x55A0  }
0x67: {  	[tilespmem:s26], [sflag:$0x2] =	stream.linear.gather @!p0 [hbm4b:s17+s16], $0x500, $0x38;
	[tilespmem:$0x1C2A0] =	vst v63  }
0x68: {  	_ =	swait.ge [sflag:s31], $0x50  }
0x69: {  	[sflag:s31] =	ssyncset.done $0x0  }
0x6a: {  	[sflag:s31] =	ssyncadd.s32 $0xFFFFFFB0  }
0x6b: {  	_ =	swait.ge [sflag:s31], $0x2800  }
0x6c: {  	[sflag:s31] =	ssyncset.done $0x0  }
0x6d: {  	[sflag:s31] =	ssyncadd.s32 $0xFFFFD800  }
0x6e: {  	_ =	swait.ge [sflag:s31], $0x500  }
0x6f: {  	[sflag:s31] =	ssyncset.done $0x0  }
0x70: {  	[sflag:s31] =	ssyncadd.s32 $0xFFFFFB00  }
0x71: {  	[spmem:s2] =	stream.indirect.scatter.add.f32 [tilespmem:s29], [sflag:$0x4], $0x80, s4, s0, $0xb8;
	[tilespmem:$0x1C2A0] =	vst v63  }
0x72: {  	_ =	swait.ge [sflag:s1], $0x2800  }
0x73: {  	[sflag:s1] =	ssyncset.done $0x0  }
0x74: {  	[sflag:s1] =	ssyncadd.s32 $0xFFFFD800  }
0x75: {  	[spmem:s3] =	stream.indirect.scatter.add.f32 [tilespmem:s30], [sflag:$0x4], $0x10, s4, s0, $0xb8;
	[tilespmem:$0x1C2A0] =	vst v63  }
0x76: {  	_ =	swait.ge [sflag:s1], $0x500  }
0x77: {  	p2 =	seq.s32 s9, $0x4D80;
	[sflag:s1] =	ssyncset.done $0x0  }
0x78: {  	s16 =	simm.s32 @!p2 $0x0;
	[sflag:s1] =	ssyncadd.s32 $0xFFFFFB00  }
0x79: {  	[tilespmem:s16], [sflag:$0x1] =	stream.linear.gather @!p2 [hbm4b:s18+s16], $0x50, $0x38;
	[tilespmem:$0x1C2A0] =	vst v63  }
0x7a: {  	s17 =	simm.s32 @!p2 $0xA0  }
0x7b: {  	[tilespmem:s17], [sflag:$0x1] =	stream.linear.gather @!p2 [hbm4b:s8+s16], $0x2800, $0x38;
	[tilespmem:$0x1C2A0] =	vst v63  }
0x7c: {  	s24 =	simm.s32 @!p0 $0x2;
	s9 =	sadd.s32 @!p2 s9, s10;
	s17 =	simm.s32 @!p2 $0x50A0  }
0x7d: {  	[tilespmem:s17], [sflag:$0x1] =	stream.linear.gather @!p2 [hbm4b:s9+s16], $0x500, $0x38;
	[tilespmem:$0x1C2A0] =	vst v63  }
0x7e: {  	s9 =	smov.u32 s15;
	_ =	swait.ge @!p0 [sflag:s24], $0x50  }
0x7f: {  	[sflag:s24] =	ssyncset.done @!p0 $0x0  }
0x80: {  	[sflag:s24] =	ssyncadd.s32 @!p0 $0xFFFFFFB0  }
0x81: {  	_ =	swait.ge @!p0 [sflag:s24], $0x2800  }
0x82: {  	[sflag:s24] =	ssyncset.done @!p0 $0x0  }
0x83: {  	[sflag:s24] =	ssyncadd.s32 @!p0 $0xFFFFD800  }
0x84: {  	_ =	swait.ge @!p0 [sflag:s24], $0x500  }
0x85: {  	[sflag:s24] =	ssyncset.done @!p0 $0x0  }
0x86: {  	s15 =	simm.s32 @!p0 $0x4;
	[sflag:s24] =	ssyncadd.s32 @!p0 $0xFFFFFB00  }
0x87: {  	[spmem:s2] =	stream.indirect.scatter.add.f32 @!p0 [tilespmem:s14], [sflag:$0x4], $0x80, s23, s23, $0xb8;
	[tilespmem:$0x1C2A0] =	vst v63  }
.Ltmp0:
0x88: {  	_ =	swait.ge @!p0 [sflag:s15], $0x2800;
	(pc) =	sbr.rel @p1 .LBB2_2-.Ltmp0, $4  }
0x89: {  	s19 =	sadd.s32 $0xA00, s19;
	s8 =	sadd.s32 $0xA00, s8;
	[sflag:s15] =	ssyncset.done @!p0 $0x0  }
0x8a: {  	s21 =	sadd.s32 $0x2, s21;
	s14 =	simm.s32 @!p0 $0x3;
	[sflag:s15] =	ssyncadd.s32 @!p0 $0xFFFFD800  }
0x8b: {  	[spmem:s3] =	stream.indirect.scatter.add.f32 @!p0 [tilespmem:s26], [sflag:$0x3], $0x10, s23, s23, $0xb8;
	[tilespmem:$0x1C2A0] =	vst v63  }
0x8c: {  	s18 =	sadd.s32 $0x14, s18;
	p2 =	sgt.u32 s21, $0x7C;
	_ =	swait.ge @!p0 [sflag:s14], $0x500  }
0x8d: {  	s15 =	sadd.s32 @!p2 $0xFFFFFFF6, s18;
	[sflag:s14] =	ssyncset.done @!p0 $0x0  }
0x8e: {  	s16 =	simm.s32 @!p2 $0x0;
	s17 =	simm.s32 @!p2 $0x50;
	[sflag:s14] =	ssyncadd.s32 @!p0 $0xFFFFFB00  }
0x8f: {  	[tilespmem:s17], [sflag:$0x2] =	stream.linear.gather @!p2 [hbm4b:s15+s16], $0x50, $0x38;
	[tilespmem:$0x1C2A0] =	vst v63  }
0x90: {  	s14 =	simm.s32 @!p2 $0x28A0;
	p0 =	por p2, p2  }
0x91: {  	[tilespmem:s14], [sflag:$0x2] =	stream.linear.gather @!p0 [hbm4b:s19+s16], $0x2800, $0x38;
	[tilespmem:$0x1C2A0] =	vst v63  }
0x92: {  	s15 =	sadd.s32 @!p0 s9, s11;
	s19 =	simm.s32 @!p0 $0x55A0  }
0x93: {  	[tilespmem:s19], [sflag:$0x2] =	stream.linear.gather @!p0 [hbm4b:s15+s16], $0x500, $0x38;
	[tilespmem:$0x1C2A0] =	vst v63  }
0x94: {  	_ =	swait.ge [sflag:s31], $0x50  }
0x95: {  	[sflag:s31] =	ssyncset.done $0x0  }
0x96: {  	[sflag:s31] =	ssyncadd.s32 $0xFFFFFFB0  }
0x97: {  	_ =	swait.ge [sflag:s31], $0x2800  }
0x98: {  	[sflag:s31] =	ssyncset.done $0x0  }
0x99: {  	[sflag:s31] =	ssyncadd.s32 $0xFFFFD800  }
0x9a: {  	_ =	swait.ge [sflag:s31], $0x500  }
0x9b: {  	[sflag:s31] =	ssyncset.done $0x0  }
0x9c: {  	[sflag:s31] =	ssyncadd.s32 $0xFFFFFB00  }
0x9d: {  	[spmem:s2] =	stream.indirect.scatter.add.f32 [tilespmem:s29], [sflag:$0x4], $0x80, s4, s0, $0xb8;
	[tilespmem:$0x1C2A0] =	vst v63  }
0x9e: {  	_ =	swait.ge [sflag:s1], $0x2800  }
0x9f: {  	[sflag:s1] =	ssyncset.done $0x0  }
0xa0: {  	[sflag:s1] =	ssyncadd.s32 $0xFFFFD800  }
0xa1: {  	[spmem:s3] =	stream.indirect.scatter.add.f32 [tilespmem:s30], [sflag:$0x4], $0x10, s4, s0, $0xb8;
	[tilespmem:$0x1C2A0] =	vst v63  }
0xa2: {  	_ =	swait.ge [sflag:s1], $0x500  }
0xa3: {  	p1 =	seq.s32 s9, $0x4D80;
	[sflag:s1] =	ssyncset.done $0x0  }
0xa4: {  	s15 =	simm.s32 @!p1 $0x0;
	[sflag:s1] =	ssyncadd.s32 $0xFFFFFB00  }
0xa5: {  	[tilespmem:s15], [sflag:$0x1] =	stream.linear.gather @!p1 [hbm4b:s18+s15], $0x50, $0x38;
	[tilespmem:$0x1C2A0] =	vst v63  }
0xa6: {  	s16 =	simm.s32 @!p1 $0xA0  }
0xa7: {  	[tilespmem:s16], [sflag:$0x1] =	stream.linear.gather @!p1 [hbm4b:s8+s15], $0x2800, $0x38;
	[tilespmem:$0x1C2A0] =	vst v63  }
0xa8: {  	s8 =	sadd.s32 @!p1 s9, s10;
	s9 =	simm.s32 @!p1 $0x50A0;
	s16 =	simm.s32 @!p0 $0x2  }
0xa9: {  	[tilespmem:s9], [sflag:$0x1] =	stream.linear.gather @!p1 [hbm4b:s8+s15], $0x500, $0x38;
	[tilespmem:$0x1C2A0] =	vst v63  }
0xaa: {  	_ =	swait.ge @!p0 [sflag:s16], $0x50  }
0xab: {  	[sflag:s16] =	ssyncset.done @!p0 $0x0  }
0xac: {  	[sflag:s16] =	ssyncadd.s32 @!p0 $0xFFFFFFB0  }
0xad: {  	_ =	swait.ge @!p0 [sflag:s16], $0x2800  }
0xae: {  	[sflag:s16] =	ssyncset.done @!p0 $0x0  }
0xaf: {  	[sflag:s16] =	ssyncadd.s32 @!p0 $0xFFFFD800  }
0xb0: {  	_ =	swait.ge @!p0 [sflag:s16], $0x500  }
0xb1: {  	[sflag:s16] =	ssyncset.done @!p0 $0x0  }
0xb2: {  	s8 =	simm.s32 @!p0 $0x4;
	[sflag:s16] =	ssyncadd.s32 @!p0 $0xFFFFFB00  }
0xb3: {  	[spmem:s2] =	stream.indirect.scatter.add.f32 @!p0 [tilespmem:s14], [sflag:$0x4], $0x80, s17, s17, $0xb8;
	[tilespmem:$0x1C2A0] =	vst v63  }
0xb4: {  	_ =	swait.ge @!p0 [sflag:s8], $0x2800  }
0xb5: {  	[sflag:s8] =	ssyncset.done @!p0 $0x0  }
0xb6: {  	[sflag:s8] =	ssyncadd.s32 @!p0 $0xFFFFD800;
	s8 =	simm.s32 @!p0 $0x3  }
0xb7: {  	[spmem:s3] =	stream.indirect.scatter.add.f32 @!p0 [tilespmem:s19], [sflag:$0x3], $0x10, s17, s17, $0xb8;
	[tilespmem:$0x1C2A0] =	vst v63  }
0xb8: {  	_ =	swait.ge @!p0 [sflag:s8], $0x500  }
0xb9: {  	[sflag:s8] =	ssyncset.done @!p0 $0x0  }
0xba: {  	s23 =	simm.s32 $0x0;
	[sflag:s8] =	ssyncadd.s32 @!p0 $0xFFFFFB00  }
0xbb: {  	[tilespmem:s23], [sflag:$0x1] =	stream.linear.gather [hbm4b:s25+s23], $0x50, $0x38;
	[tilespmem:$0x1C2A0] =	vst v63  }
0xbc: {  	s24 =	rddreg [dreg:$0x8]  }
0xbd: {  	[tilespmem:s29], [sflag:$0x1] =	stream.linear.gather [hbm4b:s24+s23], $0x2800, $0x38;
	[tilespmem:$0x1C2A0] =	vst v63  }
0xbe: {  	s15 =	sadd.s32 $0x14, s25;
	s26 =	rddreg [dreg:$0x9];
	p0 =	por $0x0, $0x0  }
0xbf: {  	[tilespmem:s30], [sflag:$0x1] =	stream.linear.gather [hbm4b:s26+s23], $0x500, $0x38;
	[tilespmem:$0x1C2A0] =	vst v63  }
0xc0: {  	s8 =	sadd.s32 @!p0 $0xFFFFFFF6, s15;
	s9 =	simm.s32 @!p0 $0x0;
	s14 =	simm.s32 @!p0 $0x50  }
0xc1: {  	[tilespmem:s14], [sflag:$0x2] =	stream.linear.gather @!p0 [hbm4b:s8+s9], $0x50, $0x38;
	[tilespmem:$0x1C2A0] =	vst v63  }
0xc2: {  	s21 =	rddreg [dreg:$0xd];
	s8 =	simm.s32 @!p0 $0x28A0;
	p0 =	por p0, p0  }
0xc3: {  	[tilespmem:s8], [sflag:$0x2] =	stream.linear.gather @!p0 [hbm4b:s21+s9], $0x2800, $0x38;
	[tilespmem:$0x1C2A0] =	vst v63  }
0xc4: {  	s16 =	sadd.s32 @!p0 $0x0, s13;
	s17 =	simm.s32 @!p0 $0x55A0  }
0xc5: {  	[tilespmem:s17], [sflag:$0x2] =	stream.linear.gather @!p0 [hbm4b:s16+s9], $0x500, $0x38;
	[tilespmem:$0x1C2A0] =	vst v63  }
0xc6: {  	_ =	swait.ge [sflag:s31], $0x50  }
0xc7: {  	[sflag:s31] =	ssyncset.done $0x0  }
0xc8: {  	[sflag:s31] =	ssyncadd.s32 $0xFFFFFFB0  }
0xc9: {  	_ =	swait.ge [sflag:s31], $0x2800  }
0xca: {  	[sflag:s31] =	ssyncset.done $0x0  }
0xcb: {  	[sflag:s31] =	ssyncadd.s32 $0xFFFFD800  }
0xcc: {  	_ =	swait.ge [sflag:s31], $0x500  }
0xcd: {  	[sflag:s31] =	ssyncset.done $0x0  }
0xce: {  	[sflag:s31] =	ssyncadd.s32 $0xFFFFFB00  }
0xcf: {  	[spmem:s2] =	stream.indirect.scatter.add.f32 [tilespmem:s29], [sflag:$0x4], $0x80, s4, s0, $0xb8;
	[tilespmem:$0x1C2A0] =	vst v63  }
0xd0: {  	_ =	swait.ge [sflag:s1], $0x2800  }
0xd1: {  	[sflag:s1] =	ssyncset.done $0x0  }
0xd2: {  	[sflag:s1] =	ssyncadd.s32 $0xFFFFD800  }
0xd3: {  	[spmem:s3] =	stream.indirect.scatter.add.f32 [tilespmem:s30], [sflag:$0x4], $0x10, s4, s0, $0xb8;
	[tilespmem:$0x1C2A0] =	vst v63  }
0xd4: {  	_ =	swait.ge [sflag:s1], $0x500  }
0xd5: {  	p1 =	por $0x0, $0x0;
	[sflag:s1] =	ssyncset.done $0x0  }
0xd6: {  	s9 =	simm.s32 @!p1 $0x0;
	[sflag:s1] =	ssyncadd.s32 $0xFFFFFB00  }
0xd7: {  	[tilespmem:s9], [sflag:$0x1] =	stream.linear.gather @!p1 [hbm4b:s15+s9], $0x50, $0x38;
	[tilespmem:$0x1C2A0] =	vst v63  }
0xd8: {  	s16 =	simm.s32 @!p1 $0xA0;
	s19 =	rddreg [dreg:$0xc]  }
0xd9: {  	[tilespmem:s16], [sflag:$0x1] =	stream.linear.gather @!p1 [hbm4b:s19+s9], $0x2800, $0x38;
	[tilespmem:$0x1C2A0] =	vst v63  }
0xda: {  	s18 =	simm.s32 @!p1 $0x50A0;
	s16 =	sadd.s32 @!p1 $0x0, s12  }
0xdb: {  	[tilespmem:s18], [sflag:$0x1] =	stream.linear.gather @!p1 [hbm4b:s16+s9], $0x500, $0x38;
	[tilespmem:$0x1C2A0] =	vst v63  }
0xdc: {  	s9 =	simm.s32 @!p0 $0x2  }
0xdd: {  	_ =	swait.ge @!p0 [sflag:s9], $0x50  }
0xde: {  	[sflag:s9] =	ssyncset.done @!p0 $0x0  }
0xdf: {  	[sflag:s9] =	ssyncadd.s32 @!p0 $0xFFFFFFB0  }
0xe0: {  	_ =	swait.ge @!p0 [sflag:s9], $0x2800  }
0xe1: {  	[sflag:s9] =	ssyncset.done @!p0 $0x0  }
0xe2: {  	[sflag:s9] =	ssyncadd.s32 @!p0 $0xFFFFD800  }
0xe3: {  	_ =	swait.ge @!p0 [sflag:s9], $0x500  }
0xe4: {  	[sflag:s9] =	ssyncset.done @!p0 $0x0  }
0xe5: {  	s16 =	simm.s32 @!p0 $0x4;
	[sflag:s9] =	ssyncadd.s32 @!p0 $0xFFFFFB00  }
0xe6: {  	[spmem:s2] =	stream.indirect.scatter.add.f32 @!p0 [tilespmem:s8], [sflag:$0x4], $0x80, s14, s14, $0xb8;
	[tilespmem:$0x1C2A0] =	vst v63  }
0xe7: {  	_ =	swait.ge @!p0 [sflag:s16], $0x2800  }
0xe8: {  	s20 =	simm.s32 $0x280;
	[sflag:s16] =	ssyncset.done @!p0 $0x0  }
0xe9: {  	p2 =	por $0x0, $0x0;
	s18 =	sadd.s32 $0x14, s15;
	[sflag:s16] =	ssyncadd.s32 @!p0 $0xFFFFD800  }
0xea: {  	[spmem:s3] =	stream.indirect.scatter.add.f32 @!p0 [tilespmem:s17], [sflag:$0x3], $0x10, s14, s14, $0xb8;
	[tilespmem:$0x1C2A0] =	vst v63  }
0xeb: {  	s9 =	simm.s32 $0x140;
	s8 =	sadd.s32 $0xA00, s19;
	s14 =	simm.s32 @!p0 $0x3  }
0xec: {  	s19 =	sadd.s32 $0xA00, s21;
	s21 =	simm.s32 $0x3;
	_ =	swait.ge @!p0 [sflag:s14], $0x500  }
.LBB2_4:
0xed: {  	s16 =	sadd.s32 @!p2 $0xFFFFFFF6, s18  }
0xee: {  	s17 =	simm.s32 @!p2 $0x0;
	[sflag:s14] =	ssyncset.done @!p0 $0x0;
	s15 =	smov.u32 s20  }
0xef: {  	s20 =	sadd.s32 $0x140, s20;
	s23 =	simm.s32 @!p2 $0x50;
	[sflag:s14] =	ssyncadd.s32 @!p0 $0xFFFFFB00  }
0xf0: {  	[tilespmem:s23], [sflag:$0x2] =	stream.linear.gather @!p2 [hbm4b:s16+s17], $0x50, $0x38;
	[tilespmem:$0x1C2A0] =	vst v63  }
0xf1: {  	p1 =	sne.s32 s20, $0x4EC0;
	s14 =	simm.s32 @!p2 $0x28A0;
	p0 =	por p2, p2  }
0xf2: {  	[tilespmem:s14], [sflag:$0x2] =	stream.linear.gather @!p0 [hbm4b:s19+s17], $0x2800, $0x38;
	[tilespmem:$0x1C2A0] =	vst v63  }
0xf3: {  	s16 =	sadd.s32 @!p0 s9, s13;
	s26 =	simm.s32 @!p0 $0x55A0  }
0xf4: {  	[tilespmem:s26], [sflag:$0x2] =	stream.linear.gather @!p0 [hbm4b:s16+s17], $0x500, $0x38;
	[tilespmem:$0x1C2A0] =	vst v63  }
0xf5: {  	_ =	swait.ge [sflag:s31], $0x50  }
0xf6: {  	[sflag:s31] =	ssyncset.done $0x0  }
0xf7: {  	[sflag:s31] =	ssyncadd.s32 $0xFFFFFFB0  }
0xf8: {  	_ =	swait.ge [sflag:s31], $0x2800  }
0xf9: {  	[sflag:s31] =	ssyncset.done $0x0  }
0xfa: {  	[sflag:s31] =	ssyncadd.s32 $0xFFFFD800  }
0xfb: {  	_ =	swait.ge [sflag:s31], $0x500  }
0xfc: {  	[sflag:s31] =	ssyncset.done $0x0  }
0xfd: {  	[sflag:s31] =	ssyncadd.s32 $0xFFFFFB00  }
0xfe: {  	[spmem:s2] =	stream.indirect.scatter.add.f32 [tilespmem:s29], [sflag:$0x4], $0x80, s4, s0, $0xb8;
	[tilespmem:$0x1C2A0] =	vst v63  }
0xff: {  	_ =	swait.ge [sflag:s1], $0x2800  }
0x100: {  	[sflag:s1] =	ssyncset.done $0x0  }
0x101: {  	[sflag:s1] =	ssyncadd.s32 $0xFFFFD800  }
0x102: {  	[spmem:s3] =	stream.indirect.scatter.add.f32 [tilespmem:s30], [sflag:$0x4], $0x10, s4, s0, $0xb8;
	[tilespmem:$0x1C2A0] =	vst v63  }
0x103: {  	_ =	swait.ge [sflag:s1], $0x500  }
0x104: {  	p2 =	seq.s32 s9, $0x4D80;
	[sflag:s1] =	ssyncset.done $0x0  }
0x105: {  	s16 =	simm.s32 @!p2 $0x0;
	[sflag:s1] =	ssyncadd.s32 $0xFFFFFB00  }
0x106: {  	[tilespmem:s16], [sflag:$0x1] =	stream.linear.gather @!p2 [hbm4b:s18+s16], $0x50, $0x38;
	[tilespmem:$0x1C2A0] =	vst v63  }
0x107: {  	s17 =	simm.s32 @!p2 $0xA0  }
0x108: {  	[tilespmem:s17], [sflag:$0x1] =	stream.linear.gather @!p2 [hbm4b:s8+s16], $0x2800, $0x38;
	[tilespmem:$0x1C2A0] =	vst v63  }
0x109: {  	s24 =	simm.s32 @!p0 $0x2;
	s9 =	sadd.s32 @!p2 s9, s12;
	s17 =	simm.s32 @!p2 $0x50A0  }
0x10a: {  	[tilespmem:s17], [sflag:$0x1] =	stream.linear.gather @!p2 [hbm4b:s9+s16], $0x500, $0x38;
	[tilespmem:$0x1C2A0] =	vst v63  }
0x10b: {  	s9 =	smov.u32 s15;
	_ =	swait.ge @!p0 [sflag:s24], $0x50  }
0x10c: {  	[sflag:s24] =	ssyncset.done @!p0 $0x0  }
0x10d: {  	[sflag:s24] =	ssyncadd.s32 @!p0 $0xFFFFFFB0  }
0x10e: {  	_ =	swait.ge @!p0 [sflag:s24], $0x2800  }
0x10f: {  	[sflag:s24] =	ssyncset.done @!p0 $0x0  }
0x110: {  	[sflag:s24] =	ssyncadd.s32 @!p0 $0xFFFFD800  }
0x111: {  	_ =	swait.ge @!p0 [sflag:s24], $0x500  }
0x112: {  	[sflag:s24] =	ssyncset.done @!p0 $0x0  }
0x113: {  	s15 =	simm.s32 @!p0 $0x4;
	[sflag:s24] =	ssyncadd.s32 @!p0 $0xFFFFFB00  }
0x114: {  	[spmem:s2] =	stream.indirect.scatter.add.f32 @!p0 [tilespmem:s14], [sflag:$0x4], $0x80, s23, s23, $0xb8;
	[tilespmem:$0x1C2A0] =	vst v63  }
.Ltmp1:
0x115: {  	_ =	swait.ge @!p0 [sflag:s15], $0x2800;
	(pc) =	sbr.rel @p1 .LBB2_4-.Ltmp1, $4  }
0x116: {  	s19 =	sadd.s32 $0xA00, s19;
	s8 =	sadd.s32 $0xA00, s8;
	[sflag:s15] =	ssyncset.done @!p0 $0x0  }
0x117: {  	s21 =	sadd.s32 $0x2, s21;
	s14 =	simm.s32 @!p0 $0x3;
	[sflag:s15] =	ssyncadd.s32 @!p0 $0xFFFFD800  }
0x118: {  	[spmem:s3] =	stream.indirect.scatter.add.f32 @!p0 [tilespmem:s26], [sflag:$0x3], $0x10, s23, s23, $0xb8;
	[tilespmem:$0x1C2A0] =	vst v63  }
0x119: {  	s18 =	sadd.s32 $0x14, s18;
	p2 =	sgt.u32 s21, $0x7C;
	_ =	swait.ge @!p0 [sflag:s14], $0x500  }
0x11a: {  	s15 =	sadd.s32 @!p2 $0xFFFFFFF6, s18;
	[sflag:s14] =	ssyncset.done @!p0 $0x0  }
0x11b: {  	s16 =	simm.s32 @!p2 $0x0;
	s17 =	simm.s32 @!p2 $0x50;
	[sflag:s14] =	ssyncadd.s32 @!p0 $0xFFFFFB00  }
0x11c: {  	[tilespmem:s17], [sflag:$0x2] =	stream.linear.gather @!p2 [hbm4b:s15+s16], $0x50, $0x38;
	[tilespmem:$0x1C2A0] =	vst v63  }
0x11d: {  	s14 =	simm.s32 @!p2 $0x28A0;
	p0 =	por p2, p2  }
0x11e: {  	[tilespmem:s14], [sflag:$0x2] =	stream.linear.gather @!p0 [hbm4b:s19+s16], $0x2800, $0x38;
	[tilespmem:$0x1C2A0] =	vst v63  }
0x11f: {  	s15 =	sadd.s32 @!p0 s9, s13;
	s19 =	simm.s32 @!p0 $0x55A0  }
0x120: {  	[tilespmem:s19], [sflag:$0x2] =	stream.linear.gather @!p0 [hbm4b:s15+s16], $0x500, $0x38;
	[tilespmem:$0x1C2A0] =	vst v63  }
0x121: {  	_ =	swait.ge [sflag:s31], $0x50  }
0x122: {  	[sflag:s31] =	ssyncset.done $0x0  }
0x123: {  	[sflag:s31] =	ssyncadd.s32 $0xFFFFFFB0  }
0x124: {  	_ =	swait.ge [sflag:s31], $0x2800  }
0x125: {  	[sflag:s31] =	ssyncset.done $0x0  }
0x126: {  	[sflag:s31] =	ssyncadd.s32 $0xFFFFD800  }
0x127: {  	_ =	swait.ge [sflag:s31], $0x500  }
0x128: {  	[sflag:s31] =	ssyncset.done $0x0  }
0x129: {  	[sflag:s31] =	ssyncadd.s32 $0xFFFFFB00  }
0x12a: {  	[spmem:s2] =	stream.indirect.scatter.add.f32 [tilespmem:s29], [sflag:$0x4], $0x80, s4, s0, $0xb8;
	[tilespmem:$0x1C2A0] =	vst v63  }
0x12b: {  	_ =	swait.ge [sflag:s1], $0x2800  }
0x12c: {  	[sflag:s1] =	ssyncset.done $0x0  }
0x12d: {  	[sflag:s1] =	ssyncadd.s32 $0xFFFFD800  }
0x12e: {  	[spmem:s3] =	stream.indirect.scatter.add.f32 [tilespmem:s30], [sflag:$0x4], $0x10, s4, s0, $0xb8;
	[tilespmem:$0x1C2A0] =	vst v63  }
0x12f: {  	_ =	swait.ge [sflag:s1], $0x500  }
0x130: {  	p1 =	seq.s32 s9, $0x4D80;
	[sflag:s1] =	ssyncset.done $0x0  }
0x131: {  	s15 =	simm.s32 @!p1 $0x0;
	[sflag:s1] =	ssyncadd.s32 $0xFFFFFB00  }
0x132: {  	[tilespmem:s15], [sflag:$0x1] =	stream.linear.gather @!p1 [hbm4b:s18+s15], $0x50, $0x38;
	[tilespmem:$0x1C2A0] =	vst v63  }
0x133: {  	s16 =	simm.s32 @!p1 $0xA0  }
0x134: {  	[tilespmem:s16], [sflag:$0x1] =	stream.linear.gather @!p1 [hbm4b:s8+s15], $0x2800, $0x38;
	[tilespmem:$0x1C2A0] =	vst v63  }
0x135: {  	s8 =	sadd.s32 @!p1 s9, s12;
	s9 =	simm.s32 @!p1 $0x50A0;
	s16 =	simm.s32 @!p0 $0x2  }
0x136: {  	[tilespmem:s9], [sflag:$0x1] =	stream.linear.gather @!p1 [hbm4b:s8+s15], $0x500, $0x38;
	[tilespmem:$0x1C2A0] =	vst v63  }
0x137: {  	_ =	swait.ge @!p0 [sflag:s16], $0x50  }
0x138: {  	[sflag:s16] =	ssyncset.done @!p0 $0x0  }
0x139: {  	[sflag:s16] =	ssyncadd.s32 @!p0 $0xFFFFFFB0  }
0x13a: {  	_ =	swait.ge @!p0 [sflag:s16], $0x2800  }
0x13b: {  	[sflag:s16] =	ssyncset.done @!p0 $0x0  }
0x13c: {  	[sflag:s16] =	ssyncadd.s32 @!p0 $0xFFFFD800  }
0x13d: {  	_ =	swait.ge @!p0 [sflag:s16], $0x500  }
0x13e: {  	[sflag:s16] =	ssyncset.done @!p0 $0x0  }
0x13f: {  	s8 =	simm.s32 @!p0 $0x4;
	[sflag:s16] =	ssyncadd.s32 @!p0 $0xFFFFFB00  }
0x140: {  	[spmem:s2] =	stream.indirect.scatter.add.f32 @!p0 [tilespmem:s14], [sflag:$0x4], $0x80, s17, s17, $0xb8;
	[tilespmem:$0x1C2A0] =	vst v63  }
0x141: {  	_ =	swait.ge @!p0 [sflag:s8], $0x2800  }
0x142: {  	[sflag:s8] =	ssyncset.done @!p0 $0x0  }
0x143: {  	[sflag:s8] =	ssyncadd.s32 @!p0 $0xFFFFD800;
	s8 =	simm.s32 @!p0 $0x3  }
0x144: {  	[spmem:s3] =	stream.indirect.scatter.add.f32 @!p0 [tilespmem:s19], [sflag:$0x3], $0x10, s17, s17, $0xb8;
	[tilespmem:$0x1C2A0] =	vst v63  }
0x145: {  	_ =	swait.ge @!p0 [sflag:s8], $0x500  }
0x146: {  	[sflag:s8] =	ssyncset.done @!p0 $0x0  }
0x147: {  	[sflag:s8] =	ssyncadd.s32 @!p0 $0xFFFFFB00  }
0x148: {  	[bflag:$0x0] =	sbarrier.arrive $0xFFFF  }
0x149: {  	s23 =	rddreg [dreg:$0xf]  }
0x14a: {  	[hbm:s23], [sflag:s22] =	dma.local [spmem:s6], $0x2800  }
0x14b: {  	_ =	swait.ge [sflag:s28], $0x2800  }
0x14c: {  	[sflag:s28] =	ssyncset.done $0x0  }
0x14d: {  	s24 =	rddreg [dreg:$0x11];
	[sflag:s28] =	ssyncadd.s32 $0xFFFFD800  }
0x14e: {  	[hbm:s24], [sflag:s22] =	dma.local [spmem:s7], $0x500  }
0x14f: {  	_ =	swait.ge [sflag:s28], $0x500  }
0x150: {  	s5 =	sadd.s32 $0x1, s5;
	s26 =	rddreg [dreg:$0x14]  }
0x151: {  	p0 =	sne.s32 s5, s26  }
.Ltmp2:
0x152: {  	_ = 	snop;
	(pc) =	sbr.rel @p0 .LBB2_1-.Ltmp2, $3  }
0x153: {  	_ =	sdelay $0x1  }
0x154: {  	[sflag:s28] =	ssyncset.done $0x0  }
0x155: {  	[sflag:s28] =	ssyncadd.s32 $0xFFFFFB00  }
0x156: {  	_ =	sfence.sel $0x180000  }
0x157: {  	[bflag:$0x0] =	sbarrier.arrive $0xFFFF  }
0x158: {  	_ =	strace $0x9000004A  }
0x159: {  	s0 =	stileid.u32;
	[bflag:$0x2] =	sbarrier.arrive $0xFFFF  }
0x15a: {  	p0 =	sne.s32 s0, $0x0;
	s0 =	rddreg [dreg:$0x4]  }
0x15b: {  	s0 =	sadd.s32 @!p0 $0x100000, s0  }
0x15c: {  	[sflag:s0] =	ssyncadd.tile.s32 @!p0 $0x1;
	_ =	shalt  }
.Lfunc_end2:
_tile_overlayer_lowered:
.L_overlay_start_2:
0x15d: {  	(tag) =	ssettag $0x2  }
0x15e: {  	s0 =	rddreg [dreg:$0x0];
	s2 =	stileid.u32  }
0x15f: {  	s1 =	rddreg [dreg:$0x1];
	p0 =	sne.s32 s2, $0x0  }
0x160: {  	s3 =	rddreg [dreg:$0x2];
	[bflag:$0x3] =	sbarrier.arrive $0xFFFF;
	s2 =	simm.s32 @!p0 $0x1C03  }
0x161: {  	[timem:s3], [sflag:s2] =	dma.local @!p0 [hbm:s0], s1  }
0x162: {  	s0 =	simm.s32 @!p0 $0x3  }
0x163: {  	_ =	swait.ge @!p0 [sflag:s0], s1  }
0x164: {  	s1 =	ssub.s32 @!p0 $0x0, s1;
	[sflag:s0] =	ssyncset.done @!p0 $0x0  }
0x165: {  	[sflag:s0] =	ssyncadd.s32 @!p0 s1  }
0x166: {  	[bflag:$0x3] =	sbarrier.arrive $0xFFFF  }
0x167: {  	_ =	shalt  }

// kernel: kernel.16.cloned.1.call-start
scs
__scs_entry_jumppad:
0x0: {  	(pc) =	sbr.rel $0x88, $3  }
0x1: {  	(tag) =	ssettag $0x0;
	lr =	simm.s32 $0x1  }
0x2: {  	[smem:$0x3F89] =	sst lr;
	_ =	strace $0xD0000000  }
0x3: {  	_ = 	snop  }
0x4: {  	_ = 	snop  }
0x5: {  	_ = 	snop  }
0x6: {  	_ = 	snop  }
0x7: {  	_ = 	snop  }
__scs_overlays_trampoline_lowered:
0x8: {  	[smem:$0x3F98] =	sst s0  }
0x9: {  	[smem:$0x3F99] =	sst s1  }
0xa: {  	[smem:$0x3F9A] =	sst s2  }
0xb: {  	[smem:$0x3F9B] =	sst s3  }
0xc: {  	[smem:$0x3F9C] =	sst s4  }
0xd: {  	[smem:$0x3F9D] =	sst s5  }
0xe: {  	[smem:$0x3F9E] =	sst s6  }
0xf: {  	[smem:$0x3F9F] =	sst s7  }
0x10: {  	[smem:$0x3FA0] =	sst s8  }
0x11: {  	[smem:$0x3FA1] =	sst s9;
	s0 =	simm.s32 @!p0 $0x0  }
0x12: {  	s1 =	sld [smem:$0x3F87];
	s0 =	simm.s32 @p0 $0x1  }
0x13: {  	[smem:$0x3FA2] =	sst s0;
	s0 =	simm.s32 @!p1 $0x0  }
0x14: {  	s2 =	sld [smem:$0x3F86];
	s0 =	simm.s32 @p1 $0x1  }
0x15: {  	[smem:$0x3FA3] =	sst s0;
	s0 =	simm.s32 @!p2 $0x0  }
0x16: {  	s3 =	sld [smem:$0x3FDB];
	s0 =	simm.s32 @p2 $0x1  }
0x17: {  	s4 =	simm.s32 $0x1BF5;
	[smem:$0x3FA5] =	sst s0  }
0x18: {  	s0 =	sld [smem:$0x3F88];
	_ =	swait.ge [sflag:s4], $0x0  }
0x19: {  	s7 =	sld [smem:$0x3F89]  }
0x1a: {  	s8 =	sadd.s32 $0xFFFFE003, lr  }
0x1b: {  	s9 =	sadd.s32 $0xFFFFFEF7, lr;
	s5 =	simm.s32 $0xFFFFFFFF;
	p2 =	slt.u32 s8, $0xFFFFF086  }
0x1c: {  	p1 =	slt.u32 s9, $0xF7A;
	s5 =	simm.s32 @!p2 $0x0  }
0x1d: {  	s5 =	simm.s32 @p1 $0x1;
	p0 =	seq.s32 s7, s2  }
0x1e: {  	s7 =	smul.u32 @!p0 $0xF7A, s2;
	p2 =	seq.s32 @!p0 s5, $0x0  }
0x1f: {  	s9 =	smul.u32 $0xF7A, s1;
	s8 =	simm.s32 @!p0 $0x1BF5;
	p2 =	por !p2, p0  }
0x20: {  	[sflag:s8] =	ssyncset.s32 @!p0 $0xFFFFF086;
	s6 =	sadd.s32 @!p0 s3, s7;
	s7 =	simm.s32 @!p0 $0x108  }
0x21: {  	s3 =	sadd.s32 s3, s9;
	s6 =	sadd.s32 @!p0 $0x88, s6;
	s7 =	simm.s32 @p2 $0x1082  }
0x22: {  	[simem:s7], [sflag:s8] =	dma.local @!p0 [hbm:s6], $0xF7A  }
0x23: {  	s9 =	sor.u32 $0xD0000000, s2;
	s6 =	simm.s32 $0x108;
	_ =	swait.ge @!p0 [sflag:s8], $0x0  }
0x24: {  	s3 =	sadd.s32 $0x88, s3;
	s6 =	simm.s32 @!p1 $0x1082;
	[sflag:s4] =	ssyncset.s32 $0xFFFFF086  }
0x25: {  	[simem:s6], [sflag:s4] =	dma.local [hbm:s3], $0xF7A  }
0x26: {  	[smem:$0x3F89] =	sst s1;
	(tag) =	ssettag s2;
	_ =	strace s9  }
0x27: {  	s1 =	sld [smem:$0x3F99]  }
0x28: {  	s2 =	sld [smem:$0x3F9A]  }
0x29: {  	s4 =	sld [smem:$0x3F9C]  }
0x2a: {  	p0 =	seq.s32 s5, $0x0;
	s5 =	sld [smem:$0x3F9D]  }
0x2b: {  	s6 =	sld [smem:$0x3F9E]  }
0x2c: {  	s7 =	sld [smem:$0x3F9F]  }
0x2d: {  	s3 =	simm.s32 $0x108;
	s8 =	sld [smem:$0x3FA0]  }
0x2e: {  	s3 =	simm.s32 @!p0 $0x1082;
	s9 =	sld [smem:$0x3FA1]  }
0x2f: {  	lr =	sadd.s32 s0, s3;
	s0 =	sld [smem:$0x3F98]  }
0x30: {  	s3 =	sld [smem:$0x3F9B]  }
0x31: {  	[smem:$0x3FA4] =	sst s10  }
0x32: {  	s10 =	sld [smem:$0x3FA2];
	_ =	sdelay $0x3  }
0x33: {  	p0 =	seq.s32 s10, $0x1;
	s10 =	sld [smem:$0x3FA4];
	_ =	sdelay $0x3  }
0x34: {  	[smem:$0x3FA4] =	sst s10  }
0x35: {  	s10 =	sld [smem:$0x3FA3];
	_ =	sdelay $0x3  }
0x36: {  	p1 =	seq.s32 s10, $0x1;
	s10 =	sld [smem:$0x3FA4];
	_ =	sdelay $0x3  }
0x37: {  	[smem:$0x3FA4] =	sst s10  }
0x38: {  	s10 =	sld [smem:$0x3FA5]  }
0x39: {  	_ = 	snop;
	(pc) =	sbr.ind lr, $3  }
0x3a: {  	_ = 	snop  }
0x3b: {  	_ = 	snop  }
0x3c: {  	p2 =	seq.s32 s10, $0x1;
	s10 =	sld [smem:$0x3FA4]  }
0x3d: {  	_ =	shalt  }
0x3e: {  	_ =	shalt  }
0x3f: {  	_ =	shalt  }
0x40: {  	_ =	shalt  }
0x41: {  	_ =	shalt  }
0x42: {  	_ =	shalt  }
0x43: {  	_ =	shalt  }
0x44: {  	_ =	shalt  }
0x45: {  	_ =	shalt  }
0x46: {  	_ =	shalt  }
0x47: {  	_ =	shalt  }
0x48: {  	_ =	shalt  }
0x49: {  	_ =	shalt  }
0x4a: {  	_ =	shalt  }
0x4b: {  	_ =	shalt  }
0x4c: {  	_ =	shalt  }
0x4d: {  	_ =	shalt  }
0x4e: {  	_ =	shalt  }
0x4f: {  	_ =	shalt  }
0x50: {  	_ =	shalt  }
0x51: {  	_ =	shalt  }
0x52: {  	_ =	shalt  }
0x53: {  	_ =	shalt  }
0x54: {  	_ =	shalt  }
0x55: {  	_ =	shalt  }
0x56: {  	_ =	shalt  }
0x57: {  	_ =	shalt  }
0x58: {  	_ =	shalt  }
0x59: {  	_ =	shalt  }
0x5a: {  	_ =	shalt  }
0x5b: {  	_ =	shalt  }
0x5c: {  	_ =	shalt  }
0x5d: {  	_ =	shalt  }
0x5e: {  	_ =	shalt  }
0x5f: {  	_ =	shalt  }
0x60: {  	_ =	shalt  }
0x61: {  	_ =	shalt  }
0x62: {  	_ =	shalt  }
0x63: {  	_ =	shalt  }
0x64: {  	_ =	shalt  }
0x65: {  	_ =	shalt  }
0x66: {  	_ =	shalt  }
0x67: {  	_ =	shalt  }
0x68: {  	_ =	shalt  }
0x69: {  	_ =	shalt  }
0x6a: {  	_ =	shalt  }
0x6b: {  	_ =	shalt  }
0x6c: {  	_ =	shalt  }
0x6d: {  	_ =	shalt  }
0x6e: {  	_ =	shalt  }
0x6f: {  	_ =	shalt  }
0x70: {  	_ =	shalt  }
0x71: {  	_ =	shalt  }
0x72: {  	_ =	shalt  }
0x73: {  	_ =	shalt  }
0x74: {  	_ =	shalt  }
0x75: {  	_ =	shalt  }
0x76: {  	_ =	shalt  }
0x77: {  	_ =	shalt  }
0x78: {  	_ =	shalt  }
0x79: {  	_ =	shalt  }
0x7a: {  	_ =	shalt  }
0x7b: {  	_ =	shalt  }
0x7c: {  	_ =	shalt  }
0x7d: {  	_ =	shalt  }
0x7e: {  	_ =	shalt  }
0x7f: {  	_ =	shalt  }
0x80: {  	_ =	shalt  }
0x81: {  	_ =	shalt  }
0x82: {  	_ =	shalt  }
0x83: {  	_ =	shalt  }
0x84: {  	_ =	shalt  }
0x85: {  	_ =	shalt  }
0x86: {  	_ =	shalt  }
0x87: {  	_ =	shalt  }
.Lfunc_end0:
.L_simem_size_0:
called_computation.2_lowered:
.L_overlay_start_0:
0x88: {  	s2 =	sld [smem:$0x3FD9]  }
0x89: {  	s3 =	sld [smem:$0x3FFE];
	_ =	sdelay $0x1  }
0x8a: {  	s1 =	srdreg.scid  }
0x8b: {  	s0 =	sand.u32 $0x1, s1  }
0x8c: {  	s17 =	sshll.u32 s0, $0xA;
	s2 =	sadd.s32 s3, s2  }
0x8d: {  	s2 =	sadd.s32 s2, s17  }
0x8e: {  	[smem:$0x3FB0] =	sst s2  }
0x8f: {  	_ = 	snop  }
0x90: {  	s2 =	sld [smem:$0x3FD0];
	(tm) =	ssettm $0x1  }
0x91: {  	s18 =	sld [smem:$0x3FFB];
	_ =	sdelay $0x3  }
0x92: {  	_ =	strace s18  }
0x93: {  	s3 =	sld [smem:$0x3FFC];
	_ =	sdelay $0x3  }
0x94: {  	_ =	strace s3  }
0x95: {  	s3 =	sld [smem:$0x3FFD];
	_ =	sdelay $0x3  }
0x96: {  	_ =	strace s3  }
0x97: {  	_ =	strace $0x8FFFFFFF  }
0x98: {  	s19 =	sld [smem:$0x3FDB];
	_ =	sdelay $0x1  }
0x99: {  	s4 =	simm.s32 $_scs_section_size  }
0x9a: {  	s5 =	simm.s32 $_size__tile_overlayer_lowered;
	s6 =	simm.s32 $_tile_overlayer_lowered  }
0x9b: {  	s22 =	simm.s32 $0x1BFF;
	s21 =	sshll.u32 s6, $0x1;
	s3 =	sadd.s32 s4, s19  }
0x9c: {  	s7 =	simm.s32 $0x0;
	s20 =	sshll.u32 s5, $0x1;
	s5 =	sadd.s32 s21, s3  }
0x9d: {  	[timem:s7], [sflag:s22] =	dma.local [hbm:s5], s20  }
0x9e: {  	_ =	swait.ge [sflag:s22], s20  }
0x9f: {  	s4 =	ssub.s32 $0x0, s20;
	[sflag:s22] =	ssyncset.done $0x0  }
0xa0: {  	[sflag:s22] =	ssyncadd.s32 s4;
	_ =	sdelay $0x1  }
0xa1: {  	s23 =	simm.s32 $0x1B8B  }
0xa2: {  	_ =	swait.ge [sflag:s23], $0x1  }
0xa3: {  	[sflag:s23] =	ssyncset.done $0x0  }
0xa4: {  	s25 =	simm.s32 $0x1B8E;
	s24 =	sld [smem:$0x3FFE];
	[sflag:s23] =	ssyncadd.s32 $0xFFFFFFFF  }
0xa5: {  	s26 =	simm.s32 $execute0_lowered;
	[smem:$0x3FD2] =	sst s25  }
0xa6: {  	s5 =	sshll.u32 s26, $0x1;
	_ =	strace $0x8000004C;
	[dreg:$0x1] =	wrdreg $0xFFFFFFFF  }
0xa7: {  	s28 =	simm.s32 $_size_execute0_lowered;
	s3 =	sadd.s32 s3, s5;
	[dreg:$0x0] =	wrdreg $0x0  }
0xa8: {  	s5 =	sshll.u32 s28, $0x1;
	[dreg:$0x2] =	wrdreg s3  }
0xa9: {  	[dreg:$0x3] =	wrdreg s5  }
0xaa: {  	[dreg:$0x4] =	wrdreg $0xC0  }
0xab: {  	_ =	task [dreg:s7], $0x5FFFF  }
0xac: {  	[dreg:$0x1] =	wrdreg $0xFFFFFFFF  }
0xad: {  	[dreg:$0x0] =	wrdreg $0x60  }
0xae: {  	[dreg:$0x2] =	wrdreg s2  }
0xaf: {  	[dreg:$0x3] =	wrdreg s24  }
0xb0: {  	[dreg:$0x4] =	wrdreg $0x9  }
0xb1: {  	_ =	task.clear_ibuf [dreg:s7], $0x5FFFF;
	_ =	strace $0x9000004C  }
0xb2: {  	s29 =	simm.s32 $0x9;
	_ =	strace $0x8000004E  }
0xb3: {  	_ =	swait.ge [sflag:s29], $0x1  }
0xb4: {  	[sflag:s29] =	ssyncadd.s32 $0xFFFFFFFF  }
0xb5: {  	_ =	strace $0x9000004E  }
0xb6: {  	_ =	sfence  }
0xb7: {  	s30 =	sld [smem:$0x0];
	_ =	sdelay $0x2  }
0xb8: {  	s31 =	sshll.u32 s1, $0xD;
	s1 =	sshrl.u32 s1, $0x2  }
0xb9: {  	s3 =	sand.u32 $0x4000, s31;
	s1 =	sadd.s32 s1, s30  }
0xba: {  	s0 =	sor.u32 s3, s0;
	s1 =	sshll.u32 s1, $0x11  }
0xbb: {  	s0 =	sor.u32 s1, s0  }
0xbc: {  	s0 =	sadd.s32 $0x8F2B, s0  }
0xbd: {  	[sflag:s0] =	ssyncadd.remote.s32 $0x1  }
0xbe: {  	_ =	sfence.sel $0xFFFF  }
0xbf: {  	[dreg:$0x0] =	wrdreg $0xFFFFFFFF;
	(pc) =	sbr.abs _section_cstart, $3  }
0xc0: {  	[dreg:$0x1] =	wrdreg $0xFFFFFFFF  }
0xc1: {  	_ =	task.clear_ibuf [dreg:s7], $0x2FFFF;
	_ =	strace $0x9FFFFFFF  }
0xc2: {  	(tm) =	ssettm $0x7FFFFFFF  }
0xc3: {  	_ =	shalt  }
tec
execute0_lowered:
.L_overlay_start_1:
0x0: {  	(tag) =	ssettag $0x1  }
0x1: {  	s2 =	rddreg [dreg:$0x0];
	s0 =	srdreg.scid  }
0x2: {  	s6 =	stileid.u32;
	s1 =	rddreg [dreg:$0x1]  }
0x3: {  	s3 =	simm.s32 $0x0;
	s15 =	simm.s32 $0x3;
	s16 =	simm.s32 $0x4E20  }
0x4: {  	s17 =	simm.s32 $0x50;
	s18 =	simm.s32 $0x9C40;
	s19 =	simm.s32 $0xB040  }
0x5: {  	s20 =	simm.s32 $0xC440;
	s21 =	simm.s32 $0xD840;
	s22 =	simm.s32 $0x1  }
0x6: {  	s23 =	simm.s32 $0x40;
	s24 =	simm.s32 $0x80;
	s29 =	simm.s32 $0x0  }
0x7: {  	s0 =	sand.u32 $0x1, s0;
	s4 =	sshll.u32 s6, $0x1;
	[smem:$0x7FF] =	sst s3  }
0x8: {  	s6 =	sshll.u32 s6, $0x3;
	s5 =	sor.u32 s0, s4;
	_ =	strace $0x8000004D  }
0x9: {  	s0 =	ssub.s32 $0x2, s0;
	s4 =	smul.u32 $0x9C4, s5;
	s5 =	sand.u32 $0xF, s5  }
0xa: {  	s9 =	sand.u32 $0x40, s6;
	s25 =	sshrl.u32 s0, $0x1;
	s8 =	smul.u32 $0x271000, s5  }
0xb: {  	s5 =	sadd.s32 $0x13C9800, s1;
	s0 =	ssub.s32 s0, s25;
	s7 =	sadd.s32 s4, s1  }
0xc: {  	s25 =	simm.s32 $0x2;
	s4 =	sadd.s32 $0x143E00, s1;
	s26 =	sadd.s32 $0x1A000, s7  }
0xd: {  	s28 =	sor.u32 s9, s8;
	s7 =	sadd.s32 $0x6600, s7;
	s8 =	smax.u32 s0, $0x1  }
0xe: {  	[dreg:$0x3] =	wrdreg s26;
	s9 =	sadd.s32 $0x26C000, s28;
	s10 =	sadd.s32 $0x26E800, s28  }
0xf: {  	s13 =	sshrl.u32 s28, $0x3;
	s31 =	sadd.s32 $0x2800, s28;
	s30 =	sshrl.u32 s9, $0x3  }
0x10: {  	s12 =	sshrl.u32 s10, $0x3;
	s14 =	sshrl.u32 s31, $0x3;
	s9 =	sadd.s32 s4, s30  }
0x11: {  	s10 =	sadd.s32 s5, s30;
	s11 =	sadd.s32 s4, s12;
	s12 =	sadd.s32 s5, s12  }
.LBB2_1:
0x12: {  	s0 =	rddreg [dreg:$0x3]  }
0x13: {  	[tilespmem:s3], [sflag:$0x3] =	stream.linear.gather [hbm4b:s0+s3], $0x4E20, $0x38;
	[tilespmem:$0xEC40] =	vst v63  }
0x14: {  	_ =	swait.ge [sflag:s15], $0x4E20  }
0x15: {  	[sflag:s15] =	ssyncset.done $0x0  }
0x16: {  	[sflag:s15] =	ssyncadd.s32 $0xFFFFB1E0  }
0x17: {  	[tilespmem:s16], [sflag:$0x3] =	stream.linear.gather [hbm4b:s7+s3], $0x4E20, $0x38;
	[tilespmem:$0xEC40] =	vst v63  }
0x18: {  	_ =	swait.ge [sflag:s15], $0x4E20  }
0x19: {  	[sflag:s15] =	ssyncset.done $0x0  }
0x1a: {  	[sflag:s15] =	ssyncadd.s32 $0xFFFFB1E0  }
0x1b: {  	[tilespmem:s18], [sflag:$0x1] =	stream.indirect.gather [hbm4b:s2+s17], $0x40, s3, s17, $0xb8;
	[tilespmem:$0xEC40] =	vst v63  }
0x1c: {  	_ = 	snop  }
0x1d: {  	[tilespmem:s19], [sflag:$0x1] =	stream.indirect.gather [hbm4b:s2+s17], $0x40, s16, s17, $0xb8;
	[tilespmem:$0xEC40] =	vst v63  }
0x1e: {  	s1 =	simm.s32 $0x50  }
0x1f: {  	[tilespmem:s20], [sflag:$0x2] =	stream.indirect.gather [hbm4b:s2+s17], $0x40, s1, s17, $0xb8;
	[tilespmem:$0xEC40] =	vst v63  }
0x20: {  	s6 =	simm.s32 $0x4E70  }
0x21: {  	[tilespmem:s21], [sflag:$0x2] =	stream.indirect.gather [hbm4b:s2+s17], $0x40, s6, s17, $0xb8;
	[tilespmem:$0xEC40] =	vst v63  }
0x22: {  	_ =	swait.ge [sflag:s22], $0x1400  }
0x23: {  	[sflag:s22] =	ssyncset.done $0x0  }
0x24: {  	[sflag:s22] =	ssyncadd.s32 $0xFFFFEC00  }
0x25: {  	_ =	swait.ge [sflag:s22], $0x1400  }
0x26: {  	[sflag:s22] =	ssyncset.done $0x0  }
0x27: {  	s26 =	sadd.s32 s13, s4;
	[sflag:s22] =	ssyncadd.s32 $0xFFFFEC00  }
0x28: {  	[hbm4b:s26+s23] =	stream.strided.scatter [tilespmem:s18], [sflag:$0x3], $0x1400, s24, s23, $0x38;
	[tilespmem:$0xEC40] =	vst v63  }
0x29: {  	_ =	swait.ge [sflag:s15], $0x1400  }
0x2a: {  	[sflag:s15] =	ssyncset.done $0x0  }
0x2b: {  	s28 =	sadd.s32 s13, s5;
	[sflag:s15] =	ssyncadd.s32 $0xFFFFEC00  }
0x2c: {  	[hbm4b:s28+s23] =	stream.strided.scatter [tilespmem:s19], [sflag:$0x3], $0x1400, s24, s23, $0x38;
	[tilespmem:$0xEC40] =	vst v63  }
0x2d: {  	_ =	swait.ge [sflag:s15], $0x1400  }
0x2e: {  	[sflag:s15] =	ssyncset.done $0x0  }
0x2f: {  	s1 =	simm.s32 $0xA0;
	[sflag:s15] =	ssyncadd.s32 $0xFFFFEC00  }
0x30: {  	[tilespmem:s18], [sflag:$0x1] =	stream.indirect.gather [hbm4b:s2+s17], $0x40, s1, s17, $0xb8;
	[tilespmem:$0xEC40] =	vst v63  }
0x31: {  	s6 =	simm.s32 $0x4EC0  }
0x32: {  	[tilespmem:s19], [sflag:$0x1] =	stream.indirect.gather [hbm4b:s2+s17], $0x40, s6, s17, $0xb8;
	[tilespmem:$0xEC40] =	vst v63  }
0x33: {  	_ =	swait.ge [sflag:s25], $0x1400  }
0x34: {  	[sflag:s25] =	ssyncset.done $0x0  }
0x35: {  	[sflag:s25] =	ssyncadd.s32 $0xFFFFEC00  }
0x36: {  	_ =	swait.ge [sflag:s25], $0x1400  }
0x37: {  	[sflag:s25] =	ssyncset.done $0x0  }
0x38: {  	s26 =	sadd.s32 s14, s4;
	[sflag:s25] =	ssyncadd.s32 $0xFFFFEC00  }
0x39: {  	[hbm4b:s26+s23] =	stream.strided.scatter [tilespmem:s20], [sflag:$0x3], $0x1400, s24, s23, $0x38;
	[tilespmem:$0xEC40] =	vst v63  }
0x3a: {  	_ =	swait.ge [sflag:s15], $0x1400  }
0x3b: {  	[sflag:s15] =	ssyncset.done $0x0  }
0x3c: {  	s28 =	sadd.s32 s14, s5;
	[sflag:s15] =	ssyncadd.s32 $0xFFFFEC00  }
0x3d: {  	[hbm4b:s28+s23] =	stream.strided.scatter [tilespmem:s21], [sflag:$0x3], $0x1400, s24, s23, $0x38;
	[tilespmem:$0xEC40] =	vst v63  }
0x3e: {  	s30 =	sadd.s32 $0xA00, s14;
	s31 =	sadd.s32 $0xA00, s13;
	_ =	swait.ge [sflag:s15], $0x1400  }
0x3f: {  	s0 =	simm.s32 $0x500;
	s1 =	simm.s32 $0xA0;
	[sflag:s15] =	ssyncset.done $0x0  }
.LBB2_2:
0x40: {  	s6 =	sadd.s32 $0x50, s1  }
0x41: {  	[sflag:s15] =	ssyncadd.s32 $0xFFFFEC00;
	s26 =	smov.u32 s0;
	s28 =	sadd.s32 $0x280, s0  }
0x42: {  	[tilespmem:s20], [sflag:$0x2] =	stream.indirect.gather [hbm4b:s2+s17], $0x40, s6, s17, $0xb8;
	[tilespmem:$0xEC40] =	vst v63  }
0x43: {  	p0 =	sne.s32 s0, $0x13380;
	s0 =	sadd.s32 $0x4E70, s1  }
0x44: {  	[tilespmem:s21], [sflag:$0x2] =	stream.indirect.gather [hbm4b:s2+s17], $0x40, s0, s17, $0xb8;
	[tilespmem:$0xEC40] =	vst v63  }
0x45: {  	_ =	swait.ge [sflag:s22], $0x1400  }
0x46: {  	[sflag:s22] =	ssyncset.done $0x0  }
0x47: {  	[sflag:s22] =	ssyncadd.s32 $0xFFFFEC00  }
0x48: {  	_ =	swait.ge [sflag:s22], $0x1400  }
0x49: {  	[sflag:s22] =	ssyncset.done $0x0  }
0x4a: {  	s0 =	sadd.s32 s31, s4;
	[sflag:s22] =	ssyncadd.s32 $0xFFFFEC00  }
0x4b: {  	[hbm4b:s0+s23] =	stream.strided.scatter [tilespmem:s18], [sflag:$0x3], $0x1400, s24, s23, $0x38;
	[tilespmem:$0xEC40] =	vst v63  }
0x4c: {  	_ =	swait.ge [sflag:s15], $0x1400  }
0x4d: {  	[sflag:s15] =	ssyncset.done $0x0  }
0x4e: {  	s0 =	sadd.s32 s31, s5;
	[sflag:s15] =	ssyncadd.s32 $0xFFFFEC00  }
0x4f: {  	[hbm4b:s0+s23] =	stream.strided.scatter [tilespmem:s19], [sflag:$0x3], $0x1400, s24, s23, $0x38;
	[tilespmem:$0xEC40] =	vst v63  }
0x50: {  	_ =	swait.ge [sflag:s15], $0x1400  }
0x51: {  	[sflag:s15] =	ssyncset.done $0x0  }
0x52: {  	s0 =	sadd.s32 $0xA0, s1;
	[sflag:s15] =	ssyncadd.s32 $0xFFFFEC00  }
0x53: {  	[tilespmem:s18], [sflag:$0x1] =	stream.indirect.gather [hbm4b:s2+s17], $0x40, s0, s17, $0xb8;
	[tilespmem:$0xEC40] =	vst v63  }
0x54: {  	s0 =	sadd.s32 $0x4EC0, s1  }
0x55: {  	[tilespmem:s19], [sflag:$0x1] =	stream.indirect.gather [hbm4b:s2+s17], $0x40, s0, s17, $0xb8;
	[tilespmem:$0xEC40] =	vst v63  }
0x56: {  	_ =	swait.ge [sflag:s25], $0x1400  }
0x57: {  	[sflag:s25] =	ssyncset.done $0x0  }
0x58: {  	[sflag:s25] =	ssyncadd.s32 $0xFFFFEC00  }
0x59: {  	_ =	swait.ge [sflag:s25], $0x1400  }
0x5a: {  	[sflag:s25] =	ssyncset.done $0x0  }
0x5b: {  	s0 =	sadd.s32 s30, s4;
	[sflag:s25] =	ssyncadd.s32 $0xFFFFEC00  }
0x5c: {  	[hbm4b:s0+s23] =	stream.strided.scatter [tilespmem:s20], [sflag:$0x3], $0x1400, s24, s23, $0x38;
	[tilespmem:$0xEC40] =	vst v63  }
0x5d: {  	_ =	swait.ge [sflag:s15], $0x1400  }
.Ltmp0:
0x5e: {  	[sflag:s15] =	ssyncset.done $0x0;
	(pc) =	sbr.rel @p0 .LBB2_2-.Ltmp0, $4  }
0x5f: {  	s0 =	sadd.s32 s30, s5;
	[sflag:s15] =	ssyncadd.s32 $0xFFFFEC00  }
0x60: {  	[hbm4b:s0+s23] =	stream.strided.scatter [tilespmem:s21], [sflag:$0x3], $0x1400, s24, s23, $0x38;
	[tilespmem:$0xEC40] =	vst v63  }
0x61: {  	s31 =	sadd.s32 $0xA00, s31;
	s30 =	sadd.s32 $0xA00, s30;
	_ =	swait.ge [sflag:s15], $0x1400  }
0x62: {  	s1 =	sshra.s32 s26, $0x2;
	s0 =	smov.u32 s28;
	[sflag:s15] =	ssyncset.done $0x0  }
0x63: {  	s0 =	sadd.s32 $0x50, s1;
	[sflag:s15] =	ssyncadd.s32 $0xFFFFEC00  }
0x64: {  	[tilespmem:s20], [sflag:$0x2] =	stream.indirect.gather [hbm4b:s2+s17], $0x40, s0, s17, $0xb8;
	[tilespmem:$0xEC40] =	vst v63  }
0x65: {  	s6 =	sadd.s32 $0x4E70, s1  }
0x66: {  	[tilespmem:s21], [sflag:$0x2] =	stream.indirect.gather [hbm4b:s2+s17], $0x40, s6, s17, $0xb8;
	[tilespmem:$0xEC40] =	vst v63  }
0x67: {  	_ =	swait.ge [sflag:s22], $0x1400  }
0x68: {  	[sflag:s22] =	ssyncset.done $0x0  }
0x69: {  	[sflag:s22] =	ssyncadd.s32 $0xFFFFEC00  }
0x6a: {  	_ =	swait.ge [sflag:s22], $0x1400  }
0x6b: {  	[sflag:s22] =	ssyncset.done $0x0  }
0x6c: {  	s26 =	sadd.s32 s31, s4;
	[sflag:s22] =	ssyncadd.s32 $0xFFFFEC00  }
0x6d: {  	[hbm4b:s26+s23] =	stream.strided.scatter [tilespmem:s18], [sflag:$0x3], $0x1400, s24, s23, $0x38;
	[tilespmem:$0xEC40] =	vst v63  }
0x6e: {  	_ =	swait.ge [sflag:s15], $0x1400  }
0x6f: {  	[sflag:s15] =	ssyncset.done $0x0  }
0x70: {  	s28 =	sadd.s32 s31, s5;
	[sflag:s15] =	ssyncadd.s32 $0xFFFFEC00  }
0x71: {  	[hbm4b:s28+s23] =	stream.strided.scatter [tilespmem:s19], [sflag:$0x3], $0x1400, s24, s23, $0x38;
	[tilespmem:$0xEC40] =	vst v63  }
0x72: {  	_ =	swait.ge [sflag:s15], $0x1400  }
0x73: {  	[sflag:s15] =	ssyncset.done $0x0  }
0x74: {  	s31 =	sadd.s32 $0xA0, s1;
	[sflag:s15] =	ssyncadd.s32 $0xFFFFEC00  }
0x75: {  	[tilespmem:s18], [sflag:$0x1] =	stream.indirect.gather [hbm4b:s2+s17], $0x40, s31, s17, $0xb8;
	[tilespmem:$0xEC40] =	vst v63  }
0x76: {  	s6 =	sadd.s32 $0x4EC0, s1  }
0x77: {  	[tilespmem:s19], [sflag:$0x1] =	stream.indirect.gather [hbm4b:s2+s17], $0x40, s6, s17, $0xb8;
	[tilespmem:$0xEC40] =	vst v63  }
0x78: {  	_ =	swait.ge [sflag:s25], $0x1400  }
0x79: {  	[sflag:s25] =	ssyncset.done $0x0  }
0x7a: {  	[sflag:s25] =	ssyncadd.s32 $0xFFFFEC00  }
0x7b: {  	_ =	swait.ge [sflag:s25], $0x1400  }
0x7c: {  	[sflag:s25] =	ssyncset.done $0x0  }
0x7d: {  	s26 =	sadd.s32 s30, s4;
	[sflag:s25] =	ssyncadd.s32 $0xFFFFEC00  }
0x7e: {  	[hbm4b:s26+s23] =	stream.strided.scatter [tilespmem:s20], [sflag:$0x3], $0x1400, s24, s23, $0x38;
	[tilespmem:$0xEC40] =	vst v63  }
0x7f: {  	_ =	swait.ge [sflag:s15], $0x1400  }
0x80: {  	[sflag:s15] =	ssyncset.done $0x0  }
0x81: {  	s28 =	sadd.s32 s30, s5;
	[sflag:s15] =	ssyncadd.s32 $0xFFFFEC00  }
0x82: {  	[hbm4b:s28+s23] =	stream.strided.scatter [tilespmem:s21], [sflag:$0x3], $0x1400, s24, s23, $0x38;
	[tilespmem:$0xEC40] =	vst v63  }
0x83: {  	_ =	swait.ge [sflag:s15], $0x1400  }
0x84: {  	[sflag:s15] =	ssyncset.done $0x0  }
0x85: {  	s30 =	simm.s32 $0x4DD0;
	[sflag:s15] =	ssyncadd.s32 $0xFFFFEC00  }
0x86: {  	[tilespmem:s20], [sflag:$0x2] =	stream.indirect.gather [hbm4b:s2+s17], $0x40, s30, s17, $0xb8;
	[tilespmem:$0xEC40] =	vst v63  }
0x87: {  	s31 =	simm.s32 $0x9BF0  }
0x88: {  	[tilespmem:s21], [sflag:$0x2] =	stream.indirect.gather [hbm4b:s2+s17], $0x40, s31, s17, $0xb8;
	[tilespmem:$0xEC40] =	vst v63  }
0x89: {  	_ =	swait.ge [sflag:s22], $0x1400  }
0x8a: {  	[sflag:s22] =	ssyncset.done $0x0  }
0x8b: {  	[sflag:s22] =	ssyncadd.s32 $0xFFFFEC00  }
0x8c: {  	_ =	swait.ge [sflag:s22], $0x1400  }
0x8d: {  	[sflag:s22] =	ssyncset.done $0x0  }
0x8e: {  	[sflag:s22] =	ssyncadd.s32 $0xFFFFEC00  }
0x8f: {  	[hbm4b:s9+s23] =	stream.strided.scatter [tilespmem:s18], [sflag:$0x3], $0x1400, s24, s23, $0x38;
	[tilespmem:$0xEC40] =	vst v63  }
0x90: {  	_ =	swait.ge [sflag:s15], $0x1400  }
0x91: {  	[sflag:s15] =	ssyncset.done $0x0  }
0x92: {  	[sflag:s15] =	ssyncadd.s32 $0xFFFFEC00  }
0x93: {  	[hbm4b:s10+s23] =	stream.strided.scatter [tilespmem:s19], [sflag:$0x3], $0x1400, s24, s23, $0x38;
	[tilespmem:$0xEC40] =	vst v63  }
0x94: {  	_ =	swait.ge [sflag:s15], $0x1400  }
0x95: {  	[sflag:s15] =	ssyncset.done $0x0  }
0x96: {  	[sflag:s15] =	ssyncadd.s32 $0xFFFFEC00  }
0x97: {  	_ =	swait.ge [sflag:s25], $0x1400  }
0x98: {  	[sflag:s25] =	ssyncset.done $0x0  }
0x99: {  	[sflag:s25] =	ssyncadd.s32 $0xFFFFEC00  }
0x9a: {  	_ =	swait.ge [sflag:s25], $0x1400  }
0x9b: {  	[sflag:s25] =	ssyncset.done $0x0  }
0x9c: {  	[sflag:s25] =	ssyncadd.s32 $0xFFFFEC00  }
0x9d: {  	[hbm4b:s11+s23] =	stream.strided.scatter [tilespmem:s20], [sflag:$0x3], $0x1400, s24, s23, $0x38;
	[tilespmem:$0xEC40] =	vst v63  }
0x9e: {  	s29 =	sadd.s32 $0x1, s29;
	_ =	swait.ge [sflag:s15], $0x1400  }
0x9f: {  	p0 =	sne.s32 s29, s8;
	[sflag:s15] =	ssyncset.done $0x0  }
.Ltmp1:
0xa0: {  	[sflag:s15] =	ssyncadd.s32 $0xFFFFEC00;
	(pc) =	sbr.rel @p0 .LBB2_1-.Ltmp1, $4  }
0xa1: {  	[hbm4b:s12+s23] =	stream.strided.scatter [tilespmem:s21], [sflag:$0x3], $0x1400, s24, s23, $0x38;
	[tilespmem:$0xEC40] =	vst v63  }
0xa2: {  	_ =	swait.ge [sflag:s15], $0x1400  }
0xa3: {  	[sflag:s15] =	ssyncset.done $0x0  }
0xa4: {  	[sflag:s15] =	ssyncadd.s32 $0xFFFFEC00  }
0xa5: {  	_ =	sfence.sel $0x180000  }
0xa6: {  	[bflag:$0x0] =	sbarrier.arrive $0xFFFF  }
0xa7: {  	_ =	strace $0x9000004D  }
0xa8: {  	s0 =	stileid.u32;
	[bflag:$0x2] =	sbarrier.arrive $0xFFFF  }
0xa9: {  	p0 =	sne.s32 s0, $0x0;
	s0 =	rddreg [dreg:$0x2]  }
0xaa: {  	s0 =	sadd.s32 @!p0 $0x100000, s0  }
0xab: {  	[sflag:s0] =	ssyncadd.tile.s32 @!p0 $0x1;
	_ =	shalt  }
.Lfunc_end2:
_tile_overlayer_lowered:
.L_overlay_start_2:
0xac: {  	(tag) =	ssettag $0x2  }
0xad: {  	s0 =	rddreg [dreg:$0x0];
	s2 =	stileid.u32  }
0xae: {  	s1 =	rddreg [dreg:$0x1];
	p0 =	sne.s32 s2, $0x0  }
0xaf: {  	s3 =	rddreg [dreg:$0x2];
	[bflag:$0x3] =	sbarrier.arrive $0xFFFF;
	s2 =	simm.s32 @!p0 $0x1C03  }
0xb0: {  	[timem:s3], [sflag:s2] =	dma.local @!p0 [hbm:s0], s1  }
0xb1: {  	s0 =	simm.s32 @!p0 $0x3  }
0xb2: {  	_ =	swait.ge @!p0 [sflag:s0], s1  }
0xb3: {  	s1 =	ssub.s32 @!p0 $0x0, s1;
	[sflag:s0] =	ssyncset.done @!p0 $0x0  }
0xb4: {  	[sflag:s0] =	ssyncadd.s32 @!p0 s1  }
0xb5: {  	[bflag:$0x3] =	sbarrier.arrive $0xFFFF  }
0xb6: {  	_ =	shalt  }

// kernel: kernel.19.cloned.1.call-start
scs
__scs_entry_jumppad:
0x0: {  	(pc) =	sbr.rel $0x88, $3  }
0x1: {  	(tag) =	ssettag $0x0;
	lr =	simm.s32 $0x1  }
0x2: {  	[smem:$0x3F89] =	sst lr;
	_ =	strace $0xD0000000  }
0x3: {  	_ = 	snop  }
0x4: {  	_ = 	snop  }
0x5: {  	_ = 	snop  }
0x6: {  	_ = 	snop  }
0x7: {  	_ = 	snop  }
__scs_overlays_trampoline_lowered:
0x8: {  	[smem:$0x3F98] =	sst s0  }
0x9: {  	[smem:$0x3F99] =	sst s1  }
0xa: {  	[smem:$0x3F9A] =	sst s2  }
0xb: {  	[smem:$0x3F9B] =	sst s3  }
0xc: {  	[smem:$0x3F9C] =	sst s4  }
0xd: {  	[smem:$0x3F9D] =	sst s5  }
0xe: {  	[smem:$0x3F9E] =	sst s6  }
0xf: {  	[smem:$0x3F9F] =	sst s7  }
0x10: {  	[smem:$0x3FA0] =	sst s8  }
0x11: {  	[smem:$0x3FA1] =	sst s9;
	s0 =	simm.s32 @!p0 $0x0  }
0x12: {  	s1 =	sld [smem:$0x3F87];
	s0 =	simm.s32 @p0 $0x1  }
0x13: {  	[smem:$0x3FA2] =	sst s0;
	s0 =	simm.s32 @!p1 $0x0  }
0x14: {  	s2 =	sld [smem:$0x3F86];
	s0 =	simm.s32 @p1 $0x1  }
0x15: {  	[smem:$0x3FA3] =	sst s0;
	s0 =	simm.s32 @!p2 $0x0  }
0x16: {  	s3 =	sld [smem:$0x3FDB];
	s0 =	simm.s32 @p2 $0x1  }
0x17: {  	s4 =	simm.s32 $0x1BF5;
	[smem:$0x3FA5] =	sst s0  }
0x18: {  	s0 =	sld [smem:$0x3F88];
	_ =	swait.ge [sflag:s4], $0x0  }
0x19: {  	s7 =	sld [smem:$0x3F89]  }
0x1a: {  	s8 =	sadd.s32 $0xFFFFE003, lr  }
0x1b: {  	s9 =	sadd.s32 $0xFFFFFEF7, lr;
	s5 =	simm.s32 $0xFFFFFFFF;
	p2 =	slt.u32 s8, $0xFFFFF086  }
0x1c: {  	p1 =	slt.u32 s9, $0xF7A;
	s5 =	simm.s32 @!p2 $0x0  }
0x1d: {  	s5 =	simm.s32 @p1 $0x1;
	p0 =	seq.s32 s7, s2  }
0x1e: {  	s7 =	smul.u32 @!p0 $0xF7A, s2;
	p2 =	seq.s32 @!p0 s5, $0x0  }
0x1f: {  	s9 =	smul.u32 $0xF7A, s1;
	s8 =	simm.s32 @!p0 $0x1BF5;
	p2 =	por !p2, p0  }
0x20: {  	[sflag:s8] =	ssyncset.s32 @!p0 $0xFFFFF086;
	s6 =	sadd.s32 @!p0 s3, s7;
	s7 =	simm.s32 @!p0 $0x108  }
0x21: {  	s3 =	sadd.s32 s3, s9;
	s6 =	sadd.s32 @!p0 $0x88, s6;
	s7 =	simm.s32 @p2 $0x1082  }
0x22: {  	[simem:s7], [sflag:s8] =	dma.local @!p0 [hbm:s6], $0xF7A  }
0x23: {  	s9 =	sor.u32 $0xD0000000, s2;
	s6 =	simm.s32 $0x108;
	_ =	swait.ge @!p0 [sflag:s8], $0x0  }
0x24: {  	s3 =	sadd.s32 $0x88, s3;
	s6 =	simm.s32 @!p1 $0x1082;
	[sflag:s4] =	ssyncset.s32 $0xFFFFF086  }
0x25: {  	[simem:s6], [sflag:s4] =	dma.local [hbm:s3], $0xF7A  }
0x26: {  	[smem:$0x3F89] =	sst s1;
	(tag) =	ssettag s2;
	_ =	strace s9  }
0x27: {  	s1 =	sld [smem:$0x3F99]  }
0x28: {  	s2 =	sld [smem:$0x3F9A]  }
0x29: {  	s4 =	sld [smem:$0x3F9C]  }
0x2a: {  	p0 =	seq.s32 s5, $0x0;
	s5 =	sld [smem:$0x3F9D]  }
0x2b: {  	s6 =	sld [smem:$0x3F9E]  }
0x2c: {  	s7 =	sld [smem:$0x3F9F]  }
0x2d: {  	s3 =	simm.s32 $0x108;
	s8 =	sld [smem:$0x3FA0]  }
0x2e: {  	s3 =	simm.s32 @!p0 $0x1082;
	s9 =	sld [smem:$0x3FA1]  }
0x2f: {  	lr =	sadd.s32 s0, s3;
	s0 =	sld [smem:$0x3F98]  }
0x30: {  	s3 =	sld [smem:$0x3F9B]  }
0x31: {  	[smem:$0x3FA4] =	sst s10  }
0x32: {  	s10 =	sld [smem:$0x3FA2];
	_ =	sdelay $0x3  }
0x33: {  	p0 =	seq.s32 s10, $0x1;
	s10 =	sld [smem:$0x3FA4];
	_ =	sdelay $0x3  }
0x34: {  	[smem:$0x3FA4] =	sst s10  }
0x35: {  	s10 =	sld [smem:$0x3FA3];
	_ =	sdelay $0x3  }
0x36: {  	p1 =	seq.s32 s10, $0x1;
	s10 =	sld [smem:$0x3FA4];
	_ =	sdelay $0x3  }
0x37: {  	[smem:$0x3FA4] =	sst s10  }
0x38: {  	s10 =	sld [smem:$0x3FA5]  }
0x39: {  	_ = 	snop;
	(pc) =	sbr.ind lr, $3  }
0x3a: {  	_ = 	snop  }
0x3b: {  	_ = 	snop  }
0x3c: {  	p2 =	seq.s32 s10, $0x1;
	s10 =	sld [smem:$0x3FA4]  }
0x3d: {  	_ =	shalt  }
0x3e: {  	_ =	shalt  }
0x3f: {  	_ =	shalt  }
0x40: {  	_ =	shalt  }
0x41: {  	_ =	shalt  }
0x42: {  	_ =	shalt  }
0x43: {  	_ =	shalt  }
0x44: {  	_ =	shalt  }
0x45: {  	_ =	shalt  }
0x46: {  	_ =	shalt  }
0x47: {  	_ =	shalt  }
0x48: {  	_ =	shalt  }
0x49: {  	_ =	shalt  }
0x4a: {  	_ =	shalt  }
0x4b: {  	_ =	shalt  }
0x4c: {  	_ =	shalt  }
0x4d: {  	_ =	shalt  }
0x4e: {  	_ =	shalt  }
0x4f: {  	_ =	shalt  }
0x50: {  	_ =	shalt  }
0x51: {  	_ =	shalt  }
0x52: {  	_ =	shalt  }
0x53: {  	_ =	shalt  }
0x54: {  	_ =	shalt  }
0x55: {  	_ =	shalt  }
0x56: {  	_ =	shalt  }
0x57: {  	_ =	shalt  }
0x58: {  	_ =	shalt  }
0x59: {  	_ =	shalt  }
0x5a: {  	_ =	shalt  }
0x5b: {  	_ =	shalt  }
0x5c: {  	_ =	shalt  }
0x5d: {  	_ =	shalt  }
0x5e: {  	_ =	shalt  }
0x5f: {  	_ =	shalt  }
0x60: {  	_ =	shalt  }
0x61: {  	_ =	shalt  }
0x62: {  	_ =	shalt  }
0x63: {  	_ =	shalt  }
0x64: {  	_ =	shalt  }
0x65: {  	_ =	shalt  }
0x66: {  	_ =	shalt  }
0x67: {  	_ =	shalt  }
0x68: {  	_ =	shalt  }
0x69: {  	_ =	shalt  }
0x6a: {  	_ =	shalt  }
0x6b: {  	_ =	shalt  }
0x6c: {  	_ =	shalt  }
0x6d: {  	_ =	shalt  }
0x6e: {  	_ =	shalt  }
0x6f: {  	_ =	shalt  }
0x70: {  	_ =	shalt  }
0x71: {  	_ =	shalt  }
0x72: {  	_ =	shalt  }
0x73: {  	_ =	shalt  }
0x74: {  	_ =	shalt  }
0x75: {  	_ =	shalt  }
0x76: {  	_ =	shalt  }
0x77: {  	_ =	shalt  }
0x78: {  	_ =	shalt  }
0x79: {  	_ =	shalt  }
0x7a: {  	_ =	shalt  }
0x7b: {  	_ =	shalt  }
0x7c: {  	_ =	shalt  }
0x7d: {  	_ =	shalt  }
0x7e: {  	_ =	shalt  }
0x7f: {  	_ =	shalt  }
0x80: {  	_ =	shalt  }
0x81: {  	_ =	shalt  }
0x82: {  	_ =	shalt  }
0x83: {  	_ =	shalt  }
0x84: {  	_ =	shalt  }
0x85: {  	_ =	shalt  }
0x86: {  	_ =	shalt  }
0x87: {  	_ =	shalt  }
.Lfunc_end0:
.L_simem_size_0:
called_computation.3_lowered:
.L_overlay_start_0:
0x88: {  	s2 =	sld [smem:$0x3FD9]  }
0x89: {  	s3 =	sld [smem:$0x3FFE];
	_ =	sdelay $0x1  }
0x8a: {  	s1 =	srdreg.scid  }
0x8b: {  	s0 =	sand.u32 $0x1, s1  }
0x8c: {  	s16 =	sshll.u32 s0, $0xA;
	s2 =	sadd.s32 s3, s2  }
0x8d: {  	s2 =	sadd.s32 s2, s16  }
0x8e: {  	[smem:$0x3FB0] =	sst s2  }
0x8f: {  	_ = 	snop  }
0x90: {  	(tm) =	ssettm $0x1  }
0x91: {  	s17 =	sld [smem:$0x3FFB];
	_ =	sdelay $0x3  }
0x92: {  	_ =	strace s17  }
0x93: {  	s2 =	sld [smem:$0x3FFC];
	_ =	sdelay $0x3  }
0x94: {  	_ =	strace s2  }
0x95: {  	s2 =	sld [smem:$0x3FFD];
	_ =	sdelay $0x3  }
0x96: {  	_ =	strace s2  }
0x97: {  	_ =	strace $0x8FFFFFFF  }
0x98: {  	s18 =	sld [smem:$0x3FDB];
	_ =	sdelay $0x1  }
0x99: {  	s19 =	simm.s32 $_scs_section_size  }
0x9a: {  	s4 =	simm.s32 $_size__tile_overlayer_lowered;
	s5 =	simm.s32 $_tile_overlayer_lowered  }
0x9b: {  	s22 =	simm.s32 $0x1BFF;
	s21 =	sshll.u32 s5, $0x1;
	s2 =	sadd.s32 s19, s18  }
0x9c: {  	s6 =	simm.s32 $0x0;
	s20 =	sshll.u32 s4, $0x1;
	s4 =	sadd.s32 s21, s2  }
0x9d: {  	[timem:s6], [sflag:s22] =	dma.local [hbm:s4], s20  }
0x9e: {  	_ =	swait.ge [sflag:s22], s20  }
0x9f: {  	s3 =	ssub.s32 $0x0, s20;
	[sflag:s22] =	ssyncset.done $0x0  }
0xa0: {  	[sflag:s22] =	ssyncadd.s32 s3;
	_ =	sdelay $0x1  }
0xa1: {  	s23 =	simm.s32 $0x1B8B  }
0xa2: {  	_ =	swait.ge [sflag:s23], $0x1  }
0xa3: {  	[sflag:s23] =	ssyncset.done $0x0  }
0xa4: {  	s25 =	simm.s32 $0x1B8E;
	s24 =	sld [smem:$0x3FFE];
	[sflag:s23] =	ssyncadd.s32 $0xFFFFFFFF  }
0xa5: {  	s26 =	simm.s32 $execute0_lowered;
	[smem:$0x3FD2] =	sst s25  }
0xa6: {  	s4 =	sshll.u32 s26, $0x1;
	_ =	strace $0x8000004F;
	[dreg:$0x1] =	wrdreg $0xFFFFFFFF  }
0xa7: {  	s28 =	simm.s32 $_size_execute0_lowered;
	s2 =	sadd.s32 s2, s4;
	[dreg:$0x0] =	wrdreg $0x0  }
0xa8: {  	s4 =	sshll.u32 s28, $0x1;
	[dreg:$0x2] =	wrdreg s2  }
0xa9: {  	[dreg:$0x3] =	wrdreg s4  }
0xaa: {  	[dreg:$0x4] =	wrdreg $0xC0  }
0xab: {  	_ =	task [dreg:s6], $0x5FFFF  }
0xac: {  	[dreg:$0x1] =	wrdreg $0xFFFFFFFF  }
0xad: {  	[dreg:$0x0] =	wrdreg $0x60  }
0xae: {  	[dreg:$0x2] =	wrdreg s24  }
0xaf: {  	[dreg:$0x3] =	wrdreg $0x50A00  }
0xb0: {  	[dreg:$0x4] =	wrdreg $0x9  }
0xb1: {  	_ =	task.clear_ibuf [dreg:s6], $0x5FFFF;
	_ =	strace $0x9000004F  }
0xb2: {  	s29 =	simm.s32 $0x9;
	_ =	strace $0x80000051  }
0xb3: {  	_ =	swait.ge [sflag:s29], $0x1  }
0xb4: {  	[sflag:s29] =	ssyncadd.s32 $0xFFFFFFFF  }
0xb5: {  	_ =	strace $0x90000051  }
0xb6: {  	_ =	sfence  }
0xb7: {  	s30 =	sld [smem:$0x0];
	_ =	sdelay $0x2  }
0xb8: {  	s31 =	sshll.u32 s1, $0xD;
	s1 =	sshrl.u32 s1, $0x2  }
0xb9: {  	s3 =	sand.u32 $0x4000, s31;
	s1 =	sadd.s32 s1, s30  }
0xba: {  	s0 =	sor.u32 s3, s0;
	s1 =	sshll.u32 s1, $0x11  }
0xbb: {  	s0 =	sor.u32 s1, s0  }
0xbc: {  	s0 =	sadd.s32 $0x8F2B, s0  }
0xbd: {  	[sflag:s0] =	ssyncadd.remote.s32 $0x1  }
0xbe: {  	_ =	sfence.sel $0xFFFF  }
0xbf: {  	[dreg:$0x0] =	wrdreg $0xFFFFFFFF;
	(pc) =	sbr.abs _section_cstart, $3  }
0xc0: {  	[dreg:$0x1] =	wrdreg $0xFFFFFFFF  }
0xc1: {  	_ =	task.clear_ibuf [dreg:s6], $0x2FFFF;
	_ =	strace $0x9FFFFFFF  }
0xc2: {  	(tm) =	ssettm $0x7FFFFFFF  }
0xc3: {  	_ =	shalt  }
tec
execute0_lowered:
.L_overlay_start_1:
0x0: {  	(tag) =	ssettag $0x1  }
0x1: {  	s5 =	rddreg [dreg:$0x0]  }
0x2: {  	s1 =	srdreg.scid;
	s0 =	stileid.u32  }
0x3: {  	s2 =	rddreg [dreg:$0x1];
	s3 =	simm.s32 $0x0;
	s19 =	simm.s32 $0x28A0  }
0x4: {  	s20 =	simm.s32 $0x1;
	s21 =	simm.s32 $0x4;
	s22 =	simm.s32 $0x2  }
0x5: {  	s6 =	sand.u32 $0x1, s1;
	s4 =	sshll.u32 s0, $0x1;
	s10 =	smul.u32 $0x14000, s0  }
0x6: {  	s1 =	rddreg [dreg:$0x2];
	s12 =	sadd.s32 $0x18AB800, s5;
	s16 =	smul.u32 $0x4E20, s0  }
0x7: {  	[smem:$0x7FF] =	sst s3;
	s14 =	sadd.s32 $0x1D8D800, s5;
	s8 =	smul.u32 $0x28000, s6  }
0x8: {  	s29 =	sshll.u32 s0, $0x6;
	s7 =	sor.u32 s6, s4;
	s17 =	smul.u32 $0x2710, s6  }
0x9: {  	_ =	strace $0x80000050;
	s11 =	ssub.s32 $0x2, s6;
	s4 =	smul.u32 $0x2710, s7  }
0xa: {  	s13 =	smul.u32 $0x27100, s7;
	s28 =	sshrl.u32 s11, $0x1;
	s18 =	sadd.s32 s10, s2  }
0xb: {  	s24 =	sshrl.u32 s10, $0x3;
	s15 =	sadd.s32 s8, s5;
	s11 =	ssub.s32 s11, s28  }
0xc: {  	s16 =	sadd.s32 s17, s16;
	s17 =	simm.s32 $0xA0;
	s4 =	sshrl.u32 s4, $0x3  }
0xd: {  	s7 =	sadd.s32 s12, s13;
	s23 =	sadd.s32 $0xCC600, s15;
	s30 =	sshll.u32 s16, $0x4  }
0xe: {  	s10 =	smax.u32 s11, $0x1;
	s15 =	sshrl.u32 s18, $0x3;
	s18 =	simm.s32 $0x50  }
0xf: {  	s9 =	sadd.s32 s4, s5;
	s4 =	sadd.s32 $0xC9E00, s5;
	s5 =	sor.u32 $0x1C03, s29  }
0x10: {  	s31 =	sadd.s32 $0xA00, s30;
	s16 =	sadd.s32 $0x500, s30;
	s23 =	sadd.s32 s24, s23  }
0x11: {  	s24 =	simm.s32 $0x0;
	s6 =	sadd.s32 $0x13BFA00, s9;
	s8 =	sadd.s32 $0x13B5C00, s9  }
0x12: {  	s9 =	sadd.s32 s14, s13;
	s11 =	sadd.s32 s31, s12;
	s12 =	sadd.s32 s16, s12  }
0x13: {  	s13 =	sadd.s32 s31, s14;
	s14 =	sadd.s32 s16, s14;
	s16 =	simm.s32 $0x3  }
.LBB2_1:
0x14: {  	[spmem:s15], [sflag:s5] =	dma.local [hbm:s4], $0x2800  }
0x15: {  	_ =	swait.ge [sflag:s16], $0x2800  }
0x16: {  	[sflag:s16] =	ssyncset.done $0x0  }
0x17: {  	[sflag:s16] =	ssyncadd.s32 $0xFFFFD800  }
0x18: {  	[bflag:$0x0] =	sbarrier.arrive $0xFFFF  }
0x19: {  	[tilespmem:s3], [sflag:$0x1] =	stream.linear.gather [hbm4b:s6+s3], $0x50, $0x38;
	[tilespmem:$0x190A0] =	vst v63  }
0x1a: {  	s26 =	sadd.s32 $0x14, s6  }
0x1b: {  	[tilespmem:s17], [sflag:$0x1] =	stream.linear.gather [hbm4b:s7+s3], $0x2800, $0x38;
	[tilespmem:$0x190A0] =	vst v63  }
0x1c: {  	s25 =	sadd.s32 $0xFFFFFFF6, s26  }
0x1d: {  	[tilespmem:s18], [sflag:$0x2] =	stream.linear.gather [hbm4b:s25+s3], $0x50, $0x38;
	[tilespmem:$0x190A0] =	vst v63  }
0x1e: {  	s30 =	sadd.s32 $0x0, s12  }
0x1f: {  	[tilespmem:s19], [sflag:$0x2] =	stream.linear.gather [hbm4b:s30+s3], $0x2800, $0x38;
	[tilespmem:$0x190A0] =	vst v63  }
0x20: {  	_ =	swait.ge [sflag:s20], $0x50  }
0x21: {  	[sflag:s20] =	ssyncset.done $0x0  }
0x22: {  	[sflag:s20] =	ssyncadd.s32 $0xFFFFFFB0  }
0x23: {  	_ =	swait.ge [sflag:s20], $0x2800  }
0x24: {  	[sflag:s20] =	ssyncset.done $0x0  }
0x25: {  	[sflag:s20] =	ssyncadd.s32 $0xFFFFD800  }
0x26: {  	[spmem:s2] =	stream.indirect.scatter.add.f32 [tilespmem:s17], [sflag:$0x4], $0x80, s3, s18, $0xb8;
	[tilespmem:$0x190A0] =	vst v63  }
0x27: {  	_ =	swait.ge [sflag:s21], $0x2800  }
0x28: {  	[sflag:s21] =	ssyncset.done $0x0  }
0x29: {  	[sflag:s21] =	ssyncadd.s32 $0xFFFFD800  }
0x2a: {  	[tilespmem:s3], [sflag:$0x1] =	stream.linear.gather [hbm4b:s26+s3], $0x50, $0x38;
	[tilespmem:$0x190A0] =	vst v63  }
0x2b: {  	s31 =	sadd.s32 $0x0, s11  }
0x2c: {  	[tilespmem:s17], [sflag:$0x1] =	stream.linear.gather [hbm4b:s31+s3], $0x2800, $0x38;
	[tilespmem:$0x190A0] =	vst v63  }
0x2d: {  	_ =	swait.ge [sflag:s22], $0x50  }
0x2e: {  	[sflag:s22] =	ssyncset.done $0x0  }
0x2f: {  	[sflag:s22] =	ssyncadd.s32 $0xFFFFFFB0  }
0x30: {  	_ =	swait.ge [sflag:s22], $0x2800  }
0x31: {  	[sflag:s22] =	ssyncset.done $0x0  }
0x32: {  	[sflag:s22] =	ssyncadd.s32 $0xFFFFD800  }
0x33: {  	[spmem:s2] =	stream.indirect.scatter.add.f32 [tilespmem:s19], [sflag:$0x3], $0x80, s18, s18, $0xb8;
	[tilespmem:$0x190A0] =	vst v63  }
0x34: {  	s28 =	simm.s32 $0x1400;
	_ =	swait.ge [sflag:s16], $0x2800  }
0x35: {  	s25 =	simm.s32 $0xA00;
	s26 =	sadd.s32 $0x14, s26;
	[sflag:s16] =	ssyncset.done $0x0  }
.LBB2_2:
0x36: {  	p0 =	sne.s32 s28, $0x26200;
	s29 =	sadd.s32 $0xFFFFFFF6, s26;
	[sflag:s16] =	ssyncadd.s32 $0xFFFFD800  }
0x37: {  	[tilespmem:s18], [sflag:$0x2] =	stream.linear.gather [hbm4b:s29+s3], $0x50, $0x38;
	[tilespmem:$0x190A0] =	vst v63  }
0x38: {  	s30 =	smov.u32 s28;
	s28 =	sadd.s32 $0xA00, s28;
	s29 =	sadd.s32 s25, s12  }
0x39: {  	[tilespmem:s19], [sflag:$0x2] =	stream.linear.gather [hbm4b:s29+s3], $0x2800, $0x38;
	[tilespmem:$0x190A0] =	vst v63  }
0x3a: {  	_ =	swait.ge [sflag:s20], $0x50  }
0x3b: {  	[sflag:s20] =	ssyncset.done $0x0  }
0x3c: {  	[sflag:s20] =	ssyncadd.s32 $0xFFFFFFB0  }
0x3d: {  	_ =	swait.ge [sflag:s20], $0x2800  }
0x3e: {  	[sflag:s20] =	ssyncset.done $0x0  }
0x3f: {  	[sflag:s20] =	ssyncadd.s32 $0xFFFFD800  }
0x40: {  	[spmem:s2] =	stream.indirect.scatter.add.f32 [tilespmem:s17], [sflag:$0x4], $0x80, s3, s18, $0xb8;
	[tilespmem:$0x190A0] =	vst v63  }
0x41: {  	_ =	swait.ge [sflag:s21], $0x2800  }
0x42: {  	[sflag:s21] =	ssyncset.done $0x0  }
0x43: {  	[sflag:s21] =	ssyncadd.s32 $0xFFFFD800  }
0x44: {  	[tilespmem:s3], [sflag:$0x1] =	stream.linear.gather [hbm4b:s26+s3], $0x50, $0x38;
	[tilespmem:$0x190A0] =	vst v63  }
0x45: {  	s29 =	sadd.s32 s25, s11;
	s25 =	smov.u32 s30  }
0x46: {  	[tilespmem:s17], [sflag:$0x1] =	stream.linear.gather [hbm4b:s29+s3], $0x2800, $0x38;
	[tilespmem:$0x190A0] =	vst v63  }
0x47: {  	_ =	swait.ge [sflag:s22], $0x50  }
0x48: {  	[sflag:s22] =	ssyncset.done $0x0  }
0x49: {  	[sflag:s22] =	ssyncadd.s32 $0xFFFFFFB0  }
0x4a: {  	_ =	swait.ge [sflag:s22], $0x2800  }
.Ltmp0:
0x4b: {  	[sflag:s22] =	ssyncset.done $0x0;
	(pc) =	sbr.rel @p0 .LBB2_2-.Ltmp0, $4  }
0x4c: {  	[sflag:s22] =	ssyncadd.s32 $0xFFFFD800  }
0x4d: {  	[spmem:s2] =	stream.indirect.scatter.add.f32 [tilespmem:s19], [sflag:$0x3], $0x80, s18, s18, $0xb8;
	[tilespmem:$0x190A0] =	vst v63  }
0x4e: {  	_ =	swait.ge [sflag:s16], $0x2800  }
0x4f: {  	s26 =	sadd.s32 $0x14, s26;
	[sflag:s16] =	ssyncset.done $0x0  }
0x50: {  	s28 =	sadd.s32 $0xFFFFFFF6, s26;
	[sflag:s16] =	ssyncadd.s32 $0xFFFFD800  }
0x51: {  	[tilespmem:s18], [sflag:$0x2] =	stream.linear.gather [hbm4b:s28+s3], $0x50, $0x38;
	[tilespmem:$0x190A0] =	vst v63  }
0x52: {  	s28 =	sadd.s32 s25, s12  }
0x53: {  	[tilespmem:s19], [sflag:$0x2] =	stream.linear.gather [hbm4b:s28+s3], $0x2800, $0x38;
	[tilespmem:$0x190A0] =	vst v63  }
0x54: {  	_ =	swait.ge [sflag:s20], $0x50  }
0x55: {  	[sflag:s20] =	ssyncset.done $0x0  }
0x56: {  	[sflag:s20] =	ssyncadd.s32 $0xFFFFFFB0  }
0x57: {  	_ =	swait.ge [sflag:s20], $0x2800  }
0x58: {  	[sflag:s20] =	ssyncset.done $0x0  }
0x59: {  	[sflag:s20] =	ssyncadd.s32 $0xFFFFD800  }
0x5a: {  	[spmem:s2] =	stream.indirect.scatter.add.f32 [tilespmem:s17], [sflag:$0x4], $0x80, s3, s18, $0xb8;
	[tilespmem:$0x190A0] =	vst v63  }
0x5b: {  	_ =	swait.ge [sflag:s21], $0x2800  }
0x5c: {  	[sflag:s21] =	ssyncset.done $0x0  }
0x5d: {  	[sflag:s21] =	ssyncadd.s32 $0xFFFFD800  }
0x5e: {  	[tilespmem:s3], [sflag:$0x1] =	stream.linear.gather [hbm4b:s26+s3], $0x50, $0x38;
	[tilespmem:$0x190A0] =	vst v63  }
0x5f: {  	s31 =	sadd.s32 s25, s11  }
0x60: {  	[tilespmem:s17], [sflag:$0x1] =	stream.linear.gather [hbm4b:s31+s3], $0x2800, $0x38;
	[tilespmem:$0x190A0] =	vst v63  }
0x61: {  	_ =	swait.ge [sflag:s22], $0x50  }
0x62: {  	[sflag:s22] =	ssyncset.done $0x0  }
0x63: {  	[sflag:s22] =	ssyncadd.s32 $0xFFFFFFB0  }
0x64: {  	_ =	swait.ge [sflag:s22], $0x2800  }
0x65: {  	[sflag:s22] =	ssyncset.done $0x0  }
0x66: {  	[sflag:s22] =	ssyncadd.s32 $0xFFFFD800  }
0x67: {  	[spmem:s2] =	stream.indirect.scatter.add.f32 [tilespmem:s19], [sflag:$0x3], $0x80, s18, s18, $0xb8;
	[tilespmem:$0x190A0] =	vst v63  }
0x68: {  	_ =	swait.ge [sflag:s16], $0x2800  }
0x69: {  	[sflag:s16] =	ssyncset.done $0x0  }
0x6a: {  	[sflag:s16] =	ssyncadd.s32 $0xFFFFD800  }
0x6b: {  	_ =	swait.ge [sflag:s20], $0x50  }
0x6c: {  	[sflag:s20] =	ssyncset.done $0x0  }
0x6d: {  	[sflag:s20] =	ssyncadd.s32 $0xFFFFFFB0  }
0x6e: {  	_ =	swait.ge [sflag:s20], $0x2800  }
0x6f: {  	[sflag:s20] =	ssyncset.done $0x0  }
0x70: {  	s26 =	simm.s32 $0x0;
	[sflag:s20] =	ssyncadd.s32 $0xFFFFD800  }
0x71: {  	[spmem:s2] =	stream.indirect.scatter.add.f32 [tilespmem:s17], [sflag:$0x4], $0x80, s26, s18, $0xb8;
	[tilespmem:$0x190A0] =	vst v63  }
0x72: {  	_ =	swait.ge [sflag:s21], $0x2800  }
0x73: {  	[sflag:s21] =	ssyncset.done $0x0  }
0x74: {  	[sflag:s21] =	ssyncadd.s32 $0xFFFFD800  }
0x75: {  	[tilespmem:s26], [sflag:$0x1] =	stream.linear.gather [hbm4b:s8+s26], $0x50, $0x38;
	[tilespmem:$0x190A0] =	vst v63  }
0x76: {  	_ = 	snop  }
0x77: {  	[tilespmem:s17], [sflag:$0x1] =	stream.linear.gather [hbm4b:s9+s26], $0x2800, $0x38;
	[tilespmem:$0x190A0] =	vst v63  }
0x78: {  	s26 =	sadd.s32 $0x14, s8  }
0x79: {  	s29 =	sadd.s32 $0xFFFFFFF6, s26  }
0x7a: {  	[tilespmem:s18], [sflag:$0x2] =	stream.linear.gather [hbm4b:s29+s3], $0x50, $0x38;
	[tilespmem:$0x190A0] =	vst v63  }
0x7b: {  	s30 =	sadd.s32 $0x0, s14  }
0x7c: {  	[tilespmem:s19], [sflag:$0x2] =	stream.linear.gather [hbm4b:s30+s3], $0x2800, $0x38;
	[tilespmem:$0x190A0] =	vst v63  }
0x7d: {  	_ =	swait.ge [sflag:s20], $0x50  }
0x7e: {  	[sflag:s20] =	ssyncset.done $0x0  }
0x7f: {  	[sflag:s20] =	ssyncadd.s32 $0xFFFFFFB0  }
0x80: {  	_ =	swait.ge [sflag:s20], $0x2800  }
0x81: {  	[sflag:s20] =	ssyncset.done $0x0  }
0x82: {  	[sflag:s20] =	ssyncadd.s32 $0xFFFFD800  }
0x83: {  	[spmem:s2] =	stream.indirect.scatter.add.f32 [tilespmem:s17], [sflag:$0x4], $0x80, s3, s18, $0xb8;
	[tilespmem:$0x190A0] =	vst v63  }
0x84: {  	_ =	swait.ge [sflag:s21], $0x2800  }
0x85: {  	[sflag:s21] =	ssyncset.done $0x0  }
0x86: {  	[sflag:s21] =	ssyncadd.s32 $0xFFFFD800  }
0x87: {  	[tilespmem:s3], [sflag:$0x1] =	stream.linear.gather [hbm4b:s26+s3], $0x50, $0x38;
	[tilespmem:$0x190A0] =	vst v63  }
0x88: {  	s31 =	sadd.s32 $0x0, s13  }
0x89: {  	[tilespmem:s17], [sflag:$0x1] =	stream.linear.gather [hbm4b:s31+s3], $0x2800, $0x38;
	[tilespmem:$0x190A0] =	vst v63  }
0x8a: {  	_ =	swait.ge [sflag:s22], $0x50  }
0x8b: {  	[sflag:s22] =	ssyncset.done $0x0  }
0x8c: {  	[sflag:s22] =	ssyncadd.s32 $0xFFFFFFB0  }
0x8d: {  	_ =	swait.ge [sflag:s22], $0x2800  }
0x8e: {  	[sflag:s22] =	ssyncset.done $0x0  }
0x8f: {  	[sflag:s22] =	ssyncadd.s32 $0xFFFFD800  }
0x90: {  	[spmem:s2] =	stream.indirect.scatter.add.f32 [tilespmem:s19], [sflag:$0x3], $0x80, s18, s18, $0xb8;
	[tilespmem:$0x190A0] =	vst v63  }
0x91: {  	s25 =	simm.s32 $0xA00;
	_ =	swait.ge [sflag:s16], $0x2800  }
0x92: {  	s28 =	simm.s32 $0x1400;
	s26 =	sadd.s32 $0x14, s26;
	[sflag:s16] =	ssyncset.done $0x0  }
.LBB2_4:
0x93: {  	p0 =	sne.s32 s28, $0x26200;
	s29 =	sadd.s32 $0xFFFFFFF6, s26;
	[sflag:s16] =	ssyncadd.s32 $0xFFFFD800  }
0x94: {  	[tilespmem:s18], [sflag:$0x2] =	stream.linear.gather [hbm4b:s29+s3], $0x50, $0x38;
	[tilespmem:$0x190A0] =	vst v63  }
0x95: {  	s30 =	smov.u32 s28;
	s28 =	sadd.s32 $0xA00, s28;
	s29 =	sadd.s32 s25, s14  }
0x96: {  	[tilespmem:s19], [sflag:$0x2] =	stream.linear.gather [hbm4b:s29+s3], $0x2800, $0x38;
	[tilespmem:$0x190A0] =	vst v63  }
0x97: {  	_ =	swait.ge [sflag:s20], $0x50  }
0x98: {  	[sflag:s20] =	ssyncset.done $0x0  }
0x99: {  	[sflag:s20] =	ssyncadd.s32 $0xFFFFFFB0  }
0x9a: {  	_ =	swait.ge [sflag:s20], $0x2800  }
0x9b: {  	[sflag:s20] =	ssyncset.done $0x0  }
0x9c: {  	[sflag:s20] =	ssyncadd.s32 $0xFFFFD800  }
0x9d: {  	[spmem:s2] =	stream.indirect.scatter.add.f32 [tilespmem:s17], [sflag:$0x4], $0x80, s3, s18, $0xb8;
	[tilespmem:$0x190A0] =	vst v63  }
0x9e: {  	_ =	swait.ge [sflag:s21], $0x2800  }
0x9f: {  	[sflag:s21] =	ssyncset.done $0x0  }
0xa0: {  	[sflag:s21] =	ssyncadd.s32 $0xFFFFD800  }
0xa1: {  	[tilespmem:s3], [sflag:$0x1] =	stream.linear.gather [hbm4b:s26+s3], $0x50, $0x38;
	[tilespmem:$0x190A0] =	vst v63  }
0xa2: {  	s29 =	sadd.s32 s25, s13;
	s25 =	smov.u32 s30  }
0xa3: {  	[tilespmem:s17], [sflag:$0x1] =	stream.linear.gather [hbm4b:s29+s3], $0x2800, $0x38;
	[tilespmem:$0x190A0] =	vst v63  }
0xa4: {  	_ =	swait.ge [sflag:s22], $0x50  }
0xa5: {  	[sflag:s22] =	ssyncset.done $0x0  }
0xa6: {  	[sflag:s22] =	ssyncadd.s32 $0xFFFFFFB0  }
0xa7: {  	_ =	swait.ge [sflag:s22], $0x2800  }
.Ltmp1:
0xa8: {  	[sflag:s22] =	ssyncset.done $0x0;
	(pc) =	sbr.rel @p0 .LBB2_4-.Ltmp1, $4  }
0xa9: {  	[sflag:s22] =	ssyncadd.s32 $0xFFFFD800  }
0xaa: {  	[spmem:s2] =	stream.indirect.scatter.add.f32 [tilespmem:s19], [sflag:$0x3], $0x80, s18, s18, $0xb8;
	[tilespmem:$0x190A0] =	vst v63  }
0xab: {  	_ =	swait.ge [sflag:s16], $0x2800  }
0xac: {  	s26 =	sadd.s32 $0x14, s26;
	[sflag:s16] =	ssyncset.done $0x0  }
0xad: {  	s28 =	sadd.s32 $0xFFFFFFF6, s26;
	[sflag:s16] =	ssyncadd.s32 $0xFFFFD800  }
0xae: {  	[tilespmem:s18], [sflag:$0x2] =	stream.linear.gather [hbm4b:s28+s3], $0x50, $0x38;
	[tilespmem:$0x190A0] =	vst v63  }
0xaf: {  	s30 =	sadd.s32 s25, s14  }
0xb0: {  	[tilespmem:s19], [sflag:$0x2] =	stream.linear.gather [hbm4b:s30+s3], $0x2800, $0x38;
	[tilespmem:$0x190A0] =	vst v63  }
0xb1: {  	_ =	swait.ge [sflag:s20], $0x50  }
0xb2: {  	[sflag:s20] =	ssyncset.done $0x0  }
0xb3: {  	[sflag:s20] =	ssyncadd.s32 $0xFFFFFFB0  }
0xb4: {  	_ =	swait.ge [sflag:s20], $0x2800  }
0xb5: {  	[sflag:s20] =	ssyncset.done $0x0  }
0xb6: {  	[sflag:s20] =	ssyncadd.s32 $0xFFFFD800  }
0xb7: {  	[spmem:s2] =	stream.indirect.scatter.add.f32 [tilespmem:s17], [sflag:$0x4], $0x80, s3, s18, $0xb8;
	[tilespmem:$0x190A0] =	vst v63  }
0xb8: {  	_ =	swait.ge [sflag:s21], $0x2800  }
0xb9: {  	[sflag:s21] =	ssyncset.done $0x0  }
0xba: {  	[sflag:s21] =	ssyncadd.s32 $0xFFFFD800  }
0xbb: {  	[tilespmem:s3], [sflag:$0x1] =	stream.linear.gather [hbm4b:s26+s3], $0x50, $0x38;
	[tilespmem:$0x190A0] =	vst v63  }
0xbc: {  	s31 =	sadd.s32 s25, s13  }
0xbd: {  	[tilespmem:s17], [sflag:$0x1] =	stream.linear.gather [hbm4b:s31+s3], $0x2800, $0x38;
	[tilespmem:$0x190A0] =	vst v63  }
0xbe: {  	_ =	swait.ge [sflag:s22], $0x50  }
0xbf: {  	[sflag:s22] =	ssyncset.done $0x0  }
0xc0: {  	[sflag:s22] =	ssyncadd.s32 $0xFFFFFFB0  }
0xc1: {  	_ =	swait.ge [sflag:s22], $0x2800  }
0xc2: {  	[sflag:s22] =	ssyncset.done $0x0  }
0xc3: {  	[sflag:s22] =	ssyncadd.s32 $0xFFFFD800  }
0xc4: {  	[spmem:s2] =	stream.indirect.scatter.add.f32 [tilespmem:s19], [sflag:$0x3], $0x80, s18, s18, $0xb8;
	[tilespmem:$0x190A0] =	vst v63  }
0xc5: {  	_ =	swait.ge [sflag:s16], $0x2800  }
0xc6: {  	[sflag:s16] =	ssyncset.done $0x0  }
0xc7: {  	[sflag:s16] =	ssyncadd.s32 $0xFFFFD800  }
0xc8: {  	_ =	swait.ge [sflag:s20], $0x50  }
0xc9: {  	[sflag:s20] =	ssyncset.done $0x0  }
0xca: {  	[sflag:s20] =	ssyncadd.s32 $0xFFFFFFB0  }
0xcb: {  	_ =	swait.ge [sflag:s20], $0x2800  }
0xcc: {  	[sflag:s20] =	ssyncset.done $0x0  }
0xcd: {  	[sflag:s20] =	ssyncadd.s32 $0xFFFFD800  }
0xce: {  	[spmem:s2] =	stream.indirect.scatter.add.f32 [tilespmem:s17], [sflag:$0x4], $0x80, s3, s18, $0xb8;
	[tilespmem:$0x190A0] =	vst v63  }
0xcf: {  	_ =	swait.ge [sflag:s21], $0x2800  }
0xd0: {  	s24 =	sadd.s32 $0x1, s24;
	[sflag:s21] =	ssyncset.done $0x0  }
0xd1: {  	p0 =	sne.s32 s24, s10;
	[sflag:s21] =	ssyncadd.s32 $0xFFFFD800  }
.Ltmp2:
0xd2: {  	[bflag:$0x0] =	sbarrier.arrive $0xFFFF;
	(pc) =	sbr.rel @p0 .LBB2_1-.Ltmp2, $4  }
0xd3: {  	[hbm:s23], [sflag:s5] =	dma.local [spmem:s15], $0x2800  }
0xd4: {  	_ =	swait.ge [sflag:s16], $0x2800  }
0xd5: {  	[sflag:s16] =	ssyncset.done $0x0  }
0xd6: {  	[sflag:s16] =	ssyncadd.s32 $0xFFFFD800  }
0xd7: {  	_ =	sfence.sel $0x180000  }
0xd8: {  	[bflag:$0x0] =	sbarrier.arrive $0xFFFF  }
0xd9: {  	p0 =	sne.s32 s0, $0x0;
	_ =	strace $0x90000050  }
0xda: {  	s0 =	sadd.s32 @!p0 $0x100000, s1;
	[bflag:$0x2] =	sbarrier.arrive $0xFFFF  }
0xdb: {  	[sflag:s0] =	ssyncadd.tile.s32 @!p0 $0x1;
	_ =	shalt  }
.Lfunc_end2:
_tile_overlayer_lowered:
.L_overlay_start_2:
0xdc: {  	(tag) =	ssettag $0x2  }
0xdd: {  	s0 =	rddreg [dreg:$0x0];
	s2 =	stileid.u32  }
0xde: {  	s1 =	rddreg [dreg:$0x1];
	p0 =	sne.s32 s2, $0x0  }
0xdf: {  	s3 =	rddreg [dreg:$0x2];
	[bflag:$0x3] =	sbarrier.arrive $0xFFFF;
	s2 =	simm.s32 @!p0 $0x1C03  }
0xe0: {  	[timem:s3], [sflag:s2] =	dma.local @!p0 [hbm:s0], s1  }
0xe1: {  	s0 =	simm.s32 @!p0 $0x3  }
0xe2: {  	_ =	swait.ge @!p0 [sflag:s0], s1  }
0xe3: {  	s1 =	ssub.s32 @!p0 $0x0, s1;
	[sflag:s0] =	ssyncset.done @!p0 $0x0  }
0xe4: {  	[sflag:s0] =	ssyncadd.s32 @!p0 s1  }
0xe5: {  	[bflag:$0x3] =	sbarrier.arrive $0xFFFF  }
0xe6: {  	_ =	shalt  }

</sc_bundles>
